<compile_context>
chip_gen: v7x
topology: tpu7x:2x2x1
jax: 0.10.2.dev20260603
libtpu: 0.0.44.dev20260713+nightly
codegen_flags: <defaults>
</compile_context>

<pallas_src>
import functools

import jax
import jax.numpy as jnp
from jax import lax
from jax.experimental import pallas as pl
from jax.experimental.pallas import tpu as pltpu
from jax.experimental.pallas import tpu_sc as plsc

NB = 64
NT = 8192
CH = 128
L = 16
NC = 2
NS = 16
NW = NC * NS
SPLIT = 3 * NT // 4
TPW = (NT - SPLIT) // NW


def _sc_body(feat_hbm, maskt_hbm, psum_hbm, feat_v, mask_v, acc_v, sem):
    c = lax.axis_index("c")
    s = lax.axis_index("s")
    wid = s * NC + c
    base = wid * TPW

    cp_f = pltpu.async_copy(feat_hbm.at[pl.ds(SPLIT + base, TPW)], feat_v, sem)
    cp_m = pltpu.async_copy(maskt_hbm.at[pl.ds(base, TPW)], mask_v, sem)
    cp_f.wait()
    cp_m.wait()

    zeros = jnp.zeros((L,), jnp.float32)

    def zero_body(b, _):
        for k in range(CH // L):
            acc_v[b, pl.ds(k * L, L)] = zeros
        return ()

    lax.fori_loop(0, NB, zero_body, ())

    def tok_body(t, _):
        f = [feat_v[t, pl.ds(k * L, L)] for k in range(CH // L)]
        for j in range(NB // L):
            mv = mask_v[t, pl.ds(j * L, L)]
            for i in range(L):
                b = j * L + i

                @pl.when(mv[i] != 0.0)
                def _():
                    for k in range(CH // L):
                        plsc.addupdate(acc_v.at[b, pl.ds(k * L, L)], f[k])
        return ()

    lax.fori_loop(0, TPW, tok_body, ())

    pltpu.sync_copy(acc_v, psum_hbm.at[wid])


_sc_partial = functools.partial(
    pl.kernel,
    out_type=jax.ShapeDtypeStruct((NW, NB, CH), jnp.float32),
    mesh=plsc.VectorSubcoreMesh(core_axis_name="c", subcore_axis_name="s"),
    scratch_types=[
        pltpu.VMEM((TPW, CH), jnp.float32),
        pltpu.VMEM((TPW, NB), jnp.float32),
        pltpu.VMEM((NB, CH), jnp.float32),
        pltpu.SemaphoreType.DMA,
    ],
)(_sc_body)


def _tc_dense_body(mask_ref, feat_lo_ref, sums_ref, cnts_ref):
    m = mask_ref[...].astype(jnp.float32)
    sums_ref[...] = jax.lax.dot(
        m[:, :SPLIT], feat_lo_ref[...],
        precision=jax.lax.Precision.HIGHEST,
    )
    cnts_ref[...] = jnp.sum(m, axis=1, keepdims=True)


_tc_dense = pl.pallas_call(
    _tc_dense_body,
    out_shape=(
        jax.ShapeDtypeStruct((NB, CH), jnp.float32),
        jax.ShapeDtypeStruct((NB, 1), jnp.float32),
    ),
)


def _combine_body(sums_ref, cnts_ref, psum_ref, out_ref):
    total = sums_ref[...] + jnp.sum(psum_ref[...], axis=0)
    out_ref[...] = total / jnp.maximum(cnts_ref[...], 1.0)


_combine = pl.pallas_call(
    _combine_body,
    out_shape=jax.ShapeDtypeStruct((NB, CH), jnp.float32),
)


def kernel(features, coords, is_inside, bbox_sample_count, batch_splits):
    del coords, bbox_sample_count, batch_splits
    maskt_hi = is_inside[:, SPLIT:].T.astype(jnp.float32)
    psum = _sc_partial(features, maskt_hi)
    sums_lo, cnts = _tc_dense(is_inside, features[:SPLIT])
    return _combine(sums_lo, cnts, psum)

# --- scband reference (transcript-rebuilt; emitter-appended) ---
"""Pipeline reference for scband-sparse-roi-extra-cut-8358006358562 (READ-ONLY COPY).

The authoritative reference and input builder live on the scoring server;
editing this copy changes nothing except your own understanding.
"""

import jax, jax.numpy as jnp
import numpy as np

# SparseRoiExtraCut with a concrete feature_extractor_combiner stub:
#   extract(feature_map) -> (coords, features, spatial_size, batch_splits)
#     (here feature_map is already the (coords, features) pair of a sparse voxel map)
#   combine(new_coords, new_features, spatial_size, num_boxes) -> per-box mean pooling
#     via segment_sum over the box index stored in the last coord column.
# select_features / select_coords perform the ragged boolean expansion-gather from the
# original torch code; jnp.nonzero on the concrete mask yields the identical row-major
# ordering as torch boolean masking of the expanded tensors.

NUM_BOXES = 64
N_TOKENS = 8192
C = 128

def setup_inputs(seed: int = 0) -> dict:
    key = jax.random.key(seed)
    ks = jax.random.split(key, 5)
    features = jax.random.normal(ks[0], (N_TOKENS, C), dtype=jnp.float32)
    coords = jax.random.randint(ks[1], (N_TOKENS, 4), 0, 128, dtype=jnp.int32)
    is_inside = jax.random.randint(ks[2], (NUM_BOXES, N_TOKENS), 0, 2, dtype=jnp.int32).astype(bool)
    bbox_sample_count = jax.random.randint(ks[3], (NUM_BOXES,), 0, N_TOKENS, dtype=jnp.int32)
    batch_splits = jnp.sort(jax.random.randint(ks[4], (8,), 0, N_TOKENS, dtype=jnp.int32))
    return {"features": features, "coords": coords, "is_inside": is_inside,
            "bbox_sample_count": bbox_sample_count, "batch_splits": batch_splits}

def reference(features, coords, is_inside, bbox_sample_count, batch_splits):
    num_boxes, num_coords = is_inside.shape
    # boolean mask -> explicit (box, token) index pairs (row-major, matches torch masking)
    box_ids, tok_ids = jnp.nonzero(is_inside, size=num_boxes * num_coords,
                                   fill_value=(num_boxes, 0))
    # select_features: gather token features for every (box, token) inside pair
    sel_feats = jnp.take(features, tok_ids, axis=0)
    # select_coords: gather spatial coords (drop old batch col) and append box index
    sel_coords = jnp.take(coords[:, :-1], tok_ids, axis=0)
    new_coords = jnp.concatenate([sel_coords, box_ids[:, None].astype(coords.dtype)], axis=-1)
    # combine: per-box mean pooling (scatter-add by box id)
    seg = new_coords[:, -1]
    sums = jax.ops.segment_sum(sel_feats, seg, num_segments=num_boxes)
    counts = jax.ops.segment_sum(jnp.ones((sel_feats.shape[0],), dtype=sel_feats.dtype), seg, num_segments=num_boxes)
    box_features = sums / jnp.clip(counts, 1.0)[:, None]
    return box_features

if __name__ == "__main__":
    import jax
    _d = setup_inputs()
    print(jax.jit(kernel)(*tuple(_d.values())))

</pallas_src>

<mosaic_0001>
#map = affine_map<(d0, d1) -> (0, 0)>
#map1 = affine_map<(d0, d1) -> (0, 0, 0)>
module attributes {stable_mosaic.version = 14 : i64} {
  func.func @_sc_body(%arg0: i32, %arg1: i32, %arg2: memref<8192x128xf32, #tpu.memory_space<hbm>>, %arg3: memref<2048x64xf32, #tpu.memory_space<hbm>>, %arg4: memref<32x64x128xf32, #tpu.memory_space<hbm>>, %arg5: memref<64x128xf32, #tpu.memory_space<vmem>>, %arg6: memref<64x64xf32, #tpu.memory_space<vmem>>, %arg7: memref<64x128xf32, #tpu.memory_space<vmem>>, %arg8: memref<!tpu.dma_semaphore, #tpu.memory_space<semaphore_mem>>) attributes {dimension_semantics = [#tpu.dimension_semantics<core_parallel>, #tpu.dimension_semantics<subcore_parallel>], iteration_bounds = array<i64: 2, 16>, scalar_prefetch = 0 : i64, scratch_operands = 4 : i64, tpu.core_type = #tpu.core_type<sc_vector_subcore>, window_params = [{transform_indices = #map}, {transform_indices = #map}, {transform_indices = #map1}]} {
    %mul3A = arith.constant 2 : i32
    %mul3A_0 = arith.muli %arg1, %mul3A : i32
    %add3A = arith.addi %mul3A_0, %arg0 : i32
    %mul3A_1 = arith.constant 64 : i32
    %mul3A_2 = arith.muli %add3A, %mul3A_1 : i32
    %add3A_3 = arith.constant 6144 : i32
    %add3A_4 = arith.addi %add3A_3, %mul3A_2 : i32
    %dma_start3A = arith.constant 0 : i32
    %dma_start3A_5 = tpu.memref_slice %arg2[%add3A_4, %dma_start3A] : memref<8192x128xf32, #tpu.memory_space<hbm>> -> memref<64x128xf32, #tpu.memory_space<hbm>>
    %dma_start3A_6 = arith.constant 0 : i32
    %dma_start3A_7 = tpu.memref_slice %arg2[%add3A_4, %dma_start3A_6] : memref<8192x128xf32, #tpu.memory_space<hbm>> -> memref<64x128xf32, #tpu.memory_space<hbm>>
    tpu.enqueue_dma source(%dma_start3A_7 : memref<64x128xf32, #tpu.memory_space<hbm>>) target(%arg5 : memref<64x128xf32, #tpu.memory_space<vmem>>) target_semaphore(%arg8 : memref<!tpu.dma_semaphore, #tpu.memory_space<semaphore_mem>>)
    %dma_start3A_8 = arith.constant 0 : i32
    %dma_start3A_9 = tpu.memref_slice %arg3[%mul3A_2, %dma_start3A_8] : memref<2048x64xf32, #tpu.memory_space<hbm>> -> memref<64x64xf32, #tpu.memory_space<hbm>>
    %dma_start3A_10 = arith.constant 0 : i32
    %dma_start3A_11 = tpu.memref_slice %arg3[%mul3A_2, %dma_start3A_10] : memref<2048x64xf32, #tpu.memory_space<hbm>> -> memref<64x64xf32, #tpu.memory_space<hbm>>
    tpu.enqueue_dma source(%dma_start3A_11 : memref<64x64xf32, #tpu.memory_space<hbm>>) target(%arg6 : memref<64x64xf32, #tpu.memory_space<vmem>>) target_semaphore(%arg8 : memref<!tpu.dma_semaphore, #tpu.memory_space<semaphore_mem>>)
    %dma_wait3A = arith.constant 0 : i32
    %dma_wait3A_12 = tpu.memref_slice %arg2[%add3A_4, %dma_wait3A] : memref<8192x128xf32, #tpu.memory_space<hbm>> -> memref<64x128xf32, #tpu.memory_space<hbm>>
    %dma_wait3A_13 = arith.constant 0 : i32
    %dma_wait3A_14 = tpu.memref_slice %arg2[%add3A_4, %dma_wait3A_13] : memref<8192x128xf32, #tpu.memory_space<hbm>> -> memref<64x128xf32, #tpu.memory_space<hbm>>
    tpu.wait_dma2 semaphore(%arg8 : memref<!tpu.dma_semaphore, #tpu.memory_space<semaphore_mem>>) src(%dma_wait3A_14 : memref<64x128xf32, #tpu.memory_space<hbm>>) dst(%arg5 : memref<64x128xf32, #tpu.memory_space<vmem>>)
    %dma_wait3A_15 = arith.constant 0 : i32
    %dma_wait3A_16 = tpu.memref_slice %arg3[%mul3A_2, %dma_wait3A_15] : memref<2048x64xf32, #tpu.memory_space<hbm>> -> memref<64x64xf32, #tpu.memory_space<hbm>>
    %dma_wait3A_17 = arith.constant 0 : i32
    %dma_wait3A_18 = tpu.memref_slice %arg3[%mul3A_2, %dma_wait3A_17] : memref<2048x64xf32, #tpu.memory_space<hbm>> -> memref<64x64xf32, #tpu.memory_space<hbm>>
    tpu.wait_dma2 semaphore(%arg8 : memref<!tpu.dma_semaphore, #tpu.memory_space<semaphore_mem>>) src(%dma_wait3A_18 : memref<64x64xf32, #tpu.memory_space<hbm>>) dst(%arg6 : memref<64x64xf32, #tpu.memory_space<vmem>>)
    %broadcast_in_dim3A = arith.constant 0.000000e+00 : f32
    %broadcast_in_dim3A_19 = vector.broadcast %broadcast_in_dim3A : f32 to vector<16xf32>
    %scan3A = arith.constant 0 : i32
    %scan3A_20 = arith.constant 64 : i32
    %scan3A_21 = arith.addi %scan3A, %scan3A_20 : i32
    %scan3A_22 = arith.constant 1 : i32
    scf.for %scan3A_29 = %scan3A to %scan3A_21 step %scan3A_22  : i32 {
      %swap3A = arith.index_cast %scan3A_29 : i32 to index
      %swap3A_30 = arith.constant 0 : index
      %swap3A_31 = tpu.vector_load %arg7[%swap3A, %swap3A_30] {strides = array<i32>} : memref<64x128xf32, #tpu.memory_space<vmem>>, vector<1x16xf32>,
      %swap3A_32 = vector.shape_cast %swap3A_31 : vector<1x16xf32> to vector<16xf32>
      %swap3A_33 = vector.shape_cast %broadcast_in_dim3A_19 : vector<16xf32> to vector<1x16xf32>
      tpu.vector_store %arg7[%swap3A, %swap3A_30], %swap3A_33 {strides = array<i32>} : memref<64x128xf32, #tpu.memory_space<vmem>>, vector<1x16xf32>,
      %swap3A_34 = arith.index_cast %scan3A_29 : i32 to index
      %swap3A_35 = arith.constant 16 : index
      %swap3A_36 = tpu.vector_load %arg7[%swap3A_34, %swap3A_35] {strides = array<i32>} : memref<64x128xf32, #tpu.memory_space<vmem>>, vector<1x16xf32>,
      %swap3A_37 = vector.shape_cast %swap3A_36 : vector<1x16xf32> to vector<16xf32>
      %swap3A_38 = vector.shape_cast %broadcast_in_dim3A_19 : vector<16xf32> to vector<1x16xf32>
      tpu.vector_store %arg7[%swap3A_34, %swap3A_35], %swap3A_38 {strides = array<i32>} : memref<64x128xf32, #tpu.memory_space<vmem>>, vector<1x16xf32>,
      %swap3A_39 = arith.index_cast %scan3A_29 : i32 to index
      %swap3A_40 = arith.constant 32 : index
      %swap3A_41 = tpu.vector_load %arg7[%swap3A_39, %swap3A_40] {strides = array<i32>} : memref<64x128xf32, #tpu.memory_space<vmem>>, vector<1x16xf32>,
      %swap3A_42 = vector.shape_cast %swap3A_41 : vector<1x16xf32> to vector<16xf32>
      %swap3A_43 = vector.shape_cast %broadcast_in_dim3A_19 : vector<16xf32> to vector<1x16xf32>
      tpu.vector_store %arg7[%swap3A_39, %swap3A_40], %swap3A_43 {strides = array<i32>} : memref<64x128xf32, #tpu.memory_space<vmem>>, vector<1x16xf32>,
      %swap3A_44 = arith.index_cast %scan3A_29 : i32 to index
      %swap3A_45 = arith.constant 48 : index
      %swap3A_46 = tpu.vector_load %arg7[%swap3A_44, %swap3A_45] {strides = array<i32>} : memref<64x128xf32, #tpu.memory_space<vmem>>, vector<1x16xf32>,
      %swap3A_47 = vector.shape_cast %swap3A_46 : vector<1x16xf32> to vector<16xf32>
      %swap3A_48 = vector.shape_cast %broadcast_in_dim3A_19 : vector<16xf32> to vector<1x16xf32>
      tpu.vector_store %arg7[%swap3A_44, %swap3A_45], %swap3A_48 {strides = array<i32>} : memref<64x128xf32, #tpu.memory_space<vmem>>, vector<1x16xf32>,
      %swap3A_49 = arith.index_cast %scan3A_29 : i32 to index
      %swap3A_50 = arith.constant 64 : index
      %swap3A_51 = tpu.vector_load %arg7[%swap3A_49, %swap3A_50] {strides = array<i32>} : memref<64x128xf32, #tpu.memory_space<vmem>>, vector<1x16xf32>,
      %swap3A_52 = vector.shape_cast %swap3A_51 : vector<1x16xf32> to vector<16xf32>
      %swap3A_53 = vector.shape_cast %broadcast_in_dim3A_19 : vector<16xf32> to vector<1x16xf32>
      tpu.vector_store %arg7[%swap3A_49, %swap3A_50], %swap3A_53 {strides = array<i32>} : memref<64x128xf32, #tpu.memory_space<vmem>>, vector<1x16xf32>,
      %swap3A_54 = arith.index_cast %scan3A_29 : i32 to index
      %swap3A_55 = arith.constant 80 : index
      %swap3A_56 = tpu.vector_load %arg7[%swap3A_54, %swap3A_55] {strides = array<i32>} : memref<64x128xf32, #tpu.memory_space<vmem>>, vector<1x16xf32>,
      %swap3A_57 = vector.shape_cast %swap3A_56 : vector<1x16xf32> to vector<16xf32>
      %swap3A_58 = vector.shape_cast %broadcast_in_dim3A_19 : vector<16xf32> to vector<1x16xf32>
      tpu.vector_store %arg7[%swap3A_54, %swap3A_55], %swap3A_58 {strides = array<i32>} : memref<64x128xf32, #tpu.memory_space<vmem>>, vector<1x16xf32>,
      %swap3A_59 = arith.index_cast %scan3A_29 : i32 to index
      %swap3A_60 = arith.constant 96 : index
      %swap3A_61 = tpu.vector_load %arg7[%swap3A_59, %swap3A_60] {strides = array<i32>} : memref<64x128xf32, #tpu.memory_space<vmem>>, vector<1x16xf32>,
      %swap3A_62 = vector.shape_cast %swap3A_61 : vector<1x16xf32> to vector<16xf32>
      %swap3A_63 = vector.shape_cast %broadcast_in_dim3A_19 : vector<16xf32> to vector<1x16xf32>
      tpu.vector_store %arg7[%swap3A_59, %swap3A_60], %swap3A_63 {strides = array<i32>} : memref<64x128xf32, #tpu.memory_space<vmem>>, vector<1x16xf32>,
      %swap3A_64 = arith.index_cast %scan3A_29 : i32 to index
      %swap3A_65 = arith.constant 112 : index
      %swap3A_66 = tpu.vector_load %arg7[%swap3A_64, %swap3A_65] {strides = array<i32>} : memref<64x128xf32, #tpu.memory_space<vmem>>, vector<1x16xf32>,
      %swap3A_67 = vector.shape_cast %swap3A_66 : vector<1x16xf32> to vector<16xf32>
      %swap3A_68 = vector.shape_cast %broadcast_in_dim3A_19 : vector<16xf32> to vector<1x16xf32>
      tpu.vector_store %arg7[%swap3A_64, %swap3A_65], %swap3A_68 {strides = array<i32>} : memref<64x128xf32, #tpu.memory_space<vmem>>, vector<1x16xf32>,
    }
    %scan3A_23 = arith.constant 64 : i32
    %scan3A_24 = arith.constant 0 : i32
    %scan3A_25 = arith.constant 64 : i32
    %scan3A_26 = arith.addi %scan3A_24, %scan3A_25 : i32
    %scan3A_27 = arith.constant 1 : i32
    scf.for %scan3A_29 = %scan3A_24 to %scan3A_26 step %scan3A_27  : i32 {
      %get3A = arith.index_cast %scan3A_29 : i32 to index
      %get3A_30 = arith.constant 0 : index
      %get3A_31 = tpu.vector_load %arg5[%get3A, %get3A_30] {strides = array<i32>} : memref<64x128xf32, #tpu.memory_space<vmem>>, vector<1x16xf32>,
      %get3A_32 = vector.shape_cast %get3A_31 : vector<1x16xf32> to vector<16xf32>
      %get3A_33 = arith.index_cast %scan3A_29 : i32 to index
      %get3A_34 = arith.constant 16 : index
      %get3A_35 = tpu.vector_load %arg5[%get3A_33, %get3A_34] {strides = array<i32>} : memref<64x128xf32, #tpu.memory_space<vmem>>, vector<1x16xf32>,
      %get3A_36 = vector.shape_cast %get3A_35 : vector<1x16xf32> to vector<16xf32>
      %get3A_37 = arith.index_cast %scan3A_29 : i32 to index
      %get3A_38 = arith.constant 32 : index
      %get3A_39 = tpu.vector_load %arg5[%get3A_37, %get3A_38] {strides = array<i32>} : memref<64x128xf32, #tpu.memory_space<vmem>>, vector<1x16xf32>,
      %get3A_40 = vector.shape_cast %get3A_39 : vector<1x16xf32> to vector<16xf32>
      %get3A_41 = arith.index_cast %scan3A_29 : i32 to index
      %get3A_42 = arith.constant 48 : index
      %get3A_43 = tpu.vector_load %arg5[%get3A_41, %get3A_42] {strides = array<i32>} : memref<64x128xf32, #tpu.memory_space<vmem>>, vector<1x16xf32>,
      %get3A_44 = vector.shape_cast %get3A_43 : vector<1x16xf32> to vector<16xf32>
      %get3A_45 = arith.index_cast %scan3A_29 : i32 to index
      %get3A_46 = arith.constant 64 : index
      %get3A_47 = tpu.vector_load %arg5[%get3A_45, %get3A_46] {strides = array<i32>} : memref<64x128xf32, #tpu.memory_space<vmem>>, vector<1x16xf32>,
      %get3A_48 = vector.shape_cast %get3A_47 : vector<1x16xf32> to vector<16xf32>
      %get3A_49 = arith.index_cast %scan3A_29 : i32 to index
      %get3A_50 = arith.constant 80 : index
      %get3A_51 = tpu.vector_load %arg5[%get3A_49, %get3A_50] {strides = array<i32>} : memref<64x128xf32, #tpu.memory_space<vmem>>, vector<1x16xf32>,
      %get3A_52 = vector.shape_cast %get3A_51 : vector<1x16xf32> to vector<16xf32>
      %get3A_53 = arith.index_cast %scan3A_29 : i32 to index
      %get3A_54 = arith.constant 96 : index
      %get3A_55 = tpu.vector_load %arg5[%get3A_53, %get3A_54] {strides = array<i32>} : memref<64x128xf32, #tpu.memory_space<vmem>>, vector<1x16xf32>,
      %get3A_56 = vector.shape_cast %get3A_55 : vector<1x16xf32> to vector<16xf32>
      %get3A_57 = arith.index_cast %scan3A_29 : i32 to index
      %get3A_58 = arith.constant 112 : index
      %get3A_59 = tpu.vector_load %arg5[%get3A_57, %get3A_58] {strides = array<i32>} : memref<64x128xf32, #tpu.memory_space<vmem>>, vector<1x16xf32>,
      %get3A_60 = vector.shape_cast %get3A_59 : vector<1x16xf32> to vector<16xf32>
      %get3A_61 = arith.index_cast %scan3A_29 : i32 to index
      %get3A_62 = arith.constant 0 : index
      %get3A_63 = tpu.vector_load %arg6[%get3A_61, %get3A_62] {strides = array<i32>} : memref<64x64xf32, #tpu.memory_space<vmem>>, vector<1x16xf32>,
      %get3A_64 = vector.shape_cast %get3A_63 : vector<1x16xf32> to vector<16xf32>
      %slice3A = vector.extract_strided_slice %get3A_64 {offsets = [0], sizes = [1], strides = [1]} : vector<16xf32> to vector<1xf32>
      %squeeze3A = vector.extract %slice3A[0] : f32 from vector<1xf32>
      %ne3A = arith.constant 0.000000e+00 : f32
      %ne3A_65 = arith.cmpf one, %squeeze3A, %ne3A : f32
      %convert_element_type3A = arith.extui %ne3A_65 : i1 to i32
      %cond3A = arith.constant 0 : i32
      %cond3A_66 = arith.cmpi ne, %convert_element_type3A, %cond3A : i32
      scf.if %cond3A_66 {
        %swap3A = arith.constant 0 : i32
        %swap3A_520 = arith.index_cast %swap3A : i32 to index
        %swap3A_521 = arith.constant 0 : index
        %swap3A_522 = tpu.vector_load %arg7[%swap3A_520, %swap3A_521] {strides = array<i32>} : memref<64x128xf32, #tpu.memory_space<vmem>>, vector<1x16xf32>,
        %swap3A_523 = vector.shape_cast %swap3A_522 : vector<1x16xf32> to vector<16xf32>
        %swap3A_524 = vector.shape_cast %get3A_32 : vector<16xf32> to vector<1x16xf32>
        tpu.vector_store %arg7[%swap3A_520, %swap3A_521], %swap3A_524 {add = true, strides = array<i32>} : memref<64x128xf32, #tpu.memory_space<vmem>>, vector<1x16xf32>,
        %swap3A_525 = arith.constant 0 : i32
        %swap3A_526 = arith.index_cast %swap3A_525 : i32 to index
        %swap3A_527 = arith.constant 16 : index
        %swap3A_528 = tpu.vector_load %arg7[%swap3A_526, %swap3A_527] {strides = array<i32>} : memref<64x128xf32, #tpu.memory_space<vmem>>, vector<1x16xf32>,
        %swap3A_529 = vector.shape_cast %swap3A_528 : vector<1x16xf32> to vector<16xf32>
        %swap3A_530 = vector.shape_cast %get3A_36 : vector<16xf32> to vector<1x16xf32>
        tpu.vector_store %arg7[%swap3A_526, %swap3A_527], %swap3A_530 {add = true, strides = array<i32>} : memref<64x128xf32, #tpu.memory_space<vmem>>, vector<1x16xf32>,
        %swap3A_531 = arith.constant 0 : i32
        %swap3A_532 = arith.index_cast %swap3A_531 : i32 to index
        %swap3A_533 = arith.constant 32 : index
        %swap3A_534 = tpu.vector_load %arg7[%swap3A_532, %swap3A_533] {strides = array<i32>} : memref<64x128xf32, #tpu.memory_space<vmem>>, vector<1x16xf32>,
        %swap3A_535 = vector.shape_cast %swap3A_534 : vector<1x16xf32> to vector<16xf32>
        %swap3A_536 = vector.shape_cast %get3A_40 : vector<16xf32> to vector<1x16xf32>
        tpu.vector_store %arg7[%swap3A_532, %swap3A_533], %swap3A_536 {add = true, strides = array<i32>} : memref<64x128xf32, #tpu.memory_space<vmem>>, vector<1x16xf32>,
        %swap3A_537 = arith.constant 0 : i32
        %swap3A_538 = arith.index_cast %swap3A_537 : i32 to index
        %swap3A_539 = arith.constant 48 : index
        %swap3A_540 = tpu.vector_load %arg7[%swap3A_538, %swap3A_539] {strides = array<i32>} : memref<64x128xf32, #tpu.memory_space<vmem>>, vector<1x16xf32>,
        %swap3A_541 = vector.shape_cast %swap3A_540 : vector<1x16xf32> to vector<16xf32>
        %swap3A_542 = vector.shape_cast %get3A_44 : vector<16xf32> to vector<1x16xf32>
        tpu.vector_store %arg7[%swap3A_538, %swap3A_539], %swap3A_542 {add = true, strides = array<i32>} : memref<64x128xf32, #tpu.memory_space<vmem>>, vector<1x16xf32>,
        %swap3A_543 = arith.constant 0 : i32
        %swap3A_544 = arith.index_cast %swap3A_543 : i32 to index
        %swap3A_545 = arith.constant 64 : index
        %swap3A_546 = tpu.vector_load %arg7[%swap3A_544, %swap3A_545] {strides = array<i32>} : memref<64x128xf32, #tpu.memory_space<vmem>>, vector<1x16xf32>,
        %swap3A_547 = vector.shape_cast %swap3A_546 : vector<1x16xf32> to vector<16xf32>
        %swap3A_548 = vector.shape_cast %get3A_48 : vector<16xf32> to vector<1x16xf32>
        tpu.vector_store %arg7[%swap3A_544, %swap3A_545], %swap3A_548 {add = true, strides = array<i32>} : memref<64x128xf32, #tpu.memory_space<vmem>>, vector<1x16xf32>,
        %swap3A_549 = arith.constant 0 : i32
        %swap3A_550 = arith.index_cast %swap3A_549 : i32 to index
        %swap3A_551 = arith.constant 80 : index
        %swap3A_552 = tpu.vector_load %arg7[%swap3A_550, %swap3A_551] {strides = array<i32>} : memref<64x128xf32, #tpu.memory_space<vmem>>, vector<1x16xf32>,
        %swap3A_553 = vector.shape_cast %swap3A_552 : vector<1x16xf32> to vector<16xf32>
        %swap3A_554 = vector.shape_cast %get3A_52 : vector<16xf32> to vector<1x16xf32>
        tpu.vector_store %arg7[%swap3A_550, %swap3A_551], %swap3A_554 {add = true, strides = array<i32>} : memref<64x128xf32, #tpu.memory_space<vmem>>, vector<1x16xf32>,
        %swap3A_555 = arith.constant 0 : i32
        %swap3A_556 = arith.index_cast %swap3A_555 : i32 to index
        %swap3A_557 = arith.constant 96 : index
        %swap3A_558 = tpu.vector_load %arg7[%swap3A_556, %swap3A_557] {strides = array<i32>} : memref<64x128xf32, #tpu.memory_space<vmem>>, vector<1x16xf32>,
        %swap3A_559 = vector.shape_cast %swap3A_558 : vector<1x16xf32> to vector<16xf32>
        %swap3A_560 = vector.shape_cast %get3A_56 : vector<16xf32> to vector<1x16xf32>
        tpu.vector_store %arg7[%swap3A_556, %swap3A_557], %swap3A_560 {add = true, strides = array<i32>} : memref<64x128xf32, #tpu.memory_space<vmem>>, vector<1x16xf32>,
        %swap3A_561 = arith.constant 0 : i32
        %swap3A_562 = arith.index_cast %swap3A_561 : i32 to index
        %swap3A_563 = arith.constant 112 : index
        %swap3A_564 = tpu.vector_load %arg7[%swap3A_562, %swap3A_563] {strides = array<i32>} : memref<64x128xf32, #tpu.memory_space<vmem>>, vector<1x16xf32>,
        %swap3A_565 = vector.shape_cast %swap3A_564 : vector<1x16xf32> to vector<16xf32>
        %swap3A_566 = vector.shape_cast %get3A_60 : vector<16xf32> to vector<1x16xf32>
        tpu.vector_store %arg7[%swap3A_562, %swap3A_563], %swap3A_566 {add = true, strides = array<i32>} : memref<64x128xf32, #tpu.memory_space<vmem>>, vector<1x16xf32>,
      } else {
      }
      %slice3A_67 = vector.extract_strided_slice %get3A_64 {offsets = [1], sizes = [1], strides = [1]} : vector<16xf32> to vector<1xf32>
      %squeeze3A_68 = vector.extract %slice3A_67[0] : f32 from vector<1xf32>
      %ne3A_69 = arith.constant 0.000000e+00 : f32
      %ne3A_70 = arith.cmpf one, %squeeze3A_68, %ne3A_69 : f32
      %convert_element_type3A_71 = arith.extui %ne3A_70 : i1 to i32
      %cond3A_72 = arith.constant 0 : i32
      %cond3A_73 = arith.cmpi ne, %convert_element_type3A_71, %cond3A_72 : i32
      scf.if %cond3A_73 {
        %swap3A = arith.constant 1 : i32
        %swap3A_520 = arith.index_cast %swap3A : i32 to index
        %swap3A_521 = arith.constant 0 : index
        %swap3A_522 = tpu.vector_load %arg7[%swap3A_520, %swap3A_521] {strides = array<i32>} : memref<64x128xf32, #tpu.memory_space<vmem>>, vector<1x16xf32>,
        %swap3A_523 = vector.shape_cast %swap3A_522 : vector<1x16xf32> to vector<16xf32>
        %swap3A_524 = vector.shape_cast %get3A_32 : vector<16xf32> to vector<1x16xf32>
        tpu.vector_store %arg7[%swap3A_520, %swap3A_521], %swap3A_524 {add = true, strides = array<i32>} : memref<64x128xf32, #tpu.memory_space<vmem>>, vector<1x16xf32>,
        %swap3A_525 = arith.constant 1 : i32
        %swap3A_526 = arith.index_cast %swap3A_525 : i32 to index
        %swap3A_527 = arith.constant 16 : index
        %swap3A_528 = tpu.vector_load %arg7[%swap3A_526, %swap3A_527] {strides = array<i32>} : memref<64x128xf32, #tpu.memory_space<vmem>>, vector<1x16xf32>,
        %swap3A_529 = vector.shape_cast %swap3A_528 : vector<1x16xf32> to vector<16xf32>
        %swap3A_530 = vector.shape_cast %get3A_36 : vector<16xf32> to vector<1x16xf32>
        tpu.vector_store %arg7[%swap3A_526, %swap3A_527], %swap3A_530 {add = true, strides = array<i32>} : memref<64x128xf32, #tpu.memory_space<vmem>>, vector<1x16xf32>,
        %swap3A_531 = arith.constant 1 : i32
        %swap3A_532 = arith.index_cast %swap3A_531 : i32 to index
        %swap3A_533 = arith.constant 32 : index
        %swap3A_534 = tpu.vector_load %arg7[%swap3A_532, %swap3A_533] {strides = array<i32>} : memref<64x128xf32, #tpu.memory_space<vmem>>, vector<1x16xf32>,
        %swap3A_535 = vector.shape_cast %swap3A_534 : vector<1x16xf32> to vector<16xf32>
        %swap3A_536 = vector.shape_cast %get3A_40 : vector<16xf32> to vector<1x16xf32>
        tpu.vector_store %arg7[%swap3A_532, %swap3A_533], %swap3A_536 {add = true, strides = array<i32>} : memref<64x128xf32, #tpu.memory_space<vmem>>, vector<1x16xf32>,
        %swap3A_537 = arith.constant 1 : i32
        %swap3A_538 = arith.index_cast %swap3A_537 : i32 to index
        %swap3A_539 = arith.constant 48 : index
        %swap3A_540 = tpu.vector_load %arg7[%swap3A_538, %swap3A_539] {strides = array<i32>} : memref<64x128xf32, #tpu.memory_space<vmem>>, vector<1x16xf32>,
        %swap3A_541 = vector.shape_cast %swap3A_540 : vector<1x16xf32> to vector<16xf32>
        %swap3A_542 = vector.shape_cast %get3A_44 : vector<16xf32> to vector<1x16xf32>
        tpu.vector_store %arg7[%swap3A_538, %swap3A_539], %swap3A_542 {add = true, strides = array<i32>} : memref<64x128xf32, #tpu.memory_space<vmem>>, vector<1x16xf32>,
        %swap3A_543 = arith.constant 1 : i32
        %swap3A_544 = arith.index_cast %swap3A_543 : i32 to index
        %swap3A_545 = arith.constant 64 : index
        %swap3A_546 = tpu.vector_load %arg7[%swap3A_544, %swap3A_545] {strides = array<i32>} : memref<64x128xf32, #tpu.memory_space<vmem>>, vector<1x16xf32>,
        %swap3A_547 = vector.shape_cast %swap3A_546 : vector<1x16xf32> to vector<16xf32>
        %swap3A_548 = vector.shape_cast %get3A_48 : vector<16xf32> to vector<1x16xf32>
        tpu.vector_store %arg7[%swap3A_544, %swap3A_545], %swap3A_548 {add = true, strides = array<i32>} : memref<64x128xf32, #tpu.memory_space<vmem>>, vector<1x16xf32>,
        %swap3A_549 = arith.constant 1 : i32
        %swap3A_550 = arith.index_cast %swap3A_549 : i32 to index
        %swap3A_551 = arith.constant 80 : index
        %swap3A_552 = tpu.vector_load %arg7[%swap3A_550, %swap3A_551] {strides = array<i32>} : memref<64x128xf32, #tpu.memory_space<vmem>>, vector<1x16xf32>,
        %swap3A_553 = vector.shape_cast %swap3A_552 : vector<1x16xf32> to vector<16xf32>
        %swap3A_554 = vector.shape_cast %get3A_52 : vector<16xf32> to vector<1x16xf32>
        tpu.vector_store %arg7[%swap3A_550, %swap3A_551], %swap3A_554 {add = true, strides = array<i32>} : memref<64x128xf32, #tpu.memory_space<vmem>>, vector<1x16xf32>,
        %swap3A_555 = arith.constant 1 : i32
        %swap3A_556 = arith.index_cast %swap3A_555 : i32 to index
        %swap3A_557 = arith.constant 96 : index
        %swap3A_558 = tpu.vector_load %arg7[%swap3A_556, %swap3A_557] {strides = array<i32>} : memref<64x128xf32, #tpu.memory_space<vmem>>, vector<1x16xf32>,
        %swap3A_559 = vector.shape_cast %swap3A_558 : vector<1x16xf32> to vector<16xf32>
        %swap3A_560 = vector.shape_cast %get3A_56 : vector<16xf32> to vector<1x16xf32>
        tpu.vector_store %arg7[%swap3A_556, %swap3A_557], %swap3A_560 {add = true, strides = array<i32>} : memref<64x128xf32, #tpu.memory_space<vmem>>, vector<1x16xf32>,
        %swap3A_561 = arith.constant 1 : i32
        %swap3A_562 = arith.index_cast %swap3A_561 : i32 to index
        %swap3A_563 = arith.constant 112 : index
        %swap3A_564 = tpu.vector_load %arg7[%swap3A_562, %swap3A_563] {strides = array<i32>} : memref<64x128xf32, #tpu.memory_space<vmem>>, vector<1x16xf32>,
        %swap3A_565 = vector.shape_cast %swap3A_564 : vector<1x16xf32> to vector<16xf32>
        %swap3A_566 = vector.shape_cast %get3A_60 : vector<16xf32> to vector<1x16xf32>
        tpu.vector_store %arg7[%swap3A_562, %swap3A_563], %swap3A_566 {add = true, strides = array<i32>} : memref<64x128xf32, #tpu.memory_space<vmem>>, vector<1x16xf32>,
      } else {
      }
      %slice3A_74 = vector.extract_strided_slice %get3A_64 {offsets = [2], sizes = [1], strides = [1]} : vector<16xf32> to vector<1xf32>
      %squeeze3A_75 = vector.extract %slice3A_74[0] : f32 from vector<1xf32>
      %ne3A_76 = arith.constant 0.000000e+00 : f32
      %ne3A_77 = arith.cmpf one, %squeeze3A_75, %ne3A_76 : f32
      %convert_element_type3A_78 = arith.extui %ne3A_77 : i1 to i32
      %cond3A_79 = arith.constant 0 : i32
      %cond3A_80 = arith.cmpi ne, %convert_element_type3A_78, %cond3A_79 : i32
      scf.if %cond3A_80 {
        %swap3A = arith.constant 2 : i32
        %swap3A_520 = arith.index_cast %swap3A : i32 to index
        %swap3A_521 = arith.constant 0 : index
        %swap3A_522 = tpu.vector_load %arg7[%swap3A_520, %swap3A_521] {strides = array<i32>} : memref<64x128xf32, #tpu.memory_space<vmem>>, vector<1x16xf32>,
        %swap3A_523 = vector.shape_cast %swap3A_522 : vector<1x16xf32> to vector<16xf32>
        %swap3A_524 = vector.shape_cast %get3A_32 : vector<16xf32> to vector<1x16xf32>
        tpu.vector_store %arg7[%swap3A_520, %swap3A_521], %swap3A_524 {add = true, strides = array<i32>} : memref<64x128xf32, #tpu.memory_space<vmem>>, vector<1x16xf32>,
        %swap3A_525 = arith.constant 2 : i32
        %swap3A_526 = arith.index_cast %swap3A_525 : i32 to index
        %swap3A_527 = arith.constant 16 : index
        %swap3A_528 = tpu.vector_load %arg7[%swap3A_526, %swap3A_527] {strides = array<i32>} : memref<64x128xf32, #tpu.memory_space<vmem>>, vector<1x16xf32>,
        %swap3A_529 = vector.shape_cast %swap3A_528 : vector<1x16xf32> to vector<16xf32>
        %swap3A_530 = vector.shape_cast %get3A_36 : vector<16xf32> to vector<1x16xf32>
        tpu.vector_store %arg7[%swap3A_526, %swap3A_527], %swap3A_530 {add = true, strides = array<i32>} : memref<64x128xf32, #tpu.memory_space<vmem>>, vector<1x16xf32>,
        %swap3A_531 = arith.constant 2 : i32
        %swap3A_532 = arith.index_cast %swap3A_531 : i32 to index
        %swap3A_533 = arith.constant 32 : index
        %swap3A_534 = tpu.vector_load %arg7[%swap3A_532, %swap3A_533] {strides = array<i32>} : memref<64x128xf32, #tpu.memory_space<vmem>>, vector<1x16xf32>,
        %swap3A_535 = vector.shape_cast %swap3A_534 : vector<1x16xf32> to vector<16xf32>
        %swap3A_536 = vector.shape_cast %get3A_40 : vector<16xf32> to vector<1x16xf32>
        tpu.vector_store %arg7[%swap3A_532, %swap3A_533], %swap3A_536 {add = true, strides = array<i32>} : memref<64x128xf32, #tpu.memory_space<vmem>>, vector<1x16xf32>,
        %swap3A_537 = arith.constant 2 : i32
        %swap3A_538 = arith.index_cast %swap3A_537 : i32 to index
        %swap3A_539 = arith.constant 48 : index
        %swap3A_540 = tpu.vector_load %arg7[%swap3A_538, %swap3A_539] {strides = array<i32>} : memref<64x128xf32, #tpu.memory_space<vmem>>, vector<1x16xf32>,
        %swap3A_541 = vector.shape_cast %swap3A_540 : vector<1x16xf32> to vector<16xf32>
        %swap3A_542 = vector.shape_cast %get3A_44 : vector<16xf32> to vector<1x16xf32>
        tpu.vector_store %arg7[%swap3A_538, %swap3A_539], %swap3A_542 {add = true, strides = array<i32>} : memref<64x128xf32, #tpu.memory_space<vmem>>, vector<1x16xf32>,
        %swap3A_543 = arith.constant 2 : i32
        %swap3A_544 = arith.index_cast %swap3A_543 : i32 to index
        %swap3A_545 = arith.constant 64 : index
        %swap3A_546 = tpu.vector_load %arg7[%swap3A_544, %swap3A_545] {strides = array<i32>} : memref<64x128xf32, #tpu.memory_space<vmem>>, vector<1x16xf32>,
        %swap3A_547 = vector.shape_cast %swap3A_546 : vector<1x16xf32> to vector<16xf32>
        %swap3A_548 = vector.shape_cast %get3A_48 : vector<16xf32> to vector<1x16xf32>
        tpu.vector_store %arg7[%swap3A_544, %swap3A_545], %swap3A_548 {add = true, strides = array<i32>} : memref<64x128xf32, #tpu.memory_space<vmem>>, vector<1x16xf32>,
        %swap3A_549 = arith.constant 2 : i32
        %swap3A_550 = arith.index_cast %swap3A_549 : i32 to index
        %swap3A_551 = arith.constant 80 : index
        %swap3A_552 = tpu.vector_load %arg7[%swap3A_550, %swap3A_551] {strides = array<i32>} : memref<64x128xf32, #tpu.memory_space<vmem>>, vector<1x16xf32>,
        %swap3A_553 = vector.shape_cast %swap3A_552 : vector<1x16xf32> to vector<16xf32>
        %swap3A_554 = vector.shape_cast %get3A_52 : vector<16xf32> to vector<1x16xf32>
        tpu.vector_store %arg7[%swap3A_550, %swap3A_551], %swap3A_554 {add = true, strides = array<i32>} : memref<64x128xf32, #tpu.memory_space<vmem>>, vector<1x16xf32>,
        %swap3A_555 = arith.constant 2 : i32
        %swap3A_556 = arith.index_cast %swap3A_555 : i32 to index
        %swap3A_557 = arith.constant 96 : index
        %swap3A_558 = tpu.vector_load %arg7[%swap3A_556, %swap3A_557] {strides = array<i32>} : memref<64x128xf32, #tpu.memory_space<vmem>>, vector<1x16xf32>,
        %swap3A_559 = vector.shape_cast %swap3A_558 : vector<1x16xf32> to vector<16xf32>
        %swap3A_560 = vector.shape_cast %get3A_56 : vector<16xf32> to vector<1x16xf32>
        tpu.vector_store %arg7[%swap3A_556, %swap3A_557], %swap3A_560 {add = true, strides = array<i32>} : memref<64x128xf32, #tpu.memory_space<vmem>>, vector<1x16xf32>,
        %swap3A_561 = arith.constant 2 : i32
        %swap3A_562 = arith.index_cast %swap3A_561 : i32 to index
        %swap3A_563 = arith.constant 112 : index
        %swap3A_564 = tpu.vector_load %arg7[%swap3A_562, %swap3A_563] {strides = array<i32>} : memref<64x128xf32, #tpu.memory_space<vmem>>, vector<1x16xf32>,
        %swap3A_565 = vector.shape_cast %swap3A_564 : vector<1x16xf32> to vector<16xf32>
        %swap3A_566 = vector.shape_cast %get3A_60 : vector<16xf32> to vector<1x16xf32>
        tpu.vector_store %arg7[%swap3A_562, %swap3A_563], %swap3A_566 {add = true, strides = array<i32>} : memref<64x128xf32, #tpu.memory_space<vmem>>, vector<1x16xf32>,
      } else {
      }
      %slice3A_81 = vector.extract_strided_slice %get3A_64 {offsets = [3], sizes = [1], strides = [1]} : vector<16xf32> to vector<1xf32>
      %squeeze3A_82 = vector.extract %slice3A_81[0] : f32 from vector<1xf32>
      %ne3A_83 = arith.constant 0.000000e+00 : f32
      %ne3A_84 = arith.cmpf one, %squeeze3A_82, %ne3A_83 : f32
      %convert_element_type3A_85 = arith.extui %ne3A_84 : i1 to i32
      %cond3A_86 = arith.constant 0 : i32
      %cond3A_87 = arith.cmpi ne, %convert_element_type3A_85, %cond3A_86 : i32
      scf.if %cond3A_87 {
        %swap3A = arith.constant 3 : i32
        %swap3A_520 = arith.index_cast %swap3A : i32 to index
        %swap3A_521 = arith.constant 0 : index
        %swap3A_522 = tpu.vector_load %arg7[%swap3A_520, %swap3A_521] {strides = array<i32>} : memref<64x128xf32, #tpu.memory_space<vmem>>, vector<1x16xf32>,
        %swap3A_523 = vector.shape_cast %swap3A_522 : vector<1x16xf32> to vector<16xf32>
        %swap3A_524 = vector.shape_cast %get3A_32 : vector<16xf32> to vector<1x16xf32>
        tpu.vector_store %arg7[%swap3A_520, %swap3A_521], %swap3A_524 {add = true, strides = array<i32>} : memref<64x128xf32, #tpu.memory_space<vmem>>, vector<1x16xf32>,
        %swap3A_525 = arith.constant 3 : i32
        %swap3A_526 = arith.index_cast %swap3A_525 : i32 to index
        %swap3A_527 = arith.constant 16 : index
        %swap3A_528 = tpu.vector_load %arg7[%swap3A_526, %swap3A_527] {strides = array<i32>} : memref<64x128xf32, #tpu.memory_space<vmem>>, vector<1x16xf32>,
        %swap3A_529 = vector.shape_cast %swap3A_528 : vector<1x16xf32> to vector<16xf32>
        %swap3A_530 = vector.shape_cast %get3A_36 : vector<16xf32> to vector<1x16xf32>
        tpu.vector_store %arg7[%swap3A_526, %swap3A_527], %swap3A_530 {add = true, strides = array<i32>} : memref<64x128xf32, #tpu.memory_space<vmem>>, vector<1x16xf32>,
        %swap3A_531 = arith.constant 3 : i32
        %swap3A_532 = arith.index_cast %swap3A_531 : i32 to index
        %swap3A_533 = arith.constant 32 : index
        %swap3A_534 = tpu.vector_load %arg7[%swap3A_532, %swap3A_533] {strides = array<i32>} : memref<64x128xf32, #tpu.memory_space<vmem>>, vector<1x16xf32>,
        %swap3A_535 = vector.shape_cast %swap3A_534 : vector<1x16xf32> to vector<16xf32>
        %swap3A_536 = vector.shape_cast %get3A_40 : vector<16xf32> to vector<1x16xf32>
        tpu.vector_store %arg7[%swap3A_532, %swap3A_533], %swap3A_536 {add = true, strides = array<i32>} : memref<64x128xf32, #tpu.memory_space<vmem>>, vector<1x16xf32>,
        %swap3A_537 = arith.constant 3 : i32
        %swap3A_538 = arith.index_cast %swap3A_537 : i32 to index
        %swap3A_539 = arith.constant 48 : index
        %swap3A_540 = tpu.vector_load %arg7[%swap3A_538, %swap3A_539] {strides = array<i32>} : memref<64x128xf32, #tpu.memory_space<vmem>>, vector<1x16xf32>,
        %swap3A_541 = vector.shape_cast %swap3A_540 : vector<1x16xf32> to vector<16xf32>
        %swap3A_542 = vector.shape_cast %get3A_44 : vector<16xf32> to vector<1x16xf32>
        tpu.vector_store %arg7[%swap3A_538, %swap3A_539], %swap3A_542 {add = true, strides = array<i32>} : memref<64x128xf32, #tpu.memory_space<vmem>>, vector<1x16xf32>,
        %swap3A_543 = arith.constant 3 : i32
        %swap3A_544 = arith.index_cast %swap3A_543 : i32 to index
        %swap3A_545 = arith.constant 64 : index
        %swap3A_546 = tpu.vector_load %arg7[%swap3A_544, %swap3A_545] {strides = array<i32>} : memref<64x128xf32, #tpu.memory_space<vmem>>, vector<1x16xf32>,
        %swap3A_547 = vector.shape_cast %swap3A_546 : vector<1x16xf32> to vector<16xf32>
        %swap3A_548 = vector.shape_cast %get3A_48 : vector<16xf32> to vector<1x16xf32>
        tpu.vector_store %arg7[%swap3A_544, %swap3A_545], %swap3A_548 {add = true, strides = array<i32>} : memref<64x128xf32, #tpu.memory_space<vmem>>, vector<1x16xf32>,
        %swap3A_549 = arith.constant 3 : i32
        %swap3A_550 = arith.index_cast %swap3A_549 : i32 to index
        %swap3A_551 = arith.constant 80 : index
        %swap3A_552 = tpu.vector_load %arg7[%swap3A_550, %swap3A_551] {strides = array<i32>} : memref<64x128xf32, #tpu.memory_space<vmem>>, vector<1x16xf32>,
        %swap3A_553 = vector.shape_cast %swap3A_552 : vector<1x16xf32> to vector<16xf32>
        %swap3A_554 = vector.shape_cast %get3A_52 : vector<16xf32> to vector<1x16xf32>
        tpu.vector_store %arg7[%swap3A_550, %swap3A_551], %swap3A_554 {add = true, strides = array<i32>} : memref<64x128xf32, #tpu.memory_space<vmem>>, vector<1x16xf32>,
        %swap3A_555 = arith.constant 3 : i32
        %swap3A_556 = arith.index_cast %swap3A_555 : i32 to index
        %swap3A_557 = arith.constant 96 : index
        %swap3A_558 = tpu.vector_load %arg7[%swap3A_556, %swap3A_557] {strides = array<i32>} : memref<64x128xf32, #tpu.memory_space<vmem>>, vector<1x16xf32>,
        %swap3A_559 = vector.shape_cast %swap3A_558 : vector<1x16xf32> to vector<16xf32>
        %swap3A_560 = vector.shape_cast %get3A_56 : vector<16xf32> to vector<1x16xf32>
        tpu.vector_store %arg7[%swap3A_556, %swap3A_557], %swap3A_560 {add = true, strides = array<i32>} : memref<64x128xf32, #tpu.memory_space<vmem>>, vector<1x16xf32>,
        %swap3A_561 = arith.constant 3 : i32
        %swap3A_562 = arith.index_cast %swap3A_561 : i32 to index
        %swap3A_563 = arith.constant 112 : index
        %swap3A_564 = tpu.vector_load %arg7[%swap3A_562, %swap3A_563] {strides = array<i32>} : memref<64x128xf32, #tpu.memory_space<vmem>>, vector<1x16xf32>,
        %swap3A_565 = vector.shape_cast %swap3A_564 : vector<1x16xf32> to vector<16xf32>
        %swap3A_566 = vector.shape_cast %get3A_60 : vector<16xf32> to vector<1x16xf32>
        tpu.vector_store %arg7[%swap3A_562, %swap3A_563], %swap3A_566 {add = true, strides = array<i32>} : memref<64x128xf32, #tpu.memory_space<vmem>>, vector<1x16xf32>,
      } else {
      }
      %slice3A_88 = vector.extract_strided_slice %get3A_64 {offsets = [4], sizes = [1], strides = [1]} : vector<16xf32> to vector<1xf32>
      %squeeze3A_89 = vector.extract %slice3A_88[0] : f32 from vector<1xf32>
      %ne3A_90 = arith.constant 0.000000e+00 : f32
      %ne3A_91 = arith.cmpf one, %squeeze3A_89, %ne3A_90 : f32
      %convert_element_type3A_92 = arith.extui %ne3A_91 : i1 to i32
      %cond3A_93 = arith.constant 0 : i32
      %cond3A_94 = arith.cmpi ne, %convert_element_type3A_92, %cond3A_93 : i32
      scf.if %cond3A_94 {
        %swap3A = arith.constant 4 : i32
        %swap3A_520 = arith.index_cast %swap3A : i32 to index
        %swap3A_521 = arith.constant 0 : index
        %swap3A_522 = tpu.vector_load %arg7[%swap3A_520, %swap3A_521] {strides = array<i32>} : memref<64x128xf32, #tpu.memory_space<vmem>>, vector<1x16xf32>,
        %swap3A_523 = vector.shape_cast %swap3A_522 : vector<1x16xf32> to vector<16xf32>
        %swap3A_524 = vector.shape_cast %get3A_32 : vector<16xf32> to vector<1x16xf32>
        tpu.vector_store %arg7[%swap3A_520, %swap3A_521], %swap3A_524 {add = true, strides = array<i32>} : memref<64x128xf32, #tpu.memory_space<vmem>>, vector<1x16xf32>,
        %swap3A_525 = arith.constant 4 : i32
        %swap3A_526 = arith.index_cast %swap3A_525 : i32 to index
        %swap3A_527 = arith.constant 16 : index
        %swap3A_528 = tpu.vector_load %arg7[%swap3A_526, %swap3A_527] {strides = array<i32>} : memref<64x128xf32, #tpu.memory_space<vmem>>, vector<1x16xf32>,
        %swap3A_529 = vector.shape_cast %swap3A_528 : vector<1x16xf32> to vector<16xf32>
        %swap3A_530 = vector.shape_cast %get3A_36 : vector<16xf32> to vector<1x16xf32>
        tpu.vector_store %arg7[%swap3A_526, %swap3A_527], %swap3A_530 {add = true, strides = array<i32>} : memref<64x128xf32, #tpu.memory_space<vmem>>, vector<1x16xf32>,
        %swap3A_531 = arith.constant 4 : i32
        %swap3A_532 = arith.index_cast %swap3A_531 : i32 to index
        %swap3A_533 = arith.constant 32 : index
        %swap3A_534 = tpu.vector_load %arg7[%swap3A_532, %swap3A_533] {strides = array<i32>} : memref<64x128xf32, #tpu.memory_space<vmem>>, vector<1x16xf32>,
        %swap3A_535 = vector.shape_cast %swap3A_534 : vector<1x16xf32> to vector<16xf32>
        %swap3A_536 = vector.shape_cast %get3A_40 : vector<16xf32> to vector<1x16xf32>
        tpu.vector_store %arg7[%swap3A_532, %swap3A_533], %swap3A_536 {add = true, strides = array<i32>} : memref<64x128xf32, #tpu.memory_space<vmem>>, vector<1x16xf32>,
        %swap3A_537 = arith.constant 4 : i32
        %swap3A_538 = arith.index_cast %swap3A_537 : i32 to index
        %swap3A_539 = arith.constant 48 : index
        %swap3A_540 = tpu.vector_load %arg7[%swap3A_538, %swap3A_539] {strides = array<i32>} : memref<64x128xf32, #tpu.memory_space<vmem>>, vector<1x16xf32>,
        %swap3A_541 = vector.shape_cast %swap3A_540 : vector<1x16xf32> to vector<16xf32>
        %swap3A_542 = vector.shape_cast %get3A_44 : vector<16xf32> to vector<1x16xf32>
        tpu.vector_store %arg7[%swap3A_538, %swap3A_539], %swap3A_542 {add = true, strides = array<i32>} : memref<64x128xf32, #tpu.memory_space<vmem>>, vector<1x16xf32>,
        %swap3A_543 = arith.constant 4 : i32
        %swap3A_544 = arith.index_cast %swap3A_543 : i32 to index
        %swap3A_545 = arith.constant 64 : index
        %swap3A_546 = tpu.vector_load %arg7[%swap3A_544, %swap3A_545] {strides = array<i32>} : memref<64x128xf32, #tpu.memory_space<vmem>>, vector<1x16xf32>,
        %swap3A_547 = vector.shape_cast %swap3A_546 : vector<1x16xf32> to vector<16xf32>
        %swap3A_548 = vector.shape_cast %get3A_48 : vector<16xf32> to vector<1x16xf32>
        tpu.vector_store %arg7[%swap3A_544, %swap3A_545], %swap3A_548 {add = true, strides = array<i32>} : memref<64x128xf32, #tpu.memory_space<vmem>>, vector<1x16xf32>,
        %swap3A_549 = arith.constant 4 : i32
        %swap3A_550 = arith.index_cast %swap3A_549 : i32 to index
        %swap3A_551 = arith.constant 80 : index
        %swap3A_552 = tpu.vector_load %arg7[%swap3A_550, %swap3A_551] {strides = array<i32>} : memref<64x128xf32, #tpu.memory_space<vmem>>, vector<1x16xf32>,
        %swap3A_553 = vector.shape_cast %swap3A_552 : vector<1x16xf32> to vector<16xf32>
        %swap3A_554 = vector.shape_cast %get3A_52 : vector<16xf32> to vector<1x16xf32>
        tpu.vector_store %arg7[%swap3A_550, %swap3A_551], %swap3A_554 {add = true, strides = array<i32>} : memref<64x128xf32, #tpu.memory_space<vmem>>, vector<1x16xf32>,
        %swap3A_555 = arith.constant 4 : i32
        %swap3A_556 = arith.index_cast %swap3A_555 : i32 to index
        %swap3A_557 = arith.constant 96 : index
        %swap3A_558 = tpu.vector_load %arg7[%swap3A_556, %swap3A_557] {strides = array<i32>} : memref<64x128xf32, #tpu.memory_space<vmem>>, vector<1x16xf32>,
        %swap3A_559 = vector.shape_cast %swap3A_558 : vector<1x16xf32> to vector<16xf32>
        %swap3A_560 = vector.shape_cast %get3A_56 : vector<16xf32> to vector<1x16xf32>
        tpu.vector_store %arg7[%swap3A_556, %swap3A_557], %swap3A_560 {add = true, strides = array<i32>} : memref<64x128xf32, #tpu.memory_space<vmem>>, vector<1x16xf32>,
        %swap3A_561 = arith.constant 4 : i32
        %swap3A_562 = arith.index_cast %swap3A_561 : i32 to index
        %swap3A_563 = arith.constant 112 : index
        %swap3A_564 = tpu.vector_load %arg7[%swap3A_562, %swap3A_563] {strides = array<i32>} : memref<64x128xf32, #tpu.memory_space<vmem>>, vector<1x16xf32>,
        %swap3A_565 = vector.shape_cast %swap3A_564 : vector<1x16xf32> to vector<16xf32>
        %swap3A_566 = vector.shape_cast %get3A_60 : vector<16xf32> to vector<1x16xf32>
        tpu.vector_store %arg7[%swap3A_562, %swap3A_563], %swap3A_566 {add = true, strides = array<i32>} : memref<64x128xf32, #tpu.memory_space<vmem>>, vector<1x16xf32>,
      } else {
      }
      %slice3A_95 = vector.extract_strided_slice %get3A_64 {offsets = [5], sizes = [1], strides = [1]} : vector<16xf32> to vector<1xf32>
      %squeeze3A_96 = vector.extract %slice3A_95[0] : f32 from vector<1xf32>
      %ne3A_97 = arith.constant 0.000000e+00 : f32
      %ne3A_98 = arith.cmpf one, %squeeze3A_96, %ne3A_97 : f32
      %convert_element_type3A_99 = arith.extui %ne3A_98 : i1 to i32
      %cond3A_100 = arith.constant 0 : i32
      %cond3A_101 = arith.cmpi ne, %convert_element_type3A_99, %cond3A_100 : i32
      scf.if %cond3A_101 {
        %swap3A = arith.constant 5 : i32
        %swap3A_520 = arith.index_cast %swap3A : i32 to index
        %swap3A_521 = arith.constant 0 : index
        %swap3A_522 = tpu.vector_load %arg7[%swap3A_520, %swap3A_521] {strides = array<i32>} : memref<64x128xf32, #tpu.memory_space<vmem>>, vector<1x16xf32>,
        %swap3A_523 = vector.shape_cast %swap3A_522 : vector<1x16xf32> to vector<16xf32>
        %swap3A_524 = vector.shape_cast %get3A_32 : vector<16xf32> to vector<1x16xf32>
        tpu.vector_store %arg7[%swap3A_520, %swap3A_521], %swap3A_524 {add = true, strides = array<i32>} : memref<64x128xf32, #tpu.memory_space<vmem>>, vector<1x16xf32>,
        %swap3A_525 = arith.constant 5 : i32
        %swap3A_526 = arith.index_cast %swap3A_525 : i32 to index
        %swap3A_527 = arith.constant 16 : index
        %swap3A_528 = tpu.vector_load %arg7[%swap3A_526, %swap3A_527] {strides = array<i32>} : memref<64x128xf32, #tpu.memory_space<vmem>>, vector<1x16xf32>,
        %swap3A_529 = vector.shape_cast %swap3A_528 : vector<1x16xf32> to vector<16xf32>
        %swap3A_530 = vector.shape_cast %get3A_36 : vector<16xf32> to vector<1x16xf32>
        tpu.vector_store %arg7[%swap3A_526, %swap3A_527], %swap3A_530 {add = true, strides = array<i32>} : memref<64x128xf32, #tpu.memory_space<vmem>>, vector<1x16xf32>,
        %swap3A_531 = arith.constant 5 : i32
        %swap3A_532 = arith.index_cast %swap3A_531 : i32 to index
        %swap3A_533 = arith.constant 32 : index
        %swap3A_534 = tpu.vector_load %arg7[%swap3A_532, %swap3A_533] {strides = array<i32>} : memref<64x128xf32, #tpu.memory_space<vmem>>, vector<1x16xf32>,
        %swap3A_535 = vector.shape_cast %swap3A_534 : vector<1x16xf32> to vector<16xf32>
        %swap3A_536 = vector.shape_cast %get3A_40 : vector<16xf32> to vector<1x16xf32>
        tpu.vector_store %arg7[%swap3A_532, %swap3A_533], %swap3A_536 {add = true, strides = array<i32>} : memref<64x128xf32, #tpu.memory_space<vmem>>, vector<1x16xf32>,
        %swap3A_537 = arith.constant 5 : i32
        %swap3A_538 = arith.index_cast %swap3A_537 : i32 to index
        %swap3A_539 = arith.constant 48 : index
        %swap3A_540 = tpu.vector_load %arg7[%swap3A_538, %swap3A_539] {strides = array<i32>} : memref<64x128xf32, #tpu.memory_space<vmem>>, vector<1x16xf32>,
        %swap3A_541 = vector.shape_cast %swap3A_540 : vector<1x16xf32> to vector<16xf32>
        %swap3A_542 = vector.shape_cast %get3A_44 : vector<16xf32> to vector<1x16xf32>
        tpu.vector_store %arg7[%swap3A_538, %swap3A_539], %swap3A_542 {add = true, strides = array<i32>} : memref<64x128xf32, #tpu.memory_space<vmem>>, vector<1x16xf32>,
        %swap3A_543 = arith.constant 5 : i32
        %swap3A_544 = arith.index_cast %swap3A_543 : i32 to index
        %swap3A_545 = arith.constant 64 : index
        %swap3A_546 = tpu.vector_load %arg7[%swap3A_544, %swap3A_545] {strides = array<i32>} : memref<64x128xf32, #tpu.memory_space<vmem>>, vector<1x16xf32>,
        %swap3A_547 = vector.shape_cast %swap3A_546 : vector<1x16xf32> to vector<16xf32>
        %swap3A_548 = vector.shape_cast %get3A_48 : vector<16xf32> to vector<1x16xf32>
        tpu.vector_store %arg7[%swap3A_544, %swap3A_545], %swap3A_548 {add = true, strides = array<i32>} : memref<64x128xf32, #tpu.memory_space<vmem>>, vector<1x16xf32>,
        %swap3A_549 = arith.constant 5 : i32
        %swap3A_550 = arith.index_cast %swap3A_549 : i32 to index
        %swap3A_551 = arith.constant 80 : index
        %swap3A_552 = tpu.vector_load %arg7[%swap3A_550, %swap3A_551] {strides = array<i32>} : memref<64x128xf32, #tpu.memory_space<vmem>>, vector<1x16xf32>,
        %swap3A_553 = vector.shape_cast %swap3A_552 : vector<1x16xf32> to vector<16xf32>
        %swap3A_554 = vector.shape_cast %get3A_52 : vector<16xf32> to vector<1x16xf32>
        tpu.vector_store %arg7[%swap3A_550, %swap3A_551], %swap3A_554 {add = true, strides = array<i32>} : memref<64x128xf32, #tpu.memory_space<vmem>>, vector<1x16xf32>,
        %swap3A_555 = arith.constant 5 : i32
        %swap3A_556 = arith.index_cast %swap3A_555 : i32 to index
        %swap3A_557 = arith.constant 96 : index
        %swap3A_558 = tpu.vector_load %arg7[%swap3A_556, %swap3A_557] {strides = array<i32>} : memref<64x128xf32, #tpu.memory_space<vmem>>, vector<1x16xf32>,
        %swap3A_559 = vector.shape_cast %swap3A_558 : vector<1x16xf32> to vector<16xf32>
        %swap3A_560 = vector.shape_cast %get3A_56 : vector<16xf32> to vector<1x16xf32>
        tpu.vector_store %arg7[%swap3A_556, %swap3A_557], %swap3A_560 {add = true, strides = array<i32>} : memref<64x128xf32, #tpu.memory_space<vmem>>, vector<1x16xf32>,
        %swap3A_561 = arith.constant 5 : i32
        %swap3A_562 = arith.index_cast %swap3A_561 : i32 to index
        %swap3A_563 = arith.constant 112 : index
        %swap3A_564 = tpu.vector_load %arg7[%swap3A_562, %swap3A_563] {strides = array<i32>} : memref<64x128xf32, #tpu.memory_space<vmem>>, vector<1x16xf32>,
        %swap3A_565 = vector.shape_cast %swap3A_564 : vector<1x16xf32> to vector<16xf32>
        %swap3A_566 = vector.shape_cast %get3A_60 : vector<16xf32> to vector<1x16xf32>
        tpu.vector_store %arg7[%swap3A_562, %swap3A_563], %swap3A_566 {add = true, strides = array<i32>} : memref<64x128xf32, #tpu.memory_space<vmem>>, vector<1x16xf32>,
      } else {
      }
      %slice3A_102 = vector.extract_strided_slice %get3A_64 {offsets = [6], sizes = [1], strides = [1]} : vector<16xf32> to vector<1xf32>
      %squeeze3A_103 = vector.extract %slice3A_102[0] : f32 from vector<1xf32>
      %ne3A_104 = arith.constant 0.000000e+00 : f32
      %ne3A_105 = arith.cmpf one, %squeeze3A_103, %ne3A_104 : f32
      %convert_element_type3A_106 = arith.extui %ne3A_105 : i1 to i32
      %cond3A_107 = arith.constant 0 : i32
      %cond3A_108 = arith.cmpi ne, %convert_element_type3A_106, %cond3A_107 : i32
      scf.if %cond3A_108 {
        %swap3A = arith.constant 6 : i32
        %swap3A_520 = arith.index_cast %swap3A : i32 to index
        %swap3A_521 = arith.constant 0 : index
        %swap3A_522 = tpu.vector_load %arg7[%swap3A_520, %swap3A_521] {strides = array<i32>} : memref<64x128xf32, #tpu.memory_space<vmem>>, vector<1x16xf32>,
        %swap3A_523 = vector.shape_cast %swap3A_522 : vector<1x16xf32> to vector<16xf32>
        %swap3A_524 = vector.shape_cast %get3A_32 : vector<16xf32> to vector<1x16xf32>
        tpu.vector_store %arg7[%swap3A_520, %swap3A_521], %swap3A_524 {add = true, strides = array<i32>} : memref<64x128xf32, #tpu.memory_space<vmem>>, vector<1x16xf32>,
        %swap3A_525 = arith.constant 6 : i32
        %swap3A_526 = arith.index_cast %swap3A_525 : i32 to index
        %swap3A_527 = arith.constant 16 : index
        %swap3A_528 = tpu.vector_load %arg7[%swap3A_526, %swap3A_527] {strides = array<i32>} : memref<64x128xf32, #tpu.memory_space<vmem>>, vector<1x16xf32>,
        %swap3A_529 = vector.shape_cast %swap3A_528 : vector<1x16xf32> to vector<16xf32>
        %swap3A_530 = vector.shape_cast %get3A_36 : vector<16xf32> to vector<1x16xf32>
        tpu.vector_store %arg7[%swap3A_526, %swap3A_527], %swap3A_530 {add = true, strides = array<i32>} : memref<64x128xf32, #tpu.memory_space<vmem>>, vector<1x16xf32>,
        %swap3A_531 = arith.constant 6 : i32
        %swap3A_532 = arith.index_cast %swap3A_531 : i32 to index
        %swap3A_533 = arith.constant 32 : index
        %swap3A_534 = tpu.vector_load %arg7[%swap3A_532, %swap3A_533] {strides = array<i32>} : memref<64x128xf32, #tpu.memory_space<vmem>>, vector<1x16xf32>,
        %swap3A_535 = vector.shape_cast %swap3A_534 : vector<1x16xf32> to vector<16xf32>
        %swap3A_536 = vector.shape_cast %get3A_40 : vector<16xf32> to vector<1x16xf32>
        tpu.vector_store %arg7[%swap3A_532, %swap3A_533], %swap3A_536 {add = true, strides = array<i32>} : memref<64x128xf32, #tpu.memory_space<vmem>>, vector<1x16xf32>,
        %swap3A_537 = arith.constant 6 : i32
        %swap3A_538 = arith.index_cast %swap3A_537 : i32 to index
        %swap3A_539 = arith.constant 48 : index
        %swap3A_540 = tpu.vector_load %arg7[%swap3A_538, %swap3A_539] {strides = array<i32>} : memref<64x128xf32, #tpu.memory_space<vmem>>, vector<1x16xf32>,
        %swap3A_541 = vector.shape_cast %swap3A_540 : vector<1x16xf32> to vector<16xf32>
        %swap3A_542 = vector.shape_cast %get3A_44 : vector<16xf32> to vector<1x16xf32>
        tpu.vector_store %arg7[%swap3A_538, %swap3A_539], %swap3A_542 {add = true, strides = array<i32>} : memref<64x128xf32, #tpu.memory_space<vmem>>, vector<1x16xf32>,
        %swap3A_543 = arith.constant 6 : i32
        %swap3A_544 = arith.index_cast %swap3A_543 : i32 to index
        %swap3A_545 = arith.constant 64 : index
        %swap3A_546 = tpu.vector_load %arg7[%swap3A_544, %swap3A_545] {strides = array<i32>} : memref<64x128xf32, #tpu.memory_space<vmem>>, vector<1x16xf32>,
        %swap3A_547 = vector.shape_cast %swap3A_546 : vector<1x16xf32> to vector<16xf32>
        %swap3A_548 = vector.shape_cast %get3A_48 : vector<16xf32> to vector<1x16xf32>
        tpu.vector_store %arg7[%swap3A_544, %swap3A_545], %swap3A_548 {add = true, strides = array<i32>} : memref<64x128xf32, #tpu.memory_space<vmem>>, vector<1x16xf32>,
        %swap3A_549 = arith.constant 6 : i32
        %swap3A_550 = arith.index_cast %swap3A_549 : i32 to index
        %swap3A_551 = arith.constant 80 : index
        %swap3A_552 = tpu.vector_load %arg7[%swap3A_550, %swap3A_551] {strides = array<i32>} : memref<64x128xf32, #tpu.memory_space<vmem>>, vector<1x16xf32>,
        %swap3A_553 = vector.shape_cast %swap3A_552 : vector<1x16xf32> to vector<16xf32>
        %swap3A_554 = vector.shape_cast %get3A_52 : vector<16xf32> to vector<1x16xf32>
        tpu.vector_store %arg7[%swap3A_550, %swap3A_551], %swap3A_554 {add = true, strides = array<i32>} : memref<64x128xf32, #tpu.memory_space<vmem>>, vector<1x16xf32>,
        %swap3A_555 = arith.constant 6 : i32
        %swap3A_556 = arith.index_cast %swap3A_555 : i32 to index
        %swap3A_557 = arith.constant 96 : index
        %swap3A_558 = tpu.vector_load %arg7[%swap3A_556, %swap3A_557] {strides = array<i32>} : memref<64x128xf32, #tpu.memory_space<vmem>>, vector<1x16xf32>,
        %swap3A_559 = vector.shape_cast %swap3A_558 : vector<1x16xf32> to vector<16xf32>
        %swap3A_560 = vector.shape_cast %get3A_56 : vector<16xf32> to vector<1x16xf32>
        tpu.vector_store %arg7[%swap3A_556, %swap3A_557], %swap3A_560 {add = true, strides = array<i32>} : memref<64x128xf32, #tpu.memory_space<vmem>>, vector<1x16xf32>,
        %swap3A_561 = arith.constant 6 : i32
        %swap3A_562 = arith.index_cast %swap3A_561 : i32 to index
        %swap3A_563 = arith.constant 112 : index
        %swap3A_564 = tpu.vector_load %arg7[%swap3A_562, %swap3A_563] {strides = array<i32>} : memref<64x128xf32, #tpu.memory_space<vmem>>, vector<1x16xf32>,
        %swap3A_565 = vector.shape_cast %swap3A_564 : vector<1x16xf32> to vector<16xf32>
        %swap3A_566 = vector.shape_cast %get3A_60 : vector<16xf32> to vector<1x16xf32>
        tpu.vector_store %arg7[%swap3A_562, %swap3A_563], %swap3A_566 {add = true, strides = array<i32>} : memref<64x128xf32, #tpu.memory_space<vmem>>, vector<1x16xf32>,
      } else {
      }
      %slice3A_109 = vector.extract_strided_slice %get3A_64 {offsets = [7], sizes = [1], strides = [1]} : vector<16xf32> to vector<1xf32>
      %squeeze3A_110 = vector.extract %slice3A_109[0] : f32 from vector<1xf32>
      %ne3A_111 = arith.constant 0.000000e+00 : f32
      %ne3A_112 = arith.cmpf one, %squeeze3A_110, %ne3A_111 : f32
      %convert_element_type3A_113 = arith.extui %ne3A_112 : i1 to i32
      %cond3A_114 = arith.constant 0 : i32
      %cond3A_115 = arith.cmpi ne, %convert_element_type3A_113, %cond3A_114 : i32
      scf.if %cond3A_115 {
        %swap3A = arith.constant 7 : i32
        %swap3A_520 = arith.index_cast %swap3A : i32 to index
        %swap3A_521 = arith.constant 0 : index
        %swap3A_522 = tpu.vector_load %arg7[%swap3A_520, %swap3A_521] {strides = array<i32>} : memref<64x128xf32, #tpu.memory_space<vmem>>, vector<1x16xf32>,
        %swap3A_523 = vector.shape_cast %swap3A_522 : vector<1x16xf32> to vector<16xf32>
        %swap3A_524 = vector.shape_cast %get3A_32 : vector<16xf32> to vector<1x16xf32>
        tpu.vector_store %arg7[%swap3A_520, %swap3A_521], %swap3A_524 {add = true, strides = array<i32>} : memref<64x128xf32, #tpu.memory_space<vmem>>, vector<1x16xf32>,
        %swap3A_525 = arith.constant 7 : i32
        %swap3A_526 = arith.index_cast %swap3A_525 : i32 to index
        %swap3A_527 = arith.constant 16 : index
        %swap3A_528 = tpu.vector_load %arg7[%swap3A_526, %swap3A_527] {strides = array<i32>} : memref<64x128xf32, #tpu.memory_space<vmem>>, vector<1x16xf32>,
        %swap3A_529 = vector.shape_cast %swap3A_528 : vector<1x16xf32> to vector<16xf32>
        %swap3A_530 = vector.shape_cast %get3A_36 : vector<16xf32> to vector<1x16xf32>
        tpu.vector_store %arg7[%swap3A_526, %swap3A_527], %swap3A_530 {add = true, strides = array<i32>} : memref<64x128xf32, #tpu.memory_space<vmem>>, vector<1x16xf32>,
        %swap3A_531 = arith.constant 7 : i32
        %swap3A_532 = arith.index_cast %swap3A_531 : i32 to index
        %swap3A_533 = arith.constant 32 : index
        %swap3A_534 = tpu.vector_load %arg7[%swap3A_532, %swap3A_533] {strides = array<i32>} : memref<64x128xf32, #tpu.memory_space<vmem>>, vector<1x16xf32>,
        %swap3A_535 = vector.shape_cast %swap3A_534 : vector<1x16xf32> to vector<16xf32>
        %swap3A_536 = vector.shape_cast %get3A_40 : vector<16xf32> to vector<1x16xf32>
        tpu.vector_store %arg7[%swap3A_532, %swap3A_533], %swap3A_536 {add = true, strides = array<i32>} : memref<64x128xf32, #tpu.memory_space<vmem>>, vector<1x16xf32>,
        %swap3A_537 = arith.constant 7 : i32
        %swap3A_538 = arith.index_cast %swap3A_537 : i32 to index
        %swap3A_539 = arith.constant 48 : index
        %swap3A_540 = tpu.vector_load %arg7[%swap3A_538, %swap3A_539] {strides = array<i32>} : memref<64x128xf32, #tpu.memory_space<vmem>>, vector<1x16xf32>,
        %swap3A_541 = vector.shape_cast %swap3A_540 : vector<1x16xf32> to vector<16xf32>
        %swap3A_542 = vector.shape_cast %get3A_44 : vector<16xf32> to vector<1x16xf32>
        tpu.vector_store %arg7[%swap3A_538, %swap3A_539], %swap3A_542 {add = true, strides = array<i32>} : memref<64x128xf32, #tpu.memory_space<vmem>>, vector<1x16xf32>,
        %swap3A_543 = arith.constant 7 : i32
        %swap3A_544 = arith.index_cast %swap3A_543 : i32 to index
        %swap3A_545 = arith.constant 64 : index
        %swap3A_546 = tpu.vector_load %arg7[%swap3A_544, %swap3A_545] {strides = array<i32>} : memref<64x128xf32, #tpu.memory_space<vmem>>, vector<1x16xf32>,
        %swap3A_547 = vector.shape_cast %swap3A_546 : vector<1x16xf32> to vector<16xf32>
        %swap3A_548 = vector.shape_cast %get3A_48 : vector<16xf32> to vector<1x16xf32>
        tpu.vector_store %arg7[%swap3A_544, %swap3A_545], %swap3A_548 {add = true, strides = array<i32>} : memref<64x128xf32, #tpu.memory_space<vmem>>, vector<1x16xf32>,
        %swap3A_549 = arith.constant 7 : i32
        %swap3A_550 = arith.index_cast %swap3A_549 : i32 to index
        %swap3A_551 = arith.constant 80 : index
        %swap3A_552 = tpu.vector_load %arg7[%swap3A_550, %swap3A_551] {strides = array<i32>} : memref<64x128xf32, #tpu.memory_space<vmem>>, vector<1x16xf32>,
        %swap3A_553 = vector.shape_cast %swap3A_552 : vector<1x16xf32> to vector<16xf32>
        %swap3A_554 = vector.shape_cast %get3A_52 : vector<16xf32> to vector<1x16xf32>
        tpu.vector_store %arg7[%swap3A_550, %swap3A_551], %swap3A_554 {add = true, strides = array<i32>} : memref<64x128xf32, #tpu.memory_space<vmem>>, vector<1x16xf32>,
        %swap3A_555 = arith.constant 7 : i32
        %swap3A_556 = arith.index_cast %swap3A_555 : i32 to index
        %swap3A_557 = arith.constant 96 : index
        %swap3A_558 = tpu.vector_load %arg7[%swap3A_556, %swap3A_557] {strides = array<i32>} : memref<64x128xf32, #tpu.memory_space<vmem>>, vector<1x16xf32>,
        %swap3A_559 = vector.shape_cast %swap3A_558 : vector<1x16xf32> to vector<16xf32>
        %swap3A_560 = vector.shape_cast %get3A_56 : vector<16xf32> to vector<1x16xf32>
        tpu.vector_store %arg7[%swap3A_556, %swap3A_557], %swap3A_560 {add = true, strides = array<i32>} : memref<64x128xf32, #tpu.memory_space<vmem>>, vector<1x16xf32>,
        %swap3A_561 = arith.constant 7 : i32
        %swap3A_562 = arith.index_cast %swap3A_561 : i32 to index
        %swap3A_563 = arith.constant 112 : index
        %swap3A_564 = tpu.vector_load %arg7[%swap3A_562, %swap3A_563] {strides = array<i32>} : memref<64x128xf32, #tpu.memory_space<vmem>>, vector<1x16xf32>,
        %swap3A_565 = vector.shape_cast %swap3A_564 : vector<1x16xf32> to vector<16xf32>
        %swap3A_566 = vector.shape_cast %get3A_60 : vector<16xf32> to vector<1x16xf32>
        tpu.vector_store %arg7[%swap3A_562, %swap3A_563], %swap3A_566 {add = true, strides = array<i32>} : memref<64x128xf32, #tpu.memory_space<vmem>>, vector<1x16xf32>,
      } else {
      }
      %slice3A_116 = vector.extract_strided_slice %get3A_64 {offsets = [8], sizes = [1], strides = [1]} : vector<16xf32> to vector<1xf32>
      %squeeze3A_117 = vector.extract %slice3A_116[0] : f32 from vector<1xf32>
      %ne3A_118 = arith.constant 0.000000e+00 : f32
      %ne3A_119 = arith.cmpf one, %squeeze3A_117, %ne3A_118 : f32
      %convert_element_type3A_120 = arith.extui %ne3A_119 : i1 to i32
      %cond3A_121 = arith.constant 0 : i32
      %cond3A_122 = arith.cmpi ne, %convert_element_type3A_120, %cond3A_121 : i32
      scf.if %cond3A_122 {
        %swap3A = arith.constant 8 : i32
        %swap3A_520 = arith.index_cast %swap3A : i32 to index
        %swap3A_521 = arith.constant 0 : index
        %swap3A_522 = tpu.vector_load %arg7[%swap3A_520, %swap3A_521] {strides = array<i32>} : memref<64x128xf32, #tpu.memory_space<vmem>>, vector<1x16xf32>,
        %swap3A_523 = vector.shape_cast %swap3A_522 : vector<1x16xf32> to vector<16xf32>
        %swap3A_524 = vector.shape_cast %get3A_32 : vector<16xf32> to vector<1x16xf32>
        tpu.vector_store %arg7[%swap3A_520, %swap3A_521], %swap3A_524 {add = true, strides = array<i32>} : memref<64x128xf32, #tpu.memory_space<vmem>>, vector<1x16xf32>,
        %swap3A_525 = arith.constant 8 : i32
        %swap3A_526 = arith.index_cast %swap3A_525 : i32 to index
        %swap3A_527 = arith.constant 16 : index
        %swap3A_528 = tpu.vector_load %arg7[%swap3A_526, %swap3A_527] {strides = array<i32>} : memref<64x128xf32, #tpu.memory_space<vmem>>, vector<1x16xf32>,
        %swap3A_529 = vector.shape_cast %swap3A_528 : vector<1x16xf32> to vector<16xf32>
        %swap3A_530 = vector.shape_cast %get3A_36 : vector<16xf32> to vector<1x16xf32>
        tpu.vector_store %arg7[%swap3A_526, %swap3A_527], %swap3A_530 {add = true, strides = array<i32>} : memref<64x128xf32, #tpu.memory_space<vmem>>, vector<1x16xf32>,
        %swap3A_531 = arith.constant 8 : i32
        %swap3A_532 = arith.index_cast %swap3A_531 : i32 to index
        %swap3A_533 = arith.constant 32 : index
        %swap3A_534 = tpu.vector_load %arg7[%swap3A_532, %swap3A_533] {strides = array<i32>} : memref<64x128xf32, #tpu.memory_space<vmem>>, vector<1x16xf32>,
        %swap3A_535 = vector.shape_cast %swap3A_534 : vector<1x16xf32> to vector<16xf32>
        %swap3A_536 = vector.shape_cast %get3A_40 : vector<16xf32> to vector<1x16xf32>
        tpu.vector_store %arg7[%swap3A_532, %swap3A_533], %swap3A_536 {add = true, strides = array<i32>} : memref<64x128xf32, #tpu.memory_space<vmem>>, vector<1x16xf32>,
        %swap3A_537 = arith.constant 8 : i32
        %swap3A_538 = arith.index_cast %swap3A_537 : i32 to index
        %swap3A_539 = arith.constant 48 : index
        %swap3A_540 = tpu.vector_load %arg7[%swap3A_538, %swap3A_539] {strides = array<i32>} : memref<64x128xf32, #tpu.memory_space<vmem>>, vector<1x16xf32>,
        %swap3A_541 = vector.shape_cast %swap3A_540 : vector<1x16xf32> to vector<16xf32>
        %swap3A_542 = vector.shape_cast %get3A_44 : vector<16xf32> to vector<1x16xf32>
        tpu.vector_store %arg7[%swap3A_538, %swap3A_539], %swap3A_542 {add = true, strides = array<i32>} : memref<64x128xf32, #tpu.memory_space<vmem>>, vector<1x16xf32>,
        %swap3A_543 = arith.constant 8 : i32
        %swap3A_544 = arith.index_cast %swap3A_543 : i32 to index
        %swap3A_545 = arith.constant 64 : index
        %swap3A_546 = tpu.vector_load %arg7[%swap3A_544, %swap3A_545] {strides = array<i32>} : memref<64x128xf32, #tpu.memory_space<vmem>>, vector<1x16xf32>,
        %swap3A_547 = vector.shape_cast %swap3A_546 : vector<1x16xf32> to vector<16xf32>
        %swap3A_548 = vector.shape_cast %get3A_48 : vector<16xf32> to vector<1x16xf32>
        tpu.vector_store %arg7[%swap3A_544, %swap3A_545], %swap3A_548 {add = true, strides = array<i32>} : memref<64x128xf32, #tpu.memory_space<vmem>>, vector<1x16xf32>,
        %swap3A_549 = arith.constant 8 : i32
        %swap3A_550 = arith.index_cast %swap3A_549 : i32 to index
        %swap3A_551 = arith.constant 80 : index
        %swap3A_552 = tpu.vector_load %arg7[%swap3A_550, %swap3A_551] {strides = array<i32>} : memref<64x128xf32, #tpu.memory_space<vmem>>, vector<1x16xf32>,
        %swap3A_553 = vector.shape_cast %swap3A_552 : vector<1x16xf32> to vector<16xf32>
        %swap3A_554 = vector.shape_cast %get3A_52 : vector<16xf32> to vector<1x16xf32>
        tpu.vector_store %arg7[%swap3A_550, %swap3A_551], %swap3A_554 {add = true, strides = array<i32>} : memref<64x128xf32, #tpu.memory_space<vmem>>, vector<1x16xf32>,
        %swap3A_555 = arith.constant 8 : i32
        %swap3A_556 = arith.index_cast %swap3A_555 : i32 to index
        %swap3A_557 = arith.constant 96 : index
        %swap3A_558 = tpu.vector_load %arg7[%swap3A_556, %swap3A_557] {strides = array<i32>} : memref<64x128xf32, #tpu.memory_space<vmem>>, vector<1x16xf32>,
        %swap3A_559 = vector.shape_cast %swap3A_558 : vector<1x16xf32> to vector<16xf32>
        %swap3A_560 = vector.shape_cast %get3A_56 : vector<16xf32> to vector<1x16xf32>
        tpu.vector_store %arg7[%swap3A_556, %swap3A_557], %swap3A_560 {add = true, strides = array<i32>} : memref<64x128xf32, #tpu.memory_space<vmem>>, vector<1x16xf32>,
        %swap3A_561 = arith.constant 8 : i32
        %swap3A_562 = arith.index_cast %swap3A_561 : i32 to index
        %swap3A_563 = arith.constant 112 : index
        %swap3A_564 = tpu.vector_load %arg7[%swap3A_562, %swap3A_563] {strides = array<i32>} : memref<64x128xf32, #tpu.memory_space<vmem>>, vector<1x16xf32>,
        %swap3A_565 = vector.shape_cast %swap3A_564 : vector<1x16xf32> to vector<16xf32>
        %swap3A_566 = vector.shape_cast %get3A_60 : vector<16xf32> to vector<1x16xf32>
        tpu.vector_store %arg7[%swap3A_562, %swap3A_563], %swap3A_566 {add = true, strides = array<i32>} : memref<64x128xf32, #tpu.memory_space<vmem>>, vector<1x16xf32>,
      } else {
      }
      %slice3A_123 = vector.extract_strided_slice %get3A_64 {offsets = [9], sizes = [1], strides = [1]} : vector<16xf32> to vector<1xf32>
      %squeeze3A_124 = vector.extract %slice3A_123[0] : f32 from vector<1xf32>
      %ne3A_125 = arith.constant 0.000000e+00 : f32
      %ne3A_126 = arith.cmpf one, %squeeze3A_124, %ne3A_125 : f32
      %convert_element_type3A_127 = arith.extui %ne3A_126 : i1 to i32
      %cond3A_128 = arith.constant 0 : i32
      %cond3A_129 = arith.cmpi ne, %convert_element_type3A_127, %cond3A_128 : i32
      scf.if %cond3A_129 {
        %swap3A = arith.constant 9 : i32
        %swap3A_520 = arith.index_cast %swap3A : i32 to index
        %swap3A_521 = arith.constant 0 : index
        %swap3A_522 = tpu.vector_load %arg7[%swap3A_520, %swap3A_521] {strides = array<i32>} : memref<64x128xf32, #tpu.memory_space<vmem>>, vector<1x16xf32>,
        %swap3A_523 = vector.shape_cast %swap3A_522 : vector<1x16xf32> to vector<16xf32>
        %swap3A_524 = vector.shape_cast %get3A_32 : vector<16xf32> to vector<1x16xf32>
        tpu.vector_store %arg7[%swap3A_520, %swap3A_521], %swap3A_524 {add = true, strides = array<i32>} : memref<64x128xf32, #tpu.memory_space<vmem>>, vector<1x16xf32>,
        %swap3A_525 = arith.constant 9 : i32
        %swap3A_526 = arith.index_cast %swap3A_525 : i32 to index
        %swap3A_527 = arith.constant 16 : index
        %swap3A_528 = tpu.vector_load %arg7[%swap3A_526, %swap3A_527] {strides = array<i32>} : memref<64x128xf32, #tpu.memory_space<vmem>>, vector<1x16xf32>,
        %swap3A_529 = vector.shape_cast %swap3A_528 : vector<1x16xf32> to vector<16xf32>
        %swap3A_530 = vector.shape_cast %get3A_36 : vector<16xf32> to vector<1x16xf32>
        tpu.vector_store %arg7[%swap3A_526, %swap3A_527], %swap3A_530 {add = true, strides = array<i32>} : memref<64x128xf32, #tpu.memory_space<vmem>>, vector<1x16xf32>,
        %swap3A_531 = arith.constant 9 : i32
        %swap3A_532 = arith.index_cast %swap3A_531 : i32 to index
        %swap3A_533 = arith.constant 32 : index
        %swap3A_534 = tpu.vector_load %arg7[%swap3A_532, %swap3A_533] {strides = array<i32>} : memref<64x128xf32, #tpu.memory_space<vmem>>, vector<1x16xf32>,
        %swap3A_535 = vector.shape_cast %swap3A_534 : vector<1x16xf32> to vector<16xf32>
        %swap3A_536 = vector.shape_cast %get3A_40 : vector<16xf32> to vector<1x16xf32>
        tpu.vector_store %arg7[%swap3A_532, %swap3A_533], %swap3A_536 {add = true, strides = array<i32>} : memref<64x128xf32, #tpu.memory_space<vmem>>, vector<1x16xf32>,
        %swap3A_537 = arith.constant 9 : i32
        %swap3A_538 = arith.index_cast %swap3A_537 : i32 to index
        %swap3A_539 = arith.constant 48 : index
        %swap3A_540 = tpu.vector_load %arg7[%swap3A_538, %swap3A_539] {strides = array<i32>} : memref<64x128xf32, #tpu.memory_space<vmem>>, vector<1x16xf32>,
        %swap3A_541 = vector.shape_cast %swap3A_540 : vector<1x16xf32> to vector<16xf32>
        %swap3A_542 = vector.shape_cast %get3A_44 : vector<16xf32> to vector<1x16xf32>
        tpu.vector_store %arg7[%swap3A_538, %swap3A_539], %swap3A_542 {add = true, strides = array<i32>} : memref<64x128xf32, #tpu.memory_space<vmem>>, vector<1x16xf32>,
        %swap3A_543 = arith.constant 9 : i32
        %swap3A_544 = arith.index_cast %swap3A_543 : i32 to index
        %swap3A_545 = arith.constant 64 : index
        %swap3A_546 = tpu.vector_load %arg7[%swap3A_544, %swap3A_545] {strides = array<i32>} : memref<64x128xf32, #tpu.memory_space<vmem>>, vector<1x16xf32>,
        %swap3A_547 = vector.shape_cast %swap3A_546 : vector<1x16xf32> to vector<16xf32>
        %swap3A_548 = vector.shape_cast %get3A_48 : vector<16xf32> to vector<1x16xf32>
        tpu.vector_store %arg7[%swap3A_544, %swap3A_545], %swap3A_548 {add = true, strides = array<i32>} : memref<64x128xf32, #tpu.memory_space<vmem>>, vector<1x16xf32>,
        %swap3A_549 = arith.constant 9 : i32
        %swap3A_550 = arith.index_cast %swap3A_549 : i32 to index
        %swap3A_551 = arith.constant 80 : index
        %swap3A_552 = tpu.vector_load %arg7[%swap3A_550, %swap3A_551] {strides = array<i32>} : memref<64x128xf32, #tpu.memory_space<vmem>>, vector<1x16xf32>,
        %swap3A_553 = vector.shape_cast %swap3A_552 : vector<1x16xf32> to vector<16xf32>
        %swap3A_554 = vector.shape_cast %get3A_52 : vector<16xf32> to vector<1x16xf32>
        tpu.vector_store %arg7[%swap3A_550, %swap3A_551], %swap3A_554 {add = true, strides = array<i32>} : memref<64x128xf32, #tpu.memory_space<vmem>>, vector<1x16xf32>,
        %swap3A_555 = arith.constant 9 : i32
        %swap3A_556 = arith.index_cast %swap3A_555 : i32 to index
        %swap3A_557 = arith.constant 96 : index
        %swap3A_558 = tpu.vector_load %arg7[%swap3A_556, %swap3A_557] {strides = array<i32>} : memref<64x128xf32, #tpu.memory_space<vmem>>, vector<1x16xf32>,
        %swap3A_559 = vector.shape_cast %swap3A_558 : vector<1x16xf32> to vector<16xf32>
        %swap3A_560 = vector.shape_cast %get3A_56 : vector<16xf32> to vector<1x16xf32>
        tpu.vector_store %arg7[%swap3A_556, %swap3A_557], %swap3A_560 {add = true, strides = array<i32>} : memref<64x128xf32, #tpu.memory_space<vmem>>, vector<1x16xf32>,
        %swap3A_561 = arith.constant 9 : i32
        %swap3A_562 = arith.index_cast %swap3A_561 : i32 to index
        %swap3A_563 = arith.constant 112 : index
        %swap3A_564 = tpu.vector_load %arg7[%swap3A_562, %swap3A_563] {strides = array<i32>} : memref<64x128xf32, #tpu.memory_space<vmem>>, vector<1x16xf32>,
        %swap3A_565 = vector.shape_cast %swap3A_564 : vector<1x16xf32> to vector<16xf32>
        %swap3A_566 = vector.shape_cast %get3A_60 : vector<16xf32> to vector<1x16xf32>
        tpu.vector_store %arg7[%swap3A_562, %swap3A_563], %swap3A_566 {add = true, strides = array<i32>} : memref<64x128xf32, #tpu.memory_space<vmem>>, vector<1x16xf32>,
      } else {
      }
      %slice3A_130 = vector.extract_strided_slice %get3A_64 {offsets = [10], sizes = [1], strides = [1]} : vector<16xf32> to vector<1xf32>
      %squeeze3A_131 = vector.extract %slice3A_130[0] : f32 from vector<1xf32>
      %ne3A_132 = arith.constant 0.000000e+00 : f32
      %ne3A_133 = arith.cmpf one, %squeeze3A_131, %ne3A_132 : f32
      %convert_element_type3A_134 = arith.extui %ne3A_133 : i1 to i32
      %cond3A_135 = arith.constant 0 : i32
      %cond3A_136 = arith.cmpi ne, %convert_element_type3A_134, %cond3A_135 : i32
      scf.if %cond3A_136 {
        %swap3A = arith.constant 10 : i32
        %swap3A_520 = arith.index_cast %swap3A : i32 to index
        %swap3A_521 = arith.constant 0 : index
        %swap3A_522 = tpu.vector_load %arg7[%swap3A_520, %swap3A_521] {strides = array<i32>} : memref<64x128xf32, #tpu.memory_space<vmem>>, vector<1x16xf32>,
        %swap3A_523 = vector.shape_cast %swap3A_522 : vector<1x16xf32> to vector<16xf32>
        %swap3A_524 = vector.shape_cast %get3A_32 : vector<16xf32> to vector<1x16xf32>
        tpu.vector_store %arg7[%swap3A_520, %swap3A_521], %swap3A_524 {add = true, strides = array<i32>} : memref<64x128xf32, #tpu.memory_space<vmem>>, vector<1x16xf32>,
        %swap3A_525 = arith.constant 10 : i32
        %swap3A_526 = arith.index_cast %swap3A_525 : i32 to index
        %swap3A_527 = arith.constant 16 : index
        %swap3A_528 = tpu.vector_load %arg7[%swap3A_526, %swap3A_527] {strides = array<i32>} : memref<64x128xf32, #tpu.memory_space<vmem>>, vector<1x16xf32>,
        %swap3A_529 = vector.shape_cast %swap3A_528 : vector<1x16xf32> to vector<16xf32>
        %swap3A_530 = vector.shape_cast %get3A_36 : vector<16xf32> to vector<1x16xf32>
        tpu.vector_store %arg7[%swap3A_526, %swap3A_527], %swap3A_530 {add = true, strides = array<i32>} : memref<64x128xf32, #tpu.memory_space<vmem>>, vector<1x16xf32>,
        %swap3A_531 = arith.constant 10 : i32
        %swap3A_532 = arith.index_cast %swap3A_531 : i32 to index
        %swap3A_533 = arith.constant 32 : index
        %swap3A_534 = tpu.vector_load %arg7[%swap3A_532, %swap3A_533] {strides = array<i32>} : memref<64x128xf32, #tpu.memory_space<vmem>>, vector<1x16xf32>,
        %swap3A_535 = vector.shape_cast %swap3A_534 : vector<1x16xf32> to vector<16xf32>
        %swap3A_536 = vector.shape_cast %get3A_40 : vector<16xf32> to vector<1x16xf32>
        tpu.vector_store %arg7[%swap3A_532, %swap3A_533], %swap3A_536 {add = true, strides = array<i32>} : memref<64x128xf32, #tpu.memory_space<vmem>>, vector<1x16xf32>,
        %swap3A_537 = arith.constant 10 : i32
        %swap3A_538 = arith.index_cast %swap3A_537 : i32 to index
        %swap3A_539 = arith.constant 48 : index
        %swap3A_540 = tpu.vector_load %arg7[%swap3A_538, %swap3A_539] {strides = array<i32>} : memref<64x128xf32, #tpu.memory_space<vmem>>, vector<1x16xf32>,
        %swap3A_541 = vector.shape_cast %swap3A_540 : vector<1x16xf32> to vector<16xf32>
        %swap3A_542 = vector.shape_cast %get3A_44 : vector<16xf32> to vector<1x16xf32>
        tpu.vector_store %arg7[%swap3A_538, %swap3A_539], %swap3A_542 {add = true, strides = array<i32>} : memref<64x128xf32, #tpu.memory_space<vmem>>, vector<1x16xf32>,
        %swap3A_543 = arith.constant 10 : i32
        %swap3A_544 = arith.index_cast %swap3A_543 : i32 to index
        %swap3A_545 = arith.constant 64 : index
        %swap3A_546 = tpu.vector_load %arg7[%swap3A_544, %swap3A_545] {strides = array<i32>} : memref<64x128xf32, #tpu.memory_space<vmem>>, vector<1x16xf32>,
        %swap3A_547 = vector.shape_cast %swap3A_546 : vector<1x16xf32> to vector<16xf32>
        %swap3A_548 = vector.shape_cast %get3A_48 : vector<16xf32> to vector<1x16xf32>
        tpu.vector_store %arg7[%swap3A_544, %swap3A_545], %swap3A_548 {add = true, strides = array<i32>} : memref<64x128xf32, #tpu.memory_space<vmem>>, vector<1x16xf32>,
        %swap3A_549 = arith.constant 10 : i32
        %swap3A_550 = arith.index_cast %swap3A_549 : i32 to index
        %swap3A_551 = arith.constant 80 : index
        %swap3A_552 = tpu.vector_load %arg7[%swap3A_550, %swap3A_551] {strides = array<i32>} : memref<64x128xf32, #tpu.memory_space<vmem>>, vector<1x16xf32>,
        %swap3A_553 = vector.shape_cast %swap3A_552 : vector<1x16xf32> to vector<16xf32>
        %swap3A_554 = vector.shape_cast %get3A_52 : vector<16xf32> to vector<1x16xf32>
        tpu.vector_store %arg7[%swap3A_550, %swap3A_551], %swap3A_554 {add = true, strides = array<i32>} : memref<64x128xf32, #tpu.memory_space<vmem>>, vector<1x16xf32>,
        %swap3A_555 = arith.constant 10 : i32
        %swap3A_556 = arith.index_cast %swap3A_555 : i32 to index
        %swap3A_557 = arith.constant 96 : index
        %swap3A_558 = tpu.vector_load %arg7[%swap3A_556, %swap3A_557] {strides = array<i32>} : memref<64x128xf32, #tpu.memory_space<vmem>>, vector<1x16xf32>,
        %swap3A_559 = vector.shape_cast %swap3A_558 : vector<1x16xf32> to vector<16xf32>
        %swap3A_560 = vector.shape_cast %get3A_56 : vector<16xf32> to vector<1x16xf32>
        tpu.vector_store %arg7[%swap3A_556, %swap3A_557], %swap3A_560 {add = true, strides = array<i32>} : memref<64x128xf32, #tpu.memory_space<vmem>>, vector<1x16xf32>,
        %swap3A_561 = arith.constant 10 : i32
        %swap3A_562 = arith.index_cast %swap3A_561 : i32 to index
        %swap3A_563 = arith.constant 112 : index
        %swap3A_564 = tpu.vector_load %arg7[%swap3A_562, %swap3A_563] {strides = array<i32>} : memref<64x128xf32, #tpu.memory_space<vmem>>, vector<1x16xf32>,
        %swap3A_565 = vector.shape_cast %swap3A_564 : vector<1x16xf32> to vector<16xf32>
        %swap3A_566 = vector.shape_cast %get3A_60 : vector<16xf32> to vector<1x16xf32>
        tpu.vector_store %arg7[%swap3A_562, %swap3A_563], %swap3A_566 {add = true, strides = array<i32>} : memref<64x128xf32, #tpu.memory_space<vmem>>, vector<1x16xf32>,
      } else {
      }
      %slice3A_137 = vector.extract_strided_slice %get3A_64 {offsets = [11], sizes = [1], strides = [1]} : vector<16xf32> to vector<1xf32>
      %squeeze3A_138 = vector.extract %slice3A_137[0] : f32 from vector<1xf32>
      %ne3A_139 = arith.constant 0.000000e+00 : f32
      %ne3A_140 = arith.cmpf one, %squeeze3A_138, %ne3A_139 : f32
      %convert_element_type3A_141 = arith.extui %ne3A_140 : i1 to i32
      %cond3A_142 = arith.constant 0 : i32
      %cond3A_143 = arith.cmpi ne, %convert_element_type3A_141, %cond3A_142 : i32
      scf.if %cond3A_143 {
        %swap3A = arith.constant 11 : i32
        %swap3A_520 = arith.index_cast %swap3A : i32 to index
        %swap3A_521 = arith.constant 0 : index
        %swap3A_522 = tpu.vector_load %arg7[%swap3A_520, %swap3A_521] {strides = array<i32>} : memref<64x128xf32, #tpu.memory_space<vmem>>, vector<1x16xf32>,
        %swap3A_523 = vector.shape_cast %swap3A_522 : vector<1x16xf32> to vector<16xf32>
        %swap3A_524 = vector.shape_cast %get3A_32 : vector<16xf32> to vector<1x16xf32>
        tpu.vector_store %arg7[%swap3A_520, %swap3A_521], %swap3A_524 {add = true, strides = array<i32>} : memref<64x128xf32, #tpu.memory_space<vmem>>, vector<1x16xf32>,
        %swap3A_525 = arith.constant 11 : i32
        %swap3A_526 = arith.index_cast %swap3A_525 : i32 to index
        %swap3A_527 = arith.constant 16 : index
        %swap3A_528 = tpu.vector_load %arg7[%swap3A_526, %swap3A_527] {strides = array<i32>} : memref<64x128xf32, #tpu.memory_space<vmem>>, vector<1x16xf32>,
        %swap3A_529 = vector.shape_cast %swap3A_528 : vector<1x16xf32> to vector<16xf32>
        %swap3A_530 = vector.shape_cast %get3A_36 : vector<16xf32> to vector<1x16xf32>
        tpu.vector_store %arg7[%swap3A_526, %swap3A_527], %swap3A_530 {add = true, strides = array<i32>} : memref<64x128xf32, #tpu.memory_space<vmem>>, vector<1x16xf32>,
        %swap3A_531 = arith.constant 11 : i32
        %swap3A_532 = arith.index_cast %swap3A_531 : i32 to index
        %swap3A_533 = arith.constant 32 : index
        %swap3A_534 = tpu.vector_load %arg7[%swap3A_532, %swap3A_533] {strides = array<i32>} : memref<64x128xf32, #tpu.memory_space<vmem>>, vector<1x16xf32>,
        %swap3A_535 = vector.shape_cast %swap3A_534 : vector<1x16xf32> to vector<16xf32>
        %swap3A_536 = vector.shape_cast %get3A_40 : vector<16xf32> to vector<1x16xf32>
        tpu.vector_store %arg7[%swap3A_532, %swap3A_533], %swap3A_536 {add = true, strides = array<i32>} : memref<64x128xf32, #tpu.memory_space<vmem>>, vector<1x16xf32>,
        %swap3A_537 = arith.constant 11 : i32
        %swap3A_538 = arith.index_cast %swap3A_537 : i32 to index
        %swap3A_539 = arith.constant 48 : index
        %swap3A_540 = tpu.vector_load %arg7[%swap3A_538, %swap3A_539] {strides = array<i32>} : memref<64x128xf32, #tpu.memory_space<vmem>>, vector<1x16xf32>,
        %swap3A_541 = vector.shape_cast %swap3A_540 : vector<1x16xf32> to vector<16xf32>
        %swap3A_542 = vector.shape_cast %get3A_44 : vector<16xf32> to vector<1x16xf32>
        tpu.vector_store %arg7[%swap3A_538, %swap3A_539], %swap3A_542 {add = true, strides = array<i32>} : memref<64x128xf32, #tpu.memory_space<vmem>>, vector<1x16xf32>,
        %swap3A_543 = arith.constant 11 : i32
        %swap3A_544 = arith.index_cast %swap3A_543 : i32 to index
        %swap3A_545 = arith.constant 64 : index
        %swap3A_546 = tpu.vector_load %arg7[%swap3A_544, %swap3A_545] {strides = array<i32>} : memref<64x128xf32, #tpu.memory_space<vmem>>, vector<1x16xf32>,
        %swap3A_547 = vector.shape_cast %swap3A_546 : vector<1x16xf32> to vector<16xf32>
        %swap3A_548 = vector.shape_cast %get3A_48 : vector<16xf32> to vector<1x16xf32>
        tpu.vector_store %arg7[%swap3A_544, %swap3A_545], %swap3A_548 {add = true, strides = array<i32>} : memref<64x128xf32, #tpu.memory_space<vmem>>, vector<1x16xf32>,
        %swap3A_549 = arith.constant 11 : i32
        %swap3A_550 = arith.index_cast %swap3A_549 : i32 to index
        %swap3A_551 = arith.constant 80 : index
        %swap3A_552 = tpu.vector_load %arg7[%swap3A_550, %swap3A_551] {strides = array<i32>} : memref<64x128xf32, #tpu.memory_space<vmem>>, vector<1x16xf32>,
        %swap3A_553 = vector.shape_cast %swap3A_552 : vector<1x16xf32> to vector<16xf32>
        %swap3A_554 = vector.shape_cast %get3A_52 : vector<16xf32> to vector<1x16xf32>
        tpu.vector_store %arg7[%swap3A_550, %swap3A_551], %swap3A_554 {add = true, strides = array<i32>} : memref<64x128xf32, #tpu.memory_space<vmem>>, vector<1x16xf32>,
        %swap3A_555 = arith.constant 11 : i32
        %swap3A_556 = arith.index_cast %swap3A_555 : i32 to index
        %swap3A_557 = arith.constant 96 : index
        %swap3A_558 = tpu.vector_load %arg7[%swap3A_556, %swap3A_557] {strides = array<i32>} : memref<64x128xf32, #tpu.memory_space<vmem>>, vector<1x16xf32>,
        %swap3A_559 = vector.shape_cast %swap3A_558 : vector<1x16xf32> to vector<16xf32>
        %swap3A_560 = vector.shape_cast %get3A_56 : vector<16xf32> to vector<1x16xf32>
        tpu.vector_store %arg7[%swap3A_556, %swap3A_557], %swap3A_560 {add = true, strides = array<i32>} : memref<64x128xf32, #tpu.memory_space<vmem>>, vector<1x16xf32>,
        %swap3A_561 = arith.constant 11 : i32
        %swap3A_562 = arith.index_cast %swap3A_561 : i32 to index
        %swap3A_563 = arith.constant 112 : index
        %swap3A_564 = tpu.vector_load %arg7[%swap3A_562, %swap3A_563] {strides = array<i32>} : memref<64x128xf32, #tpu.memory_space<vmem>>, vector<1x16xf32>,
        %swap3A_565 = vector.shape_cast %swap3A_564 : vector<1x16xf32> to vector<16xf32>
        %swap3A_566 = vector.shape_cast %get3A_60 : vector<16xf32> to vector<1x16xf32>
        tpu.vector_store %arg7[%swap3A_562, %swap3A_563], %swap3A_566 {add = true, strides = array<i32>} : memref<64x128xf32, #tpu.memory_space<vmem>>, vector<1x16xf32>,
      } else {
      }
      %slice3A_144 = vector.extract_strided_slice %get3A_64 {offsets = [12], sizes = [1], strides = [1]} : vector<16xf32> to vector<1xf32>
      %squeeze3A_145 = vector.extract %slice3A_144[0] : f32 from vector<1xf32>
      %ne3A_146 = arith.constant 0.000000e+00 : f32
      %ne3A_147 = arith.cmpf one, %squeeze3A_145, %ne3A_146 : f32
      %convert_element_type3A_148 = arith.extui %ne3A_147 : i1 to i32
      %cond3A_149 = arith.constant 0 : i32
      %cond3A_150 = arith.cmpi ne, %convert_element_type3A_148, %cond3A_149 : i32
      scf.if %cond3A_150 {
        %swap3A = arith.constant 12 : i32
        %swap3A_520 = arith.index_cast %swap3A : i32 to index
        %swap3A_521 = arith.constant 0 : index
        %swap3A_522 = tpu.vector_load %arg7[%swap3A_520, %swap3A_521] {strides = array<i32>} : memref<64x128xf32, #tpu.memory_space<vmem>>, vector<1x16xf32>,
        %swap3A_523 = vector.shape_cast %swap3A_522 : vector<1x16xf32> to vector<16xf32>
        %swap3A_524 = vector.shape_cast %get3A_32 : vector<16xf32> to vector<1x16xf32>
        tpu.vector_store %arg7[%swap3A_520, %swap3A_521], %swap3A_524 {add = true, strides = array<i32>} : memref<64x128xf32, #tpu.memory_space<vmem>>, vector<1x16xf32>,
        %swap3A_525 = arith.constant 12 : i32
        %swap3A_526 = arith.index_cast %swap3A_525 : i32 to index
        %swap3A_527 = arith.constant 16 : index
        %swap3A_528 = tpu.vector_load %arg7[%swap3A_526, %swap3A_527] {strides = array<i32>} : memref<64x128xf32, #tpu.memory_space<vmem>>, vector<1x16xf32>,
        %swap3A_529 = vector.shape_cast %swap3A_528 : vector<1x16xf32> to vector<16xf32>
        %swap3A_530 = vector.shape_cast %get3A_36 : vector<16xf32> to vector<1x16xf32>
        tpu.vector_store %arg7[%swap3A_526, %swap3A_527], %swap3A_530 {add = true, strides = array<i32>} : memref<64x128xf32, #tpu.memory_space<vmem>>, vector<1x16xf32>,
        %swap3A_531 = arith.constant 12 : i32
        %swap3A_532 = arith.index_cast %swap3A_531 : i32 to index
        %swap3A_533 = arith.constant 32 : index
        %swap3A_534 = tpu.vector_load %arg7[%swap3A_532, %swap3A_533] {strides = array<i32>} : memref<64x128xf32, #tpu.memory_space<vmem>>, vector<1x16xf32>,
        %swap3A_535 = vector.shape_cast %swap3A_534 : vector<1x16xf32> to vector<16xf32>
        %swap3A_536 = vector.shape_cast %get3A_40 : vector<16xf32> to vector<1x16xf32>
        tpu.vector_store %arg7[%swap3A_532, %swap3A_533], %swap3A_536 {add = true, strides = array<i32>} : memref<64x128xf32, #tpu.memory_space<vmem>>, vector<1x16xf32>,
        %swap3A_537 = arith.constant 12 : i32
        %swap3A_538 = arith.index_cast %swap3A_537 : i32 to index
        %swap3A_539 = arith.constant 48 : index
        %swap3A_540 = tpu.vector_load %arg7[%swap3A_538, %swap3A_539] {strides = array<i32>} : memref<64x128xf32, #tpu.memory_space<vmem>>, vector<1x16xf32>,
        %swap3A_541 = vector.shape_cast %swap3A_540 : vector<1x16xf32> to vector<16xf32>
        %swap3A_542 = vector.shape_cast %get3A_44 : vector<16xf32> to vector<1x16xf32>
        tpu.vector_store %arg7[%swap3A_538, %swap3A_539], %swap3A_542 {add = true, strides = array<i32>} : memref<64x128xf32, #tpu.memory_space<vmem>>, vector<1x16xf32>,
        %swap3A_543 = arith.constant 12 : i32
        %swap3A_544 = arith.index_cast %swap3A_543 : i32 to index
        %swap3A_545 = arith.constant 64 : index
        %swap3A_546 = tpu.vector_load %arg7[%swap3A_544, %swap3A_545] {strides = array<i32>} : memref<64x128xf32, #tpu.memory_space<vmem>>, vector<1x16xf32>,
        %swap3A_547 = vector.shape_cast %swap3A_546 : vector<1x16xf32> to vector<16xf32>
        %swap3A_548 = vector.shape_cast %get3A_48 : vector<16xf32> to vector<1x16xf32>
        tpu.vector_store %arg7[%swap3A_544, %swap3A_545], %swap3A_548 {add = true, strides = array<i32>} : memref<64x128xf32, #tpu.memory_space<vmem>>, vector<1x16xf32>,
        %swap3A_549 = arith.constant 12 : i32
        %swap3A_550 = arith.index_cast %swap3A_549 : i32 to index
        %swap3A_551 = arith.constant 80 : index
        %swap3A_552 = tpu.vector_load %arg7[%swap3A_550, %swap3A_551] {strides = array<i32>} : memref<64x128xf32, #tpu.memory_space<vmem>>, vector<1x16xf32>,
        %swap3A_553 = vector.shape_cast %swap3A_552 : vector<1x16xf32> to vector<16xf32>
        %swap3A_554 = vector.shape_cast %get3A_52 : vector<16xf32> to vector<1x16xf32>
        tpu.vector_store %arg7[%swap3A_550, %swap3A_551], %swap3A_554 {add = true, strides = array<i32>} : memref<64x128xf32, #tpu.memory_space<vmem>>, vector<1x16xf32>,
        %swap3A_555 = arith.constant 12 : i32
        %swap3A_556 = arith.index_cast %swap3A_555 : i32 to index
        %swap3A_557 = arith.constant 96 : index
        %swap3A_558 = tpu.vector_load %arg7[%swap3A_556, %swap3A_557] {strides = array<i32>} : memref<64x128xf32, #tpu.memory_space<vmem>>, vector<1x16xf32>,
        %swap3A_559 = vector.shape_cast %swap3A_558 : vector<1x16xf32> to vector<16xf32>
        %swap3A_560 = vector.shape_cast %get3A_56 : vector<16xf32> to vector<1x16xf32>
        tpu.vector_store %arg7[%swap3A_556, %swap3A_557], %swap3A_560 {add = true, strides = array<i32>} : memref<64x128xf32, #tpu.memory_space<vmem>>, vector<1x16xf32>,
        %swap3A_561 = arith.constant 12 : i32
        %swap3A_562 = arith.index_cast %swap3A_561 : i32 to index
        %swap3A_563 = arith.constant 112 : index
        %swap3A_564 = tpu.vector_load %arg7[%swap3A_562, %swap3A_563] {strides = array<i32>} : memref<64x128xf32, #tpu.memory_space<vmem>>, vector<1x16xf32>,
        %swap3A_565 = vector.shape_cast %swap3A_564 : vector<1x16xf32> to vector<16xf32>
        %swap3A_566 = vector.shape_cast %get3A_60 : vector<16xf32> to vector<1x16xf32>
        tpu.vector_store %arg7[%swap3A_562, %swap3A_563], %swap3A_566 {add = true, strides = array<i32>} : memref<64x128xf32, #tpu.memory_space<vmem>>, vector<1x16xf32>,
      } else {
      }
      %slice3A_151 = vector.extract_strided_slice %get3A_64 {offsets = [13], sizes = [1], strides = [1]} : vector<16xf32> to vector<1xf32>
      %squeeze3A_152 = vector.extract %slice3A_151[0] : f32 from vector<1xf32>
      %ne3A_153 = arith.constant 0.000000e+00 : f32
      %ne3A_154 = arith.cmpf one, %squeeze3A_152, %ne3A_153 : f32
      %convert_element_type3A_155 = arith.extui %ne3A_154 : i1 to i32
      %cond3A_156 = arith.constant 0 : i32
      %cond3A_157 = arith.cmpi ne, %convert_element_type3A_155, %cond3A_156 : i32
      scf.if %cond3A_157 {
        %swap3A = arith.constant 13 : i32
        %swap3A_520 = arith.index_cast %swap3A : i32 to index
        %swap3A_521 = arith.constant 0 : index
        %swap3A_522 = tpu.vector_load %arg7[%swap3A_520, %swap3A_521] {strides = array<i32>} : memref<64x128xf32, #tpu.memory_space<vmem>>, vector<1x16xf32>,
        %swap3A_523 = vector.shape_cast %swap3A_522 : vector<1x16xf32> to vector<16xf32>
        %swap3A_524 = vector.shape_cast %get3A_32 : vector<16xf32> to vector<1x16xf32>
        tpu.vector_store %arg7[%swap3A_520, %swap3A_521], %swap3A_524 {add = true, strides = array<i32>} : memref<64x128xf32, #tpu.memory_space<vmem>>, vector<1x16xf32>,
        %swap3A_525 = arith.constant 13 : i32
        %swap3A_526 = arith.index_cast %swap3A_525 : i32 to index
        %swap3A_527 = arith.constant 16 : index
        %swap3A_528 = tpu.vector_load %arg7[%swap3A_526, %swap3A_527] {strides = array<i32>} : memref<64x128xf32, #tpu.memory_space<vmem>>, vector<1x16xf32>,
        %swap3A_529 = vector.shape_cast %swap3A_528 : vector<1x16xf32> to vector<16xf32>
        %swap3A_530 = vector.shape_cast %get3A_36 : vector<16xf32> to vector<1x16xf32>
        tpu.vector_store %arg7[%swap3A_526, %swap3A_527], %swap3A_530 {add = true, strides = array<i32>} : memref<64x128xf32, #tpu.memory_space<vmem>>, vector<1x16xf32>,
        %swap3A_531 = arith.constant 13 : i32
        %swap3A_532 = arith.index_cast %swap3A_531 : i32 to index
        %swap3A_533 = arith.constant 32 : index
        %swap3A_534 = tpu.vector_load %arg7[%swap3A_532, %swap3A_533] {strides = array<i32>} : memref<64x128xf32, #tpu.memory_space<vmem>>, vector<1x16xf32>,
        %swap3A_535 = vector.shape_cast %swap3A_534 : vector<1x16xf32> to vector<16xf32>
        %swap3A_536 = vector.shape_cast %get3A_40 : vector<16xf32> to vector<1x16xf32>
        tpu.vector_store %arg7[%swap3A_532, %swap3A_533], %swap3A_536 {add = true, strides = array<i32>} : memref<64x128xf32, #tpu.memory_space<vmem>>, vector<1x16xf32>,
        %swap3A_537 = arith.constant 13 : i32
        %swap3A_538 = arith.index_cast %swap3A_537 : i32 to index
        %swap3A_539 = arith.constant 48 : index
        %swap3A_540 = tpu.vector_load %arg7[%swap3A_538, %swap3A_539] {strides = array<i32>} : memref<64x128xf32, #tpu.memory_space<vmem>>, vector<1x16xf32>,
        %swap3A_541 = vector.shape_cast %swap3A_540 : vector<1x16xf32> to vector<16xf32>
        %swap3A_542 = vector.shape_cast %get3A_44 : vector<16xf32> to vector<1x16xf32>
        tpu.vector_store %arg7[%swap3A_538, %swap3A_539], %swap3A_542 {add = true, strides = array<i32>} : memref<64x128xf32, #tpu.memory_space<vmem>>, vector<1x16xf32>,
        %swap3A_543 = arith.constant 13 : i32
        %swap3A_544 = arith.index_cast %swap3A_543 : i32 to index
        %swap3A_545 = arith.constant 64 : index
        %swap3A_546 = tpu.vector_load %arg7[%swap3A_544, %swap3A_545] {strides = array<i32>} : memref<64x128xf32, #tpu.memory_space<vmem>>, vector<1x16xf32>,
        %swap3A_547 = vector.shape_cast %swap3A_546 : vector<1x16xf32> to vector<16xf32>
        %swap3A_548 = vector.shape_cast %get3A_48 : vector<16xf32> to vector<1x16xf32>
        tpu.vector_store %arg7[%swap3A_544, %swap3A_545], %swap3A_548 {add = true, strides = array<i32>} : memref<64x128xf32, #tpu.memory_space<vmem>>, vector<1x16xf32>,
        %swap3A_549 = arith.constant 13 : i32
        %swap3A_550 = arith.index_cast %swap3A_549 : i32 to index
        %swap3A_551 = arith.constant 80 : index
        %swap3A_552 = tpu.vector_load %arg7[%swap3A_550, %swap3A_551] {strides = array<i32>} : memref<64x128xf32, #tpu.memory_space<vmem>>, vector<1x16xf32>,
        %swap3A_553 = vector.shape_cast %swap3A_552 : vector<1x16xf32> to vector<16xf32>
        %swap3A_554 = vector.shape_cast %get3A_52 : vector<16xf32> to vector<1x16xf32>
        tpu.vector_store %arg7[%swap3A_550, %swap3A_551], %swap3A_554 {add = true, strides = array<i32>} : memref<64x128xf32, #tpu.memory_space<vmem>>, vector<1x16xf32>,
        %swap3A_555 = arith.constant 13 : i32
        %swap3A_556 = arith.index_cast %swap3A_555 : i32 to index
        %swap3A_557 = arith.constant 96 : index
        %swap3A_558 = tpu.vector_load %arg7[%swap3A_556, %swap3A_557] {strides = array<i32>} : memref<64x128xf32, #tpu.memory_space<vmem>>, vector<1x16xf32>,
        %swap3A_559 = vector.shape_cast %swap3A_558 : vector<1x16xf32> to vector<16xf32>
        %swap3A_560 = vector.shape_cast %get3A_56 : vector<16xf32> to vector<1x16xf32>
        tpu.vector_store %arg7[%swap3A_556, %swap3A_557], %swap3A_560 {add = true, strides = array<i32>} : memref<64x128xf32, #tpu.memory_space<vmem>>, vector<1x16xf32>,
        %swap3A_561 = arith.constant 13 : i32
        %swap3A_562 = arith.index_cast %swap3A_561 : i32 to index
        %swap3A_563 = arith.constant 112 : index
        %swap3A_564 = tpu.vector_load %arg7[%swap3A_562, %swap3A_563] {strides = array<i32>} : memref<64x128xf32, #tpu.memory_space<vmem>>, vector<1x16xf32>,
        %swap3A_565 = vector.shape_cast %swap3A_564 : vector<1x16xf32> to vector<16xf32>
        %swap3A_566 = vector.shape_cast %get3A_60 : vector<16xf32> to vector<1x16xf32>
        tpu.vector_store %arg7[%swap3A_562, %swap3A_563], %swap3A_566 {add = true, strides = array<i32>} : memref<64x128xf32, #tpu.memory_space<vmem>>, vector<1x16xf32>,
      } else {
      }
      %slice3A_158 = vector.extract_strided_slice %get3A_64 {offsets = [14], sizes = [1], strides = [1]} : vector<16xf32> to vector<1xf32>
      %squeeze3A_159 = vector.extract %slice3A_158[0] : f32 from vector<1xf32>
      %ne3A_160 = arith.constant 0.000000e+00 : f32
      %ne3A_161 = arith.cmpf one, %squeeze3A_159, %ne3A_160 : f32
      %convert_element_type3A_162 = arith.extui %ne3A_161 : i1 to i32
      %cond3A_163 = arith.constant 0 : i32
      %cond3A_164 = arith.cmpi ne, %convert_element_type3A_162, %cond3A_163 : i32
      scf.if %cond3A_164 {
        %swap3A = arith.constant 14 : i32
        %swap3A_520 = arith.index_cast %swap3A : i32 to index
        %swap3A_521 = arith.constant 0 : index
        %swap3A_522 = tpu.vector_load %arg7[%swap3A_520, %swap3A_521] {strides = array<i32>} : memref<64x128xf32, #tpu.memory_space<vmem>>, vector<1x16xf32>,
        %swap3A_523 = vector.shape_cast %swap3A_522 : vector<1x16xf32> to vector<16xf32>
        %swap3A_524 = vector.shape_cast %get3A_32 : vector<16xf32> to vector<1x16xf32>
        tpu.vector_store %arg7[%swap3A_520, %swap3A_521], %swap3A_524 {add = true, strides = array<i32>} : memref<64x128xf32, #tpu.memory_space<vmem>>, vector<1x16xf32>,
        %swap3A_525 = arith.constant 14 : i32
        %swap3A_526 = arith.index_cast %swap3A_525 : i32 to index
        %swap3A_527 = arith.constant 16 : index
        %swap3A_528 = tpu.vector_load %arg7[%swap3A_526, %swap3A_527] {strides = array<i32>} : memref<64x128xf32, #tpu.memory_space<vmem>>, vector<1x16xf32>,
        %swap3A_529 = vector.shape_cast %swap3A_528 : vector<1x16xf32> to vector<16xf32>
        %swap3A_530 = vector.shape_cast %get3A_36 : vector<16xf32> to vector<1x16xf32>
        tpu.vector_store %arg7[%swap3A_526, %swap3A_527], %swap3A_530 {add = true, strides = array<i32>} : memref<64x128xf32, #tpu.memory_space<vmem>>, vector<1x16xf32>,
        %swap3A_531 = arith.constant 14 : i32
        %swap3A_532 = arith.index_cast %swap3A_531 : i32 to index
        %swap3A_533 = arith.constant 32 : index
        %swap3A_534 = tpu.vector_load %arg7[%swap3A_532, %swap3A_533] {strides = array<i32>} : memref<64x128xf32, #tpu.memory_space<vmem>>, vector<1x16xf32>,
        %swap3A_535 = vector.shape_cast %swap3A_534 : vector<1x16xf32> to vector<16xf32>
        %swap3A_536 = vector.shape_cast %get3A_40 : vector<16xf32> to vector<1x16xf32>
        tpu.vector_store %arg7[%swap3A_532, %swap3A_533], %swap3A_536 {add = true, strides = array<i32>} : memref<64x128xf32, #tpu.memory_space<vmem>>, vector<1x16xf32>,
        %swap3A_537 = arith.constant 14 : i32
        %swap3A_538 = arith.index_cast %swap3A_537 : i32 to index
        %swap3A_539 = arith.constant 48 : index
        %swap3A_540 = tpu.vector_load %arg7[%swap3A_538, %swap3A_539] {strides = array<i32>} : memref<64x128xf32, #tpu.memory_space<vmem>>, vector<1x16xf32>,
        %swap3A_541 = vector.shape_cast %swap3A_540 : vector<1x16xf32> to vector<16xf32>
        %swap3A_542 = vector.shape_cast %get3A_44 : vector<16xf32> to vector<1x16xf32>
        tpu.vector_store %arg7[%swap3A_538, %swap3A_539], %swap3A_542 {add = true, strides = array<i32>} : memref<64x128xf32, #tpu.memory_space<vmem>>, vector<1x16xf32>,
        %swap3A_543 = arith.constant 14 : i32
        %swap3A_544 = arith.index_cast %swap3A_543 : i32 to index
        %swap3A_545 = arith.constant 64 : index
        %swap3A_546 = tpu.vector_load %arg7[%swap3A_544, %swap3A_545] {strides = array<i32>} : memref<64x128xf32, #tpu.memory_space<vmem>>, vector<1x16xf32>,
        %swap3A_547 = vector.shape_cast %swap3A_546 : vector<1x16xf32> to vector<16xf32>
        %swap3A_548 = vector.shape_cast %get3A_48 : vector<16xf32> to vector<1x16xf32>
        tpu.vector_store %arg7[%swap3A_544, %swap3A_545], %swap3A_548 {add = true, strides = array<i32>} : memref<64x128xf32, #tpu.memory_space<vmem>>, vector<1x16xf32>,
        %swap3A_549 = arith.constant 14 : i32
        %swap3A_550 = arith.index_cast %swap3A_549 : i32 to index
        %swap3A_551 = arith.constant 80 : index
        %swap3A_552 = tpu.vector_load %arg7[%swap3A_550, %swap3A_551] {strides = array<i32>} : memref<64x128xf32, #tpu.memory_space<vmem>>, vector<1x16xf32>,
        %swap3A_553 = vector.shape_cast %swap3A_552 : vector<1x16xf32> to vector<16xf32>
        %swap3A_554 = vector.shape_cast %get3A_52 : vector<16xf32> to vector<1x16xf32>
        tpu.vector_store %arg7[%swap3A_550, %swap3A_551], %swap3A_554 {add = true, strides = array<i32>} : memref<64x128xf32, #tpu.memory_space<vmem>>, vector<1x16xf32>,
        %swap3A_555 = arith.constant 14 : i32
        %swap3A_556 = arith.index_cast %swap3A_555 : i32 to index
        %swap3A_557 = arith.constant 96 : index
        %swap3A_558 = tpu.vector_load %arg7[%swap3A_556, %swap3A_557] {strides = array<i32>} : memref<64x128xf32, #tpu.memory_space<vmem>>, vector<1x16xf32>,
        %swap3A_559 = vector.shape_cast %swap3A_558 : vector<1x16xf32> to vector<16xf32>
        %swap3A_560 = vector.shape_cast %get3A_56 : vector<16xf32> to vector<1x16xf32>
        tpu.vector_store %arg7[%swap3A_556, %swap3A_557], %swap3A_560 {add = true, strides = array<i32>} : memref<64x128xf32, #tpu.memory_space<vmem>>, vector<1x16xf32>,
        %swap3A_561 = arith.constant 14 : i32
        %swap3A_562 = arith.index_cast %swap3A_561 : i32 to index
        %swap3A_563 = arith.constant 112 : index
        %swap3A_564 = tpu.vector_load %arg7[%swap3A_562, %swap3A_563] {strides = array<i32>} : memref<64x128xf32, #tpu.memory_space<vmem>>, vector<1x16xf32>,
        %swap3A_565 = vector.shape_cast %swap3A_564 : vector<1x16xf32> to vector<16xf32>
        %swap3A_566 = vector.shape_cast %get3A_60 : vector<16xf32> to vector<1x16xf32>
        tpu.vector_store %arg7[%swap3A_562, %swap3A_563], %swap3A_566 {add = true, strides = array<i32>} : memref<64x128xf32, #tpu.memory_space<vmem>>, vector<1x16xf32>,
      } else {
      }
      %slice3A_165 = vector.extract_strided_slice %get3A_64 {offsets = [15], sizes = [1], strides = [1]} : vector<16xf32> to vector<1xf32>
      %squeeze3A_166 = vector.extract %slice3A_165[0] : f32 from vector<1xf32>
      %ne3A_167 = arith.constant 0.000000e+00 : f32
      %ne3A_168 = arith.cmpf one, %squeeze3A_166, %ne3A_167 : f32
      %convert_element_type3A_169 = arith.extui %ne3A_168 : i1 to i32
      %cond3A_170 = arith.constant 0 : i32
      %cond3A_171 = arith.cmpi ne, %convert_element_type3A_169, %cond3A_170 : i32
      scf.if %cond3A_171 {
        %swap3A = arith.constant 15 : i32
        %swap3A_520 = arith.index_cast %swap3A : i32 to index
        %swap3A_521 = arith.constant 0 : index
        %swap3A_522 = tpu.vector_load %arg7[%swap3A_520, %swap3A_521] {strides = array<i32>} : memref<64x128xf32, #tpu.memory_space<vmem>>, vector<1x16xf32>,
        %swap3A_523 = vector.shape_cast %swap3A_522 : vector<1x16xf32> to vector<16xf32>
        %swap3A_524 = vector.shape_cast %get3A_32 : vector<16xf32> to vector<1x16xf32>
        tpu.vector_store %arg7[%swap3A_520, %swap3A_521], %swap3A_524 {add = true, strides = array<i32>} : memref<64x128xf32, #tpu.memory_space<vmem>>, vector<1x16xf32>,
        %swap3A_525 = arith.constant 15 : i32
        %swap3A_526 = arith.index_cast %swap3A_525 : i32 to index
        %swap3A_527 = arith.constant 16 : index
        %swap3A_528 = tpu.vector_load %arg7[%swap3A_526, %swap3A_527] {strides = array<i32>} : memref<64x128xf32, #tpu.memory_space<vmem>>, vector<1x16xf32>,
        %swap3A_529 = vector.shape_cast %swap3A_528 : vector<1x16xf32> to vector<16xf32>
        %swap3A_530 = vector.shape_cast %get3A_36 : vector<16xf32> to vector<1x16xf32>
        tpu.vector_store %arg7[%swap3A_526, %swap3A_527], %swap3A_530 {add = true, strides = array<i32>} : memref<64x128xf32, #tpu.memory_space<vmem>>, vector<1x16xf32>,
        %swap3A_531 = arith.constant 15 : i32
        %swap3A_532 = arith.index_cast %swap3A_531 : i32 to index
        %swap3A_533 = arith.constant 32 : index
        %swap3A_534 = tpu.vector_load %arg7[%swap3A_532, %swap3A_533] {strides = array<i32>} : memref<64x128xf32, #tpu.memory_space<vmem>>, vector<1x16xf32>,
        %swap3A_535 = vector.shape_cast %swap3A_534 : vector<1x16xf32> to vector<16xf32>
        %swap3A_536 = vector.shape_cast %get3A_40 : vector<16xf32> to vector<1x16xf32>
        tpu.vector_store %arg7[%swap3A_532, %swap3A_533], %swap3A_536 {add = true, strides = array<i32>} : memref<64x128xf32, #tpu.memory_space<vmem>>, vector<1x16xf32>,
        %swap3A_537 = arith.constant 15 : i32
        %swap3A_538 = arith.index_cast %swap3A_537 : i32 to index
        %swap3A_539 = arith.constant 48 : index
        %swap3A_540 = tpu.vector_load %arg7[%swap3A_538, %swap3A_539] {strides = array<i32>} : memref<64x128xf32, #tpu.memory_space<vmem>>, vector<1x16xf32>,
        %swap3A_541 = vector.shape_cast %swap3A_540 : vector<1x16xf32> to vector<16xf32>
        %swap3A_542 = vector.shape_cast %get3A_44 : vector<16xf32> to vector<1x16xf32>
        tpu.vector_store %arg7[%swap3A_538, %swap3A_539], %swap3A_542 {add = true, strides = array<i32>} : memref<64x128xf32, #tpu.memory_space<vmem>>, vector<1x16xf32>,
        %swap3A_543 = arith.constant 15 : i32
        %swap3A_544 = arith.index_cast %swap3A_543 : i32 to index
        %swap3A_545 = arith.constant 64 : index
        %swap3A_546 = tpu.vector_load %arg7[%swap3A_544, %swap3A_545] {strides = array<i32>} : memref<64x128xf32, #tpu.memory_space<vmem>>, vector<1x16xf32>,
        %swap3A_547 = vector.shape_cast %swap3A_546 : vector<1x16xf32> to vector<16xf32>
        %swap3A_548 = vector.shape_cast %get3A_48 : vector<16xf32> to vector<1x16xf32>
        tpu.vector_store %arg7[%swap3A_544, %swap3A_545], %swap3A_548 {add = true, strides = array<i32>} : memref<64x128xf32, #tpu.memory_space<vmem>>, vector<1x16xf32>,
        %swap3A_549 = arith.constant 15 : i32
        %swap3A_550 = arith.index_cast %swap3A_549 : i32 to index
        %swap3A_551 = arith.constant 80 : index
        %swap3A_552 = tpu.vector_load %arg7[%swap3A_550, %swap3A_551] {strides = array<i32>} : memref<64x128xf32, #tpu.memory_space<vmem>>, vector<1x16xf32>,
        %swap3A_553 = vector.shape_cast %swap3A_552 : vector<1x16xf32> to vector<16xf32>
        %swap3A_554 = vector.shape_cast %get3A_52 : vector<16xf32> to vector<1x16xf32>
        tpu.vector_store %arg7[%swap3A_550, %swap3A_551], %swap3A_554 {add = true, strides = array<i32>} : memref<64x128xf32, #tpu.memory_space<vmem>>, vector<1x16xf32>,
        %swap3A_555 = arith.constant 15 : i32
        %swap3A_556 = arith.index_cast %swap3A_555 : i32 to index
        %swap3A_557 = arith.constant 96 : index
        %swap3A_558 = tpu.vector_load %arg7[%swap3A_556, %swap3A_557] {strides = array<i32>} : memref<64x128xf32, #tpu.memory_space<vmem>>, vector<1x16xf32>,
        %swap3A_559 = vector.shape_cast %swap3A_558 : vector<1x16xf32> to vector<16xf32>
        %swap3A_560 = vector.shape_cast %get3A_56 : vector<16xf32> to vector<1x16xf32>
        tpu.vector_store %arg7[%swap3A_556, %swap3A_557], %swap3A_560 {add = true, strides = array<i32>} : memref<64x128xf32, #tpu.memory_space<vmem>>, vector<1x16xf32>,
        %swap3A_561 = arith.constant 15 : i32
        %swap3A_562 = arith.index_cast %swap3A_561 : i32 to index
        %swap3A_563 = arith.constant 112 : index
        %swap3A_564 = tpu.vector_load %arg7[%swap3A_562, %swap3A_563] {strides = array<i32>} : memref<64x128xf32, #tpu.memory_space<vmem>>, vector<1x16xf32>,
        %swap3A_565 = vector.shape_cast %swap3A_564 : vector<1x16xf32> to vector<16xf32>
        %swap3A_566 = vector.shape_cast %get3A_60 : vector<16xf32> to vector<1x16xf32>
        tpu.vector_store %arg7[%swap3A_562, %swap3A_563], %swap3A_566 {add = true, strides = array<i32>} : memref<64x128xf32, #tpu.memory_space<vmem>>, vector<1x16xf32>,
      } else {
      }
      %get3A_172 = arith.index_cast %scan3A_29 : i32 to index
      %get3A_173 = arith.constant 16 : index
      %get3A_174 = tpu.vector_load %arg6[%get3A_172, %get3A_173] {strides = array<i32>} : memref<64x64xf32, #tpu.memory_space<vmem>>, vector<1x16xf32>,
      %get3A_175 = vector.shape_cast %get3A_174 : vector<1x16xf32> to vector<16xf32>
      %slice3A_176 = vector.extract_strided_slice %get3A_175 {offsets = [0], sizes = [1], strides = [1]} : vector<16xf32> to vector<1xf32>
      %squeeze3A_177 = vector.extract %slice3A_176[0] : f32 from vector<1xf32>
      %ne3A_178 = arith.constant 0.000000e+00 : f32
      %ne3A_179 = arith.cmpf one, %squeeze3A_177, %ne3A_178 : f32
      %convert_element_type3A_180 = arith.extui %ne3A_179 : i1 to i32
      %cond3A_181 = arith.constant 0 : i32
      %cond3A_182 = arith.cmpi ne, %convert_element_type3A_180, %cond3A_181 : i32
      scf.if %cond3A_182 {
        %swap3A = arith.constant 16 : i32
        %swap3A_520 = arith.index_cast %swap3A : i32 to index
        %swap3A_521 = arith.constant 0 : index
        %swap3A_522 = tpu.vector_load %arg7[%swap3A_520, %swap3A_521] {strides = array<i32>} : memref<64x128xf32, #tpu.memory_space<vmem>>, vector<1x16xf32>,
        %swap3A_523 = vector.shape_cast %swap3A_522 : vector<1x16xf32> to vector<16xf32>
        %swap3A_524 = vector.shape_cast %get3A_32 : vector<16xf32> to vector<1x16xf32>
        tpu.vector_store %arg7[%swap3A_520, %swap3A_521], %swap3A_524 {add = true, strides = array<i32>} : memref<64x128xf32, #tpu.memory_space<vmem>>, vector<1x16xf32>,
        %swap3A_525 = arith.constant 16 : i32
        %swap3A_526 = arith.index_cast %swap3A_525 : i32 to index
        %swap3A_527 = arith.constant 16 : index
        %swap3A_528 = tpu.vector_load %arg7[%swap3A_526, %swap3A_527] {strides = array<i32>} : memref<64x128xf32, #tpu.memory_space<vmem>>, vector<1x16xf32>,
        %swap3A_529 = vector.shape_cast %swap3A_528 : vector<1x16xf32> to vector<16xf32>
        %swap3A_530 = vector.shape_cast %get3A_36 : vector<16xf32> to vector<1x16xf32>
        tpu.vector_store %arg7[%swap3A_526, %swap3A_527], %swap3A_530 {add = true, strides = array<i32>} : memref<64x128xf32, #tpu.memory_space<vmem>>, vector<1x16xf32>,
        %swap3A_531 = arith.constant 16 : i32
        %swap3A_532 = arith.index_cast %swap3A_531 : i32 to index
        %swap3A_533 = arith.constant 32 : index
        %swap3A_534 = tpu.vector_load %arg7[%swap3A_532, %swap3A_533] {strides = array<i32>} : memref<64x128xf32, #tpu.memory_space<vmem>>, vector<1x16xf32>,
        %swap3A_535 = vector.shape_cast %swap3A_534 : vector<1x16xf32> to vector<16xf32>
        %swap3A_536 = vector.shape_cast %get3A_40 : vector<16xf32> to vector<1x16xf32>
        tpu.vector_store %arg7[%swap3A_532, %swap3A_533], %swap3A_536 {add = true, strides = array<i32>} : memref<64x128xf32, #tpu.memory_space<vmem>>, vector<1x16xf32>,
        %swap3A_537 = arith.constant 16 : i32
        %swap3A_538 = arith.index_cast %swap3A_537 : i32 to index
        %swap3A_539 = arith.constant 48 : index
        %swap3A_540 = tpu.vector_load %arg7[%swap3A_538, %swap3A_539] {strides = array<i32>} : memref<64x128xf32, #tpu.memory_space<vmem>>, vector<1x16xf32>,
        %swap3A_541 = vector.shape_cast %swap3A_540 : vector<1x16xf32> to vector<16xf32>
        %swap3A_542 = vector.shape_cast %get3A_44 : vector<16xf32> to vector<1x16xf32>
        tpu.vector_store %arg7[%swap3A_538, %swap3A_539], %swap3A_542 {add = true, strides = array<i32>} : memref<64x128xf32, #tpu.memory_space<vmem>>, vector<1x16xf32>,
        %swap3A_543 = arith.constant 16 : i32
        %swap3A_544 = arith.index_cast %swap3A_543 : i32 to index
        %swap3A_545 = arith.constant 64 : index
        %swap3A_546 = tpu.vector_load %arg7[%swap3A_544, %swap3A_545] {strides = array<i32>} : memref<64x128xf32, #tpu.memory_space<vmem>>, vector<1x16xf32>,
        %swap3A_547 = vector.shape_cast %swap3A_546 : vector<1x16xf32> to vector<16xf32>
        %swap3A_548 = vector.shape_cast %get3A_48 : vector<16xf32> to vector<1x16xf32>
        tpu.vector_store %arg7[%swap3A_544, %swap3A_545], %swap3A_548 {add = true, strides = array<i32>} : memref<64x128xf32, #tpu.memory_space<vmem>>, vector<1x16xf32>,
        %swap3A_549 = arith.constant 16 : i32
        %swap3A_550 = arith.index_cast %swap3A_549 : i32 to index
        %swap3A_551 = arith.constant 80 : index
        %swap3A_552 = tpu.vector_load %arg7[%swap3A_550, %swap3A_551] {strides = array<i32>} : memref<64x128xf32, #tpu.memory_space<vmem>>, vector<1x16xf32>,
        %swap3A_553 = vector.shape_cast %swap3A_552 : vector<1x16xf32> to vector<16xf32>
        %swap3A_554 = vector.shape_cast %get3A_52 : vector<16xf32> to vector<1x16xf32>
        tpu.vector_store %arg7[%swap3A_550, %swap3A_551], %swap3A_554 {add = true, strides = array<i32>} : memref<64x128xf32, #tpu.memory_space<vmem>>, vector<1x16xf32>,
        %swap3A_555 = arith.constant 16 : i32
        %swap3A_556 = arith.index_cast %swap3A_555 : i32 to index
        %swap3A_557 = arith.constant 96 : index
        %swap3A_558 = tpu.vector_load %arg7[%swap3A_556, %swap3A_557] {strides = array<i32>} : memref<64x128xf32, #tpu.memory_space<vmem>>, vector<1x16xf32>,
        %swap3A_559 = vector.shape_cast %swap3A_558 : vector<1x16xf32> to vector<16xf32>
        %swap3A_560 = vector.shape_cast %get3A_56 : vector<16xf32> to vector<1x16xf32>
        tpu.vector_store %arg7[%swap3A_556, %swap3A_557], %swap3A_560 {add = true, strides = array<i32>} : memref<64x128xf32, #tpu.memory_space<vmem>>, vector<1x16xf32>,
        %swap3A_561 = arith.constant 16 : i32
        %swap3A_562 = arith.index_cast %swap3A_561 : i32 to index
        %swap3A_563 = arith.constant 112 : index
        %swap3A_564 = tpu.vector_load %arg7[%swap3A_562, %swap3A_563] {strides = array<i32>} : memref<64x128xf32, #tpu.memory_space<vmem>>, vector<1x16xf32>,
        %swap3A_565 = vector.shape_cast %swap3A_564 : vector<1x16xf32> to vector<16xf32>
        %swap3A_566 = vector.shape_cast %get3A_60 : vector<16xf32> to vector<1x16xf32>
        tpu.vector_store %arg7[%swap3A_562, %swap3A_563], %swap3A_566 {add = true, strides = array<i32>} : memref<64x128xf32, #tpu.memory_space<vmem>>, vector<1x16xf32>,
      } else {
      }
      %slice3A_183 = vector.extract_strided_slice %get3A_175 {offsets = [1], sizes = [1], strides = [1]} : vector<16xf32> to vector<1xf32>
      %squeeze3A_184 = vector.extract %slice3A_183[0] : f32 from vector<1xf32>
      %ne3A_185 = arith.constant 0.000000e+00 : f32
      %ne3A_186 = arith.cmpf one, %squeeze3A_184, %ne3A_185 : f32
      %convert_element_type3A_187 = arith.extui %ne3A_186 : i1 to i32
      %cond3A_188 = arith.constant 0 : i32
      %cond3A_189 = arith.cmpi ne, %convert_element_type3A_187, %cond3A_188 : i32
      scf.if %cond3A_189 {
        %swap3A = arith.constant 17 : i32
        %swap3A_520 = arith.index_cast %swap3A : i32 to index
        %swap3A_521 = arith.constant 0 : index
        %swap3A_522 = tpu.vector_load %arg7[%swap3A_520, %swap3A_521] {strides = array<i32>} : memref<64x128xf32, #tpu.memory_space<vmem>>, vector<1x16xf32>,
        %swap3A_523 = vector.shape_cast %swap3A_522 : vector<1x16xf32> to vector<16xf32>
        %swap3A_524 = vector.shape_cast %get3A_32 : vector<16xf32> to vector<1x16xf32>
        tpu.vector_store %arg7[%swap3A_520, %swap3A_521], %swap3A_524 {add = true, strides = array<i32>} : memref<64x128xf32, #tpu.memory_space<vmem>>, vector<1x16xf32>,
        %swap3A_525 = arith.constant 17 : i32
        %swap3A_526 = arith.index_cast %swap3A_525 : i32 to index
        %swap3A_527 = arith.constant 16 : index
        %swap3A_528 = tpu.vector_load %arg7[%swap3A_526, %swap3A_527] {strides = array<i32>} : memref<64x128xf32, #tpu.memory_space<vmem>>, vector<1x16xf32>,
        %swap3A_529 = vector.shape_cast %swap3A_528 : vector<1x16xf32> to vector<16xf32>
        %swap3A_530 = vector.shape_cast %get3A_36 : vector<16xf32> to vector<1x16xf32>
        tpu.vector_store %arg7[%swap3A_526, %swap3A_527], %swap3A_530 {add = true, strides = array<i32>} : memref<64x128xf32, #tpu.memory_space<vmem>>, vector<1x16xf32>,
        %swap3A_531 = arith.constant 17 : i32
        %swap3A_532 = arith.index_cast %swap3A_531 : i32 to index
        %swap3A_533 = arith.constant 32 : index
        %swap3A_534 = tpu.vector_load %arg7[%swap3A_532, %swap3A_533] {strides = array<i32>} : memref<64x128xf32, #tpu.memory_space<vmem>>, vector<1x16xf32>,
        %swap3A_535 = vector.shape_cast %swap3A_534 : vector<1x16xf32> to vector<16xf32>
        %swap3A_536 = vector.shape_cast %get3A_40 : vector<16xf32> to vector<1x16xf32>
        tpu.vector_store %arg7[%swap3A_532, %swap3A_533], %swap3A_536 {add = true, strides = array<i32>} : memref<64x128xf32, #tpu.memory_space<vmem>>, vector<1x16xf32>,
        %swap3A_537 = arith.constant 17 : i32
        %swap3A_538 = arith.index_cast %swap3A_537 : i32 to index
        %swap3A_539 = arith.constant 48 : index
        %swap3A_540 = tpu.vector_load %arg7[%swap3A_538, %swap3A_539] {strides = array<i32>} : memref<64x128xf32, #tpu.memory_space<vmem>>, vector<1x16xf32>,
        %swap3A_541 = vector.shape_cast %swap3A_540 : vector<1x16xf32> to vector<16xf32>
        %swap3A_542 = vector.shape_cast %get3A_44 : vector<16xf32> to vector<1x16xf32>
        tpu.vector_store %arg7[%swap3A_538, %swap3A_539], %swap3A_542 {add = true, strides = array<i32>} : memref<64x128xf32, #tpu.memory_space<vmem>>, vector<1x16xf32>,
        %swap3A_543 = arith.constant 17 : i32
        %swap3A_544 = arith.index_cast %swap3A_543 : i32 to index
        %swap3A_545 = arith.constant 64 : index
        %swap3A_546 = tpu.vector_load %arg7[%swap3A_544, %swap3A_545] {strides = array<i32>} : memref<64x128xf32, #tpu.memory_space<vmem>>, vector<1x16xf32>,
        %swap3A_547 = vector.shape_cast %swap3A_546 : vector<1x16xf32> to vector<16xf32>
        %swap3A_548 = vector.shape_cast %get3A_48 : vector<16xf32> to vector<1x16xf32>
        tpu.vector_store %arg7[%swap3A_544, %swap3A_545], %swap3A_548 {add = true, strides = array<i32>} : memref<64x128xf32, #tpu.memory_space<vmem>>, vector<1x16xf32>,
        %swap3A_549 = arith.constant 17 : i32
        %swap3A_550 = arith.index_cast %swap3A_549 : i32 to index
        %swap3A_551 = arith.constant 80 : index
        %swap3A_552 = tpu.vector_load %arg7[%swap3A_550, %swap3A_551] {strides = array<i32>} : memref<64x128xf32, #tpu.memory_space<vmem>>, vector<1x16xf32>,
        %swap3A_553 = vector.shape_cast %swap3A_552 : vector<1x16xf32> to vector<16xf32>
        %swap3A_554 = vector.shape_cast %get3A_52 : vector<16xf32> to vector<1x16xf32>
        tpu.vector_store %arg7[%swap3A_550, %swap3A_551], %swap3A_554 {add = true, strides = array<i32>} : memref<64x128xf32, #tpu.memory_space<vmem>>, vector<1x16xf32>,
        %swap3A_555 = arith.constant 17 : i32
        %swap3A_556 = arith.index_cast %swap3A_555 : i32 to index
        %swap3A_557 = arith.constant 96 : index
        %swap3A_558 = tpu.vector_load %arg7[%swap3A_556, %swap3A_557] {strides = array<i32>} : memref<64x128xf32, #tpu.memory_space<vmem>>, vector<1x16xf32>,
        %swap3A_559 = vector.shape_cast %swap3A_558 : vector<1x16xf32> to vector<16xf32>
        %swap3A_560 = vector.shape_cast %get3A_56 : vector<16xf32> to vector<1x16xf32>
        tpu.vector_store %arg7[%swap3A_556, %swap3A_557], %swap3A_560 {add = true, strides = array<i32>} : memref<64x128xf32, #tpu.memory_space<vmem>>, vector<1x16xf32>,
        %swap3A_561 = arith.constant 17 : i32
        %swap3A_562 = arith.index_cast %swap3A_561 : i32 to index
        %swap3A_563 = arith.constant 112 : index
        %swap3A_564 = tpu.vector_load %arg7[%swap3A_562, %swap3A_563] {strides = array<i32>} : memref<64x128xf32, #tpu.memory_space<vmem>>, vector<1x16xf32>,
        %swap3A_565 = vector.shape_cast %swap3A_564 : vector<1x16xf32> to vector<16xf32>
        %swap3A_566 = vector.shape_cast %get3A_60 : vector<16xf32> to vector<1x16xf32>
        tpu.vector_store %arg7[%swap3A_562, %swap3A_563], %swap3A_566 {add = true, strides = array<i32>} : memref<64x128xf32, #tpu.memory_space<vmem>>, vector<1x16xf32>,
      } else {
      }
      %slice3A_190 = vector.extract_strided_slice %get3A_175 {offsets = [2], sizes = [1], strides = [1]} : vector<16xf32> to vector<1xf32>
      %squeeze3A_191 = vector.extract %slice3A_190[0] : f32 from vector<1xf32>
      %ne3A_192 = arith.constant 0.000000e+00 : f32
      %ne3A_193 = arith.cmpf one, %squeeze3A_191, %ne3A_192 : f32
      %convert_element_type3A_194 = arith.extui %ne3A_193 : i1 to i32
      %cond3A_195 = arith.constant 0 : i32
      %cond3A_196 = arith.cmpi ne, %convert_element_type3A_194, %cond3A_195 : i32
      scf.if %cond3A_196 {
        %swap3A = arith.constant 18 : i32
        %swap3A_520 = arith.index_cast %swap3A : i32 to index
        %swap3A_521 = arith.constant 0 : index
        %swap3A_522 = tpu.vector_load %arg7[%swap3A_520, %swap3A_521] {strides = array<i32>} : memref<64x128xf32, #tpu.memory_space<vmem>>, vector<1x16xf32>,
        %swap3A_523 = vector.shape_cast %swap3A_522 : vector<1x16xf32> to vector<16xf32>
        %swap3A_524 = vector.shape_cast %get3A_32 : vector<16xf32> to vector<1x16xf32>
        tpu.vector_store %arg7[%swap3A_520, %swap3A_521], %swap3A_524 {add = true, strides = array<i32>} : memref<64x128xf32, #tpu.memory_space<vmem>>, vector<1x16xf32>,
        %swap3A_525 = arith.constant 18 : i32
        %swap3A_526 = arith.index_cast %swap3A_525 : i32 to index
        %swap3A_527 = arith.constant 16 : index
        %swap3A_528 = tpu.vector_load %arg7[%swap3A_526, %swap3A_527] {strides = array<i32>} : memref<64x128xf32, #tpu.memory_space<vmem>>, vector<1x16xf32>,
        %swap3A_529 = vector.shape_cast %swap3A_528 : vector<1x16xf32> to vector<16xf32>
        %swap3A_530 = vector.shape_cast %get3A_36 : vector<16xf32> to vector<1x16xf32>
        tpu.vector_store %arg7[%swap3A_526, %swap3A_527], %swap3A_530 {add = true, strides = array<i32>} : memref<64x128xf32, #tpu.memory_space<vmem>>, vector<1x16xf32>,
        %swap3A_531 = arith.constant 18 : i32
        %swap3A_532 = arith.index_cast %swap3A_531 : i32 to index
        %swap3A_533 = arith.constant 32 : index
        %swap3A_534 = tpu.vector_load %arg7[%swap3A_532, %swap3A_533] {strides = array<i32>} : memref<64x128xf32, #tpu.memory_space<vmem>>, vector<1x16xf32>,
        %swap3A_535 = vector.shape_cast %swap3A_534 : vector<1x16xf32> to vector<16xf32>
        %swap3A_536 = vector.shape_cast %get3A_40 : vector<16xf32> to vector<1x16xf32>
        tpu.vector_store %arg7[%swap3A_532, %swap3A_533], %swap3A_536 {add = true, strides = array<i32>} : memref<64x128xf32, #tpu.memory_space<vmem>>, vector<1x16xf32>,
        %swap3A_537 = arith.constant 18 : i32
        %swap3A_538 = arith.index_cast %swap3A_537 : i32 to index
        %swap3A_539 = arith.constant 48 : index
        %swap3A_540 = tpu.vector_load %arg7[%swap3A_538, %swap3A_539] {strides = array<i32>} : memref<64x128xf32, #tpu.memory_space<vmem>>, vector<1x16xf32>,
        %swap3A_541 = vector.shape_cast %swap3A_540 : vector<1x16xf32> to vector<16xf32>
        %swap3A_542 = vector.shape_cast %get3A_44 : vector<16xf32> to vector<1x16xf32>
        tpu.vector_store %arg7[%swap3A_538, %swap3A_539], %swap3A_542 {add = true, strides = array<i32>} : memref<64x128xf32, #tpu.memory_space<vmem>>, vector<1x16xf32>,
        %swap3A_543 = arith.constant 18 : i32
        %swap3A_544 = arith.index_cast %swap3A_543 : i32 to index
        %swap3A_545 = arith.constant 64 : index
        %swap3A_546 = tpu.vector_load %arg7[%swap3A_544, %swap3A_545] {strides = array<i32>} : memref<64x128xf32, #tpu.memory_space<vmem>>, vector<1x16xf32>,
        %swap3A_547 = vector.shape_cast %swap3A_546 : vector<1x16xf32> to vector<16xf32>
        %swap3A_548 = vector.shape_cast %get3A_48 : vector<16xf32> to vector<1x16xf32>
        tpu.vector_store %arg7[%swap3A_544, %swap3A_545], %swap3A_548 {add = true, strides = array<i32>} : memref<64x128xf32, #tpu.memory_space<vmem>>, vector<1x16xf32>,
        %swap3A_549 = arith.constant 18 : i32
        %swap3A_550 = arith.index_cast %swap3A_549 : i32 to index
        %swap3A_551 = arith.constant 80 : index
        %swap3A_552 = tpu.vector_load %arg7[%swap3A_550, %swap3A_551] {strides = array<i32>} : memref<64x128xf32, #tpu.memory_space<vmem>>, vector<1x16xf32>,
        %swap3A_553 = vector.shape_cast %swap3A_552 : vector<1x16xf32> to vector<16xf32>
        %swap3A_554 = vector.shape_cast %get3A_52 : vector<16xf32> to vector<1x16xf32>
        tpu.vector_store %arg7[%swap3A_550, %swap3A_551], %swap3A_554 {add = true, strides = array<i32>} : memref<64x128xf32, #tpu.memory_space<vmem>>, vector<1x16xf32>,
        %swap3A_555 = arith.constant 18 : i32
        %swap3A_556 = arith.index_cast %swap3A_555 : i32 to index
        %swap3A_557 = arith.constant 96 : index
        %swap3A_558 = tpu.vector_load %arg7[%swap3A_556, %swap3A_557] {strides = array<i32>} : memref<64x128xf32, #tpu.memory_space<vmem>>, vector<1x16xf32>,
        %swap3A_559 = vector.shape_cast %swap3A_558 : vector<1x16xf32> to vector<16xf32>
        %swap3A_560 = vector.shape_cast %get3A_56 : vector<16xf32> to vector<1x16xf32>
        tpu.vector_store %arg7[%swap3A_556, %swap3A_557], %swap3A_560 {add = true, strides = array<i32>} : memref<64x128xf32, #tpu.memory_space<vmem>>, vector<1x16xf32>,
        %swap3A_561 = arith.constant 18 : i32
        %swap3A_562 = arith.index_cast %swap3A_561 : i32 to index
        %swap3A_563 = arith.constant 112 : index
        %swap3A_564 = tpu.vector_load %arg7[%swap3A_562, %swap3A_563] {strides = array<i32>} : memref<64x128xf32, #tpu.memory_space<vmem>>, vector<1x16xf32>,
        %swap3A_565 = vector.shape_cast %swap3A_564 : vector<1x16xf32> to vector<16xf32>
        %swap3A_566 = vector.shape_cast %get3A_60 : vector<16xf32> to vector<1x16xf32>
        tpu.vector_store %arg7[%swap3A_562, %swap3A_563], %swap3A_566 {add = true, strides = array<i32>} : memref<64x128xf32, #tpu.memory_space<vmem>>, vector<1x16xf32>,
      } else {
      }
      %slice3A_197 = vector.extract_strided_slice %get3A_175 {offsets = [3], sizes = [1], strides = [1]} : vector<16xf32> to vector<1xf32>
      %squeeze3A_198 = vector.extract %slice3A_197[0] : f32 from vector<1xf32>
      %ne3A_199 = arith.constant 0.000000e+00 : f32
      %ne3A_200 = arith.cmpf one, %squeeze3A_198, %ne3A_199 : f32
      %convert_element_type3A_201 = arith.extui %ne3A_200 : i1 to i32
      %cond3A_202 = arith.constant 0 : i32
      %cond3A_203 = arith.cmpi ne, %convert_element_type3A_201, %cond3A_202 : i32
      scf.if %cond3A_203 {
        %swap3A = arith.constant 19 : i32
        %swap3A_520 = arith.index_cast %swap3A : i32 to index
        %swap3A_521 = arith.constant 0 : index
        %swap3A_522 = tpu.vector_load %arg7[%swap3A_520, %swap3A_521] {strides = array<i32>} : memref<64x128xf32, #tpu.memory_space<vmem>>, vector<1x16xf32>,
        %swap3A_523 = vector.shape_cast %swap3A_522 : vector<1x16xf32> to vector<16xf32>
        %swap3A_524 = vector.shape_cast %get3A_32 : vector<16xf32> to vector<1x16xf32>
        tpu.vector_store %arg7[%swap3A_520, %swap3A_521], %swap3A_524 {add = true, strides = array<i32>} : memref<64x128xf32, #tpu.memory_space<vmem>>, vector<1x16xf32>,
        %swap3A_525 = arith.constant 19 : i32
        %swap3A_526 = arith.index_cast %swap3A_525 : i32 to index
        %swap3A_527 = arith.constant 16 : index
        %swap3A_528 = tpu.vector_load %arg7[%swap3A_526, %swap3A_527] {strides = array<i32>} : memref<64x128xf32, #tpu.memory_space<vmem>>, vector<1x16xf32>,
        %swap3A_529 = vector.shape_cast %swap3A_528 : vector<1x16xf32> to vector<16xf32>
        %swap3A_530 = vector.shape_cast %get3A_36 : vector<16xf32> to vector<1x16xf32>
        tpu.vector_store %arg7[%swap3A_526, %swap3A_527], %swap3A_530 {add = true, strides = array<i32>} : memref<64x128xf32, #tpu.memory_space<vmem>>, vector<1x16xf32>,
        %swap3A_531 = arith.constant 19 : i32
        %swap3A_532 = arith.index_cast %swap3A_531 : i32 to index
        %swap3A_533 = arith.constant 32 : index
        %swap3A_534 = tpu.vector_load %arg7[%swap3A_532, %swap3A_533] {strides = array<i32>} : memref<64x128xf32, #tpu.memory_space<vmem>>, vector<1x16xf32>,
        %swap3A_535 = vector.shape_cast %swap3A_534 : vector<1x16xf32> to vector<16xf32>
        %swap3A_536 = vector.shape_cast %get3A_40 : vector<16xf32> to vector<1x16xf32>
        tpu.vector_store %arg7[%swap3A_532, %swap3A_533], %swap3A_536 {add = true, strides = array<i32>} : memref<64x128xf32, #tpu.memory_space<vmem>>, vector<1x16xf32>,
        %swap3A_537 = arith.constant 19 : i32
        %swap3A_538 = arith.index_cast %swap3A_537 : i32 to index
        %swap3A_539 = arith.constant 48 : index
        %swap3A_540 = tpu.vector_load %arg7[%swap3A_538, %swap3A_539] {strides = array<i32>} : memref<64x128xf32, #tpu.memory_space<vmem>>, vector<1x16xf32>,
        %swap3A_541 = vector.shape_cast %swap3A_540 : vector<1x16xf32> to vector<16xf32>
        %swap3A_542 = vector.shape_cast %get3A_44 : vector<16xf32> to vector<1x16xf32>
        tpu.vector_store %arg7[%swap3A_538, %swap3A_539], %swap3A_542 {add = true, strides = array<i32>} : memref<64x128xf32, #tpu.memory_space<vmem>>, vector<1x16xf32>,
        %swap3A_543 = arith.constant 19 : i32
        %swap3A_544 = arith.index_cast %swap3A_543 : i32 to index
        %swap3A_545 = arith.constant 64 : index
        %swap3A_546 = tpu.vector_load %arg7[%swap3A_544, %swap3A_545] {strides = array<i32>} : memref<64x128xf32, #tpu.memory_space<vmem>>, vector<1x16xf32>,
        %swap3A_547 = vector.shape_cast %swap3A_546 : vector<1x16xf32> to vector<16xf32>
        %swap3A_548 = vector.shape_cast %get3A_48 : vector<16xf32> to vector<1x16xf32>
        tpu.vector_store %arg7[%swap3A_544, %swap3A_545], %swap3A_548 {add = true, strides = array<i32>} : memref<64x128xf32, #tpu.memory_space<vmem>>, vector<1x16xf32>,
        %swap3A_549 = arith.constant 19 : i32
        %swap3A_550 = arith.index_cast %swap3A_549 : i32 to index
        %swap3A_551 = arith.constant 80 : index
        %swap3A_552 = tpu.vector_load %arg7[%swap3A_550, %swap3A_551] {strides = array<i32>} : memref<64x128xf32, #tpu.memory_space<vmem>>, vector<1x16xf32>,
        %swap3A_553 = vector.shape_cast %swap3A_552 : vector<1x16xf32> to vector<16xf32>
        %swap3A_554 = vector.shape_cast %get3A_52 : vector<16xf32> to vector<1x16xf32>
        tpu.vector_store %arg7[%swap3A_550, %swap3A_551], %swap3A_554 {add = true, strides = array<i32>} : memref<64x128xf32, #tpu.memory_space<vmem>>, vector<1x16xf32>,
        %swap3A_555 = arith.constant 19 : i32
        %swap3A_556 = arith.index_cast %swap3A_555 : i32 to index
        %swap3A_557 = arith.constant 96 : index
        %swap3A_558 = tpu.vector_load %arg7[%swap3A_556, %swap3A_557] {strides = array<i32>} : memref<64x128xf32, #tpu.memory_space<vmem>>, vector<1x16xf32>,
        %swap3A_559 = vector.shape_cast %swap3A_558 : vector<1x16xf32> to vector<16xf32>
        %swap3A_560 = vector.shape_cast %get3A_56 : vector<16xf32> to vector<1x16xf32>
        tpu.vector_store %arg7[%swap3A_556, %swap3A_557], %swap3A_560 {add = true, strides = array<i32>} : memref<64x128xf32, #tpu.memory_space<vmem>>, vector<1x16xf32>,
        %swap3A_561 = arith.constant 19 : i32
        %swap3A_562 = arith.index_cast %swap3A_561 : i32 to index
        %swap3A_563 = arith.constant 112 : index
        %swap3A_564 = tpu.vector_load %arg7[%swap3A_562, %swap3A_563] {strides = array<i32>} : memref<64x128xf32, #tpu.memory_space<vmem>>, vector<1x16xf32>,
        %swap3A_565 = vector.shape_cast %swap3A_564 : vector<1x16xf32> to vector<16xf32>
        %swap3A_566 = vector.shape_cast %get3A_60 : vector<16xf32> to vector<1x16xf32>
        tpu.vector_store %arg7[%swap3A_562, %swap3A_563], %swap3A_566 {add = true, strides = array<i32>} : memref<64x128xf32, #tpu.memory_space<vmem>>, vector<1x16xf32>,
      } else {
      }
      %slice3A_204 = vector.extract_strided_slice %get3A_175 {offsets = [4], sizes = [1], strides = [1]} : vector<16xf32> to vector<1xf32>
      %squeeze3A_205 = vector.extract %slice3A_204[0] : f32 from vector<1xf32>
      %ne3A_206 = arith.constant 0.000000e+00 : f32
      %ne3A_207 = arith.cmpf one, %squeeze3A_205, %ne3A_206 : f32
      %convert_element_type3A_208 = arith.extui %ne3A_207 : i1 to i32
      %cond3A_209 = arith.constant 0 : i32
      %cond3A_210 = arith.cmpi ne, %convert_element_type3A_208, %cond3A_209 : i32
      scf.if %cond3A_210 {
        %swap3A = arith.constant 20 : i32
        %swap3A_520 = arith.index_cast %swap3A : i32 to index
        %swap3A_521 = arith.constant 0 : index
        %swap3A_522 = tpu.vector_load %arg7[%swap3A_520, %swap3A_521] {strides = array<i32>} : memref<64x128xf32, #tpu.memory_space<vmem>>, vector<1x16xf32>,
        %swap3A_523 = vector.shape_cast %swap3A_522 : vector<1x16xf32> to vector<16xf32>
        %swap3A_524 = vector.shape_cast %get3A_32 : vector<16xf32> to vector<1x16xf32>
        tpu.vector_store %arg7[%swap3A_520, %swap3A_521], %swap3A_524 {add = true, strides = array<i32>} : memref<64x128xf32, #tpu.memory_space<vmem>>, vector<1x16xf32>,
        %swap3A_525 = arith.constant 20 : i32
        %swap3A_526 = arith.index_cast %swap3A_525 : i32 to index
        %swap3A_527 = arith.constant 16 : index
        %swap3A_528 = tpu.vector_load %arg7[%swap3A_526, %swap3A_527] {strides = array<i32>} : memref<64x128xf32, #tpu.memory_space<vmem>>, vector<1x16xf32>,
        %swap3A_529 = vector.shape_cast %swap3A_528 : vector<1x16xf32> to vector<16xf32>
        %swap3A_530 = vector.shape_cast %get3A_36 : vector<16xf32> to vector<1x16xf32>
        tpu.vector_store %arg7[%swap3A_526, %swap3A_527], %swap3A_530 {add = true, strides = array<i32>} : memref<64x128xf32, #tpu.memory_space<vmem>>, vector<1x16xf32>,
        %swap3A_531 = arith.constant 20 : i32
        %swap3A_532 = arith.index_cast %swap3A_531 : i32 to index
        %swap3A_533 = arith.constant 32 : index
        %swap3A_534 = tpu.vector_load %arg7[%swap3A_532, %swap3A_533] {strides = array<i32>} : memref<64x128xf32, #tpu.memory_space<vmem>>, vector<1x16xf32>,
        %swap3A_535 = vector.shape_cast %swap3A_534 : vector<1x16xf32> to vector<16xf32>
        %swap3A_536 = vector.shape_cast %get3A_40 : vector<16xf32> to vector<1x16xf32>
        tpu.vector_store %arg7[%swap3A_532, %swap3A_533], %swap3A_536 {add = true, strides = array<i32>} : memref<64x128xf32, #tpu.memory_space<vmem>>, vector<1x16xf32>,
        %swap3A_537 = arith.constant 20 : i32
        %swap3A_538 = arith.index_cast %swap3A_537 : i32 to index
        %swap3A_539 = arith.constant 48 : index
        %swap3A_540 = tpu.vector_load %arg7[%swap3A_538, %swap3A_539] {strides = array<i32>} : memref<64x128xf32, #tpu.memory_space<vmem>>, vector<1x16xf32>,
        %swap3A_541 = vector.shape_cast %swap3A_540 : vector<1x16xf32> to vector<16xf32>
        %swap3A_542 = vector.shape_cast %get3A_44 : vector<16xf32> to vector<1x16xf32>
        tpu.vector_store %arg7[%swap3A_538, %swap3A_539], %swap3A_542 {add = true, strides = array<i32>} : memref<64x128xf32, #tpu.memory_space<vmem>>, vector<1x16xf32>,
        %swap3A_543 = arith.constant 20 : i32
        %swap3A_544 = arith.index_cast %swap3A_543 : i32 to index
        %swap3A_545 = arith.constant 64 : index
        %swap3A_546 = tpu.vector_load %arg7[%swap3A_544, %swap3A_545] {strides = array<i32>} : memref<64x128xf32, #tpu.memory_space<vmem>>, vector<1x16xf32>,
        %swap3A_547 = vector.shape_cast %swap3A_546 : vector<1x16xf32> to vector<16xf32>
        %swap3A_548 = vector.shape_cast %get3A_48 : vector<16xf32> to vector<1x16xf32>
        tpu.vector_store %arg7[%swap3A_544, %swap3A_545], %swap3A_548 {add = true, strides = array<i32>} : memref<64x128xf32, #tpu.memory_space<vmem>>, vector<1x16xf32>,
        %swap3A_549 = arith.constant 20 : i32
        %swap3A_550 = arith.index_cast %swap3A_549 : i32 to index
        %swap3A_551 = arith.constant 80 : index
        %swap3A_552 = tpu.vector_load %arg7[%swap3A_550, %swap3A_551] {strides = array<i32>} : memref<64x128xf32, #tpu.memory_space<vmem>>, vector<1x16xf32>,
        %swap3A_553 = vector.shape_cast %swap3A_552 : vector<1x16xf32> to vector<16xf32>
        %swap3A_554 = vector.shape_cast %get3A_52 : vector<16xf32> to vector<1x16xf32>
        tpu.vector_store %arg7[%swap3A_550, %swap3A_551], %swap3A_554 {add = true, strides = array<i32>} : memref<64x128xf32, #tpu.memory_space<vmem>>, vector<1x16xf32>,
        %swap3A_555 = arith.constant 20 : i32
        %swap3A_556 = arith.index_cast %swap3A_555 : i32 to index
        %swap3A_557 = arith.constant 96 : index
        %swap3A_558 = tpu.vector_load %arg7[%swap3A_556, %swap3A_557] {strides = array<i32>} : memref<64x128xf32, #tpu.memory_space<vmem>>, vector<1x16xf32>,
        %swap3A_559 = vector.shape_cast %swap3A_558 : vector<1x16xf32> to vector<16xf32>
        %swap3A_560 = vector.shape_cast %get3A_56 : vector<16xf32> to vector<1x16xf32>
        tpu.vector_store %arg7[%swap3A_556, %swap3A_557], %swap3A_560 {add = true, strides = array<i32>} : memref<64x128xf32, #tpu.memory_space<vmem>>, vector<1x16xf32>,
        %swap3A_561 = arith.constant 20 : i32
        %swap3A_562 = arith.index_cast %swap3A_561 : i32 to index
        %swap3A_563 = arith.constant 112 : index
        %swap3A_564 = tpu.vector_load %arg7[%swap3A_562, %swap3A_563] {strides = array<i32>} : memref<64x128xf32, #tpu.memory_space<vmem>>, vector<1x16xf32>,
        %swap3A_565 = vector.shape_cast %swap3A_564 : vector<1x16xf32> to vector<16xf32>
        %swap3A_566 = vector.shape_cast %get3A_60 : vector<16xf32> to vector<1x16xf32>
        tpu.vector_store %arg7[%swap3A_562, %swap3A_563], %swap3A_566 {add = true, strides = array<i32>} : memref<64x128xf32, #tpu.memory_space<vmem>>, vector<1x16xf32>,
      } else {
      }
      %slice3A_211 = vector.extract_strided_slice %get3A_175 {offsets = [5], sizes = [1], strides = [1]} : vector<16xf32> to vector<1xf32>
      %squeeze3A_212 = vector.extract %slice3A_211[0] : f32 from vector<1xf32>
      %ne3A_213 = arith.constant 0.000000e+00 : f32
      %ne3A_214 = arith.cmpf one, %squeeze3A_212, %ne3A_213 : f32
      %convert_element_type3A_215 = arith.extui %ne3A_214 : i1 to i32
      %cond3A_216 = arith.constant 0 : i32
      %cond3A_217 = arith.cmpi ne, %convert_element_type3A_215, %cond3A_216 : i32
      scf.if %cond3A_217 {
        %swap3A = arith.constant 21 : i32
        %swap3A_520 = arith.index_cast %swap3A : i32 to index
        %swap3A_521 = arith.constant 0 : index
        %swap3A_522 = tpu.vector_load %arg7[%swap3A_520, %swap3A_521] {strides = array<i32>} : memref<64x128xf32, #tpu.memory_space<vmem>>, vector<1x16xf32>,
        %swap3A_523 = vector.shape_cast %swap3A_522 : vector<1x16xf32> to vector<16xf32>
        %swap3A_524 = vector.shape_cast %get3A_32 : vector<16xf32> to vector<1x16xf32>
        tpu.vector_store %arg7[%swap3A_520, %swap3A_521], %swap3A_524 {add = true, strides = array<i32>} : memref<64x128xf32, #tpu.memory_space<vmem>>, vector<1x16xf32>,
        %swap3A_525 = arith.constant 21 : i32
        %swap3A_526 = arith.index_cast %swap3A_525 : i32 to index
        %swap3A_527 = arith.constant 16 : index
        %swap3A_528 = tpu.vector_load %arg7[%swap3A_526, %swap3A_527] {strides = array<i32>} : memref<64x128xf32, #tpu.memory_space<vmem>>, vector<1x16xf32>,
        %swap3A_529 = vector.shape_cast %swap3A_528 : vector<1x16xf32> to vector<16xf32>
        %swap3A_530 = vector.shape_cast %get3A_36 : vector<16xf32> to vector<1x16xf32>
        tpu.vector_store %arg7[%swap3A_526, %swap3A_527], %swap3A_530 {add = true, strides = array<i32>} : memref<64x128xf32, #tpu.memory_space<vmem>>, vector<1x16xf32>,
        %swap3A_531 = arith.constant 21 : i32
        %swap3A_532 = arith.index_cast %swap3A_531 : i32 to index
        %swap3A_533 = arith.constant 32 : index
        %swap3A_534 = tpu.vector_load %arg7[%swap3A_532, %swap3A_533] {strides = array<i32>} : memref<64x128xf32, #tpu.memory_space<vmem>>, vector<1x16xf32>,
        %swap3A_535 = vector.shape_cast %swap3A_534 : vector<1x16xf32> to vector<16xf32>
        %swap3A_536 = vector.shape_cast %get3A_40 : vector<16xf32> to vector<1x16xf32>
        tpu.vector_store %arg7[%swap3A_532, %swap3A_533], %swap3A_536 {add = true, strides = array<i32>} : memref<64x128xf32, #tpu.memory_space<vmem>>, vector<1x16xf32>,
        %swap3A_537 = arith.constant 21 : i32
        %swap3A_538 = arith.index_cast %swap3A_537 : i32 to index
        %swap3A_539 = arith.constant 48 : index
        %swap3A_540 = tpu.vector_load %arg7[%swap3A_538, %swap3A_539] {strides = array<i32>} : memref<64x128xf32, #tpu.memory_space<vmem>>, vector<1x16xf32>,
        %swap3A_541 = vector.shape_cast %swap3A_540 : vector<1x16xf32> to vector<16xf32>
        %swap3A_542 = vector.shape_cast %get3A_44 : vector<16xf32> to vector<1x16xf32>
        tpu.vector_store %arg7[%swap3A_538, %swap3A_539], %swap3A_542 {add = true, strides = array<i32>} : memref<64x128xf32, #tpu.memory_space<vmem>>, vector<1x16xf32>,
        %swap3A_543 = arith.constant 21 : i32
        %swap3A_544 = arith.index_cast %swap3A_543 : i32 to index
        %swap3A_545 = arith.constant 64 : index
        %swap3A_546 = tpu.vector_load %arg7[%swap3A_544, %swap3A_545] {strides = array<i32>} : memref<64x128xf32, #tpu.memory_space<vmem>>, vector<1x16xf32>,
        %swap3A_547 = vector.shape_cast %swap3A_546 : vector<1x16xf32> to vector<16xf32>
        %swap3A_548 = vector.shape_cast %get3A_48 : vector<16xf32> to vector<1x16xf32>
        tpu.vector_store %arg7[%swap3A_544, %swap3A_545], %swap3A_548 {add = true, strides = array<i32>} : memref<64x128xf32, #tpu.memory_space<vmem>>, vector<1x16xf32>,
        %swap3A_549 = arith.constant 21 : i32
        %swap3A_550 = arith.index_cast %swap3A_549 : i32 to index
        %swap3A_551 = arith.constant 80 : index
        %swap3A_552 = tpu.vector_load %arg7[%swap3A_550, %swap3A_551] {strides = array<i32>} : memref<64x128xf32, #tpu.memory_space<vmem>>, vector<1x16xf32>,
        %swap3A_553 = vector.shape_cast %swap3A_552 : vector<1x16xf32> to vector<16xf32>
        %swap3A_554 = vector.shape_cast %get3A_52 : vector<16xf32> to vector<1x16xf32>
        tpu.vector_store %arg7[%swap3A_550, %swap3A_551], %swap3A_554 {add = true, strides = array<i32>} : memref<64x128xf32, #tpu.memory_space<vmem>>, vector<1x16xf32>,
        %swap3A_555 = arith.constant 21 : i32
        %swap3A_556 = arith.index_cast %swap3A_555 : i32 to index
        %swap3A_557 = arith.constant 96 : index
        %swap3A_558 = tpu.vector_load %arg7[%swap3A_556, %swap3A_557] {strides = array<i32>} : memref<64x128xf32, #tpu.memory_space<vmem>>, vector<1x16xf32>,
        %swap3A_559 = vector.shape_cast %swap3A_558 : vector<1x16xf32> to vector<16xf32>
        %swap3A_560 = vector.shape_cast %get3A_56 : vector<16xf32> to vector<1x16xf32>
        tpu.vector_store %arg7[%swap3A_556, %swap3A_557], %swap3A_560 {add = true, strides = array<i32>} : memref<64x128xf32, #tpu.memory_space<vmem>>, vector<1x16xf32>,
        %swap3A_561 = arith.constant 21 : i32
        %swap3A_562 = arith.index_cast %swap3A_561 : i32 to index
        %swap3A_563 = arith.constant 112 : index
        %swap3A_564 = tpu.vector_load %arg7[%swap3A_562, %swap3A_563] {strides = array<i32>} : memref<64x128xf32, #tpu.memory_space<vmem>>, vector<1x16xf32>,
        %swap3A_565 = vector.shape_cast %swap3A_564 : vector<1x16xf32> to vector<16xf32>
        %swap3A_566 = vector.shape_cast %get3A_60 : vector<16xf32> to vector<1x16xf32>
        tpu.vector_store %arg7[%swap3A_562, %swap3A_563], %swap3A_566 {add = true, strides = array<i32>} : memref<64x128xf32, #tpu.memory_space<vmem>>, vector<1x16xf32>,
      } else {
      }
      %slice3A_218 = vector.extract_strided_slice %get3A_175 {offsets = [6], sizes = [1], strides = [1]} : vector<16xf32> to vector<1xf32>
      %squeeze3A_219 = vector.extract %slice3A_218[0] : f32 from vector<1xf32>
      %ne3A_220 = arith.constant 0.000000e+00 : f32
      %ne3A_221 = arith.cmpf one, %squeeze3A_219, %ne3A_220 : f32
      %convert_element_type3A_222 = arith.extui %ne3A_221 : i1 to i32
      %cond3A_223 = arith.constant 0 : i32
      %cond3A_224 = arith.cmpi ne, %convert_element_type3A_222, %cond3A_223 : i32
      scf.if %cond3A_224 {
        %swap3A = arith.constant 22 : i32
        %swap3A_520 = arith.index_cast %swap3A : i32 to index
        %swap3A_521 = arith.constant 0 : index
        %swap3A_522 = tpu.vector_load %arg7[%swap3A_520, %swap3A_521] {strides = array<i32>} : memref<64x128xf32, #tpu.memory_space<vmem>>, vector<1x16xf32>,
        %swap3A_523 = vector.shape_cast %swap3A_522 : vector<1x16xf32> to vector<16xf32>
        %swap3A_524 = vector.shape_cast %get3A_32 : vector<16xf32> to vector<1x16xf32>
        tpu.vector_store %arg7[%swap3A_520, %swap3A_521], %swap3A_524 {add = true, strides = array<i32>} : memref<64x128xf32, #tpu.memory_space<vmem>>, vector<1x16xf32>,
        %swap3A_525 = arith.constant 22 : i32
        %swap3A_526 = arith.index_cast %swap3A_525 : i32 to index
        %swap3A_527 = arith.constant 16 : index
        %swap3A_528 = tpu.vector_load %arg7[%swap3A_526, %swap3A_527] {strides = array<i32>} : memref<64x128xf32, #tpu.memory_space<vmem>>, vector<1x16xf32>,
        %swap3A_529 = vector.shape_cast %swap3A_528 : vector<1x16xf32> to vector<16xf32>
        %swap3A_530 = vector.shape_cast %get3A_36 : vector<16xf32> to vector<1x16xf32>
        tpu.vector_store %arg7[%swap3A_526, %swap3A_527], %swap3A_530 {add = true, strides = array<i32>} : memref<64x128xf32, #tpu.memory_space<vmem>>, vector<1x16xf32>,
        %swap3A_531 = arith.constant 22 : i32
        %swap3A_532 = arith.index_cast %swap3A_531 : i32 to index
        %swap3A_533 = arith.constant 32 : index
        %swap3A_534 = tpu.vector_load %arg7[%swap3A_532, %swap3A_533] {strides = array<i32>} : memref<64x128xf32, #tpu.memory_space<vmem>>, vector<1x16xf32>,
        %swap3A_535 = vector.shape_cast %swap3A_534 : vector<1x16xf32> to vector<16xf32>
        %swap3A_536 = vector.shape_cast %get3A_40 : vector<16xf32> to vector<1x16xf32>
        tpu.vector_store %arg7[%swap3A_532, %swap3A_533], %swap3A_536 {add = true, strides = array<i32>} : memref<64x128xf32, #tpu.memory_space<vmem>>, vector<1x16xf32>,
        %swap3A_537 = arith.constant 22 : i32
        %swap3A_538 = arith.index_cast %swap3A_537 : i32 to index
        %swap3A_539 = arith.constant 48 : index
        %swap3A_540 = tpu.vector_load %arg7[%swap3A_538, %swap3A_539] {strides = array<i32>} : memref<64x128xf32, #tpu.memory_space<vmem>>, vector<1x16xf32>,
        %swap3A_541 = vector.shape_cast %swap3A_540 : vector<1x16xf32> to vector<16xf32>
        %swap3A_542 = vector.shape_cast %get3A_44 : vector<16xf32> to vector<1x16xf32>
        tpu.vector_store %arg7[%swap3A_538, %swap3A_539], %swap3A_542 {add = true, strides = array<i32>} : memref<64x128xf32, #tpu.memory_space<vmem>>, vector<1x16xf32>,
        %swap3A_543 = arith.constant 22 : i32
        %swap3A_544 = arith.index_cast %swap3A_543 : i32 to index
        %swap3A_545 = arith.constant 64 : index
        %swap3A_546 = tpu.vector_load %arg7[%swap3A_544, %swap3A_545] {strides = array<i32>} : memref<64x128xf32, #tpu.memory_space<vmem>>, vector<1x16xf32>,
        %swap3A_547 = vector.shape_cast %swap3A_546 : vector<1x16xf32> to vector<16xf32>
        %swap3A_548 = vector.shape_cast %get3A_48 : vector<16xf32> to vector<1x16xf32>
        tpu.vector_store %arg7[%swap3A_544, %swap3A_545], %swap3A_548 {add = true, strides = array<i32>} : memref<64x128xf32, #tpu.memory_space<vmem>>, vector<1x16xf32>,
        %swap3A_549 = arith.constant 22 : i32
        %swap3A_550 = arith.index_cast %swap3A_549 : i32 to index
        %swap3A_551 = arith.constant 80 : index
        %swap3A_552 = tpu.vector_load %arg7[%swap3A_550, %swap3A_551] {strides = array<i32>} : memref<64x128xf32, #tpu.memory_space<vmem>>, vector<1x16xf32>,
        %swap3A_553 = vector.shape_cast %swap3A_552 : vector<1x16xf32> to vector<16xf32>
        %swap3A_554 = vector.shape_cast %get3A_52 : vector<16xf32> to vector<1x16xf32>
        tpu.vector_store %arg7[%swap3A_550, %swap3A_551], %swap3A_554 {add = true, strides = array<i32>} : memref<64x128xf32, #tpu.memory_space<vmem>>, vector<1x16xf32>,
        %swap3A_555 = arith.constant 22 : i32
        %swap3A_556 = arith.index_cast %swap3A_555 : i32 to index
        %swap3A_557 = arith.constant 96 : index
        %swap3A_558 = tpu.vector_load %arg7[%swap3A_556, %swap3A_557] {strides = array<i32>} : memref<64x128xf32, #tpu.memory_space<vmem>>, vector<1x16xf32>,
        %swap3A_559 = vector.shape_cast %swap3A_558 : vector<1x16xf32> to vector<16xf32>
        %swap3A_560 = vector.shape_cast %get3A_56 : vector<16xf32> to vector<1x16xf32>
        tpu.vector_store %arg7[%swap3A_556, %swap3A_557], %swap3A_560 {add = true, strides = array<i32>} : memref<64x128xf32, #tpu.memory_space<vmem>>, vector<1x16xf32>,
        %swap3A_561 = arith.constant 22 : i32
        %swap3A_562 = arith.index_cast %swap3A_561 : i32 to index
        %swap3A_563 = arith.constant 112 : index
        %swap3A_564 = tpu.vector_load %arg7[%swap3A_562, %swap3A_563] {strides = array<i32>} : memref<64x128xf32, #tpu.memory_space<vmem>>, vector<1x16xf32>,
        %swap3A_565 = vector.shape_cast %swap3A_564 : vector<1x16xf32> to vector<16xf32>
        %swap3A_566 = vector.shape_cast %get3A_60 : vector<16xf32> to vector<1x16xf32>
        tpu.vector_store %arg7[%swap3A_562, %swap3A_563], %swap3A_566 {add = true, strides = array<i32>} : memref<64x128xf32, #tpu.memory_space<vmem>>, vector<1x16xf32>,
      } else {
      }
      %slice3A_225 = vector.extract_strided_slice %get3A_175 {offsets = [7], sizes = [1], strides = [1]} : vector<16xf32> to vector<1xf32>
      %squeeze3A_226 = vector.extract %slice3A_225[0] : f32 from vector<1xf32>
      %ne3A_227 = arith.constant 0.000000e+00 : f32
      %ne3A_228 = arith.cmpf one, %squeeze3A_226, %ne3A_227 : f32
      %convert_element_type3A_229 = arith.extui %ne3A_228 : i1 to i32
      %cond3A_230 = arith.constant 0 : i32
      %cond3A_231 = arith.cmpi ne, %convert_element_type3A_229, %cond3A_230 : i32
      scf.if %cond3A_231 {
        %swap3A = arith.constant 23 : i32
        %swap3A_520 = arith.index_cast %swap3A : i32 to index
        %swap3A_521 = arith.constant 0 : index
        %swap3A_522 = tpu.vector_load %arg7[%swap3A_520, %swap3A_521] {strides = array<i32>} : memref<64x128xf32, #tpu.memory_space<vmem>>, vector<1x16xf32>,
        %swap3A_523 = vector.shape_cast %swap3A_522 : vector<1x16xf32> to vector<16xf32>
        %swap3A_524 = vector.shape_cast %get3A_32 : vector<16xf32> to vector<1x16xf32>
        tpu.vector_store %arg7[%swap3A_520, %swap3A_521], %swap3A_524 {add = true, strides = array<i32>} : memref<64x128xf32, #tpu.memory_space<vmem>>, vector<1x16xf32>,
        %swap3A_525 = arith.constant 23 : i32
        %swap3A_526 = arith.index_cast %swap3A_525 : i32 to index
        %swap3A_527 = arith.constant 16 : index
        %swap3A_528 = tpu.vector_load %arg7[%swap3A_526, %swap3A_527] {strides = array<i32>} : memref<64x128xf32, #tpu.memory_space<vmem>>, vector<1x16xf32>,
        %swap3A_529 = vector.shape_cast %swap3A_528 : vector<1x16xf32> to vector<16xf32>
        %swap3A_530 = vector.shape_cast %get3A_36 : vector<16xf32> to vector<1x16xf32>
        tpu.vector_store %arg7[%swap3A_526, %swap3A_527], %swap3A_530 {add = true, strides = array<i32>} : memref<64x128xf32, #tpu.memory_space<vmem>>, vector<1x16xf32>,
        %swap3A_531 = arith.constant 23 : i32
        %swap3A_532 = arith.index_cast %swap3A_531 : i32 to index
        %swap3A_533 = arith.constant 32 : index
        %swap3A_534 = tpu.vector_load %arg7[%swap3A_532, %swap3A_533] {strides = array<i32>} : memref<64x128xf32, #tpu.memory_space<vmem>>, vector<1x16xf32>,
        %swap3A_535 = vector.shape_cast %swap3A_534 : vector<1x16xf32> to vector<16xf32>
        %swap3A_536 = vector.shape_cast %get3A_40 : vector<16xf32> to vector<1x16xf32>
        tpu.vector_store %arg7[%swap3A_532, %swap3A_533], %swap3A_536 {add = true, strides = array<i32>} : memref<64x128xf32, #tpu.memory_space<vmem>>, vector<1x16xf32>,
        %swap3A_537 = arith.constant 23 : i32
        %swap3A_538 = arith.index_cast %swap3A_537 : i32 to index
        %swap3A_539 = arith.constant 48 : index
        %swap3A_540 = tpu.vector_load %arg7[%swap3A_538, %swap3A_539] {strides = array<i32>} : memref<64x128xf32, #tpu.memory_space<vmem>>, vector<1x16xf32>,
        %swap3A_541 = vector.shape_cast %swap3A_540 : vector<1x16xf32> to vector<16xf32>
        %swap3A_542 = vector.shape_cast %get3A_44 : vector<16xf32> to vector<1x16xf32>
        tpu.vector_store %arg7[%swap3A_538, %swap3A_539], %swap3A_542 {add = true, strides = array<i32>} : memref<64x128xf32, #tpu.memory_space<vmem>>, vector<1x16xf32>,
        %swap3A_543 = arith.constant 23 : i32
        %swap3A_544 = arith.index_cast %swap3A_543 : i32 to index
        %swap3A_545 = arith.constant 64 : index
        %swap3A_546 = tpu.vector_load %arg7[%swap3A_544, %swap3A_545] {strides = array<i32>} : memref<64x128xf32, #tpu.memory_space<vmem>>, vector<1x16xf32>,
        %swap3A_547 = vector.shape_cast %swap3A_546 : vector<1x16xf32> to vector<16xf32>
        %swap3A_548 = vector.shape_cast %get3A_48 : vector<16xf32> to vector<1x16xf32>
        tpu.vector_store %arg7[%swap3A_544, %swap3A_545], %swap3A_548 {add = true, strides = array<i32>} : memref<64x128xf32, #tpu.memory_space<vmem>>, vector<1x16xf32>,
        %swap3A_549 = arith.constant 23 : i32
        %swap3A_550 = arith.index_cast %swap3A_549 : i32 to index
        %swap3A_551 = arith.constant 80 : index
        %swap3A_552 = tpu.vector_load %arg7[%swap3A_550, %swap3A_551] {strides = array<i32>} : memref<64x128xf32, #tpu.memory_space<vmem>>, vector<1x16xf32>,
        %swap3A_553 = vector.shape_cast %swap3A_552 : vector<1x16xf32> to vector<16xf32>
        %swap3A_554 = vector.shape_cast %get3A_52 : vector<16xf32> to vector<1x16xf32>
        tpu.vector_store %arg7[%swap3A_550, %swap3A_551], %swap3A_554 {add = true, strides = array<i32>} : memref<64x128xf32, #tpu.memory_space<vmem>>, vector<1x16xf32>,
        %swap3A_555 = arith.constant 23 : i32
        %swap3A_556 = arith.index_cast %swap3A_555 : i32 to index
        %swap3A_557 = arith.constant 96 : index
        %swap3A_558 = tpu.vector_load %arg7[%swap3A_556, %swap3A_557] {strides = array<i32>} : memref<64x128xf32, #tpu.memory_space<vmem>>, vector<1x16xf32>,
        %swap3A_559 = vector.shape_cast %swap3A_558 : vector<1x16xf32> to vector<16xf32>
        %swap3A_560 = vector.shape_cast %get3A_56 : vector<16xf32> to vector<1x16xf32>
        tpu.vector_store %arg7[%swap3A_556, %swap3A_557], %swap3A_560 {add = true, strides = array<i32>} : memref<64x128xf32, #tpu.memory_space<vmem>>, vector<1x16xf32>,
        %swap3A_561 = arith.constant 23 : i32
        %swap3A_562 = arith.index_cast %swap3A_561 : i32 to index
        %swap3A_563 = arith.constant 112 : index
        %swap3A_564 = tpu.vector_load %arg7[%swap3A_562, %swap3A_563] {strides = array<i32>} : memref<64x128xf32, #tpu.memory_space<vmem>>, vector<1x16xf32>,
        %swap3A_565 = vector.shape_cast %swap3A_564 : vector<1x16xf32> to vector<16xf32>
        %swap3A_566 = vector.shape_cast %get3A_60 : vector<16xf32> to vector<1x16xf32>
        tpu.vector_store %arg7[%swap3A_562, %swap3A_563], %swap3A_566 {add = true, strides = array<i32>} : memref<64x128xf32, #tpu.memory_space<vmem>>, vector<1x16xf32>,
      } else {
      }
      %slice3A_232 = vector.extract_strided_slice %get3A_175 {offsets = [8], sizes = [1], strides = [1]} : vector<16xf32> to vector<1xf32>
      %squeeze3A_233 = vector.extract %slice3A_232[0] : f32 from vector<1xf32>
      %ne3A_234 = arith.constant 0.000000e+00 : f32
      %ne3A_235 = arith.cmpf one, %squeeze3A_233, %ne3A_234 : f32
      %convert_element_type3A_236 = arith.extui %ne3A_235 : i1 to i32
      %cond3A_237 = arith.constant 0 : i32
      %cond3A_238 = arith.cmpi ne, %convert_element_type3A_236, %cond3A_237 : i32
      scf.if %cond3A_238 {
        %swap3A = arith.constant 24 : i32
        %swap3A_520 = arith.index_cast %swap3A : i32 to index
        %swap3A_521 = arith.constant 0 : index
        %swap3A_522 = tpu.vector_load %arg7[%swap3A_520, %swap3A_521] {strides = array<i32>} : memref<64x128xf32, #tpu.memory_space<vmem>>, vector<1x16xf32>,
        %swap3A_523 = vector.shape_cast %swap3A_522 : vector<1x16xf32> to vector<16xf32>
        %swap3A_524 = vector.shape_cast %get3A_32 : vector<16xf32> to vector<1x16xf32>
        tpu.vector_store %arg7[%swap3A_520, %swap3A_521], %swap3A_524 {add = true, strides = array<i32>} : memref<64x128xf32, #tpu.memory_space<vmem>>, vector<1x16xf32>,
        %swap3A_525 = arith.constant 24 : i32
        %swap3A_526 = arith.index_cast %swap3A_525 : i32 to index
        %swap3A_527 = arith.constant 16 : index
        %swap3A_528 = tpu.vector_load %arg7[%swap3A_526, %swap3A_527] {strides = array<i32>} : memref<64x128xf32, #tpu.memory_space<vmem>>, vector<1x16xf32>,
        %swap3A_529 = vector.shape_cast %swap3A_528 : vector<1x16xf32> to vector<16xf32>
        %swap3A_530 = vector.shape_cast %get3A_36 : vector<16xf32> to vector<1x16xf32>
        tpu.vector_store %arg7[%swap3A_526, %swap3A_527], %swap3A_530 {add = true, strides = array<i32>} : memref<64x128xf32, #tpu.memory_space<vmem>>, vector<1x16xf32>,
        %swap3A_531 = arith.constant 24 : i32
        %swap3A_532 = arith.index_cast %swap3A_531 : i32 to index
        %swap3A_533 = arith.constant 32 : index
        %swap3A_534 = tpu.vector_load %arg7[%swap3A_532, %swap3A_533] {strides = array<i32>} : memref<64x128xf32, #tpu.memory_space<vmem>>, vector<1x16xf32>,
        %swap3A_535 = vector.shape_cast %swap3A_534 : vector<1x16xf32> to vector<16xf32>
        %swap3A_536 = vector.shape_cast %get3A_40 : vector<16xf32> to vector<1x16xf32>
        tpu.vector_store %arg7[%swap3A_532, %swap3A_533], %swap3A_536 {add = true, strides = array<i32>} : memref<64x128xf32, #tpu.memory_space<vmem>>, vector<1x16xf32>,
        %swap3A_537 = arith.constant 24 : i32
        %swap3A_538 = arith.index_cast %swap3A_537 : i32 to index
        %swap3A_539 = arith.constant 48 : index
        %swap3A_540 = tpu.vector_load %arg7[%swap3A_538, %swap3A_539] {strides = array<i32>} : memref<64x128xf32, #tpu.memory_space<vmem>>, vector<1x16xf32>,
        %swap3A_541 = vector.shape_cast %swap3A_540 : vector<1x16xf32> to vector<16xf32>
        %swap3A_542 = vector.shape_cast %get3A_44 : vector<16xf32> to vector<1x16xf32>
        tpu.vector_store %arg7[%swap3A_538, %swap3A_539], %swap3A_542 {add = true, strides = array<i32>} : memref<64x128xf32, #tpu.memory_space<vmem>>, vector<1x16xf32>,
        %swap3A_543 = arith.constant 24 : i32
        %swap3A_544 = arith.index_cast %swap3A_543 : i32 to index
        %swap3A_545 = arith.constant 64 : index
        %swap3A_546 = tpu.vector_load %arg7[%swap3A_544, %swap3A_545] {strides = array<i32>} : memref<64x128xf32, #tpu.memory_space<vmem>>, vector<1x16xf32>,
        %swap3A_547 = vector.shape_cast %swap3A_546 : vector<1x16xf32> to vector<16xf32>
        %swap3A_548 = vector.shape_cast %get3A_48 : vector<16xf32> to vector<1x16xf32>
        tpu.vector_store %arg7[%swap3A_544, %swap3A_545], %swap3A_548 {add = true, strides = array<i32>} : memref<64x128xf32, #tpu.memory_space<vmem>>, vector<1x16xf32>,
        %swap3A_549 = arith.constant 24 : i32
        %swap3A_550 = arith.index_cast %swap3A_549 : i32 to index
        %swap3A_551 = arith.constant 80 : index
        %swap3A_552 = tpu.vector_load %arg7[%swap3A_550, %swap3A_551] {strides = array<i32>} : memref<64x128xf32, #tpu.memory_space<vmem>>, vector<1x16xf32>,
        %swap3A_553 = vector.shape_cast %swap3A_552 : vector<1x16xf32> to vector<16xf32>
        %swap3A_554 = vector.shape_cast %get3A_52 : vector<16xf32> to vector<1x16xf32>
        tpu.vector_store %arg7[%swap3A_550, %swap3A_551], %swap3A_554 {add = true, strides = array<i32>} : memref<64x128xf32, #tpu.memory_space<vmem>>, vector<1x16xf32>,
        %swap3A_555 = arith.constant 24 : i32
        %swap3A_556 = arith.index_cast %swap3A_555 : i32 to index
        %swap3A_557 = arith.constant 96 : index
        %swap3A_558 = tpu.vector_load %arg7[%swap3A_556, %swap3A_557] {strides = array<i32>} : memref<64x128xf32, #tpu.memory_space<vmem>>, vector<1x16xf32>,
        %swap3A_559 = vector.shape_cast %swap3A_558 : vector<1x16xf32> to vector<16xf32>
        %swap3A_560 = vector.shape_cast %get3A_56 : vector<16xf32> to vector<1x16xf32>
        tpu.vector_store %arg7[%swap3A_556, %swap3A_557], %swap3A_560 {add = true, strides = array<i32>} : memref<64x128xf32, #tpu.memory_space<vmem>>, vector<1x16xf32>,
        %swap3A_561 = arith.constant 24 : i32
        %swap3A_562 = arith.index_cast %swap3A_561 : i32 to index
        %swap3A_563 = arith.constant 112 : index
        %swap3A_564 = tpu.vector_load %arg7[%swap3A_562, %swap3A_563] {strides = array<i32>} : memref<64x128xf32, #tpu.memory_space<vmem>>, vector<1x16xf32>,
        %swap3A_565 = vector.shape_cast %swap3A_564 : vector<1x16xf32> to vector<16xf32>
        %swap3A_566 = vector.shape_cast %get3A_60 : vector<16xf32> to vector<1x16xf32>
        tpu.vector_store %arg7[%swap3A_562, %swap3A_563], %swap3A_566 {add = true, strides = array<i32>} : memref<64x128xf32, #tpu.memory_space<vmem>>, vector<1x16xf32>,
      } else {
      }
      %slice3A_239 = vector.extract_strided_slice %get3A_175 {offsets = [9], sizes = [1], strides = [1]} : vector<16xf32> to vector<1xf32>
      %squeeze3A_240 = vector.extract %slice3A_239[0] : f32 from vector<1xf32>
      %ne3A_241 = arith.constant 0.000000e+00 : f32
      %ne3A_242 = arith.cmpf one, %squeeze3A_240, %ne3A_241 : f32
      %convert_element_type3A_243 = arith.extui %ne3A_242 : i1 to i32
      %cond3A_244 = arith.constant 0 : i32
      %cond3A_245 = arith.cmpi ne, %convert_element_type3A_243, %cond3A_244 : i32
      scf.if %cond3A_245 {
        %swap3A = arith.constant 25 : i32
        %swap3A_520 = arith.index_cast %swap3A : i32 to index
        %swap3A_521 = arith.constant 0 : index
        %swap3A_522 = tpu.vector_load %arg7[%swap3A_520, %swap3A_521] {strides = array<i32>} : memref<64x128xf32, #tpu.memory_space<vmem>>, vector<1x16xf32>,
        %swap3A_523 = vector.shape_cast %swap3A_522 : vector<1x16xf32> to vector<16xf32>
        %swap3A_524 = vector.shape_cast %get3A_32 : vector<16xf32> to vector<1x16xf32>
        tpu.vector_store %arg7[%swap3A_520, %swap3A_521], %swap3A_524 {add = true, strides = array<i32>} : memref<64x128xf32, #tpu.memory_space<vmem>>, vector<1x16xf32>,
        %swap3A_525 = arith.constant 25 : i32
        %swap3A_526 = arith.index_cast %swap3A_525 : i32 to index
        %swap3A_527 = arith.constant 16 : index
        %swap3A_528 = tpu.vector_load %arg7[%swap3A_526, %swap3A_527] {strides = array<i32>} : memref<64x128xf32, #tpu.memory_space<vmem>>, vector<1x16xf32>,
        %swap3A_529 = vector.shape_cast %swap3A_528 : vector<1x16xf32> to vector<16xf32>
        %swap3A_530 = vector.shape_cast %get3A_36 : vector<16xf32> to vector<1x16xf32>
        tpu.vector_store %arg7[%swap3A_526, %swap3A_527], %swap3A_530 {add = true, strides = array<i32>} : memref<64x128xf32, #tpu.memory_space<vmem>>, vector<1x16xf32>,
        %swap3A_531 = arith.constant 25 : i32
        %swap3A_532 = arith.index_cast %swap3A_531 : i32 to index
        %swap3A_533 = arith.constant 32 : index
        %swap3A_534 = tpu.vector_load %arg7[%swap3A_532, %swap3A_533] {strides = array<i32>} : memref<64x128xf32, #tpu.memory_space<vmem>>, vector<1x16xf32>,
        %swap3A_535 = vector.shape_cast %swap3A_534 : vector<1x16xf32> to vector<16xf32>
        %swap3A_536 = vector.shape_cast %get3A_40 : vector<16xf32> to vector<1x16xf32>
        tpu.vector_store %arg7[%swap3A_532, %swap3A_533], %swap3A_536 {add = true, strides = array<i32>} : memref<64x128xf32, #tpu.memory_space<vmem>>, vector<1x16xf32>,
        %swap3A_537 = arith.constant 25 : i32
        %swap3A_538 = arith.index_cast %swap3A_537 : i32 to index
        %swap3A_539 = arith.constant 48 : index
        %swap3A_540 = tpu.vector_load %arg7[%swap3A_538, %swap3A_539] {strides = array<i32>} : memref<64x128xf32, #tpu.memory_space<vmem>>, vector<1x16xf32>,
        %swap3A_541 = vector.shape_cast %swap3A_540 : vector<1x16xf32> to vector<16xf32>
        %swap3A_542 = vector.shape_cast %get3A_44 : vector<16xf32> to vector<1x16xf32>
        tpu.vector_store %arg7[%swap3A_538, %swap3A_539], %swap3A_542 {add = true, strides = array<i32>} : memref<64x128xf32, #tpu.memory_space<vmem>>, vector<1x16xf32>,
        %swap3A_543 = arith.constant 25 : i32
        %swap3A_544 = arith.index_cast %swap3A_543 : i32 to index
        %swap3A_545 = arith.constant 64 : index
        %swap3A_546 = tpu.vector_load %arg7[%swap3A_544, %swap3A_545] {strides = array<i32>} : memref<64x128xf32, #tpu.memory_space<vmem>>, vector<1x16xf32>,
        %swap3A_547 = vector.shape_cast %swap3A_546 : vector<1x16xf32> to vector<16xf32>
        %swap3A_548 = vector.shape_cast %get3A_48 : vector<16xf32> to vector<1x16xf32>
        tpu.vector_store %arg7[%swap3A_544, %swap3A_545], %swap3A_548 {add = true, strides = array<i32>} : memref<64x128xf32, #tpu.memory_space<vmem>>, vector<1x16xf32>,
        %swap3A_549 = arith.constant 25 : i32
        %swap3A_550 = arith.index_cast %swap3A_549 : i32 to index
        %swap3A_551 = arith.constant 80 : index
        %swap3A_552 = tpu.vector_load %arg7[%swap3A_550, %swap3A_551] {strides = array<i32>} : memref<64x128xf32, #tpu.memory_space<vmem>>, vector<1x16xf32>,
        %swap3A_553 = vector.shape_cast %swap3A_552 : vector<1x16xf32> to vector<16xf32>
        %swap3A_554 = vector.shape_cast %get3A_52 : vector<16xf32> to vector<1x16xf32>
        tpu.vector_store %arg7[%swap3A_550, %swap3A_551], %swap3A_554 {add = true, strides = array<i32>} : memref<64x128xf32, #tpu.memory_space<vmem>>, vector<1x16xf32>,
        %swap3A_555 = arith.constant 25 : i32
        %swap3A_556 = arith.index_cast %swap3A_555 : i32 to index
        %swap3A_557 = arith.constant 96 : index
        %swap3A_558 = tpu.vector_load %arg7[%swap3A_556, %swap3A_557] {strides = array<i32>} : memref<64x128xf32, #tpu.memory_space<vmem>>, vector<1x16xf32>,
        %swap3A_559 = vector.shape_cast %swap3A_558 : vector<1x16xf32> to vector<16xf32>
        %swap3A_560 = vector.shape_cast %get3A_56 : vector<16xf32> to vector<1x16xf32>
        tpu.vector_store %arg7[%swap3A_556, %swap3A_557], %swap3A_560 {add = true, strides = array<i32>} : memref<64x128xf32, #tpu.memory_space<vmem>>, vector<1x16xf32>,
        %swap3A_561 = arith.constant 25 : i32
        %swap3A_562 = arith.index_cast %swap3A_561 : i32 to index
        %swap3A_563 = arith.constant 112 : index
        %swap3A_564 = tpu.vector_load %arg7[%swap3A_562, %swap3A_563] {strides = array<i32>} : memref<64x128xf32, #tpu.memory_space<vmem>>, vector<1x16xf32>,
        %swap3A_565 = vector.shape_cast %swap3A_564 : vector<1x16xf32> to vector<16xf32>
        %swap3A_566 = vector.shape_cast %get3A_60 : vector<16xf32> to vector<1x16xf32>
        tpu.vector_store %arg7[%swap3A_562, %swap3A_563], %swap3A_566 {add = true, strides = array<i32>} : memref<64x128xf32, #tpu.memory_space<vmem>>, vector<1x16xf32>,
      } else {
      }
      %slice3A_246 = vector.extract_strided_slice %get3A_175 {offsets = [10], sizes = [1], strides = [1]} : vector<16xf32> to vector<1xf32>
      %squeeze3A_247 = vector.extract %slice3A_246[0] : f32 from vector<1xf32>
      %ne3A_248 = arith.constant 0.000000e+00 : f32
      %ne3A_249 = arith.cmpf one, %squeeze3A_247, %ne3A_248 : f32
      %convert_element_type3A_250 = arith.extui %ne3A_249 : i1 to i32
      %cond3A_251 = arith.constant 0 : i32
      %cond3A_252 = arith.cmpi ne, %convert_element_type3A_250, %cond3A_251 : i32
      scf.if %cond3A_252 {
        %swap3A = arith.constant 26 : i32
        %swap3A_520 = arith.index_cast %swap3A : i32 to index
        %swap3A_521 = arith.constant 0 : index
        %swap3A_522 = tpu.vector_load %arg7[%swap3A_520, %swap3A_521] {strides = array<i32>} : memref<64x128xf32, #tpu.memory_space<vmem>>, vector<1x16xf32>,
        %swap3A_523 = vector.shape_cast %swap3A_522 : vector<1x16xf32> to vector<16xf32>
        %swap3A_524 = vector.shape_cast %get3A_32 : vector<16xf32> to vector<1x16xf32>
        tpu.vector_store %arg7[%swap3A_520, %swap3A_521], %swap3A_524 {add = true, strides = array<i32>} : memref<64x128xf32, #tpu.memory_space<vmem>>, vector<1x16xf32>,
        %swap3A_525 = arith.constant 26 : i32
        %swap3A_526 = arith.index_cast %swap3A_525 : i32 to index
        %swap3A_527 = arith.constant 16 : index
        %swap3A_528 = tpu.vector_load %arg7[%swap3A_526, %swap3A_527] {strides = array<i32>} : memref<64x128xf32, #tpu.memory_space<vmem>>, vector<1x16xf32>,
        %swap3A_529 = vector.shape_cast %swap3A_528 : vector<1x16xf32> to vector<16xf32>
        %swap3A_530 = vector.shape_cast %get3A_36 : vector<16xf32> to vector<1x16xf32>
        tpu.vector_store %arg7[%swap3A_526, %swap3A_527], %swap3A_530 {add = true, strides = array<i32>} : memref<64x128xf32, #tpu.memory_space<vmem>>, vector<1x16xf32>,
        %swap3A_531 = arith.constant 26 : i32
        %swap3A_532 = arith.index_cast %swap3A_531 : i32 to index
        %swap3A_533 = arith.constant 32 : index
        %swap3A_534 = tpu.vector_load %arg7[%swap3A_532, %swap3A_533] {strides = array<i32>} : memref<64x128xf32, #tpu.memory_space<vmem>>, vector<1x16xf32>,
        %swap3A_535 = vector.shape_cast %swap3A_534 : vector<1x16xf32> to vector<16xf32>
        %swap3A_536 = vector.shape_cast %get3A_40 : vector<16xf32> to vector<1x16xf32>
        tpu.vector_store %arg7[%swap3A_532, %swap3A_533], %swap3A_536 {add = true, strides = array<i32>} : memref<64x128xf32, #tpu.memory_space<vmem>>, vector<1x16xf32>,
        %swap3A_537 = arith.constant 26 : i32
        %swap3A_538 = arith.index_cast %swap3A_537 : i32 to index
        %swap3A_539 = arith.constant 48 : index
        %swap3A_540 = tpu.vector_load %arg7[%swap3A_538, %swap3A_539] {strides = array<i32>} : memref<64x128xf32, #tpu.memory_space<vmem>>, vector<1x16xf32>,
        %swap3A_541 = vector.shape_cast %swap3A_540 : vector<1x16xf32> to vector<16xf32>
        %swap3A_542 = vector.shape_cast %get3A_44 : vector<16xf32> to vector<1x16xf32>
        tpu.vector_store %arg7[%swap3A_538, %swap3A_539], %swap3A_542 {add = true, strides = array<i32>} : memref<64x128xf32, #tpu.memory_space<vmem>>, vector<1x16xf32>,
        %swap3A_543 = arith.constant 26 : i32
        %swap3A_544 = arith.index_cast %swap3A_543 : i32 to index
        %swap3A_545 = arith.constant 64 : index
        %swap3A_546 = tpu.vector_load %arg7[%swap3A_544, %swap3A_545] {strides = array<i32>} : memref<64x128xf32, #tpu.memory_space<vmem>>, vector<1x16xf32>,
        %swap3A_547 = vector.shape_cast %swap3A_546 : vector<1x16xf32> to vector<16xf32>
        %swap3A_548 = vector.shape_cast %get3A_48 : vector<16xf32> to vector<1x16xf32>
        tpu.vector_store %arg7[%swap3A_544, %swap3A_545], %swap3A_548 {add = true, strides = array<i32>} : memref<64x128xf32, #tpu.memory_space<vmem>>, vector<1x16xf32>,
        %swap3A_549 = arith.constant 26 : i32
        %swap3A_550 = arith.index_cast %swap3A_549 : i32 to index
        %swap3A_551 = arith.constant 80 : index
        %swap3A_552 = tpu.vector_load %arg7[%swap3A_550, %swap3A_551] {strides = array<i32>} : memref<64x128xf32, #tpu.memory_space<vmem>>, vector<1x16xf32>,
        %swap3A_553 = vector.shape_cast %swap3A_552 : vector<1x16xf32> to vector<16xf32>
        %swap3A_554 = vector.shape_cast %get3A_52 : vector<16xf32> to vector<1x16xf32>
        tpu.vector_store %arg7[%swap3A_550, %swap3A_551], %swap3A_554 {add = true, strides = array<i32>} : memref<64x128xf32, #tpu.memory_space<vmem>>, vector<1x16xf32>,
        %swap3A_555 = arith.constant 26 : i32
        %swap3A_556 = arith.index_cast %swap3A_555 : i32 to index
        %swap3A_557 = arith.constant 96 : index
        %swap3A_558 = tpu.vector_load %arg7[%swap3A_556, %swap3A_557] {strides = array<i32>} : memref<64x128xf32, #tpu.memory_space<vmem>>, vector<1x16xf32>,
        %swap3A_559 = vector.shape_cast %swap3A_558 : vector<1x16xf32> to vector<16xf32>
        %swap3A_560 = vector.shape_cast %get3A_56 : vector<16xf32> to vector<1x16xf32>
        tpu.vector_store %arg7[%swap3A_556, %swap3A_557], %swap3A_560 {add = true, strides = array<i32>} : memref<64x128xf32, #tpu.memory_space<vmem>>, vector<1x16xf32>,
        %swap3A_561 = arith.constant 26 : i32
        %swap3A_562 = arith.index_cast %swap3A_561 : i32 to index
        %swap3A_563 = arith.constant 112 : index
        %swap3A_564 = tpu.vector_load %arg7[%swap3A_562, %swap3A_563] {strides = array<i32>} : memref<64x128xf32, #tpu.memory_space<vmem>>, vector<1x16xf32>,
        %swap3A_565 = vector.shape_cast %swap3A_564 : vector<1x16xf32> to vector<16xf32>
        %swap3A_566 = vector.shape_cast %get3A_60 : vector<16xf32> to vector<1x16xf32>
        tpu.vector_store %arg7[%swap3A_562, %swap3A_563], %swap3A_566 {add = true, strides = array<i32>} : memref<64x128xf32, #tpu.memory_space<vmem>>, vector<1x16xf32>,
      } else {
      }
      %slice3A_253 = vector.extract_strided_slice %get3A_175 {offsets = [11], sizes = [1], strides = [1]} : vector<16xf32> to vector<1xf32>
      %squeeze3A_254 = vector.extract %slice3A_253[0] : f32 from vector<1xf32>
      %ne3A_255 = arith.constant 0.000000e+00 : f32
      %ne3A_256 = arith.cmpf one, %squeeze3A_254, %ne3A_255 : f32
      %convert_element_type3A_257 = arith.extui %ne3A_256 : i1 to i32
      %cond3A_258 = arith.constant 0 : i32
      %cond3A_259 = arith.cmpi ne, %convert_element_type3A_257, %cond3A_258 : i32
      scf.if %cond3A_259 {
        %swap3A = arith.constant 27 : i32
        %swap3A_520 = arith.index_cast %swap3A : i32 to index
        %swap3A_521 = arith.constant 0 : index
        %swap3A_522 = tpu.vector_load %arg7[%swap3A_520, %swap3A_521] {strides = array<i32>} : memref<64x128xf32, #tpu.memory_space<vmem>>, vector<1x16xf32>,
        %swap3A_523 = vector.shape_cast %swap3A_522 : vector<1x16xf32> to vector<16xf32>
        %swap3A_524 = vector.shape_cast %get3A_32 : vector<16xf32> to vector<1x16xf32>
        tpu.vector_store %arg7[%swap3A_520, %swap3A_521], %swap3A_524 {add = true, strides = array<i32>} : memref<64x128xf32, #tpu.memory_space<vmem>>, vector<1x16xf32>,
        %swap3A_525 = arith.constant 27 : i32
        %swap3A_526 = arith.index_cast %swap3A_525 : i32 to index
        %swap3A_527 = arith.constant 16 : index
        %swap3A_528 = tpu.vector_load %arg7[%swap3A_526, %swap3A_527] {strides = array<i32>} : memref<64x128xf32, #tpu.memory_space<vmem>>, vector<1x16xf32>,
        %swap3A_529 = vector.shape_cast %swap3A_528 : vector<1x16xf32> to vector<16xf32>
        %swap3A_530 = vector.shape_cast %get3A_36 : vector<16xf32> to vector<1x16xf32>
        tpu.vector_store %arg7[%swap3A_526, %swap3A_527], %swap3A_530 {add = true, strides = array<i32>} : memref<64x128xf32, #tpu.memory_space<vmem>>, vector<1x16xf32>,
        %swap3A_531 = arith.constant 27 : i32
        %swap3A_532 = arith.index_cast %swap3A_531 : i32 to index
        %swap3A_533 = arith.constant 32 : index
        %swap3A_534 = tpu.vector_load %arg7[%swap3A_532, %swap3A_533] {strides = array<i32>} : memref<64x128xf32, #tpu.memory_space<vmem>>, vector<1x16xf32>,
        %swap3A_535 = vector.shape_cast %swap3A_534 : vector<1x16xf32> to vector<16xf32>
        %swap3A_536 = vector.shape_cast %get3A_40 : vector<16xf32> to vector<1x16xf32>
        tpu.vector_store %arg7[%swap3A_532, %swap3A_533], %swap3A_536 {add = true, strides = array<i32>} : memref<64x128xf32, #tpu.memory_space<vmem>>, vector<1x16xf32>,
        %swap3A_537 = arith.constant 27 : i32
        %swap3A_538 = arith.index_cast %swap3A_537 : i32 to index
        %swap3A_539 = arith.constant 48 : index
        %swap3A_540 = tpu.vector_load %arg7[%swap3A_538, %swap3A_539] {strides = array<i32>} : memref<64x128xf32, #tpu.memory_space<vmem>>, vector<1x16xf32>,
        %swap3A_541 = vector.shape_cast %swap3A_540 : vector<1x16xf32> to vector<16xf32>
        %swap3A_542 = vector.shape_cast %get3A_44 : vector<16xf32> to vector<1x16xf32>
        tpu.vector_store %arg7[%swap3A_538, %swap3A_539], %swap3A_542 {add = true, strides = array<i32>} : memref<64x128xf32, #tpu.memory_space<vmem>>, vector<1x16xf32>,
        %swap3A_543 = arith.constant 27 : i32
        %swap3A_544 = arith.index_cast %swap3A_543 : i32 to index
        %swap3A_545 = arith.constant 64 : index
        %swap3A_546 = tpu.vector_load %arg7[%swap3A_544, %swap3A_545] {strides = array<i32>} : memref<64x128xf32, #tpu.memory_space<vmem>>, vector<1x16xf32>,
        %swap3A_547 = vector.shape_cast %swap3A_546 : vector<1x16xf32> to vector<16xf32>
        %swap3A_548 = vector.shape_cast %get3A_48 : vector<16xf32> to vector<1x16xf32>
        tpu.vector_store %arg7[%swap3A_544, %swap3A_545], %swap3A_548 {add = true, strides = array<i32>} : memref<64x128xf32, #tpu.memory_space<vmem>>, vector<1x16xf32>,
        %swap3A_549 = arith.constant 27 : i32
        %swap3A_550 = arith.index_cast %swap3A_549 : i32 to index
        %swap3A_551 = arith.constant 80 : index
        %swap3A_552 = tpu.vector_load %arg7[%swap3A_550, %swap3A_551] {strides = array<i32>} : memref<64x128xf32, #tpu.memory_space<vmem>>, vector<1x16xf32>,
        %swap3A_553 = vector.shape_cast %swap3A_552 : vector<1x16xf32> to vector<16xf32>
        %swap3A_554 = vector.shape_cast %get3A_52 : vector<16xf32> to vector<1x16xf32>
        tpu.vector_store %arg7[%swap3A_550, %swap3A_551], %swap3A_554 {add = true, strides = array<i32>} : memref<64x128xf32, #tpu.memory_space<vmem>>, vector<1x16xf32>,
        %swap3A_555 = arith.constant 27 : i32
        %swap3A_556 = arith.index_cast %swap3A_555 : i32 to index
        %swap3A_557 = arith.constant 96 : index
        %swap3A_558 = tpu.vector_load %arg7[%swap3A_556, %swap3A_557] {strides = array<i32>} : memref<64x128xf32, #tpu.memory_space<vmem>>, vector<1x16xf32>,
        %swap3A_559 = vector.shape_cast %swap3A_558 : vector<1x16xf32> to vector<16xf32>
        %swap3A_560 = vector.shape_cast %get3A_56 : vector<16xf32> to vector<1x16xf32>
        tpu.vector_store %arg7[%swap3A_556, %swap3A_557], %swap3A_560 {add = true, strides = array<i32>} : memref<64x128xf32, #tpu.memory_space<vmem>>, vector<1x16xf32>,
        %swap3A_561 = arith.constant 27 : i32
        %swap3A_562 = arith.index_cast %swap3A_561 : i32 to index
        %swap3A_563 = arith.constant 112 : index
        %swap3A_564 = tpu.vector_load %arg7[%swap3A_562, %swap3A_563] {strides = array<i32>} : memref<64x128xf32, #tpu.memory_space<vmem>>, vector<1x16xf32>,
        %swap3A_565 = vector.shape_cast %swap3A_564 : vector<1x16xf32> to vector<16xf32>
        %swap3A_566 = vector.shape_cast %get3A_60 : vector<16xf32> to vector<1x16xf32>
        tpu.vector_store %arg7[%swap3A_562, %swap3A_563], %swap3A_566 {add = true, strides = array<i32>} : memref<64x128xf32, #tpu.memory_space<vmem>>, vector<1x16xf32>,
      } else {
      }
      %slice3A_260 = vector.extract_strided_slice %get3A_175 {offsets = [12], sizes = [1], strides = [1]} : vector<16xf32> to vector<1xf32>
      %squeeze3A_261 = vector.extract %slice3A_260[0] : f32 from vector<1xf32>
      %ne3A_262 = arith.constant 0.000000e+00 : f32
      %ne3A_263 = arith.cmpf one, %squeeze3A_261, %ne3A_262 : f32
      %convert_element_type3A_264 = arith.extui %ne3A_263 : i1 to i32
      %cond3A_265 = arith.constant 0 : i32
      %cond3A_266 = arith.cmpi ne, %convert_element_type3A_264, %cond3A_265 : i32
      scf.if %cond3A_266 {
        %swap3A = arith.constant 28 : i32
        %swap3A_520 = arith.index_cast %swap3A : i32 to index
        %swap3A_521 = arith.constant 0 : index
        %swap3A_522 = tpu.vector_load %arg7[%swap3A_520, %swap3A_521] {strides = array<i32>} : memref<64x128xf32, #tpu.memory_space<vmem>>, vector<1x16xf32>,
        %swap3A_523 = vector.shape_cast %swap3A_522 : vector<1x16xf32> to vector<16xf32>
        %swap3A_524 = vector.shape_cast %get3A_32 : vector<16xf32> to vector<1x16xf32>
        tpu.vector_store %arg7[%swap3A_520, %swap3A_521], %swap3A_524 {add = true, strides = array<i32>} : memref<64x128xf32, #tpu.memory_space<vmem>>, vector<1x16xf32>,
        %swap3A_525 = arith.constant 28 : i32
        %swap3A_526 = arith.index_cast %swap3A_525 : i32 to index
        %swap3A_527 = arith.constant 16 : index
        %swap3A_528 = tpu.vector_load %arg7[%swap3A_526, %swap3A_527] {strides = array<i32>} : memref<64x128xf32, #tpu.memory_space<vmem>>, vector<1x16xf32>,
        %swap3A_529 = vector.shape_cast %swap3A_528 : vector<1x16xf32> to vector<16xf32>
        %swap3A_530 = vector.shape_cast %get3A_36 : vector<16xf32> to vector<1x16xf32>
        tpu.vector_store %arg7[%swap3A_526, %swap3A_527], %swap3A_530 {add = true, strides = array<i32>} : memref<64x128xf32, #tpu.memory_space<vmem>>, vector<1x16xf32>,
        %swap3A_531 = arith.constant 28 : i32
        %swap3A_532 = arith.index_cast %swap3A_531 : i32 to index
        %swap3A_533 = arith.constant 32 : index
        %swap3A_534 = tpu.vector_load %arg7[%swap3A_532, %swap3A_533] {strides = array<i32>} : memref<64x128xf32, #tpu.memory_space<vmem>>, vector<1x16xf32>,
        %swap3A_535 = vector.shape_cast %swap3A_534 : vector<1x16xf32> to vector<16xf32>
        %swap3A_536 = vector.shape_cast %get3A_40 : vector<16xf32> to vector<1x16xf32>
        tpu.vector_store %arg7[%swap3A_532, %swap3A_533], %swap3A_536 {add = true, strides = array<i32>} : memref<64x128xf32, #tpu.memory_space<vmem>>, vector<1x16xf32>,
        %swap3A_537 = arith.constant 28 : i32
        %swap3A_538 = arith.index_cast %swap3A_537 : i32 to index
        %swap3A_539 = arith.constant 48 : index
        %swap3A_540 = tpu.vector_load %arg7[%swap3A_538, %swap3A_539] {strides = array<i32>} : memref<64x128xf32, #tpu.memory_space<vmem>>, vector<1x16xf32>,
        %swap3A_541 = vector.shape_cast %swap3A_540 : vector<1x16xf32> to vector<16xf32>
        %swap3A_542 = vector.shape_cast %get3A_44 : vector<16xf32> to vector<1x16xf32>
        tpu.vector_store %arg7[%swap3A_538, %swap3A_539], %swap3A_542 {add = true, strides = array<i32>} : memref<64x128xf32, #tpu.memory_space<vmem>>, vector<1x16xf32>,
        %swap3A_543 = arith.constant 28 : i32
        %swap3A_544 = arith.index_cast %swap3A_543 : i32 to index
        %swap3A_545 = arith.constant 64 : index
        %swap3A_546 = tpu.vector_load %arg7[%swap3A_544, %swap3A_545] {strides = array<i32>} : memref<64x128xf32, #tpu.memory_space<vmem>>, vector<1x16xf32>,
        %swap3A_547 = vector.shape_cast %swap3A_546 : vector<1x16xf32> to vector<16xf32>
        %swap3A_548 = vector.shape_cast %get3A_48 : vector<16xf32> to vector<1x16xf32>
        tpu.vector_store %arg7[%swap3A_544, %swap3A_545], %swap3A_548 {add = true, strides = array<i32>} : memref<64x128xf32, #tpu.memory_space<vmem>>, vector<1x16xf32>,
        %swap3A_549 = arith.constant 28 : i32
        %swap3A_550 = arith.index_cast %swap3A_549 : i32 to index
        %swap3A_551 = arith.constant 80 : index
        %swap3A_552 = tpu.vector_load %arg7[%swap3A_550, %swap3A_551] {strides = array<i32>} : memref<64x128xf32, #tpu.memory_space<vmem>>, vector<1x16xf32>,
        %swap3A_553 = vector.shape_cast %swap3A_552 : vector<1x16xf32> to vector<16xf32>
        %swap3A_554 = vector.shape_cast %get3A_52 : vector<16xf32> to vector<1x16xf32>
        tpu.vector_store %arg7[%swap3A_550, %swap3A_551], %swap3A_554 {add = true, strides = array<i32>} : memref<64x128xf32, #tpu.memory_space<vmem>>, vector<1x16xf32>,
        %swap3A_555 = arith.constant 28 : i32
        %swap3A_556 = arith.index_cast %swap3A_555 : i32 to index
        %swap3A_557 = arith.constant 96 : index
        %swap3A_558 = tpu.vector_load %arg7[%swap3A_556, %swap3A_557] {strides = array<i32>} : memref<64x128xf32, #tpu.memory_space<vmem>>, vector<1x16xf32>,
        %swap3A_559 = vector.shape_cast %swap3A_558 : vector<1x16xf32> to vector<16xf32>
        %swap3A_560 = vector.shape_cast %get3A_56 : vector<16xf32> to vector<1x16xf32>
        tpu.vector_store %arg7[%swap3A_556, %swap3A_557], %swap3A_560 {add = true, strides = array<i32>} : memref<64x128xf32, #tpu.memory_space<vmem>>, vector<1x16xf32>,
        %swap3A_561 = arith.constant 28 : i32
        %swap3A_562 = arith.index_cast %swap3A_561 : i32 to index
        %swap3A_563 = arith.constant 112 : index
        %swap3A_564 = tpu.vector_load %arg7[%swap3A_562, %swap3A_563] {strides = array<i32>} : memref<64x128xf32, #tpu.memory_space<vmem>>, vector<1x16xf32>,
        %swap3A_565 = vector.shape_cast %swap3A_564 : vector<1x16xf32> to vector<16xf32>
        %swap3A_566 = vector.shape_cast %get3A_60 : vector<16xf32> to vector<1x16xf32>
        tpu.vector_store %arg7[%swap3A_562, %swap3A_563], %swap3A_566 {add = true, strides = array<i32>} : memref<64x128xf32, #tpu.memory_space<vmem>>, vector<1x16xf32>,
      } else {
      }
      %slice3A_267 = vector.extract_strided_slice %get3A_175 {offsets = [13], sizes = [1], strides = [1]} : vector<16xf32> to vector<1xf32>
      %squeeze3A_268 = vector.extract %slice3A_267[0] : f32 from vector<1xf32>
      %ne3A_269 = arith.constant 0.000000e+00 : f32
      %ne3A_270 = arith.cmpf one, %squeeze3A_268, %ne3A_269 : f32
      %convert_element_type3A_271 = arith.extui %ne3A_270 : i1 to i32
      %cond3A_272 = arith.constant 0 : i32
      %cond3A_273 = arith.cmpi ne, %convert_element_type3A_271, %cond3A_272 : i32
      scf.if %cond3A_273 {
        %swap3A = arith.constant 29 : i32
        %swap3A_520 = arith.index_cast %swap3A : i32 to index
        %swap3A_521 = arith.constant 0 : index
        %swap3A_522 = tpu.vector_load %arg7[%swap3A_520, %swap3A_521] {strides = array<i32>} : memref<64x128xf32, #tpu.memory_space<vmem>>, vector<1x16xf32>,
        %swap3A_523 = vector.shape_cast %swap3A_522 : vector<1x16xf32> to vector<16xf32>
        %swap3A_524 = vector.shape_cast %get3A_32 : vector<16xf32> to vector<1x16xf32>
        tpu.vector_store %arg7[%swap3A_520, %swap3A_521], %swap3A_524 {add = true, strides = array<i32>} : memref<64x128xf32, #tpu.memory_space<vmem>>, vector<1x16xf32>,
        %swap3A_525 = arith.constant 29 : i32
        %swap3A_526 = arith.index_cast %swap3A_525 : i32 to index
        %swap3A_527 = arith.constant 16 : index
        %swap3A_528 = tpu.vector_load %arg7[%swap3A_526, %swap3A_527] {strides = array<i32>} : memref<64x128xf32, #tpu.memory_space<vmem>>, vector<1x16xf32>,
        %swap3A_529 = vector.shape_cast %swap3A_528 : vector<1x16xf32> to vector<16xf32>
        %swap3A_530 = vector.shape_cast %get3A_36 : vector<16xf32> to vector<1x16xf32>
        tpu.vector_store %arg7[%swap3A_526, %swap3A_527], %swap3A_530 {add = true, strides = array<i32>} : memref<64x128xf32, #tpu.memory_space<vmem>>, vector<1x16xf32>,
        %swap3A_531 = arith.constant 29 : i32
        %swap3A_532 = arith.index_cast %swap3A_531 : i32 to index
        %swap3A_533 = arith.constant 32 : index
        %swap3A_534 = tpu.vector_load %arg7[%swap3A_532, %swap3A_533] {strides = array<i32>} : memref<64x128xf32, #tpu.memory_space<vmem>>, vector<1x16xf32>,
        %swap3A_535 = vector.shape_cast %swap3A_534 : vector<1x16xf32> to vector<16xf32>
        %swap3A_536 = vector.shape_cast %get3A_40 : vector<16xf32> to vector<1x16xf32>
        tpu.vector_store %arg7[%swap3A_532, %swap3A_533], %swap3A_536 {add = true, strides = array<i32>} : memref<64x128xf32, #tpu.memory_space<vmem>>, vector<1x16xf32>,
        %swap3A_537 = arith.constant 29 : i32
        %swap3A_538 = arith.index_cast %swap3A_537 : i32 to index
        %swap3A_539 = arith.constant 48 : index
        %swap3A_540 = tpu.vector_load %arg7[%swap3A_538, %swap3A_539] {strides = array<i32>} : memref<64x128xf32, #tpu.memory_space<vmem>>, vector<1x16xf32>,
        %swap3A_541 = vector.shape_cast %swap3A_540 : vector<1x16xf32> to vector<16xf32>
        %swap3A_542 = vector.shape_cast %get3A_44 : vector<16xf32> to vector<1x16xf32>
        tpu.vector_store %arg7[%swap3A_538, %swap3A_539], %swap3A_542 {add = true, strides = array<i32>} : memref<64x128xf32, #tpu.memory_space<vmem>>, vector<1x16xf32>,
        %swap3A_543 = arith.constant 29 : i32
        %swap3A_544 = arith.index_cast %swap3A_543 : i32 to index
        %swap3A_545 = arith.constant 64 : index
        %swap3A_546 = tpu.vector_load %arg7[%swap3A_544, %swap3A_545] {strides = array<i32>} : memref<64x128xf32, #tpu.memory_space<vmem>>, vector<1x16xf32>,
        %swap3A_547 = vector.shape_cast %swap3A_546 : vector<1x16xf32> to vector<16xf32>
        %swap3A_548 = vector.shape_cast %get3A_48 : vector<16xf32> to vector<1x16xf32>
        tpu.vector_store %arg7[%swap3A_544, %swap3A_545], %swap3A_548 {add = true, strides = array<i32>} : memref<64x128xf32, #tpu.memory_space<vmem>>, vector<1x16xf32>,
        %swap3A_549 = arith.constant 29 : i32
        %swap3A_550 = arith.index_cast %swap3A_549 : i32 to index
        %swap3A_551 = arith.constant 80 : index
        %swap3A_552 = tpu.vector_load %arg7[%swap3A_550, %swap3A_551] {strides = array<i32>} : memref<64x128xf32, #tpu.memory_space<vmem>>, vector<1x16xf32>,
        %swap3A_553 = vector.shape_cast %swap3A_552 : vector<1x16xf32> to vector<16xf32>
        %swap3A_554 = vector.shape_cast %get3A_52 : vector<16xf32> to vector<1x16xf32>
        tpu.vector_store %arg7[%swap3A_550, %swap3A_551], %swap3A_554 {add = true, strides = array<i32>} : memref<64x128xf32, #tpu.memory_space<vmem>>, vector<1x16xf32>,
        %swap3A_555 = arith.constant 29 : i32
        %swap3A_556 = arith.index_cast %swap3A_555 : i32 to index
        %swap3A_557 = arith.constant 96 : index
        %swap3A_558 = tpu.vector_load %arg7[%swap3A_556, %swap3A_557] {strides = array<i32>} : memref<64x128xf32, #tpu.memory_space<vmem>>, vector<1x16xf32>,
        %swap3A_559 = vector.shape_cast %swap3A_558 : vector<1x16xf32> to vector<16xf32>
        %swap3A_560 = vector.shape_cast %get3A_56 : vector<16xf32> to vector<1x16xf32>
        tpu.vector_store %arg7[%swap3A_556, %swap3A_557], %swap3A_560 {add = true, strides = array<i32>} : memref<64x128xf32, #tpu.memory_space<vmem>>, vector<1x16xf32>,
        %swap3A_561 = arith.constant 29 : i32
        %swap3A_562 = arith.index_cast %swap3A_561 : i32 to index
        %swap3A_563 = arith.constant 112 : index
        %swap3A_564 = tpu.vector_load %arg7[%swap3A_562, %swap3A_563] {strides = array<i32>} : memref<64x128xf32, #tpu.memory_space<vmem>>, vector<1x16xf32>,
        %swap3A_565 = vector.shape_cast %swap3A_564 : vector<1x16xf32> to vector<16xf32>
        %swap3A_566 = vector.shape_cast %get3A_60 : vector<16xf32> to vector<1x16xf32>
        tpu.vector_store %arg7[%swap3A_562, %swap3A_563], %swap3A_566 {add = true, strides = array<i32>} : memref<64x128xf32, #tpu.memory_space<vmem>>, vector<1x16xf32>,
      } else {
      }
      %slice3A_274 = vector.extract_strided_slice %get3A_175 {offsets = [14], sizes = [1], strides = [1]} : vector<16xf32> to vector<1xf32>
      %squeeze3A_275 = vector.extract %slice3A_274[0] : f32 from vector<1xf32>
      %ne3A_276 = arith.constant 0.000000e+00 : f32
      %ne3A_277 = arith.cmpf one, %squeeze3A_275, %ne3A_276 : f32
      %convert_element_type3A_278 = arith.extui %ne3A_277 : i1 to i32
      %cond3A_279 = arith.constant 0 : i32
      %cond3A_280 = arith.cmpi ne, %convert_element_type3A_278, %cond3A_279 : i32
      scf.if %cond3A_280 {
        %swap3A = arith.constant 30 : i32
        %swap3A_520 = arith.index_cast %swap3A : i32 to index
        %swap3A_521 = arith.constant 0 : index
        %swap3A_522 = tpu.vector_load %arg7[%swap3A_520, %swap3A_521] {strides = array<i32>} : memref<64x128xf32, #tpu.memory_space<vmem>>, vector<1x16xf32>,
        %swap3A_523 = vector.shape_cast %swap3A_522 : vector<1x16xf32> to vector<16xf32>
        %swap3A_524 = vector.shape_cast %get3A_32 : vector<16xf32> to vector<1x16xf32>
        tpu.vector_store %arg7[%swap3A_520, %swap3A_521], %swap3A_524 {add = true, strides = array<i32>} : memref<64x128xf32, #tpu.memory_space<vmem>>, vector<1x16xf32>,
        %swap3A_525 = arith.constant 30 : i32
        %swap3A_526 = arith.index_cast %swap3A_525 : i32 to index
        %swap3A_527 = arith.constant 16 : index
        %swap3A_528 = tpu.vector_load %arg7[%swap3A_526, %swap3A_527] {strides = array<i32>} : memref<64x128xf32, #tpu.memory_space<vmem>>, vector<1x16xf32>,
        %swap3A_529 = vector.shape_cast %swap3A_528 : vector<1x16xf32> to vector<16xf32>
        %swap3A_530 = vector.shape_cast %get3A_36 : vector<16xf32> to vector<1x16xf32>
        tpu.vector_store %arg7[%swap3A_526, %swap3A_527], %swap3A_530 {add = true, strides = array<i32>} : memref<64x128xf32, #tpu.memory_space<vmem>>, vector<1x16xf32>,
        %swap3A_531 = arith.constant 30 : i32
        %swap3A_532 = arith.index_cast %swap3A_531 : i32 to index
        %swap3A_533 = arith.constant 32 : index
        %swap3A_534 = tpu.vector_load %arg7[%swap3A_532, %swap3A_533] {strides = array<i32>} : memref<64x128xf32, #tpu.memory_space<vmem>>, vector<1x16xf32>,
        %swap3A_535 = vector.shape_cast %swap3A_534 : vector<1x16xf32> to vector<16xf32>
        %swap3A_536 = vector.shape_cast %get3A_40 : vector<16xf32> to vector<1x16xf32>
        tpu.vector_store %arg7[%swap3A_532, %swap3A_533], %swap3A_536 {add = true, strides = array<i32>} : memref<64x128xf32, #tpu.memory_space<vmem>>, vector<1x16xf32>,
        %swap3A_537 = arith.constant 30 : i32
        %swap3A_538 = arith.index_cast %swap3A_537 : i32 to index
        %swap3A_539 = arith.constant 48 : index
        %swap3A_540 = tpu.vector_load %arg7[%swap3A_538, %swap3A_539] {strides = array<i32>} : memref<64x128xf32, #tpu.memory_space<vmem>>, vector<1x16xf32>,
        %swap3A_541 = vector.shape_cast %swap3A_540 : vector<1x16xf32> to vector<16xf32>
        %swap3A_542 = vector.shape_cast %get3A_44 : vector<16xf32> to vector<1x16xf32>
        tpu.vector_store %arg7[%swap3A_538, %swap3A_539], %swap3A_542 {add = true, strides = array<i32>} : memref<64x128xf32, #tpu.memory_space<vmem>>, vector<1x16xf32>,
        %swap3A_543 = arith.constant 30 : i32
        %swap3A_544 = arith.index_cast %swap3A_543 : i32 to index
        %swap3A_545 = arith.constant 64 : index
        %swap3A_546 = tpu.vector_load %arg7[%swap3A_544, %swap3A_545] {strides = array<i32>} : memref<64x128xf32, #tpu.memory_space<vmem>>, vector<1x16xf32>,
        %swap3A_547 = vector.shape_cast %swap3A_546 : vector<1x16xf32> to vector<16xf32>
        %swap3A_548 = vector.shape_cast %get3A_48 : vector<16xf32> to vector<1x16xf32>
        tpu.vector_store %arg7[%swap3A_544, %swap3A_545], %swap3A_548 {add = true, strides = array<i32>} : memref<64x128xf32, #tpu.memory_space<vmem>>, vector<1x16xf32>,
        %swap3A_549 = arith.constant 30 : i32
        %swap3A_550 = arith.index_cast %swap3A_549 : i32 to index
        %swap3A_551 = arith.constant 80 : index
        %swap3A_552 = tpu.vector_load %arg7[%swap3A_550, %swap3A_551] {strides = array<i32>} : memref<64x128xf32, #tpu.memory_space<vmem>>, vector<1x16xf32>,
        %swap3A_553 = vector.shape_cast %swap3A_552 : vector<1x16xf32> to vector<16xf32>
        %swap3A_554 = vector.shape_cast %get3A_52 : vector<16xf32> to vector<1x16xf32>
        tpu.vector_store %arg7[%swap3A_550, %swap3A_551], %swap3A_554 {add = true, strides = array<i32>} : memref<64x128xf32, #tpu.memory_space<vmem>>, vector<1x16xf32>,
        %swap3A_555 = arith.constant 30 : i32
        %swap3A_556 = arith.index_cast %swap3A_555 : i32 to index
        %swap3A_557 = arith.constant 96 : index
        %swap3A_558 = tpu.vector_load %arg7[%swap3A_556, %swap3A_557] {strides = array<i32>} : memref<64x128xf32, #tpu.memory_space<vmem>>, vector<1x16xf32>,
        %swap3A_559 = vector.shape_cast %swap3A_558 : vector<1x16xf32> to vector<16xf32>
        %swap3A_560 = vector.shape_cast %get3A_56 : vector<16xf32> to vector<1x16xf32>
        tpu.vector_store %arg7[%swap3A_556, %swap3A_557], %swap3A_560 {add = true, strides = array<i32>} : memref<64x128xf32, #tpu.memory_space<vmem>>, vector<1x16xf32>,
        %swap3A_561 = arith.constant 30 : i32
        %swap3A_562 = arith.index_cast %swap3A_561 : i32 to index
        %swap3A_563 = arith.constant 112 : index
        %swap3A_564 = tpu.vector_load %arg7[%swap3A_562, %swap3A_563] {strides = array<i32>} : memref<64x128xf32, #tpu.memory_space<vmem>>, vector<1x16xf32>,
        %swap3A_565 = vector.shape_cast %swap3A_564 : vector<1x16xf32> to vector<16xf32>
        %swap3A_566 = vector.shape_cast %get3A_60 : vector<16xf32> to vector<1x16xf32>
        tpu.vector_store %arg7[%swap3A_562, %swap3A_563], %swap3A_566 {add = true, strides = array<i32>} : memref<64x128xf32, #tpu.memory_space<vmem>>, vector<1x16xf32>,
      } else {
      }
      %slice3A_281 = vector.extract_strided_slice %get3A_175 {offsets = [15], sizes = [1], strides = [1]} : vector<16xf32> to vector<1xf32>
      %squeeze3A_282 = vector.extract %slice3A_281[0] : f32 from vector<1xf32>
      %ne3A_283 = arith.constant 0.000000e+00 : f32
      %ne3A_284 = arith.cmpf one, %squeeze3A_282, %ne3A_283 : f32
      %convert_element_type3A_285 = arith.extui %ne3A_284 : i1 to i32
      %cond3A_286 = arith.constant 0 : i32
      %cond3A_287 = arith.cmpi ne, %convert_element_type3A_285, %cond3A_286 : i32
      scf.if %cond3A_287 {
        %swap3A = arith.constant 31 : i32
        %swap3A_520 = arith.index_cast %swap3A : i32 to index
        %swap3A_521 = arith.constant 0 : index
        %swap3A_522 = tpu.vector_load %arg7[%swap3A_520, %swap3A_521] {strides = array<i32>} : memref<64x128xf32, #tpu.memory_space<vmem>>, vector<1x16xf32>,
        %swap3A_523 = vector.shape_cast %swap3A_522 : vector<1x16xf32> to vector<16xf32>
        %swap3A_524 = vector.shape_cast %get3A_32 : vector<16xf32> to vector<1x16xf32>
        tpu.vector_store %arg7[%swap3A_520, %swap3A_521], %swap3A_524 {add = true, strides = array<i32>} : memref<64x128xf32, #tpu.memory_space<vmem>>, vector<1x16xf32>,
        %swap3A_525 = arith.constant 31 : i32
        %swap3A_526 = arith.index_cast %swap3A_525 : i32 to index
        %swap3A_527 = arith.constant 16 : index
        %swap3A_528 = tpu.vector_load %arg7[%swap3A_526, %swap3A_527] {strides = array<i32>} : memref<64x128xf32, #tpu.memory_space<vmem>>, vector<1x16xf32>,
        %swap3A_529 = vector.shape_cast %swap3A_528 : vector<1x16xf32> to vector<16xf32>
        %swap3A_530 = vector.shape_cast %get3A_36 : vector<16xf32> to vector<1x16xf32>
        tpu.vector_store %arg7[%swap3A_526, %swap3A_527], %swap3A_530 {add = true, strides = array<i32>} : memref<64x128xf32, #tpu.memory_space<vmem>>, vector<1x16xf32>,
        %swap3A_531 = arith.constant 31 : i32
        %swap3A_532 = arith.index_cast %swap3A_531 : i32 to index
        %swap3A_533 = arith.constant 32 : index
        %swap3A_534 = tpu.vector_load %arg7[%swap3A_532, %swap3A_533] {strides = array<i32>} : memref<64x128xf32, #tpu.memory_space<vmem>>, vector<1x16xf32>,
        %swap3A_535 = vector.shape_cast %swap3A_534 : vector<1x16xf32> to vector<16xf32>
        %swap3A_536 = vector.shape_cast %get3A_40 : vector<16xf32> to vector<1x16xf32>
        tpu.vector_store %arg7[%swap3A_532, %swap3A_533], %swap3A_536 {add = true, strides = array<i32>} : memref<64x128xf32, #tpu.memory_space<vmem>>, vector<1x16xf32>,
        %swap3A_537 = arith.constant 31 : i32
        %swap3A_538 = arith.index_cast %swap3A_537 : i32 to index
        %swap3A_539 = arith.constant 48 : index
        %swap3A_540 = tpu.vector_load %arg7[%swap3A_538, %swap3A_539] {strides = array<i32>} : memref<64x128xf32, #tpu.memory_space<vmem>>, vector<1x16xf32>,
        %swap3A_541 = vector.shape_cast %swap3A_540 : vector<1x16xf32> to vector<16xf32>
        %swap3A_542 = vector.shape_cast %get3A_44 : vector<16xf32> to vector<1x16xf32>
        tpu.vector_store %arg7[%swap3A_538, %swap3A_539], %swap3A_542 {add = true, strides = array<i32>} : memref<64x128xf32, #tpu.memory_space<vmem>>, vector<1x16xf32>,
        %swap3A_543 = arith.constant 31 : i32
        %swap3A_544 = arith.index_cast %swap3A_543 : i32 to index
        %swap3A_545 = arith.constant 64 : index
        %swap3A_546 = tpu.vector_load %arg7[%swap3A_544, %swap3A_545] {strides = array<i32>} : memref<64x128xf32, #tpu.memory_space<vmem>>, vector<1x16xf32>,
        %swap3A_547 = vector.shape_cast %swap3A_546 : vector<1x16xf32> to vector<16xf32>
        %swap3A_548 = vector.shape_cast %get3A_48 : vector<16xf32> to vector<1x16xf32>
        tpu.vector_store %arg7[%swap3A_544, %swap3A_545], %swap3A_548 {add = true, strides = array<i32>} : memref<64x128xf32, #tpu.memory_space<vmem>>, vector<1x16xf32>,
        %swap3A_549 = arith.constant 31 : i32
        %swap3A_550 = arith.index_cast %swap3A_549 : i32 to index
        %swap3A_551 = arith.constant 80 : index
        %swap3A_552 = tpu.vector_load %arg7[%swap3A_550, %swap3A_551] {strides = array<i32>} : memref<64x128xf32, #tpu.memory_space<vmem>>, vector<1x16xf32>,
        %swap3A_553 = vector.shape_cast %swap3A_552 : vector<1x16xf32> to vector<16xf32>
        %swap3A_554 = vector.shape_cast %get3A_52 : vector<16xf32> to vector<1x16xf32>
        tpu.vector_store %arg7[%swap3A_550, %swap3A_551], %swap3A_554 {add = true, strides = array<i32>} : memref<64x128xf32, #tpu.memory_space<vmem>>, vector<1x16xf32>,
        %swap3A_555 = arith.constant 31 : i32
        %swap3A_556 = arith.index_cast %swap3A_555 : i32 to index
        %swap3A_557 = arith.constant 96 : index
        %swap3A_558 = tpu.vector_load %arg7[%swap3A_556, %swap3A_557] {strides = array<i32>} : memref<64x128xf32, #tpu.memory_space<vmem>>, vector<1x16xf32>,
        %swap3A_559 = vector.shape_cast %swap3A_558 : vector<1x16xf32> to vector<16xf32>
        %swap3A_560 = vector.shape_cast %get3A_56 : vector<16xf32> to vector<1x16xf32>
        tpu.vector_store %arg7[%swap3A_556, %swap3A_557], %swap3A_560 {add = true, strides = array<i32>} : memref<64x128xf32, #tpu.memory_space<vmem>>, vector<1x16xf32>,
        %swap3A_561 = arith.constant 31 : i32
        %swap3A_562 = arith.index_cast %swap3A_561 : i32 to index
        %swap3A_563 = arith.constant 112 : index
        %swap3A_564 = tpu.vector_load %arg7[%swap3A_562, %swap3A_563] {strides = array<i32>} : memref<64x128xf32, #tpu.memory_space<vmem>>, vector<1x16xf32>,
        %swap3A_565 = vector.shape_cast %swap3A_564 : vector<1x16xf32> to vector<16xf32>
        %swap3A_566 = vector.shape_cast %get3A_60 : vector<16xf32> to vector<1x16xf32>
        tpu.vector_store %arg7[%swap3A_562, %swap3A_563], %swap3A_566 {add = true, strides = array<i32>} : memref<64x128xf32, #tpu.memory_space<vmem>>, vector<1x16xf32>,
      } else {
      }
      %get3A_288 = arith.index_cast %scan3A_29 : i32 to index
      %get3A_289 = arith.constant 32 : index
      %get3A_290 = tpu.vector_load %arg6[%get3A_288, %get3A_289] {strides = array<i32>} : memref<64x64xf32, #tpu.memory_space<vmem>>, vector<1x16xf32>,
      %get3A_291 = vector.shape_cast %get3A_290 : vector<1x16xf32> to vector<16xf32>
      %slice3A_292 = vector.extract_strided_slice %get3A_291 {offsets = [0], sizes = [1], strides = [1]} : vector<16xf32> to vector<1xf32>
      %squeeze3A_293 = vector.extract %slice3A_292[0] : f32 from vector<1xf32>
      %ne3A_294 = arith.constant 0.000000e+00 : f32
      %ne3A_295 = arith.cmpf one, %squeeze3A_293, %ne3A_294 : f32
      %convert_element_type3A_296 = arith.extui %ne3A_295 : i1 to i32
      %cond3A_297 = arith.constant 0 : i32
      %cond3A_298 = arith.cmpi ne, %convert_element_type3A_296, %cond3A_297 : i32
      scf.if %cond3A_298 {
        %swap3A = arith.constant 32 : i32
        %swap3A_520 = arith.index_cast %swap3A : i32 to index
        %swap3A_521 = arith.constant 0 : index
        %swap3A_522 = tpu.vector_load %arg7[%swap3A_520, %swap3A_521] {strides = array<i32>} : memref<64x128xf32, #tpu.memory_space<vmem>>, vector<1x16xf32>,
        %swap3A_523 = vector.shape_cast %swap3A_522 : vector<1x16xf32> to vector<16xf32>
        %swap3A_524 = vector.shape_cast %get3A_32 : vector<16xf32> to vector<1x16xf32>
        tpu.vector_store %arg7[%swap3A_520, %swap3A_521], %swap3A_524 {add = true, strides = array<i32>} : memref<64x128xf32, #tpu.memory_space<vmem>>, vector<1x16xf32>,
        %swap3A_525 = arith.constant 32 : i32
        %swap3A_526 = arith.index_cast %swap3A_525 : i32 to index
        %swap3A_527 = arith.constant 16 : index
        %swap3A_528 = tpu.vector_load %arg7[%swap3A_526, %swap3A_527] {strides = array<i32>} : memref<64x128xf32, #tpu.memory_space<vmem>>, vector<1x16xf32>,
        %swap3A_529 = vector.shape_cast %swap3A_528 : vector<1x16xf32> to vector<16xf32>
        %swap3A_530 = vector.shape_cast %get3A_36 : vector<16xf32> to vector<1x16xf32>
        tpu.vector_store %arg7[%swap3A_526, %swap3A_527], %swap3A_530 {add = true, strides = array<i32>} : memref<64x128xf32, #tpu.memory_space<vmem>>, vector<1x16xf32>,
        %swap3A_531 = arith.constant 32 : i32
        %swap3A_532 = arith.index_cast %swap3A_531 : i32 to index
        %swap3A_533 = arith.constant 32 : index
        %swap3A_534 = tpu.vector_load %arg7[%swap3A_532, %swap3A_533] {strides = array<i32>} : memref<64x128xf32, #tpu.memory_space<vmem>>, vector<1x16xf32>,
        %swap3A_535 = vector.shape_cast %swap3A_534 : vector<1x16xf32> to vector<16xf32>
        %swap3A_536 = vector.shape_cast %get3A_40 : vector<16xf32> to vector<1x16xf32>
        tpu.vector_store %arg7[%swap3A_532, %swap3A_533], %swap3A_536 {add = true, strides = array<i32>} : memref<64x128xf32, #tpu.memory_space<vmem>>, vector<1x16xf32>,
        %swap3A_537 = arith.constant 32 : i32
        %swap3A_538 = arith.index_cast %swap3A_537 : i32 to index
        %swap3A_539 = arith.constant 48 : index
        %swap3A_540 = tpu.vector_load %arg7[%swap3A_538, %swap3A_539] {strides = array<i32>} : memref<64x128xf32, #tpu.memory_space<vmem>>, vector<1x16xf32>,
        %swap3A_541 = vector.shape_cast %swap3A_540 : vector<1x16xf32> to vector<16xf32>
        %swap3A_542 = vector.shape_cast %get3A_44 : vector<16xf32> to vector<1x16xf32>
        tpu.vector_store %arg7[%swap3A_538, %swap3A_539], %swap3A_542 {add = true, strides = array<i32>} : memref<64x128xf32, #tpu.memory_space<vmem>>, vector<1x16xf32>,
        %swap3A_543 = arith.constant 32 : i32
        %swap3A_544 = arith.index_cast %swap3A_543 : i32 to index
        %swap3A_545 = arith.constant 64 : index
        %swap3A_546 = tpu.vector_load %arg7[%swap3A_544, %swap3A_545] {strides = array<i32>} : memref<64x128xf32, #tpu.memory_space<vmem>>, vector<1x16xf32>,
        %swap3A_547 = vector.shape_cast %swap3A_546 : vector<1x16xf32> to vector<16xf32>
        %swap3A_548 = vector.shape_cast %get3A_48 : vector<16xf32> to vector<1x16xf32>
        tpu.vector_store %arg7[%swap3A_544, %swap3A_545], %swap3A_548 {add = true, strides = array<i32>} : memref<64x128xf32, #tpu.memory_space<vmem>>, vector<1x16xf32>,
        %swap3A_549 = arith.constant 32 : i32
        %swap3A_550 = arith.index_cast %swap3A_549 : i32 to index
        %swap3A_551 = arith.constant 80 : index
        %swap3A_552 = tpu.vector_load %arg7[%swap3A_550, %swap3A_551] {strides = array<i32>} : memref<64x128xf32, #tpu.memory_space<vmem>>, vector<1x16xf32>,
        %swap3A_553 = vector.shape_cast %swap3A_552 : vector<1x16xf32> to vector<16xf32>
        %swap3A_554 = vector.shape_cast %get3A_52 : vector<16xf32> to vector<1x16xf32>
        tpu.vector_store %arg7[%swap3A_550, %swap3A_551], %swap3A_554 {add = true, strides = array<i32>} : memref<64x128xf32, #tpu.memory_space<vmem>>, vector<1x16xf32>,
        %swap3A_555 = arith.constant 32 : i32
        %swap3A_556 = arith.index_cast %swap3A_555 : i32 to index
        %swap3A_557 = arith.constant 96 : index
        %swap3A_558 = tpu.vector_load %arg7[%swap3A_556, %swap3A_557] {strides = array<i32>} : memref<64x128xf32, #tpu.memory_space<vmem>>, vector<1x16xf32>,
        %swap3A_559 = vector.shape_cast %swap3A_558 : vector<1x16xf32> to vector<16xf32>
        %swap3A_560 = vector.shape_cast %get3A_56 : vector<16xf32> to vector<1x16xf32>
        tpu.vector_store %arg7[%swap3A_556, %swap3A_557], %swap3A_560 {add = true, strides = array<i32>} : memref<64x128xf32, #tpu.memory_space<vmem>>, vector<1x16xf32>,
        %swap3A_561 = arith.constant 32 : i32
        %swap3A_562 = arith.index_cast %swap3A_561 : i32 to index
        %swap3A_563 = arith.constant 112 : index
        %swap3A_564 = tpu.vector_load %arg7[%swap3A_562, %swap3A_563] {strides = array<i32>} : memref<64x128xf32, #tpu.memory_space<vmem>>, vector<1x16xf32>,
        %swap3A_565 = vector.shape_cast %swap3A_564 : vector<1x16xf32> to vector<16xf32>
        %swap3A_566 = vector.shape_cast %get3A_60 : vector<16xf32> to vector<1x16xf32>
        tpu.vector_store %arg7[%swap3A_562, %swap3A_563], %swap3A_566 {add = true, strides = array<i32>} : memref<64x128xf32, #tpu.memory_space<vmem>>, vector<1x16xf32>,
      } else {
      }
      %slice3A_299 = vector.extract_strided_slice %get3A_291 {offsets = [1], sizes = [1], strides = [1]} : vector<16xf32> to vector<1xf32>
      %squeeze3A_300 = vector.extract %slice3A_299[0] : f32 from vector<1xf32>
      %ne3A_301 = arith.constant 0.000000e+00 : f32
      %ne3A_302 = arith.cmpf one, %squeeze3A_300, %ne3A_301 : f32
      %convert_element_type3A_303 = arith.extui %ne3A_302 : i1 to i32
      %cond3A_304 = arith.constant 0 : i32
      %cond3A_305 = arith.cmpi ne, %convert_element_type3A_303, %cond3A_304 : i32
      scf.if %cond3A_305 {
        %swap3A = arith.constant 33 : i32
        %swap3A_520 = arith.index_cast %swap3A : i32 to index
        %swap3A_521 = arith.constant 0 : index
        %swap3A_522 = tpu.vector_load %arg7[%swap3A_520, %swap3A_521] {strides = array<i32>} : memref<64x128xf32, #tpu.memory_space<vmem>>, vector<1x16xf32>,
        %swap3A_523 = vector.shape_cast %swap3A_522 : vector<1x16xf32> to vector<16xf32>
        %swap3A_524 = vector.shape_cast %get3A_32 : vector<16xf32> to vector<1x16xf32>
        tpu.vector_store %arg7[%swap3A_520, %swap3A_521], %swap3A_524 {add = true, strides = array<i32>} : memref<64x128xf32, #tpu.memory_space<vmem>>, vector<1x16xf32>,
        %swap3A_525 = arith.constant 33 : i32
        %swap3A_526 = arith.index_cast %swap3A_525 : i32 to index
        %swap3A_527 = arith.constant 16 : index
        %swap3A_528 = tpu.vector_load %arg7[%swap3A_526, %swap3A_527] {strides = array<i32>} : memref<64x128xf32, #tpu.memory_space<vmem>>, vector<1x16xf32>,
        %swap3A_529 = vector.shape_cast %swap3A_528 : vector<1x16xf32> to vector<16xf32>
        %swap3A_530 = vector.shape_cast %get3A_36 : vector<16xf32> to vector<1x16xf32>
        tpu.vector_store %arg7[%swap3A_526, %swap3A_527], %swap3A_530 {add = true, strides = array<i32>} : memref<64x128xf32, #tpu.memory_space<vmem>>, vector<1x16xf32>,
        %swap3A_531 = arith.constant 33 : i32
        %swap3A_532 = arith.index_cast %swap3A_531 : i32 to index
        %swap3A_533 = arith.constant 32 : index
        %swap3A_534 = tpu.vector_load %arg7[%swap3A_532, %swap3A_533] {strides = array<i32>} : memref<64x128xf32, #tpu.memory_space<vmem>>, vector<1x16xf32>,
        %swap3A_535 = vector.shape_cast %swap3A_534 : vector<1x16xf32> to vector<16xf32>
        %swap3A_536 = vector.shape_cast %get3A_40 : vector<16xf32> to vector<1x16xf32>
        tpu.vector_store %arg7[%swap3A_532, %swap3A_533], %swap3A_536 {add = true, strides = array<i32>} : memref<64x128xf32, #tpu.memory_space<vmem>>, vector<1x16xf32>,
        %swap3A_537 = arith.constant 33 : i32
        %swap3A_538 = arith.index_cast %swap3A_537 : i32 to index
        %swap3A_539 = arith.constant 48 : index
        %swap3A_540 = tpu.vector_load %arg7[%swap3A_538, %swap3A_539] {strides = array<i32>} : memref<64x128xf32, #tpu.memory_space<vmem>>, vector<1x16xf32>,
        %swap3A_541 = vector.shape_cast %swap3A_540 : vector<1x16xf32> to vector<16xf32>
        %swap3A_542 = vector.shape_cast %get3A_44 : vector<16xf32> to vector<1x16xf32>
        tpu.vector_store %arg7[%swap3A_538, %swap3A_539], %swap3A_542 {add = true, strides = array<i32>} : memref<64x128xf32, #tpu.memory_space<vmem>>, vector<1x16xf32>,
        %swap3A_543 = arith.constant 33 : i32
        %swap3A_544 = arith.index_cast %swap3A_543 : i32 to index
        %swap3A_545 = arith.constant 64 : index
        %swap3A_546 = tpu.vector_load %arg7[%swap3A_544, %swap3A_545] {strides = array<i32>} : memref<64x128xf32, #tpu.memory_space<vmem>>, vector<1x16xf32>,
        %swap3A_547 = vector.shape_cast %swap3A_546 : vector<1x16xf32> to vector<16xf32>
        %swap3A_548 = vector.shape_cast %get3A_48 : vector<16xf32> to vector<1x16xf32>
        tpu.vector_store %arg7[%swap3A_544, %swap3A_545], %swap3A_548 {add = true, strides = array<i32>} : memref<64x128xf32, #tpu.memory_space<vmem>>, vector<1x16xf32>,
        %swap3A_549 = arith.constant 33 : i32
        %swap3A_550 = arith.index_cast %swap3A_549 : i32 to index
        %swap3A_551 = arith.constant 80 : index
        %swap3A_552 = tpu.vector_load %arg7[%swap3A_550, %swap3A_551] {strides = array<i32>} : memref<64x128xf32, #tpu.memory_space<vmem>>, vector<1x16xf32>,
        %swap3A_553 = vector.shape_cast %swap3A_552 : vector<1x16xf32> to vector<16xf32>
        %swap3A_554 = vector.shape_cast %get3A_52 : vector<16xf32> to vector<1x16xf32>
        tpu.vector_store %arg7[%swap3A_550, %swap3A_551], %swap3A_554 {add = true, strides = array<i32>} : memref<64x128xf32, #tpu.memory_space<vmem>>, vector<1x16xf32>,
        %swap3A_555 = arith.constant 33 : i32
        %swap3A_556 = arith.index_cast %swap3A_555 : i32 to index
        %swap3A_557 = arith.constant 96 : index
        %swap3A_558 = tpu.vector_load %arg7[%swap3A_556, %swap3A_557] {strides = array<i32>} : memref<64x128xf32, #tpu.memory_space<vmem>>, vector<1x16xf32>,
        %swap3A_559 = vector.shape_cast %swap3A_558 : vector<1x16xf32> to vector<16xf32>
        %swap3A_560 = vector.shape_cast %get3A_56 : vector<16xf32> to vector<1x16xf32>
        tpu.vector_store %arg7[%swap3A_556, %swap3A_557], %swap3A_560 {add = true, strides = array<i32>} : memref<64x128xf32, #tpu.memory_space<vmem>>, vector<1x16xf32>,
        %swap3A_561 = arith.constant 33 : i32
        %swap3A_562 = arith.index_cast %swap3A_561 : i32 to index
        %swap3A_563 = arith.constant 112 : index
        %swap3A_564 = tpu.vector_load %arg7[%swap3A_562, %swap3A_563] {strides = array<i32>} : memref<64x128xf32, #tpu.memory_space<vmem>>, vector<1x16xf32>,
        %swap3A_565 = vector.shape_cast %swap3A_564 : vector<1x16xf32> to vector<16xf32>
        %swap3A_566 = vector.shape_cast %get3A_60 : vector<16xf32> to vector<1x16xf32>
        tpu.vector_store %arg7[%swap3A_562, %swap3A_563], %swap3A_566 {add = true, strides = array<i32>} : memref<64x128xf32, #tpu.memory_space<vmem>>, vector<1x16xf32>,
      } else {
      }
      %slice3A_306 = vector.extract_strided_slice %get3A_291 {offsets = [2], sizes = [1], strides = [1]} : vector<16xf32> to vector<1xf32>
      %squeeze3A_307 = vector.extract %slice3A_306[0] : f32 from vector<1xf32>
      %ne3A_308 = arith.constant 0.000000e+00 : f32
      %ne3A_309 = arith.cmpf one, %squeeze3A_307, %ne3A_308 : f32
      %convert_element_type3A_310 = arith.extui %ne3A_309 : i1 to i32
      %cond3A_311 = arith.constant 0 : i32
      %cond3A_312 = arith.cmpi ne, %convert_element_type3A_310, %cond3A_311 : i32
      scf.if %cond3A_312 {
        %swap3A = arith.constant 34 : i32
        %swap3A_520 = arith.index_cast %swap3A : i32 to index
        %swap3A_521 = arith.constant 0 : index
        %swap3A_522 = tpu.vector_load %arg7[%swap3A_520, %swap3A_521] {strides = array<i32>} : memref<64x128xf32, #tpu.memory_space<vmem>>, vector<1x16xf32>,
        %swap3A_523 = vector.shape_cast %swap3A_522 : vector<1x16xf32> to vector<16xf32>
        %swap3A_524 = vector.shape_cast %get3A_32 : vector<16xf32> to vector<1x16xf32>
        tpu.vector_store %arg7[%swap3A_520, %swap3A_521], %swap3A_524 {add = true, strides = array<i32>} : memref<64x128xf32, #tpu.memory_space<vmem>>, vector<1x16xf32>,
        %swap3A_525 = arith.constant 34 : i32
        %swap3A_526 = arith.index_cast %swap3A_525 : i32 to index
        %swap3A_527 = arith.constant 16 : index
        %swap3A_528 = tpu.vector_load %arg7[%swap3A_526, %swap3A_527] {strides = array<i32>} : memref<64x128xf32, #tpu.memory_space<vmem>>, vector<1x16xf32>,
        %swap3A_529 = vector.shape_cast %swap3A_528 : vector<1x16xf32> to vector<16xf32>
        %swap3A_530 = vector.shape_cast %get3A_36 : vector<16xf32> to vector<1x16xf32>
        tpu.vector_store %arg7[%swap3A_526, %swap3A_527], %swap3A_530 {add = true, strides = array<i32>} : memref<64x128xf32, #tpu.memory_space<vmem>>, vector<1x16xf32>,
        %swap3A_531 = arith.constant 34 : i32
        %swap3A_532 = arith.index_cast %swap3A_531 : i32 to index
        %swap3A_533 = arith.constant 32 : index
        %swap3A_534 = tpu.vector_load %arg7[%swap3A_532, %swap3A_533] {strides = array<i32>} : memref<64x128xf32, #tpu.memory_space<vmem>>, vector<1x16xf32>,
        %swap3A_535 = vector.shape_cast %swap3A_534 : vector<1x16xf32> to vector<16xf32>
        %swap3A_536 = vector.shape_cast %get3A_40 : vector<16xf32> to vector<1x16xf32>
        tpu.vector_store %arg7[%swap3A_532, %swap3A_533], %swap3A_536 {add = true, strides = array<i32>} : memref<64x128xf32, #tpu.memory_space<vmem>>, vector<1x16xf32>,
        %swap3A_537 = arith.constant 34 : i32
        %swap3A_538 = arith.index_cast %swap3A_537 : i32 to index
        %swap3A_539 = arith.constant 48 : index
        %swap3A_540 = tpu.vector_load %arg7[%swap3A_538, %swap3A_539] {strides = array<i32>} : memref<64x128xf32, #tpu.memory_space<vmem>>, vector<1x16xf32>,
        %swap3A_541 = vector.shape_cast %swap3A_540 : vector<1x16xf32> to vector<16xf32>
        %swap3A_542 = vector.shape_cast %get3A_44 : vector<16xf32> to vector<1x16xf32>
        tpu.vector_store %arg7[%swap3A_538, %swap3A_539], %swap3A_542 {add = true, strides = array<i32>} : memref<64x128xf32, #tpu.memory_space<vmem>>, vector<1x16xf32>,
        %swap3A_543 = arith.constant 34 : i32
        %swap3A_544 = arith.index_cast %swap3A_543 : i32 to index
        %swap3A_545 = arith.constant 64 : index
        %swap3A_546 = tpu.vector_load %arg7[%swap3A_544, %swap3A_545] {strides = array<i32>} : memref<64x128xf32, #tpu.memory_space<vmem>>, vector<1x16xf32>,
        %swap3A_547 = vector.shape_cast %swap3A_546 : vector<1x16xf32> to vector<16xf32>
        %swap3A_548 = vector.shape_cast %get3A_48 : vector<16xf32> to vector<1x16xf32>
        tpu.vector_store %arg7[%swap3A_544, %swap3A_545], %swap3A_548 {add = true, strides = array<i32>} : memref<64x128xf32, #tpu.memory_space<vmem>>, vector<1x16xf32>,
        %swap3A_549 = arith.constant 34 : i32
        %swap3A_550 = arith.index_cast %swap3A_549 : i32 to index
        %swap3A_551 = arith.constant 80 : index
        %swap3A_552 = tpu.vector_load %arg7[%swap3A_550, %swap3A_551] {strides = array<i32>} : memref<64x128xf32, #tpu.memory_space<vmem>>, vector<1x16xf32>,
        %swap3A_553 = vector.shape_cast %swap3A_552 : vector<1x16xf32> to vector<16xf32>
        %swap3A_554 = vector.shape_cast %get3A_52 : vector<16xf32> to vector<1x16xf32>
        tpu.vector_store %arg7[%swap3A_550, %swap3A_551], %swap3A_554 {add = true, strides = array<i32>} : memref<64x128xf32, #tpu.memory_space<vmem>>, vector<1x16xf32>,
        %swap3A_555 = arith.constant 34 : i32
        %swap3A_556 = arith.index_cast %swap3A_555 : i32 to index
        %swap3A_557 = arith.constant 96 : index
        %swap3A_558 = tpu.vector_load %arg7[%swap3A_556, %swap3A_557] {strides = array<i32>} : memref<64x128xf32, #tpu.memory_space<vmem>>, vector<1x16xf32>,
        %swap3A_559 = vector.shape_cast %swap3A_558 : vector<1x16xf32> to vector<16xf32>
        %swap3A_560 = vector.shape_cast %get3A_56 : vector<16xf32> to vector<1x16xf32>
        tpu.vector_store %arg7[%swap3A_556, %swap3A_557], %swap3A_560 {add = true, strides = array<i32>} : memref<64x128xf32, #tpu.memory_space<vmem>>, vector<1x16xf32>,
        %swap3A_561 = arith.constant 34 : i32
        %swap3A_562 = arith.index_cast %swap3A_561 : i32 to index
        %swap3A_563 = arith.constant 112 : index
        %swap3A_564 = tpu.vector_load %arg7[%swap3A_562, %swap3A_563] {strides = array<i32>} : memref<64x128xf32, #tpu.memory_space<vmem>>, vector<1x16xf32>,
        %swap3A_565 = vector.shape_cast %swap3A_564 : vector<1x16xf32> to vector<16xf32>
        %swap3A_566 = vector.shape_cast %get3A_60 : vector<16xf32> to vector<1x16xf32>
        tpu.vector_store %arg7[%swap3A_562, %swap3A_563], %swap3A_566 {add = true, strides = array<i32>} : memref<64x128xf32, #tpu.memory_space<vmem>>, vector<1x16xf32>,
      } else {
      }
      %slice3A_313 = vector.extract_strided_slice %get3A_291 {offsets = [3], sizes = [1], strides = [1]} : vector<16xf32> to vector<1xf32>
      %squeeze3A_314 = vector.extract %slice3A_313[0] : f32 from vector<1xf32>
      %ne3A_315 = arith.constant 0.000000e+00 : f32
      %ne3A_316 = arith.cmpf one, %squeeze3A_314, %ne3A_315 : f32
      %convert_element_type3A_317 = arith.extui %ne3A_316 : i1 to i32
      %cond3A_318 = arith.constant 0 : i32
      %cond3A_319 = arith.cmpi ne, %convert_element_type3A_317, %cond3A_318 : i32
      scf.if %cond3A_319 {
        %swap3A = arith.constant 35 : i32
        %swap3A_520 = arith.index_cast %swap3A : i32 to index
        %swap3A_521 = arith.constant 0 : index
        %swap3A_522 = tpu.vector_load %arg7[%swap3A_520, %swap3A_521] {strides = array<i32>} : memref<64x128xf32, #tpu.memory_space<vmem>>, vector<1x16xf32>,
        %swap3A_523 = vector.shape_cast %swap3A_522 : vector<1x16xf32> to vector<16xf32>
        %swap3A_524 = vector.shape_cast %get3A_32 : vector<16xf32> to vector<1x16xf32>
        tpu.vector_store %arg7[%swap3A_520, %swap3A_521], %swap3A_524 {add = true, strides = array<i32>} : memref<64x128xf32, #tpu.memory_space<vmem>>, vector<1x16xf32>,
        %swap3A_525 = arith.constant 35 : i32
        %swap3A_526 = arith.index_cast %swap3A_525 : i32 to index
        %swap3A_527 = arith.constant 16 : index
        %swap3A_528 = tpu.vector_load %arg7[%swap3A_526, %swap3A_527] {strides = array<i32>} : memref<64x128xf32, #tpu.memory_space<vmem>>, vector<1x16xf32>,
        %swap3A_529 = vector.shape_cast %swap3A_528 : vector<1x16xf32> to vector<16xf32>
        %swap3A_530 = vector.shape_cast %get3A_36 : vector<16xf32> to vector<1x16xf32>
        tpu.vector_store %arg7[%swap3A_526, %swap3A_527], %swap3A_530 {add = true, strides = array<i32>} : memref<64x128xf32, #tpu.memory_space<vmem>>, vector<1x16xf32>,
        %swap3A_531 = arith.constant 35 : i32
        %swap3A_532 = arith.index_cast %swap3A_531 : i32 to index
        %swap3A_533 = arith.constant 32 : index
        %swap3A_534 = tpu.vector_load %arg7[%swap3A_532, %swap3A_533] {strides = array<i32>} : memref<64x128xf32, #tpu.memory_space<vmem>>, vector<1x16xf32>,
        %swap3A_535 = vector.shape_cast %swap3A_534 : vector<1x16xf32> to vector<16xf32>
        %swap3A_536 = vector.shape_cast %get3A_40 : vector<16xf32> to vector<1x16xf32>
        tpu.vector_store %arg7[%swap3A_532, %swap3A_533], %swap3A_536 {add = true, strides = array<i32>} : memref<64x128xf32, #tpu.memory_space<vmem>>, vector<1x16xf32>,
        %swap3A_537 = arith.constant 35 : i32
        %swap3A_538 = arith.index_cast %swap3A_537 : i32 to index
        %swap3A_539 = arith.constant 48 : index
        %swap3A_540 = tpu.vector_load %arg7[%swap3A_538, %swap3A_539] {strides = array<i32>} : memref<64x128xf32, #tpu.memory_space<vmem>>, vector<1x16xf32>,
        %swap3A_541 = vector.shape_cast %swap3A_540 : vector<1x16xf32> to vector<16xf32>
        %swap3A_542 = vector.shape_cast %get3A_44 : vector<16xf32> to vector<1x16xf32>
        tpu.vector_store %arg7[%swap3A_538, %swap3A_539], %swap3A_542 {add = true, strides = array<i32>} : memref<64x128xf32, #tpu.memory_space<vmem>>, vector<1x16xf32>,
        %swap3A_543 = arith.constant 35 : i32
        %swap3A_544 = arith.index_cast %swap3A_543 : i32 to index
        %swap3A_545 = arith.constant 64 : index
        %swap3A_546 = tpu.vector_load %arg7[%swap3A_544, %swap3A_545] {strides = array<i32>} : memref<64x128xf32, #tpu.memory_space<vmem>>, vector<1x16xf32>,
        %swap3A_547 = vector.shape_cast %swap3A_546 : vector<1x16xf32> to vector<16xf32>
        %swap3A_548 = vector.shape_cast %get3A_48 : vector<16xf32> to vector<1x16xf32>
        tpu.vector_store %arg7[%swap3A_544, %swap3A_545], %swap3A_548 {add = true, strides = array<i32>} : memref<64x128xf32, #tpu.memory_space<vmem>>, vector<1x16xf32>,
        %swap3A_549 = arith.constant 35 : i32
        %swap3A_550 = arith.index_cast %swap3A_549 : i32 to index
        %swap3A_551 = arith.constant 80 : index
        %swap3A_552 = tpu.vector_load %arg7[%swap3A_550, %swap3A_551] {strides = array<i32>} : memref<64x128xf32, #tpu.memory_space<vmem>>, vector<1x16xf32>,
        %swap3A_553 = vector.shape_cast %swap3A_552 : vector<1x16xf32> to vector<16xf32>
        %swap3A_554 = vector.shape_cast %get3A_52 : vector<16xf32> to vector<1x16xf32>
        tpu.vector_store %arg7[%swap3A_550, %swap3A_551], %swap3A_554 {add = true, strides = array<i32>} : memref<64x128xf32, #tpu.memory_space<vmem>>, vector<1x16xf32>,
        %swap3A_555 = arith.constant 35 : i32
        %swap3A_556 = arith.index_cast %swap3A_555 : i32 to index
        %swap3A_557 = arith.constant 96 : index
        %swap3A_558 = tpu.vector_load %arg7[%swap3A_556, %swap3A_557] {strides = array<i32>} : memref<64x128xf32, #tpu.memory_space<vmem>>, vector<1x16xf32>,
        %swap3A_559 = vector.shape_cast %swap3A_558 : vector<1x16xf32> to vector<16xf32>
        %swap3A_560 = vector.shape_cast %get3A_56 : vector<16xf32> to vector<1x16xf32>
        tpu.vector_store %arg7[%swap3A_556, %swap3A_557], %swap3A_560 {add = true, strides = array<i32>} : memref<64x128xf32, #tpu.memory_space<vmem>>, vector<1x16xf32>,
        %swap3A_561 = arith.constant 35 : i32
        %swap3A_562 = arith.index_cast %swap3A_561 : i32 to index
        %swap3A_563 = arith.constant 112 : index
        %swap3A_564 = tpu.vector_load %arg7[%swap3A_562, %swap3A_563] {strides = array<i32>} : memref<64x128xf32, #tpu.memory_space<vmem>>, vector<1x16xf32>,
        %swap3A_565 = vector.shape_cast %swap3A_564 : vector<1x16xf32> to vector<16xf32>
        %swap3A_566 = vector.shape_cast %get3A_60 : vector<16xf32> to vector<1x16xf32>
        tpu.vector_store %arg7[%swap3A_562, %swap3A_563], %swap3A_566 {add = true, strides = array<i32>} : memref<64x128xf32, #tpu.memory_space<vmem>>, vector<1x16xf32>,
      } else {
      }
      %slice3A_320 = vector.extract_strided_slice %get3A_291 {offsets = [4], sizes = [1], strides = [1]} : vector<16xf32> to vector<1xf32>
      %squeeze3A_321 = vector.extract %slice3A_320[0] : f32 from vector<1xf32>
      %ne3A_322 = arith.constant 0.000000e+00 : f32
      %ne3A_323 = arith.cmpf one, %squeeze3A_321, %ne3A_322 : f32
      %convert_element_type3A_324 = arith.extui %ne3A_323 : i1 to i32
      %cond3A_325 = arith.constant 0 : i32
      %cond3A_326 = arith.cmpi ne, %convert_element_type3A_324, %cond3A_325 : i32
      scf.if %cond3A_326 {
        %swap3A = arith.constant 36 : i32
        %swap3A_520 = arith.index_cast %swap3A : i32 to index
        %swap3A_521 = arith.constant 0 : index
        %swap3A_522 = tpu.vector_load %arg7[%swap3A_520, %swap3A_521] {strides = array<i32>} : memref<64x128xf32, #tpu.memory_space<vmem>>, vector<1x16xf32>,
        %swap3A_523 = vector.shape_cast %swap3A_522 : vector<1x16xf32> to vector<16xf32>
        %swap3A_524 = vector.shape_cast %get3A_32 : vector<16xf32> to vector<1x16xf32>
        tpu.vector_store %arg7[%swap3A_520, %swap3A_521], %swap3A_524 {add = true, strides = array<i32>} : memref<64x128xf32, #tpu.memory_space<vmem>>, vector<1x16xf32>,
        %swap3A_525 = arith.constant 36 : i32
        %swap3A_526 = arith.index_cast %swap3A_525 : i32 to index
        %swap3A_527 = arith.constant 16 : index
        %swap3A_528 = tpu.vector_load %arg7[%swap3A_526, %swap3A_527] {strides = array<i32>} : memref<64x128xf32, #tpu.memory_space<vmem>>, vector<1x16xf32>,
        %swap3A_529 = vector.shape_cast %swap3A_528 : vector<1x16xf32> to vector<16xf32>
        %swap3A_530 = vector.shape_cast %get3A_36 : vector<16xf32> to vector<1x16xf32>
        tpu.vector_store %arg7[%swap3A_526, %swap3A_527], %swap3A_530 {add = true, strides = array<i32>} : memref<64x128xf32, #tpu.memory_space<vmem>>, vector<1x16xf32>,
        %swap3A_531 = arith.constant 36 : i32
        %swap3A_532 = arith.index_cast %swap3A_531 : i32 to index
        %swap3A_533 = arith.constant 32 : index
        %swap3A_534 = tpu.vector_load %arg7[%swap3A_532, %swap3A_533] {strides = array<i32>} : memref<64x128xf32, #tpu.memory_space<vmem>>, vector<1x16xf32>,
        %swap3A_535 = vector.shape_cast %swap3A_534 : vector<1x16xf32> to vector<16xf32>
        %swap3A_536 = vector.shape_cast %get3A_40 : vector<16xf32> to vector<1x16xf32>
        tpu.vector_store %arg7[%swap3A_532, %swap3A_533], %swap3A_536 {add = true, strides = array<i32>} : memref<64x128xf32, #tpu.memory_space<vmem>>, vector<1x16xf32>,
        %swap3A_537 = arith.constant 36 : i32
        %swap3A_538 = arith.index_cast %swap3A_537 : i32 to index
        %swap3A_539 = arith.constant 48 : index
        %swap3A_540 = tpu.vector_load %arg7[%swap3A_538, %swap3A_539] {strides = array<i32>} : memref<64x128xf32, #tpu.memory_space<vmem>>, vector<1x16xf32>,
        %swap3A_541 = vector.shape_cast %swap3A_540 : vector<1x16xf32> to vector<16xf32>
        %swap3A_542 = vector.shape_cast %get3A_44 : vector<16xf32> to vector<1x16xf32>
        tpu.vector_store %arg7[%swap3A_538, %swap3A_539], %swap3A_542 {add = true, strides = array<i32>} : memref<64x128xf32, #tpu.memory_space<vmem>>, vector<1x16xf32>,
        %swap3A_543 = arith.constant 36 : i32
        %swap3A_544 = arith.index_cast %swap3A_543 : i32 to index
        %swap3A_545 = arith.constant 64 : index
        %swap3A_546 = tpu.vector_load %arg7[%swap3A_544, %swap3A_545] {strides = array<i32>} : memref<64x128xf32, #tpu.memory_space<vmem>>, vector<1x16xf32>,
        %swap3A_547 = vector.shape_cast %swap3A_546 : vector<1x16xf32> to vector<16xf32>
        %swap3A_548 = vector.shape_cast %get3A_48 : vector<16xf32> to vector<1x16xf32>
        tpu.vector_store %arg7[%swap3A_544, %swap3A_545], %swap3A_548 {add = true, strides = array<i32>} : memref<64x128xf32, #tpu.memory_space<vmem>>, vector<1x16xf32>,
        %swap3A_549 = arith.constant 36 : i32
        %swap3A_550 = arith.index_cast %swap3A_549 : i32 to index
        %swap3A_551 = arith.constant 80 : index
        %swap3A_552 = tpu.vector_load %arg7[%swap3A_550, %swap3A_551] {strides = array<i32>} : memref<64x128xf32, #tpu.memory_space<vmem>>, vector<1x16xf32>,
        %swap3A_553 = vector.shape_cast %swap3A_552 : vector<1x16xf32> to vector<16xf32>
        %swap3A_554 = vector.shape_cast %get3A_52 : vector<16xf32> to vector<1x16xf32>
        tpu.vector_store %arg7[%swap3A_550, %swap3A_551], %swap3A_554 {add = true, strides = array<i32>} : memref<64x128xf32, #tpu.memory_space<vmem>>, vector<1x16xf32>,
        %swap3A_555 = arith.constant 36 : i32
        %swap3A_556 = arith.index_cast %swap3A_555 : i32 to index
        %swap3A_557 = arith.constant 96 : index
        %swap3A_558 = tpu.vector_load %arg7[%swap3A_556, %swap3A_557] {strides = array<i32>} : memref<64x128xf32, #tpu.memory_space<vmem>>, vector<1x16xf32>,
        %swap3A_559 = vector.shape_cast %swap3A_558 : vector<1x16xf32> to vector<16xf32>
        %swap3A_560 = vector.shape_cast %get3A_56 : vector<16xf32> to vector<1x16xf32>
        tpu.vector_store %arg7[%swap3A_556, %swap3A_557], %swap3A_560 {add = true, strides = array<i32>} : memref<64x128xf32, #tpu.memory_space<vmem>>, vector<1x16xf32>,
        %swap3A_561 = arith.constant 36 : i32
        %swap3A_562 = arith.index_cast %swap3A_561 : i32 to index
        %swap3A_563 = arith.constant 112 : index
        %swap3A_564 = tpu.vector_load %arg7[%swap3A_562, %swap3A_563] {strides = array<i32>} : memref<64x128xf32, #tpu.memory_space<vmem>>, vector<1x16xf32>,
        %swap3A_565 = vector.shape_cast %swap3A_564 : vector<1x16xf32> to vector<16xf32>
        %swap3A_566 = vector.shape_cast %get3A_60 : vector<16xf32> to vector<1x16xf32>
        tpu.vector_store %arg7[%swap3A_562, %swap3A_563], %swap3A_566 {add = true, strides = array<i32>} : memref<64x128xf32, #tpu.memory_space<vmem>>, vector<1x16xf32>,
      } else {
      }
      %slice3A_327 = vector.extract_strided_slice %get3A_291 {offsets = [5], sizes = [1], strides = [1]} : vector<16xf32> to vector<1xf32>
      %squeeze3A_328 = vector.extract %slice3A_327[0] : f32 from vector<1xf32>
      %ne3A_329 = arith.constant 0.000000e+00 : f32
      %ne3A_330 = arith.cmpf one, %squeeze3A_328, %ne3A_329 : f32
      %convert_element_type3A_331 = arith.extui %ne3A_330 : i1 to i32
      %cond3A_332 = arith.constant 0 : i32
      %cond3A_333 = arith.cmpi ne, %convert_element_type3A_331, %cond3A_332 : i32
      scf.if %cond3A_333 {
        %swap3A = arith.constant 37 : i32
        %swap3A_520 = arith.index_cast %swap3A : i32 to index
        %swap3A_521 = arith.constant 0 : index
        %swap3A_522 = tpu.vector_load %arg7[%swap3A_520, %swap3A_521] {strides = array<i32>} : memref<64x128xf32, #tpu.memory_space<vmem>>, vector<1x16xf32>,
        %swap3A_523 = vector.shape_cast %swap3A_522 : vector<1x16xf32> to vector<16xf32>
        %swap3A_524 = vector.shape_cast %get3A_32 : vector<16xf32> to vector<1x16xf32>
        tpu.vector_store %arg7[%swap3A_520, %swap3A_521], %swap3A_524 {add = true, strides = array<i32>} : memref<64x128xf32, #tpu.memory_space<vmem>>, vector<1x16xf32>,
        %swap3A_525 = arith.constant 37 : i32
        %swap3A_526 = arith.index_cast %swap3A_525 : i32 to index
        %swap3A_527 = arith.constant 16 : index
        %swap3A_528 = tpu.vector_load %arg7[%swap3A_526, %swap3A_527] {strides = array<i32>} : memref<64x128xf32, #tpu.memory_space<vmem>>, vector<1x16xf32>,
        %swap3A_529 = vector.shape_cast %swap3A_528 : vector<1x16xf32> to vector<16xf32>
        %swap3A_530 = vector.shape_cast %get3A_36 : vector<16xf32> to vector<1x16xf32>
        tpu.vector_store %arg7[%swap3A_526, %swap3A_527], %swap3A_530 {add = true, strides = array<i32>} : memref<64x128xf32, #tpu.memory_space<vmem>>, vector<1x16xf32>,
        %swap3A_531 = arith.constant 37 : i32
        %swap3A_532 = arith.index_cast %swap3A_531 : i32 to index
        %swap3A_533 = arith.constant 32 : index
        %swap3A_534 = tpu.vector_load %arg7[%swap3A_532, %swap3A_533] {strides = array<i32>} : memref<64x128xf32, #tpu.memory_space<vmem>>, vector<1x16xf32>,
        %swap3A_535 = vector.shape_cast %swap3A_534 : vector<1x16xf32> to vector<16xf32>
        %swap3A_536 = vector.shape_cast %get3A_40 : vector<16xf32> to vector<1x16xf32>
        tpu.vector_store %arg7[%swap3A_532, %swap3A_533], %swap3A_536 {add = true, strides = array<i32>} : memref<64x128xf32, #tpu.memory_space<vmem>>, vector<1x16xf32>,
        %swap3A_537 = arith.constant 37 : i32
        %swap3A_538 = arith.index_cast %swap3A_537 : i32 to index
        %swap3A_539 = arith.constant 48 : index
        %swap3A_540 = tpu.vector_load %arg7[%swap3A_538, %swap3A_539] {strides = array<i32>} : memref<64x128xf32, #tpu.memory_space<vmem>>, vector<1x16xf32>,
        %swap3A_541 = vector.shape_cast %swap3A_540 : vector<1x16xf32> to vector<16xf32>
        %swap3A_542 = vector.shape_cast %get3A_44 : vector<16xf32> to vector<1x16xf32>
        tpu.vector_store %arg7[%swap3A_538, %swap3A_539], %swap3A_542 {add = true, strides = array<i32>} : memref<64x128xf32, #tpu.memory_space<vmem>>, vector<1x16xf32>,
        %swap3A_543 = arith.constant 37 : i32
        %swap3A_544 = arith.index_cast %swap3A_543 : i32 to index
        %swap3A_545 = arith.constant 64 : index
        %swap3A_546 = tpu.vector_load %arg7[%swap3A_544, %swap3A_545] {strides = array<i32>} : memref<64x128xf32, #tpu.memory_space<vmem>>, vector<1x16xf32>,
        %swap3A_547 = vector.shape_cast %swap3A_546 : vector<1x16xf32> to vector<16xf32>
        %swap3A_548 = vector.shape_cast %get3A_48 : vector<16xf32> to vector<1x16xf32>
        tpu.vector_store %arg7[%swap3A_544, %swap3A_545], %swap3A_548 {add = true, strides = array<i32>} : memref<64x128xf32, #tpu.memory_space<vmem>>, vector<1x16xf32>,
        %swap3A_549 = arith.constant 37 : i32
        %swap3A_550 = arith.index_cast %swap3A_549 : i32 to index
        %swap3A_551 = arith.constant 80 : index
        %swap3A_552 = tpu.vector_load %arg7[%swap3A_550, %swap3A_551] {strides = array<i32>} : memref<64x128xf32, #tpu.memory_space<vmem>>, vector<1x16xf32>,
        %swap3A_553 = vector.shape_cast %swap3A_552 : vector<1x16xf32> to vector<16xf32>
        %swap3A_554 = vector.shape_cast %get3A_52 : vector<16xf32> to vector<1x16xf32>
        tpu.vector_store %arg7[%swap3A_550, %swap3A_551], %swap3A_554 {add = true, strides = array<i32>} : memref<64x128xf32, #tpu.memory_space<vmem>>, vector<1x16xf32>,
        %swap3A_555 = arith.constant 37 : i32
        %swap3A_556 = arith.index_cast %swap3A_555 : i32 to index
        %swap3A_557 = arith.constant 96 : index
        %swap3A_558 = tpu.vector_load %arg7[%swap3A_556, %swap3A_557] {strides = array<i32>} : memref<64x128xf32, #tpu.memory_space<vmem>>, vector<1x16xf32>,
        %swap3A_559 = vector.shape_cast %swap3A_558 : vector<1x16xf32> to vector<16xf32>
        %swap3A_560 = vector.shape_cast %get3A_56 : vector<16xf32> to vector<1x16xf32>
        tpu.vector_store %arg7[%swap3A_556, %swap3A_557], %swap3A_560 {add = true, strides = array<i32>} : memref<64x128xf32, #tpu.memory_space<vmem>>, vector<1x16xf32>,
        %swap3A_561 = arith.constant 37 : i32
        %swap3A_562 = arith.index_cast %swap3A_561 : i32 to index
        %swap3A_563 = arith.constant 112 : index
        %swap3A_564 = tpu.vector_load %arg7[%swap3A_562, %swap3A_563] {strides = array<i32>} : memref<64x128xf32, #tpu.memory_space<vmem>>, vector<1x16xf32>,
        %swap3A_565 = vector.shape_cast %swap3A_564 : vector<1x16xf32> to vector<16xf32>
        %swap3A_566 = vector.shape_cast %get3A_60 : vector<16xf32> to vector<1x16xf32>
        tpu.vector_store %arg7[%swap3A_562, %swap3A_563], %swap3A_566 {add = true, strides = array<i32>} : memref<64x128xf32, #tpu.memory_space<vmem>>, vector<1x16xf32>,
      } else {
      }
      %slice3A_334 = vector.extract_strided_slice %get3A_291 {offsets = [6], sizes = [1], strides = [1]} : vector<16xf32> to vector<1xf32>
      %squeeze3A_335 = vector.extract %slice3A_334[0] : f32 from vector<1xf32>
      %ne3A_336 = arith.constant 0.000000e+00 : f32
      %ne3A_337 = arith.cmpf one, %squeeze3A_335, %ne3A_336 : f32
      %convert_element_type3A_338 = arith.extui %ne3A_337 : i1 to i32
      %cond3A_339 = arith.constant 0 : i32
      %cond3A_340 = arith.cmpi ne, %convert_element_type3A_338, %cond3A_339 : i32
      scf.if %cond3A_340 {
        %swap3A = arith.constant 38 : i32
        %swap3A_520 = arith.index_cast %swap3A : i32 to index
        %swap3A_521 = arith.constant 0 : index
        %swap3A_522 = tpu.vector_load %arg7[%swap3A_520, %swap3A_521] {strides = array<i32>} : memref<64x128xf32, #tpu.memory_space<vmem>>, vector<1x16xf32>,
        %swap3A_523 = vector.shape_cast %swap3A_522 : vector<1x16xf32> to vector<16xf32>
        %swap3A_524 = vector.shape_cast %get3A_32 : vector<16xf32> to vector<1x16xf32>
        tpu.vector_store %arg7[%swap3A_520, %swap3A_521], %swap3A_524 {add = true, strides = array<i32>} : memref<64x128xf32, #tpu.memory_space<vmem>>, vector<1x16xf32>,
        %swap3A_525 = arith.constant 38 : i32
        %swap3A_526 = arith.index_cast %swap3A_525 : i32 to index
        %swap3A_527 = arith.constant 16 : index
        %swap3A_528 = tpu.vector_load %arg7[%swap3A_526, %swap3A_527] {strides = array<i32>} : memref<64x128xf32, #tpu.memory_space<vmem>>, vector<1x16xf32>,
        %swap3A_529 = vector.shape_cast %swap3A_528 : vector<1x16xf32> to vector<16xf32>
        %swap3A_530 = vector.shape_cast %get3A_36 : vector<16xf32> to vector<1x16xf32>
        tpu.vector_store %arg7[%swap3A_526, %swap3A_527], %swap3A_530 {add = true, strides = array<i32>} : memref<64x128xf32, #tpu.memory_space<vmem>>, vector<1x16xf32>,
        %swap3A_531 = arith.constant 38 : i32
        %swap3A_532 = arith.index_cast %swap3A_531 : i32 to index
        %swap3A_533 = arith.constant 32 : index
        %swap3A_534 = tpu.vector_load %arg7[%swap3A_532, %swap3A_533] {strides = array<i32>} : memref<64x128xf32, #tpu.memory_space<vmem>>, vector<1x16xf32>,
        %swap3A_535 = vector.shape_cast %swap3A_534 : vector<1x16xf32> to vector<16xf32>
        %swap3A_536 = vector.shape_cast %get3A_40 : vector<16xf32> to vector<1x16xf32>
        tpu.vector_store %arg7[%swap3A_532, %swap3A_533], %swap3A_536 {add = true, strides = array<i32>} : memref<64x128xf32, #tpu.memory_space<vmem>>, vector<1x16xf32>,
        %swap3A_537 = arith.constant 38 : i32
        %swap3A_538 = arith.index_cast %swap3A_537 : i32 to index
        %swap3A_539 = arith.constant 48 : index
        %swap3A_540 = tpu.vector_load %arg7[%swap3A_538, %swap3A_539] {strides = array<i32>} : memref<64x128xf32, #tpu.memory_space<vmem>>, vector<1x16xf32>,
        %swap3A_541 = vector.shape_cast %swap3A_540 : vector<1x16xf32> to vector<16xf32>
        %swap3A_542 = vector.shape_cast %get3A_44 : vector<16xf32> to vector<1x16xf32>
        tpu.vector_store %arg7[%swap3A_538, %swap3A_539], %swap3A_542 {add = true, strides = array<i32>} : memref<64x128xf32, #tpu.memory_space<vmem>>, vector<1x16xf32>,
        %swap3A_543 = arith.constant 38 : i32
        %swap3A_544 = arith.index_cast %swap3A_543 : i32 to index
        %swap3A_545 = arith.constant 64 : index
        %swap3A_546 = tpu.vector_load %arg7[%swap3A_544, %swap3A_545] {strides = array<i32>} : memref<64x128xf32, #tpu.memory_space<vmem>>, vector<1x16xf32>,
        %swap3A_547 = vector.shape_cast %swap3A_546 : vector<1x16xf32> to vector<16xf32>
        %swap3A_548 = vector.shape_cast %get3A_48 : vector<16xf32> to vector<1x16xf32>
        tpu.vector_store %arg7[%swap3A_544, %swap3A_545], %swap3A_548 {add = true, strides = array<i32>} : memref<64x128xf32, #tpu.memory_space<vmem>>, vector<1x16xf32>,
        %swap3A_549 = arith.constant 38 : i32
        %swap3A_550 = arith.index_cast %swap3A_549 : i32 to index
        %swap3A_551 = arith.constant 80 : index
        %swap3A_552 = tpu.vector_load %arg7[%swap3A_550, %swap3A_551] {strides = array<i32>} : memref<64x128xf32, #tpu.memory_space<vmem>>, vector<1x16xf32>,
        %swap3A_553 = vector.shape_cast %swap3A_552 : vector<1x16xf32> to vector<16xf32>
        %swap3A_554 = vector.shape_cast %get3A_52 : vector<16xf32> to vector<1x16xf32>
        tpu.vector_store %arg7[%swap3A_550, %swap3A_551], %swap3A_554 {add = true, strides = array<i32>} : memref<64x128xf32, #tpu.memory_space<vmem>>, vector<1x16xf32>,
        %swap3A_555 = arith.constant 38 : i32
        %swap3A_556 = arith.index_cast %swap3A_555 : i32 to index
        %swap3A_557 = arith.constant 96 : index
        %swap3A_558 = tpu.vector_load %arg7[%swap3A_556, %swap3A_557] {strides = array<i32>} : memref<64x128xf32, #tpu.memory_space<vmem>>, vector<1x16xf32>,
        %swap3A_559 = vector.shape_cast %swap3A_558 : vector<1x16xf32> to vector<16xf32>
        %swap3A_560 = vector.shape_cast %get3A_56 : vector<16xf32> to vector<1x16xf32>
        tpu.vector_store %arg7[%swap3A_556, %swap3A_557], %swap3A_560 {add = true, strides = array<i32>} : memref<64x128xf32, #tpu.memory_space<vmem>>, vector<1x16xf32>,
        %swap3A_561 = arith.constant 38 : i32
        %swap3A_562 = arith.index_cast %swap3A_561 : i32 to index
        %swap3A_563 = arith.constant 112 : index
        %swap3A_564 = tpu.vector_load %arg7[%swap3A_562, %swap3A_563] {strides = array<i32>} : memref<64x128xf32, #tpu.memory_space<vmem>>, vector<1x16xf32>,
        %swap3A_565 = vector.shape_cast %swap3A_564 : vector<1x16xf32> to vector<16xf32>
        %swap3A_566 = vector.shape_cast %get3A_60 : vector<16xf32> to vector<1x16xf32>
        tpu.vector_store %arg7[%swap3A_562, %swap3A_563], %swap3A_566 {add = true, strides = array<i32>} : memref<64x128xf32, #tpu.memory_space<vmem>>, vector<1x16xf32>,
      } else {
      }
      %slice3A_341 = vector.extract_strided_slice %get3A_291 {offsets = [7], sizes = [1], strides = [1]} : vector<16xf32> to vector<1xf32>
      %squeeze3A_342 = vector.extract %slice3A_341[0] : f32 from vector<1xf32>
      %ne3A_343 = arith.constant 0.000000e+00 : f32
      %ne3A_344 = arith.cmpf one, %squeeze3A_342, %ne3A_343 : f32
      %convert_element_type3A_345 = arith.extui %ne3A_344 : i1 to i32
      %cond3A_346 = arith.constant 0 : i32
      %cond3A_347 = arith.cmpi ne, %convert_element_type3A_345, %cond3A_346 : i32
      scf.if %cond3A_347 {
        %swap3A = arith.constant 39 : i32
        %swap3A_520 = arith.index_cast %swap3A : i32 to index
        %swap3A_521 = arith.constant 0 : index
        %swap3A_522 = tpu.vector_load %arg7[%swap3A_520, %swap3A_521] {strides = array<i32>} : memref<64x128xf32, #tpu.memory_space<vmem>>, vector<1x16xf32>,
        %swap3A_523 = vector.shape_cast %swap3A_522 : vector<1x16xf32> to vector<16xf32>
        %swap3A_524 = vector.shape_cast %get3A_32 : vector<16xf32> to vector<1x16xf32>
        tpu.vector_store %arg7[%swap3A_520, %swap3A_521], %swap3A_524 {add = true, strides = array<i32>} : memref<64x128xf32, #tpu.memory_space<vmem>>, vector<1x16xf32>,
        %swap3A_525 = arith.constant 39 : i32
        %swap3A_526 = arith.index_cast %swap3A_525 : i32 to index
        %swap3A_527 = arith.constant 16 : index
        %swap3A_528 = tpu.vector_load %arg7[%swap3A_526, %swap3A_527] {strides = array<i32>} : memref<64x128xf32, #tpu.memory_space<vmem>>, vector<1x16xf32>,
        %swap3A_529 = vector.shape_cast %swap3A_528 : vector<1x16xf32> to vector<16xf32>
        %swap3A_530 = vector.shape_cast %get3A_36 : vector<16xf32> to vector<1x16xf32>
        tpu.vector_store %arg7[%swap3A_526, %swap3A_527], %swap3A_530 {add = true, strides = array<i32>} : memref<64x128xf32, #tpu.memory_space<vmem>>, vector<1x16xf32>,
        %swap3A_531 = arith.constant 39 : i32
        %swap3A_532 = arith.index_cast %swap3A_531 : i32 to index
        %swap3A_533 = arith.constant 32 : index
        %swap3A_534 = tpu.vector_load %arg7[%swap3A_532, %swap3A_533] {strides = array<i32>} : memref<64x128xf32, #tpu.memory_space<vmem>>, vector<1x16xf32>,
        %swap3A_535 = vector.shape_cast %swap3A_534 : vector<1x16xf32> to vector<16xf32>
        %swap3A_536 = vector.shape_cast %get3A_40 : vector<16xf32> to vector<1x16xf32>
        tpu.vector_store %arg7[%swap3A_532, %swap3A_533], %swap3A_536 {add = true, strides = array<i32>} : memref<64x128xf32, #tpu.memory_space<vmem>>, vector<1x16xf32>,
        %swap3A_537 = arith.constant 39 : i32
        %swap3A_538 = arith.index_cast %swap3A_537 : i32 to index
        %swap3A_539 = arith.constant 48 : index
        %swap3A_540 = tpu.vector_load %arg7[%swap3A_538, %swap3A_539] {strides = array<i32>} : memref<64x128xf32, #tpu.memory_space<vmem>>, vector<1x16xf32>,
        %swap3A_541 = vector.shape_cast %swap3A_540 : vector<1x16xf32> to vector<16xf32>
        %swap3A_542 = vector.shape_cast %get3A_44 : vector<16xf32> to vector<1x16xf32>
        tpu.vector_store %arg7[%swap3A_538, %swap3A_539], %swap3A_542 {add = true, strides = array<i32>} : memref<64x128xf32, #tpu.memory_space<vmem>>, vector<1x16xf32>,
        %swap3A_543 = arith.constant 39 : i32
        %swap3A_544 = arith.index_cast %swap3A_543 : i32 to index
        %swap3A_545 = arith.constant 64 : index
        %swap3A_546 = tpu.vector_load %arg7[%swap3A_544, %swap3A_545] {strides = array<i32>} : memref<64x128xf32, #tpu.memory_space<vmem>>, vector<1x16xf32>,
        %swap3A_547 = vector.shape_cast %swap3A_546 : vector<1x16xf32> to vector<16xf32>
        %swap3A_548 = vector.shape_cast %get3A_48 : vector<16xf32> to vector<1x16xf32>
        tpu.vector_store %arg7[%swap3A_544, %swap3A_545], %swap3A_548 {add = true, strides = array<i32>} : memref<64x128xf32, #tpu.memory_space<vmem>>, vector<1x16xf32>,
        %swap3A_549 = arith.constant 39 : i32
        %swap3A_550 = arith.index_cast %swap3A_549 : i32 to index
        %swap3A_551 = arith.constant 80 : index
        %swap3A_552 = tpu.vector_load %arg7[%swap3A_550, %swap3A_551] {strides = array<i32>} : memref<64x128xf32, #tpu.memory_space<vmem>>, vector<1x16xf32>,
        %swap3A_553 = vector.shape_cast %swap3A_552 : vector<1x16xf32> to vector<16xf32>
        %swap3A_554 = vector.shape_cast %get3A_52 : vector<16xf32> to vector<1x16xf32>
        tpu.vector_store %arg7[%swap3A_550, %swap3A_551], %swap3A_554 {add = true, strides = array<i32>} : memref<64x128xf32, #tpu.memory_space<vmem>>, vector<1x16xf32>,
        %swap3A_555 = arith.constant 39 : i32
        %swap3A_556 = arith.index_cast %swap3A_555 : i32 to index
        %swap3A_557 = arith.constant 96 : index
        %swap3A_558 = tpu.vector_load %arg7[%swap3A_556, %swap3A_557] {strides = array<i32>} : memref<64x128xf32, #tpu.memory_space<vmem>>, vector<1x16xf32>,
        %swap3A_559 = vector.shape_cast %swap3A_558 : vector<1x16xf32> to vector<16xf32>
        %swap3A_560 = vector.shape_cast %get3A_56 : vector<16xf32> to vector<1x16xf32>
        tpu.vector_store %arg7[%swap3A_556, %swap3A_557], %swap3A_560 {add = true, strides = array<i32>} : memref<64x128xf32, #tpu.memory_space<vmem>>, vector<1x16xf32>,
        %swap3A_561 = arith.constant 39 : i32
        %swap3A_562 = arith.index_cast %swap3A_561 : i32 to index
        %swap3A_563 = arith.constant 112 : index
        %swap3A_564 = tpu.vector_load %arg7[%swap3A_562, %swap3A_563] {strides = array<i32>} : memref<64x128xf32, #tpu.memory_space<vmem>>, vector<1x16xf32>,
        %swap3A_565 = vector.shape_cast %swap3A_564 : vector<1x16xf32> to vector<16xf32>
        %swap3A_566 = vector.shape_cast %get3A_60 : vector<16xf32> to vector<1x16xf32>
        tpu.vector_store %arg7[%swap3A_562, %swap3A_563], %swap3A_566 {add = true, strides = array<i32>} : memref<64x128xf32, #tpu.memory_space<vmem>>, vector<1x16xf32>,
      } else {
      }
      %slice3A_348 = vector.extract_strided_slice %get3A_291 {offsets = [8], sizes = [1], strides = [1]} : vector<16xf32> to vector<1xf32>
      %squeeze3A_349 = vector.extract %slice3A_348[0] : f32 from vector<1xf32>
      %ne3A_350 = arith.constant 0.000000e+00 : f32
      %ne3A_351 = arith.cmpf one, %squeeze3A_349, %ne3A_350 : f32
      %convert_element_type3A_352 = arith.extui %ne3A_351 : i1 to i32
      %cond3A_353 = arith.constant 0 : i32
      %cond3A_354 = arith.cmpi ne, %convert_element_type3A_352, %cond3A_353 : i32
      scf.if %cond3A_354 {
        %swap3A = arith.constant 40 : i32
        %swap3A_520 = arith.index_cast %swap3A : i32 to index
        %swap3A_521 = arith.constant 0 : index
        %swap3A_522 = tpu.vector_load %arg7[%swap3A_520, %swap3A_521] {strides = array<i32>} : memref<64x128xf32, #tpu.memory_space<vmem>>, vector<1x16xf32>,
        %swap3A_523 = vector.shape_cast %swap3A_522 : vector<1x16xf32> to vector<16xf32>
        %swap3A_524 = vector.shape_cast %get3A_32 : vector<16xf32> to vector<1x16xf32>
        tpu.vector_store %arg7[%swap3A_520, %swap3A_521], %swap3A_524 {add = true, strides = array<i32>} : memref<64x128xf32, #tpu.memory_space<vmem>>, vector<1x16xf32>,
        %swap3A_525 = arith.constant 40 : i32
        %swap3A_526 = arith.index_cast %swap3A_525 : i32 to index
        %swap3A_527 = arith.constant 16 : index
        %swap3A_528 = tpu.vector_load %arg7[%swap3A_526, %swap3A_527] {strides = array<i32>} : memref<64x128xf32, #tpu.memory_space<vmem>>, vector<1x16xf32>,
        %swap3A_529 = vector.shape_cast %swap3A_528 : vector<1x16xf32> to vector<16xf32>
        %swap3A_530 = vector.shape_cast %get3A_36 : vector<16xf32> to vector<1x16xf32>
        tpu.vector_store %arg7[%swap3A_526, %swap3A_527], %swap3A_530 {add = true, strides = array<i32>} : memref<64x128xf32, #tpu.memory_space<vmem>>, vector<1x16xf32>,
        %swap3A_531 = arith.constant 40 : i32
        %swap3A_532 = arith.index_cast %swap3A_531 : i32 to index
        %swap3A_533 = arith.constant 32 : index
        %swap3A_534 = tpu.vector_load %arg7[%swap3A_532, %swap3A_533] {strides = array<i32>} : memref<64x128xf32, #tpu.memory_space<vmem>>, vector<1x16xf32>,
        %swap3A_535 = vector.shape_cast %swap3A_534 : vector<1x16xf32> to vector<16xf32>
        %swap3A_536 = vector.shape_cast %get3A_40 : vector<16xf32> to vector<1x16xf32>
        tpu.vector_store %arg7[%swap3A_532, %swap3A_533], %swap3A_536 {add = true, strides = array<i32>} : memref<64x128xf32, #tpu.memory_space<vmem>>, vector<1x16xf32>,
        %swap3A_537 = arith.constant 40 : i32
        %swap3A_538 = arith.index_cast %swap3A_537 : i32 to index
        %swap3A_539 = arith.constant 48 : index
        %swap3A_540 = tpu.vector_load %arg7[%swap3A_538, %swap3A_539] {strides = array<i32>} : memref<64x128xf32, #tpu.memory_space<vmem>>, vector<1x16xf32>,
        %swap3A_541 = vector.shape_cast %swap3A_540 : vector<1x16xf32> to vector<16xf32>
        %swap3A_542 = vector.shape_cast %get3A_44 : vector<16xf32> to vector<1x16xf32>
        tpu.vector_store %arg7[%swap3A_538, %swap3A_539], %swap3A_542 {add = true, strides = array<i32>} : memref<64x128xf32, #tpu.memory_space<vmem>>, vector<1x16xf32>,
        %swap3A_543 = arith.constant 40 : i32
        %swap3A_544 = arith.index_cast %swap3A_543 : i32 to index
        %swap3A_545 = arith.constant 64 : index
        %swap3A_546 = tpu.vector_load %arg7[%swap3A_544, %swap3A_545] {strides = array<i32>} : memref<64x128xf32, #tpu.memory_space<vmem>>, vector<1x16xf32>,
        %swap3A_547 = vector.shape_cast %swap3A_546 : vector<1x16xf32> to vector<16xf32>
        %swap3A_548 = vector.shape_cast %get3A_48 : vector<16xf32> to vector<1x16xf32>
        tpu.vector_store %arg7[%swap3A_544, %swap3A_545], %swap3A_548 {add = true, strides = array<i32>} : memref<64x128xf32, #tpu.memory_space<vmem>>, vector<1x16xf32>,
        %swap3A_549 = arith.constant 40 : i32
        %swap3A_550 = arith.index_cast %swap3A_549 : i32 to index
        %swap3A_551 = arith.constant 80 : index
        %swap3A_552 = tpu.vector_load %arg7[%swap3A_550, %swap3A_551] {strides = array<i32>} : memref<64x128xf32, #tpu.memory_space<vmem>>, vector<1x16xf32>,
        %swap3A_553 = vector.shape_cast %swap3A_552 : vector<1x16xf32> to vector<16xf32>
        %swap3A_554 = vector.shape_cast %get3A_52 : vector<16xf32> to vector<1x16xf32>
        tpu.vector_store %arg7[%swap3A_550, %swap3A_551], %swap3A_554 {add = true, strides = array<i32>} : memref<64x128xf32, #tpu.memory_space<vmem>>, vector<1x16xf32>,
        %swap3A_555 = arith.constant 40 : i32
        %swap3A_556 = arith.index_cast %swap3A_555 : i32 to index
        %swap3A_557 = arith.constant 96 : index
        %swap3A_558 = tpu.vector_load %arg7[%swap3A_556, %swap3A_557] {strides = array<i32>} : memref<64x128xf32, #tpu.memory_space<vmem>>, vector<1x16xf32>,
        %swap3A_559 = vector.shape_cast %swap3A_558 : vector<1x16xf32> to vector<16xf32>
        %swap3A_560 = vector.shape_cast %get3A_56 : vector<16xf32> to vector<1x16xf32>
        tpu.vector_store %arg7[%swap3A_556, %swap3A_557], %swap3A_560 {add = true, strides = array<i32>} : memref<64x128xf32, #tpu.memory_space<vmem>>, vector<1x16xf32>,
        %swap3A_561 = arith.constant 40 : i32
        %swap3A_562 = arith.index_cast %swap3A_561 : i32 to index
        %swap3A_563 = arith.constant 112 : index
        %swap3A_564 = tpu.vector_load %arg7[%swap3A_562, %swap3A_563] {strides = array<i32>} : memref<64x128xf32, #tpu.memory_space<vmem>>, vector<1x16xf32>,
        %swap3A_565 = vector.shape_cast %swap3A_564 : vector<1x16xf32> to vector<16xf32>
        %swap3A_566 = vector.shape_cast %get3A_60 : vector<16xf32> to vector<1x16xf32>
        tpu.vector_store %arg7[%swap3A_562, %swap3A_563], %swap3A_566 {add = true, strides = array<i32>} : memref<64x128xf32, #tpu.memory_space<vmem>>, vector<1x16xf32>,
      } else {
      }
      %slice3A_355 = vector.extract_strided_slice %get3A_291 {offsets = [9], sizes = [1], strides = [1]} : vector<16xf32> to vector<1xf32>
      %squeeze3A_356 = vector.extract %slice3A_355[0] : f32 from vector<1xf32>
      %ne3A_357 = arith.constant 0.000000e+00 : f32
      %ne3A_358 = arith.cmpf one, %squeeze3A_356, %ne3A_357 : f32
      %convert_element_type3A_359 = arith.extui %ne3A_358 : i1 to i32
      %cond3A_360 = arith.constant 0 : i32
      %cond3A_361 = arith.cmpi ne, %convert_element_type3A_359, %cond3A_360 : i32
      scf.if %cond3A_361 {
        %swap3A = arith.constant 41 : i32
        %swap3A_520 = arith.index_cast %swap3A : i32 to index
        %swap3A_521 = arith.constant 0 : index
        %swap3A_522 = tpu.vector_load %arg7[%swap3A_520, %swap3A_521] {strides = array<i32>} : memref<64x128xf32, #tpu.memory_space<vmem>>, vector<1x16xf32>,
        %swap3A_523 = vector.shape_cast %swap3A_522 : vector<1x16xf32> to vector<16xf32>
        %swap3A_524 = vector.shape_cast %get3A_32 : vector<16xf32> to vector<1x16xf32>
        tpu.vector_store %arg7[%swap3A_520, %swap3A_521], %swap3A_524 {add = true, strides = array<i32>} : memref<64x128xf32, #tpu.memory_space<vmem>>, vector<1x16xf32>,
        %swap3A_525 = arith.constant 41 : i32
        %swap3A_526 = arith.index_cast %swap3A_525 : i32 to index
        %swap3A_527 = arith.constant 16 : index
        %swap3A_528 = tpu.vector_load %arg7[%swap3A_526, %swap3A_527] {strides = array<i32>} : memref<64x128xf32, #tpu.memory_space<vmem>>, vector<1x16xf32>,
        %swap3A_529 = vector.shape_cast %swap3A_528 : vector<1x16xf32> to vector<16xf32>
        %swap3A_530 = vector.shape_cast %get3A_36 : vector<16xf32> to vector<1x16xf32>
        tpu.vector_store %arg7[%swap3A_526, %swap3A_527], %swap3A_530 {add = true, strides = array<i32>} : memref<64x128xf32, #tpu.memory_space<vmem>>, vector<1x16xf32>,
        %swap3A_531 = arith.constant 41 : i32
        %swap3A_532 = arith.index_cast %swap3A_531 : i32 to index
        %swap3A_533 = arith.constant 32 : index
        %swap3A_534 = tpu.vector_load %arg7[%swap3A_532, %swap3A_533] {strides = array<i32>} : memref<64x128xf32, #tpu.memory_space<vmem>>, vector<1x16xf32>,
        %swap3A_535 = vector.shape_cast %swap3A_534 : vector<1x16xf32> to vector<16xf32>
        %swap3A_536 = vector.shape_cast %get3A_40 : vector<16xf32> to vector<1x16xf32>
        tpu.vector_store %arg7[%swap3A_532, %swap3A_533], %swap3A_536 {add = true, strides = array<i32>} : memref<64x128xf32, #tpu.memory_space<vmem>>, vector<1x16xf32>,
        %swap3A_537 = arith.constant 41 : i32
        %swap3A_538 = arith.index_cast %swap3A_537 : i32 to index
        %swap3A_539 = arith.constant 48 : index
        %swap3A_540 = tpu.vector_load %arg7[%swap3A_538, %swap3A_539] {strides = array<i32>} : memref<64x128xf32, #tpu.memory_space<vmem>>, vector<1x16xf32>,
        %swap3A_541 = vector.shape_cast %swap3A_540 : vector<1x16xf32> to vector<16xf32>
        %swap3A_542 = vector.shape_cast %get3A_44 : vector<16xf32> to vector<1x16xf32>
        tpu.vector_store %arg7[%swap3A_538, %swap3A_539], %swap3A_542 {add = true, strides = array<i32>} : memref<64x128xf32, #tpu.memory_space<vmem>>, vector<1x16xf32>,
        %swap3A_543 = arith.constant 41 : i32
        %swap3A_544 = arith.index_cast %swap3A_543 : i32 to index
        %swap3A_545 = arith.constant 64 : index
        %swap3A_546 = tpu.vector_load %arg7[%swap3A_544, %swap3A_545] {strides = array<i32>} : memref<64x128xf32, #tpu.memory_space<vmem>>, vector<1x16xf32>,
        %swap3A_547 = vector.shape_cast %swap3A_546 : vector<1x16xf32> to vector<16xf32>
        %swap3A_548 = vector.shape_cast %get3A_48 : vector<16xf32> to vector<1x16xf32>
        tpu.vector_store %arg7[%swap3A_544, %swap3A_545], %swap3A_548 {add = true, strides = array<i32>} : memref<64x128xf32, #tpu.memory_space<vmem>>, vector<1x16xf32>,
        %swap3A_549 = arith.constant 41 : i32
        %swap3A_550 = arith.index_cast %swap3A_549 : i32 to index
        %swap3A_551 = arith.constant 80 : index
        %swap3A_552 = tpu.vector_load %arg7[%swap3A_550, %swap3A_551] {strides = array<i32>} : memref<64x128xf32, #tpu.memory_space<vmem>>, vector<1x16xf32>,
        %swap3A_553 = vector.shape_cast %swap3A_552 : vector<1x16xf32> to vector<16xf32>
        %swap3A_554 = vector.shape_cast %get3A_52 : vector<16xf32> to vector<1x16xf32>
        tpu.vector_store %arg7[%swap3A_550, %swap3A_551], %swap3A_554 {add = true, strides = array<i32>} : memref<64x128xf32, #tpu.memory_space<vmem>>, vector<1x16xf32>,
        %swap3A_555 = arith.constant 41 : i32
        %swap3A_556 = arith.index_cast %swap3A_555 : i32 to index
        %swap3A_557 = arith.constant 96 : index
        %swap3A_558 = tpu.vector_load %arg7[%swap3A_556, %swap3A_557] {strides = array<i32>} : memref<64x128xf32, #tpu.memory_space<vmem>>, vector<1x16xf32>,
        %swap3A_559 = vector.shape_cast %swap3A_558 : vector<1x16xf32> to vector<16xf32>
        %swap3A_560 = vector.shape_cast %get3A_56 : vector<16xf32> to vector<1x16xf32>
        tpu.vector_store %arg7[%swap3A_556, %swap3A_557], %swap3A_560 {add = true, strides = array<i32>} : memref<64x128xf32, #tpu.memory_space<vmem>>, vector<1x16xf32>,
        %swap3A_561 = arith.constant 41 : i32
        %swap3A_562 = arith.index_cast %swap3A_561 : i32 to index
        %swap3A_563 = arith.constant 112 : index
        %swap3A_564 = tpu.vector_load %arg7[%swap3A_562, %swap3A_563] {strides = array<i32>} : memref<64x128xf32, #tpu.memory_space<vmem>>, vector<1x16xf32>,
        %swap3A_565 = vector.shape_cast %swap3A_564 : vector<1x16xf32> to vector<16xf32>
        %swap3A_566 = vector.shape_cast %get3A_60 : vector<16xf32> to vector<1x16xf32>
        tpu.vector_store %arg7[%swap3A_562, %swap3A_563], %swap3A_566 {add = true, strides = array<i32>} : memref<64x128xf32, #tpu.memory_space<vmem>>, vector<1x16xf32>,
      } else {
      }
      %slice3A_362 = vector.extract_strided_slice %get3A_291 {offsets = [10], sizes = [1], strides = [1]} : vector<16xf32> to vector<1xf32>
      %squeeze3A_363 = vector.extract %slice3A_362[0] : f32 from vector<1xf32>
      %ne3A_364 = arith.constant 0.000000e+00 : f32
      %ne3A_365 = arith.cmpf one, %squeeze3A_363, %ne3A_364 : f32
      %convert_element_type3A_366 = arith.extui %ne3A_365 : i1 to i32
      %cond3A_367 = arith.constant 0 : i32
      %cond3A_368 = arith.cmpi ne, %convert_element_type3A_366, %cond3A_367 : i32
      scf.if %cond3A_368 {
        %swap3A = arith.constant 42 : i32
        %swap3A_520 = arith.index_cast %swap3A : i32 to index
        %swap3A_521 = arith.constant 0 : index
        %swap3A_522 = tpu.vector_load %arg7[%swap3A_520, %swap3A_521] {strides = array<i32>} : memref<64x128xf32, #tpu.memory_space<vmem>>, vector<1x16xf32>,
        %swap3A_523 = vector.shape_cast %swap3A_522 : vector<1x16xf32> to vector<16xf32>
        %swap3A_524 = vector.shape_cast %get3A_32 : vector<16xf32> to vector<1x16xf32>
        tpu.vector_store %arg7[%swap3A_520, %swap3A_521], %swap3A_524 {add = true, strides = array<i32>} : memref<64x128xf32, #tpu.memory_space<vmem>>, vector<1x16xf32>,
        %swap3A_525 = arith.constant 42 : i32
        %swap3A_526 = arith.index_cast %swap3A_525 : i32 to index
        %swap3A_527 = arith.constant 16 : index
        %swap3A_528 = tpu.vector_load %arg7[%swap3A_526, %swap3A_527] {strides = array<i32>} : memref<64x128xf32, #tpu.memory_space<vmem>>, vector<1x16xf32>,
        %swap3A_529 = vector.shape_cast %swap3A_528 : vector<1x16xf32> to vector<16xf32>
        %swap3A_530 = vector.shape_cast %get3A_36 : vector<16xf32> to vector<1x16xf32>
        tpu.vector_store %arg7[%swap3A_526, %swap3A_527], %swap3A_530 {add = true, strides = array<i32>} : memref<64x128xf32, #tpu.memory_space<vmem>>, vector<1x16xf32>,
        %swap3A_531 = arith.constant 42 : i32
        %swap3A_532 = arith.index_cast %swap3A_531 : i32 to index
        %swap3A_533 = arith.constant 32 : index
        %swap3A_534 = tpu.vector_load %arg7[%swap3A_532, %swap3A_533] {strides = array<i32>} : memref<64x128xf32, #tpu.memory_space<vmem>>, vector<1x16xf32>,
        %swap3A_535 = vector.shape_cast %swap3A_534 : vector<1x16xf32> to vector<16xf32>
        %swap3A_536 = vector.shape_cast %get3A_40 : vector<16xf32> to vector<1x16xf32>
        tpu.vector_store %arg7[%swap3A_532, %swap3A_533], %swap3A_536 {add = true, strides = array<i32>} : memref<64x128xf32, #tpu.memory_space<vmem>>, vector<1x16xf32>,
        %swap3A_537 = arith.constant 42 : i32
        %swap3A_538 = arith.index_cast %swap3A_537 : i32 to index
        %swap3A_539 = arith.constant 48 : index
        %swap3A_540 = tpu.vector_load %arg7[%swap3A_538, %swap3A_539] {strides = array<i32>} : memref<64x128xf32, #tpu.memory_space<vmem>>, vector<1x16xf32>,
        %swap3A_541 = vector.shape_cast %swap3A_540 : vector<1x16xf32> to vector<16xf32>
        %swap3A_542 = vector.shape_cast %get3A_44 : vector<16xf32> to vector<1x16xf32>
        tpu.vector_store %arg7[%swap3A_538, %swap3A_539], %swap3A_542 {add = true, strides = array<i32>} : memref<64x128xf32, #tpu.memory_space<vmem>>, vector<1x16xf32>,
        %swap3A_543 = arith.constant 42 : i32
        %swap3A_544 = arith.index_cast %swap3A_543 : i32 to index
        %swap3A_545 = arith.constant 64 : index
        %swap3A_546 = tpu.vector_load %arg7[%swap3A_544, %swap3A_545] {strides = array<i32>} : memref<64x128xf32, #tpu.memory_space<vmem>>, vector<1x16xf32>,
        %swap3A_547 = vector.shape_cast %swap3A_546 : vector<1x16xf32> to vector<16xf32>
        %swap3A_548 = vector.shape_cast %get3A_48 : vector<16xf32> to vector<1x16xf32>
        tpu.vector_store %arg7[%swap3A_544, %swap3A_545], %swap3A_548 {add = true, strides = array<i32>} : memref<64x128xf32, #tpu.memory_space<vmem>>, vector<1x16xf32>,
        %swap3A_549 = arith.constant 42 : i32
        %swap3A_550 = arith.index_cast %swap3A_549 : i32 to index
        %swap3A_551 = arith.constant 80 : index
        %swap3A_552 = tpu.vector_load %arg7[%swap3A_550, %swap3A_551] {strides = array<i32>} : memref<64x128xf32, #tpu.memory_space<vmem>>, vector<1x16xf32>,
        %swap3A_553 = vector.shape_cast %swap3A_552 : vector<1x16xf32> to vector<16xf32>
        %swap3A_554 = vector.shape_cast %get3A_52 : vector<16xf32> to vector<1x16xf32>
        tpu.vector_store %arg7[%swap3A_550, %swap3A_551], %swap3A_554 {add = true, strides = array<i32>} : memref<64x128xf32, #tpu.memory_space<vmem>>, vector<1x16xf32>,
        %swap3A_555 = arith.constant 42 : i32
        %swap3A_556 = arith.index_cast %swap3A_555 : i32 to index
        %swap3A_557 = arith.constant 96 : index
        %swap3A_558 = tpu.vector_load %arg7[%swap3A_556, %swap3A_557] {strides = array<i32>} : memref<64x128xf32, #tpu.memory_space<vmem>>, vector<1x16xf32>,
        %swap3A_559 = vector.shape_cast %swap3A_558 : vector<1x16xf32> to vector<16xf32>
        %swap3A_560 = vector.shape_cast %get3A_56 : vector<16xf32> to vector<1x16xf32>
        tpu.vector_store %arg7[%swap3A_556, %swap3A_557], %swap3A_560 {add = true, strides = array<i32>} : memref<64x128xf32, #tpu.memory_space<vmem>>, vector<1x16xf32>,
        %swap3A_561 = arith.constant 42 : i32
        %swap3A_562 = arith.index_cast %swap3A_561 : i32 to index
        %swap3A_563 = arith.constant 112 : index
        %swap3A_564 = tpu.vector_load %arg7[%swap3A_562, %swap3A_563] {strides = array<i32>} : memref<64x128xf32, #tpu.memory_space<vmem>>, vector<1x16xf32>,
        %swap3A_565 = vector.shape_cast %swap3A_564 : vector<1x16xf32> to vector<16xf32>
        %swap3A_566 = vector.shape_cast %get3A_60 : vector<16xf32> to vector<1x16xf32>
        tpu.vector_store %arg7[%swap3A_562, %swap3A_563], %swap3A_566 {add = true, strides = array<i32>} : memref<64x128xf32, #tpu.memory_space<vmem>>, vector<1x16xf32>,
      } else {
      }
      %slice3A_369 = vector.extract_strided_slice %get3A_291 {offsets = [11], sizes = [1], strides = [1]} : vector<16xf32> to vector<1xf32>
      %squeeze3A_370 = vector.extract %slice3A_369[0] : f32 from vector<1xf32>
      %ne3A_371 = arith.constant 0.000000e+00 : f32
      %ne3A_372 = arith.cmpf one, %squeeze3A_370, %ne3A_371 : f32
      %convert_element_type3A_373 = arith.extui %ne3A_372 : i1 to i32
      %cond3A_374 = arith.constant 0 : i32
      %cond3A_375 = arith.cmpi ne, %convert_element_type3A_373, %cond3A_374 : i32
      scf.if %cond3A_375 {
        %swap3A = arith.constant 43 : i32
        %swap3A_520 = arith.index_cast %swap3A : i32 to index
        %swap3A_521 = arith.constant 0 : index
        %swap3A_522 = tpu.vector_load %arg7[%swap3A_520, %swap3A_521] {strides = array<i32>} : memref<64x128xf32, #tpu.memory_space<vmem>>, vector<1x16xf32>,
        %swap3A_523 = vector.shape_cast %swap3A_522 : vector<1x16xf32> to vector<16xf32>
        %swap3A_524 = vector.shape_cast %get3A_32 : vector<16xf32> to vector<1x16xf32>
        tpu.vector_store %arg7[%swap3A_520, %swap3A_521], %swap3A_524 {add = true, strides = array<i32>} : memref<64x128xf32, #tpu.memory_space<vmem>>, vector<1x16xf32>,
        %swap3A_525 = arith.constant 43 : i32
        %swap3A_526 = arith.index_cast %swap3A_525 : i32 to index
        %swap3A_527 = arith.constant 16 : index
        %swap3A_528 = tpu.vector_load %arg7[%swap3A_526, %swap3A_527] {strides = array<i32>} : memref<64x128xf32, #tpu.memory_space<vmem>>, vector<1x16xf32>,
        %swap3A_529 = vector.shape_cast %swap3A_528 : vector<1x16xf32> to vector<16xf32>
        %swap3A_530 = vector.shape_cast %get3A_36 : vector<16xf32> to vector<1x16xf32>
        tpu.vector_store %arg7[%swap3A_526, %swap3A_527], %swap3A_530 {add = true, strides = array<i32>} : memref<64x128xf32, #tpu.memory_space<vmem>>, vector<1x16xf32>,
        %swap3A_531 = arith.constant 43 : i32
        %swap3A_532 = arith.index_cast %swap3A_531 : i32 to index
        %swap3A_533 = arith.constant 32 : index
        %swap3A_534 = tpu.vector_load %arg7[%swap3A_532, %swap3A_533] {strides = array<i32>} : memref<64x128xf32, #tpu.memory_space<vmem>>, vector<1x16xf32>,
        %swap3A_535 = vector.shape_cast %swap3A_534 : vector<1x16xf32> to vector<16xf32>
        %swap3A_536 = vector.shape_cast %get3A_40 : vector<16xf32> to vector<1x16xf32>
        tpu.vector_store %arg7[%swap3A_532, %swap3A_533], %swap3A_536 {add = true, strides = array<i32>} : memref<64x128xf32, #tpu.memory_space<vmem>>, vector<1x16xf32>,
        %swap3A_537 = arith.constant 43 : i32
        %swap3A_538 = arith.index_cast %swap3A_537 : i32 to index
        %swap3A_539 = arith.constant 48 : index
        %swap3A_540 = tpu.vector_load %arg7[%swap3A_538, %swap3A_539] {strides = array<i32>} : memref<64x128xf32, #tpu.memory_space<vmem>>, vector<1x16xf32>,
        %swap3A_541 = vector.shape_cast %swap3A_540 : vector<1x16xf32> to vector<16xf32>
        %swap3A_542 = vector.shape_cast %get3A_44 : vector<16xf32> to vector<1x16xf32>
        tpu.vector_store %arg7[%swap3A_538, %swap3A_539], %swap3A_542 {add = true, strides = array<i32>} : memref<64x128xf32, #tpu.memory_space<vmem>>, vector<1x16xf32>,
        %swap3A_543 = arith.constant 43 : i32
        %swap3A_544 = arith.index_cast %swap3A_543 : i32 to index
        %swap3A_545 = arith.constant 64 : index
        %swap3A_546 = tpu.vector_load %arg7[%swap3A_544, %swap3A_545] {strides = array<i32>} : memref<64x128xf32, #tpu.memory_space<vmem>>, vector<1x16xf32>,
        %swap3A_547 = vector.shape_cast %swap3A_546 : vector<1x16xf32> to vector<16xf32>
        %swap3A_548 = vector.shape_cast %get3A_48 : vector<16xf32> to vector<1x16xf32>
        tpu.vector_store %arg7[%swap3A_544, %swap3A_545], %swap3A_548 {add = true, strides = array<i32>} : memref<64x128xf32, #tpu.memory_space<vmem>>, vector<1x16xf32>,
        %swap3A_549 = arith.constant 43 : i32
        %swap3A_550 = arith.index_cast %swap3A_549 : i32 to index
        %swap3A_551 = arith.constant 80 : index
        %swap3A_552 = tpu.vector_load %arg7[%swap3A_550, %swap3A_551] {strides = array<i32>} : memref<64x128xf32, #tpu.memory_space<vmem>>, vector<1x16xf32>,
        %swap3A_553 = vector.shape_cast %swap3A_552 : vector<1x16xf32> to vector<16xf32>
        %swap3A_554 = vector.shape_cast %get3A_52 : vector<16xf32> to vector<1x16xf32>
        tpu.vector_store %arg7[%swap3A_550, %swap3A_551], %swap3A_554 {add = true, strides = array<i32>} : memref<64x128xf32, #tpu.memory_space<vmem>>, vector<1x16xf32>,
        %swap3A_555 = arith.constant 43 : i32
        %swap3A_556 = arith.index_cast %swap3A_555 : i32 to index
        %swap3A_557 = arith.constant 96 : index
        %swap3A_558 = tpu.vector_load %arg7[%swap3A_556, %swap3A_557] {strides = array<i32>} : memref<64x128xf32, #tpu.memory_space<vmem>>, vector<1x16xf32>,
        %swap3A_559 = vector.shape_cast %swap3A_558 : vector<1x16xf32> to vector<16xf32>
        %swap3A_560 = vector.shape_cast %get3A_56 : vector<16xf32> to vector<1x16xf32>
        tpu.vector_store %arg7[%swap3A_556, %swap3A_557], %swap3A_560 {add = true, strides = array<i32>} : memref<64x128xf32, #tpu.memory_space<vmem>>, vector<1x16xf32>,
        %swap3A_561 = arith.constant 43 : i32
        %swap3A_562 = arith.index_cast %swap3A_561 : i32 to index
        %swap3A_563 = arith.constant 112 : index
        %swap3A_564 = tpu.vector_load %arg7[%swap3A_562, %swap3A_563] {strides = array<i32>} : memref<64x128xf32, #tpu.memory_space<vmem>>, vector<1x16xf32>,
        %swap3A_565 = vector.shape_cast %swap3A_564 : vector<1x16xf32> to vector<16xf32>
        %swap3A_566 = vector.shape_cast %get3A_60 : vector<16xf32> to vector<1x16xf32>
        tpu.vector_store %arg7[%swap3A_562, %swap3A_563], %swap3A_566 {add = true, strides = array<i32>} : memref<64x128xf32, #tpu.memory_space<vmem>>, vector<1x16xf32>,
      } else {
      }
      %slice3A_376 = vector.extract_strided_slice %get3A_291 {offsets = [12], sizes = [1], strides = [1]} : vector<16xf32> to vector<1xf32>
      %squeeze3A_377 = vector.extract %slice3A_376[0] : f32 from vector<1xf32>
      %ne3A_378 = arith.constant 0.000000e+00 : f32
      %ne3A_379 = arith.cmpf one, %squeeze3A_377, %ne3A_378 : f32
      %convert_element_type3A_380 = arith.extui %ne3A_379 : i1 to i32
      %cond3A_381 = arith.constant 0 : i32
      %cond3A_382 = arith.cmpi ne, %convert_element_type3A_380, %cond3A_381 : i32
      scf.if %cond3A_382 {
        %swap3A = arith.constant 44 : i32
        %swap3A_520 = arith.index_cast %swap3A : i32 to index
        %swap3A_521 = arith.constant 0 : index
        %swap3A_522 = tpu.vector_load %arg7[%swap3A_520, %swap3A_521] {strides = array<i32>} : memref<64x128xf32, #tpu.memory_space<vmem>>, vector<1x16xf32>,
        %swap3A_523 = vector.shape_cast %swap3A_522 : vector<1x16xf32> to vector<16xf32>
        %swap3A_524 = vector.shape_cast %get3A_32 : vector<16xf32> to vector<1x16xf32>
        tpu.vector_store %arg7[%swap3A_520, %swap3A_521], %swap3A_524 {add = true, strides = array<i32>} : memref<64x128xf32, #tpu.memory_space<vmem>>, vector<1x16xf32>,
        %swap3A_525 = arith.constant 44 : i32
        %swap3A_526 = arith.index_cast %swap3A_525 : i32 to index
        %swap3A_527 = arith.constant 16 : index
        %swap3A_528 = tpu.vector_load %arg7[%swap3A_526, %swap3A_527] {strides = array<i32>} : memref<64x128xf32, #tpu.memory_space<vmem>>, vector<1x16xf32>,
        %swap3A_529 = vector.shape_cast %swap3A_528 : vector<1x16xf32> to vector<16xf32>
        %swap3A_530 = vector.shape_cast %get3A_36 : vector<16xf32> to vector<1x16xf32>
        tpu.vector_store %arg7[%swap3A_526, %swap3A_527], %swap3A_530 {add = true, strides = array<i32>} : memref<64x128xf32, #tpu.memory_space<vmem>>, vector<1x16xf32>,
        %swap3A_531 = arith.constant 44 : i32
        %swap3A_532 = arith.index_cast %swap3A_531 : i32 to index
        %swap3A_533 = arith.constant 32 : index
        %swap3A_534 = tpu.vector_load %arg7[%swap3A_532, %swap3A_533] {strides = array<i32>} : memref<64x128xf32, #tpu.memory_space<vmem>>, vector<1x16xf32>,
        %swap3A_535 = vector.shape_cast %swap3A_534 : vector<1x16xf32> to vector<16xf32>
        %swap3A_536 = vector.shape_cast %get3A_40 : vector<16xf32> to vector<1x16xf32>
        tpu.vector_store %arg7[%swap3A_532, %swap3A_533], %swap3A_536 {add = true, strides = array<i32>} : memref<64x128xf32, #tpu.memory_space<vmem>>, vector<1x16xf32>,
        %swap3A_537 = arith.constant 44 : i32
        %swap3A_538 = arith.index_cast %swap3A_537 : i32 to index
        %swap3A_539 = arith.constant 48 : index
        %swap3A_540 = tpu.vector_load %arg7[%swap3A_538, %swap3A_539] {strides = array<i32>} : memref<64x128xf32, #tpu.memory_space<vmem>>, vector<1x16xf32>,
        %swap3A_541 = vector.shape_cast %swap3A_540 : vector<1x16xf32> to vector<16xf32>
        %swap3A_542 = vector.shape_cast %get3A_44 : vector<16xf32> to vector<1x16xf32>
        tpu.vector_store %arg7[%swap3A_538, %swap3A_539], %swap3A_542 {add = true, strides = array<i32>} : memref<64x128xf32, #tpu.memory_space<vmem>>, vector<1x16xf32>,
        %swap3A_543 = arith.constant 44 : i32
        %swap3A_544 = arith.index_cast %swap3A_543 : i32 to index
        %swap3A_545 = arith.constant 64 : index
        %swap3A_546 = tpu.vector_load %arg7[%swap3A_544, %swap3A_545] {strides = array<i32>} : memref<64x128xf32, #tpu.memory_space<vmem>>, vector<1x16xf32>,
        %swap3A_547 = vector.shape_cast %swap3A_546 : vector<1x16xf32> to vector<16xf32>
        %swap3A_548 = vector.shape_cast %get3A_48 : vector<16xf32> to vector<1x16xf32>
        tpu.vector_store %arg7[%swap3A_544, %swap3A_545], %swap3A_548 {add = true, strides = array<i32>} : memref<64x128xf32, #tpu.memory_space<vmem>>, vector<1x16xf32>,
        %swap3A_549 = arith.constant 44 : i32
        %swap3A_550 = arith.index_cast %swap3A_549 : i32 to index
        %swap3A_551 = arith.constant 80 : index
        %swap3A_552 = tpu.vector_load %arg7[%swap3A_550, %swap3A_551] {strides = array<i32>} : memref<64x128xf32, #tpu.memory_space<vmem>>, vector<1x16xf32>,
        %swap3A_553 = vector.shape_cast %swap3A_552 : vector<1x16xf32> to vector<16xf32>
        %swap3A_554 = vector.shape_cast %get3A_52 : vector<16xf32> to vector<1x16xf32>
        tpu.vector_store %arg7[%swap3A_550, %swap3A_551], %swap3A_554 {add = true, strides = array<i32>} : memref<64x128xf32, #tpu.memory_space<vmem>>, vector<1x16xf32>,
        %swap3A_555 = arith.constant 44 : i32
        %swap3A_556 = arith.index_cast %swap3A_555 : i32 to index
        %swap3A_557 = arith.constant 96 : index
        %swap3A_558 = tpu.vector_load %arg7[%swap3A_556, %swap3A_557] {strides = array<i32>} : memref<64x128xf32, #tpu.memory_space<vmem>>, vector<1x16xf32>,
        %swap3A_559 = vector.shape_cast %swap3A_558 : vector<1x16xf32> to vector<16xf32>
        %swap3A_560 = vector.shape_cast %get3A_56 : vector<16xf32> to vector<1x16xf32>
        tpu.vector_store %arg7[%swap3A_556, %swap3A_557], %swap3A_560 {add = true, strides = array<i32>} : memref<64x128xf32, #tpu.memory_space<vmem>>, vector<1x16xf32>,
        %swap3A_561 = arith.constant 44 : i32
        %swap3A_562 = arith.index_cast %swap3A_561 : i32 to index
        %swap3A_563 = arith.constant 112 : index
        %swap3A_564 = tpu.vector_load %arg7[%swap3A_562, %swap3A_563] {strides = array<i32>} : memref<64x128xf32, #tpu.memory_space<vmem>>, vector<1x16xf32>,
        %swap3A_565 = vector.shape_cast %swap3A_564 : vector<1x16xf32> to vector<16xf32>
        %swap3A_566 = vector.shape_cast %get3A_60 : vector<16xf32> to vector<1x16xf32>
        tpu.vector_store %arg7[%swap3A_562, %swap3A_563], %swap3A_566 {add = true, strides = array<i32>} : memref<64x128xf32, #tpu.memory_space<vmem>>, vector<1x16xf32>,
      } else {
      }
      %slice3A_383 = vector.extract_strided_slice %get3A_291 {offsets = [13], sizes = [1], strides = [1]} : vector<16xf32> to vector<1xf32>
      %squeeze3A_384 = vector.extract %slice3A_383[0] : f32 from vector<1xf32>
      %ne3A_385 = arith.constant 0.000000e+00 : f32
      %ne3A_386 = arith.cmpf one, %squeeze3A_384, %ne3A_385 : f32
      %convert_element_type3A_387 = arith.extui %ne3A_386 : i1 to i32
      %cond3A_388 = arith.constant 0 : i32
      %cond3A_389 = arith.cmpi ne, %convert_element_type3A_387, %cond3A_388 : i32
      scf.if %cond3A_389 {
        %swap3A = arith.constant 45 : i32
        %swap3A_520 = arith.index_cast %swap3A : i32 to index
        %swap3A_521 = arith.constant 0 : index
        %swap3A_522 = tpu.vector_load %arg7[%swap3A_520, %swap3A_521] {strides = array<i32>} : memref<64x128xf32, #tpu.memory_space<vmem>>, vector<1x16xf32>,
        %swap3A_523 = vector.shape_cast %swap3A_522 : vector<1x16xf32> to vector<16xf32>
        %swap3A_524 = vector.shape_cast %get3A_32 : vector<16xf32> to vector<1x16xf32>
        tpu.vector_store %arg7[%swap3A_520, %swap3A_521], %swap3A_524 {add = true, strides = array<i32>} : memref<64x128xf32, #tpu.memory_space<vmem>>, vector<1x16xf32>,
        %swap3A_525 = arith.constant 45 : i32
        %swap3A_526 = arith.index_cast %swap3A_525 : i32 to index
        %swap3A_527 = arith.constant 16 : index
        %swap3A_528 = tpu.vector_load %arg7[%swap3A_526, %swap3A_527] {strides = array<i32>} : memref<64x128xf32, #tpu.memory_space<vmem>>, vector<1x16xf32>,
        %swap3A_529 = vector.shape_cast %swap3A_528 : vector<1x16xf32> to vector<16xf32>
        %swap3A_530 = vector.shape_cast %get3A_36 : vector<16xf32> to vector<1x16xf32>
        tpu.vector_store %arg7[%swap3A_526, %swap3A_527], %swap3A_530 {add = true, strides = array<i32>} : memref<64x128xf32, #tpu.memory_space<vmem>>, vector<1x16xf32>,
        %swap3A_531 = arith.constant 45 : i32
        %swap3A_532 = arith.index_cast %swap3A_531 : i32 to index
        %swap3A_533 = arith.constant 32 : index
        %swap3A_534 = tpu.vector_load %arg7[%swap3A_532, %swap3A_533] {strides = array<i32>} : memref<64x128xf32, #tpu.memory_space<vmem>>, vector<1x16xf32>,
        %swap3A_535 = vector.shape_cast %swap3A_534 : vector<1x16xf32> to vector<16xf32>
        %swap3A_536 = vector.shape_cast %get3A_40 : vector<16xf32> to vector<1x16xf32>
        tpu.vector_store %arg7[%swap3A_532, %swap3A_533], %swap3A_536 {add = true, strides = array<i32>} : memref<64x128xf32, #tpu.memory_space<vmem>>, vector<1x16xf32>,
        %swap3A_537 = arith.constant 45 : i32
        %swap3A_538 = arith.index_cast %swap3A_537 : i32 to index
        %swap3A_539 = arith.constant 48 : index
        %swap3A_540 = tpu.vector_load %arg7[%swap3A_538, %swap3A_539] {strides = array<i32>} : memref<64x128xf32, #tpu.memory_space<vmem>>, vector<1x16xf32>,
        %swap3A_541 = vector.shape_cast %swap3A_540 : vector<1x16xf32> to vector<16xf32>
        %swap3A_542 = vector.shape_cast %get3A_44 : vector<16xf32> to vector<1x16xf32>
        tpu.vector_store %arg7[%swap3A_538, %swap3A_539], %swap3A_542 {add = true, strides = array<i32>} : memref<64x128xf32, #tpu.memory_space<vmem>>, vector<1x16xf32>,
        %swap3A_543 = arith.constant 45 : i32
        %swap3A_544 = arith.index_cast %swap3A_543 : i32 to index
        %swap3A_545 = arith.constant 64 : index
        %swap3A_546 = tpu.vector_load %arg7[%swap3A_544, %swap3A_545] {strides = array<i32>} : memref<64x128xf32, #tpu.memory_space<vmem>>, vector<1x16xf32>,
        %swap3A_547 = vector.shape_cast %swap3A_546 : vector<1x16xf32> to vector<16xf32>
        %swap3A_548 = vector.shape_cast %get3A_48 : vector<16xf32> to vector<1x16xf32>
        tpu.vector_store %arg7[%swap3A_544, %swap3A_545], %swap3A_548 {add = true, strides = array<i32>} : memref<64x128xf32, #tpu.memory_space<vmem>>, vector<1x16xf32>,
        %swap3A_549 = arith.constant 45 : i32
        %swap3A_550 = arith.index_cast %swap3A_549 : i32 to index
        %swap3A_551 = arith.constant 80 : index
        %swap3A_552 = tpu.vector_load %arg7[%swap3A_550, %swap3A_551] {strides = array<i32>} : memref<64x128xf32, #tpu.memory_space<vmem>>, vector<1x16xf32>,
        %swap3A_553 = vector.shape_cast %swap3A_552 : vector<1x16xf32> to vector<16xf32>
        %swap3A_554 = vector.shape_cast %get3A_52 : vector<16xf32> to vector<1x16xf32>
        tpu.vector_store %arg7[%swap3A_550, %swap3A_551], %swap3A_554 {add = true, strides = array<i32>} : memref<64x128xf32, #tpu.memory_space<vmem>>, vector<1x16xf32>,
        %swap3A_555 = arith.constant 45 : i32
        %swap3A_556 = arith.index_cast %swap3A_555 : i32 to index
        %swap3A_557 = arith.constant 96 : index
        %swap3A_558 = tpu.vector_load %arg7[%swap3A_556, %swap3A_557] {strides = array<i32>} : memref<64x128xf32, #tpu.memory_space<vmem>>, vector<1x16xf32>,
        %swap3A_559 = vector.shape_cast %swap3A_558 : vector<1x16xf32> to vector<16xf32>
        %swap3A_560 = vector.shape_cast %get3A_56 : vector<16xf32> to vector<1x16xf32>
        tpu.vector_store %arg7[%swap3A_556, %swap3A_557], %swap3A_560 {add = true, strides = array<i32>} : memref<64x128xf32, #tpu.memory_space<vmem>>, vector<1x16xf32>,
        %swap3A_561 = arith.constant 45 : i32
        %swap3A_562 = arith.index_cast %swap3A_561 : i32 to index
        %swap3A_563 = arith.constant 112 : index
        %swap3A_564 = tpu.vector_load %arg7[%swap3A_562, %swap3A_563] {strides = array<i32>} : memref<64x128xf32, #tpu.memory_space<vmem>>, vector<1x16xf32>,
        %swap3A_565 = vector.shape_cast %swap3A_564 : vector<1x16xf32> to vector<16xf32>
        %swap3A_566 = vector.shape_cast %get3A_60 : vector<16xf32> to vector<1x16xf32>
        tpu.vector_store %arg7[%swap3A_562, %swap3A_563], %swap3A_566 {add = true, strides = array<i32>} : memref<64x128xf32, #tpu.memory_space<vmem>>, vector<1x16xf32>,
      } else {
      }
      %slice3A_390 = vector.extract_strided_slice %get3A_291 {offsets = [14], sizes = [1], strides = [1]} : vector<16xf32> to vector<1xf32>
      %squeeze3A_391 = vector.extract %slice3A_390[0] : f32 from vector<1xf32>
      %ne3A_392 = arith.constant 0.000000e+00 : f32
      %ne3A_393 = arith.cmpf one, %squeeze3A_391, %ne3A_392 : f32
      %convert_element_type3A_394 = arith.extui %ne3A_393 : i1 to i32
      %cond3A_395 = arith.constant 0 : i32
      %cond3A_396 = arith.cmpi ne, %convert_element_type3A_394, %cond3A_395 : i32
      scf.if %cond3A_396 {
        %swap3A = arith.constant 46 : i32
        %swap3A_520 = arith.index_cast %swap3A : i32 to index
        %swap3A_521 = arith.constant 0 : index
        %swap3A_522 = tpu.vector_load %arg7[%swap3A_520, %swap3A_521] {strides = array<i32>} : memref<64x128xf32, #tpu.memory_space<vmem>>, vector<1x16xf32>,
        %swap3A_523 = vector.shape_cast %swap3A_522 : vector<1x16xf32> to vector<16xf32>
        %swap3A_524 = vector.shape_cast %get3A_32 : vector<16xf32> to vector<1x16xf32>
        tpu.vector_store %arg7[%swap3A_520, %swap3A_521], %swap3A_524 {add = true, strides = array<i32>} : memref<64x128xf32, #tpu.memory_space<vmem>>, vector<1x16xf32>,
        %swap3A_525 = arith.constant 46 : i32
        %swap3A_526 = arith.index_cast %swap3A_525 : i32 to index
        %swap3A_527 = arith.constant 16 : index
        %swap3A_528 = tpu.vector_load %arg7[%swap3A_526, %swap3A_527] {strides = array<i32>} : memref<64x128xf32, #tpu.memory_space<vmem>>, vector<1x16xf32>,
        %swap3A_529 = vector.shape_cast %swap3A_528 : vector<1x16xf32> to vector<16xf32>
        %swap3A_530 = vector.shape_cast %get3A_36 : vector<16xf32> to vector<1x16xf32>
        tpu.vector_store %arg7[%swap3A_526, %swap3A_527], %swap3A_530 {add = true, strides = array<i32>} : memref<64x128xf32, #tpu.memory_space<vmem>>, vector<1x16xf32>,
        %swap3A_531 = arith.constant 46 : i32
        %swap3A_532 = arith.index_cast %swap3A_531 : i32 to index
        %swap3A_533 = arith.constant 32 : index
        %swap3A_534 = tpu.vector_load %arg7[%swap3A_532, %swap3A_533] {strides = array<i32>} : memref<64x128xf32, #tpu.memory_space<vmem>>, vector<1x16xf32>,
        %swap3A_535 = vector.shape_cast %swap3A_534 : vector<1x16xf32> to vector<16xf32>
        %swap3A_536 = vector.shape_cast %get3A_40 : vector<16xf32> to vector<1x16xf32>
        tpu.vector_store %arg7[%swap3A_532, %swap3A_533], %swap3A_536 {add = true, strides = array<i32>} : memref<64x128xf32, #tpu.memory_space<vmem>>, vector<1x16xf32>,
        %swap3A_537 = arith.constant 46 : i32
        %swap3A_538 = arith.index_cast %swap3A_537 : i32 to index
        %swap3A_539 = arith.constant 48 : index
        %swap3A_540 = tpu.vector_load %arg7[%swap3A_538, %swap3A_539] {strides = array<i32>} : memref<64x128xf32, #tpu.memory_space<vmem>>, vector<1x16xf32>,
        %swap3A_541 = vector.shape_cast %swap3A_540 : vector<1x16xf32> to vector<16xf32>
        %swap3A_542 = vector.shape_cast %get3A_44 : vector<16xf32> to vector<1x16xf32>
        tpu.vector_store %arg7[%swap3A_538, %swap3A_539], %swap3A_542 {add = true, strides = array<i32>} : memref<64x128xf32, #tpu.memory_space<vmem>>, vector<1x16xf32>,
        %swap3A_543 = arith.constant 46 : i32
        %swap3A_544 = arith.index_cast %swap3A_543 : i32 to index
        %swap3A_545 = arith.constant 64 : index
        %swap3A_546 = tpu.vector_load %arg7[%swap3A_544, %swap3A_545] {strides = array<i32>} : memref<64x128xf32, #tpu.memory_space<vmem>>, vector<1x16xf32>,
        %swap3A_547 = vector.shape_cast %swap3A_546 : vector<1x16xf32> to vector<16xf32>
        %swap3A_548 = vector.shape_cast %get3A_48 : vector<16xf32> to vector<1x16xf32>
        tpu.vector_store %arg7[%swap3A_544, %swap3A_545], %swap3A_548 {add = true, strides = array<i32>} : memref<64x128xf32, #tpu.memory_space<vmem>>, vector<1x16xf32>,
        %swap3A_549 = arith.constant 46 : i32
        %swap3A_550 = arith.index_cast %swap3A_549 : i32 to index
        %swap3A_551 = arith.constant 80 : index
        %swap3A_552 = tpu.vector_load %arg7[%swap3A_550, %swap3A_551] {strides = array<i32>} : memref<64x128xf32, #tpu.memory_space<vmem>>, vector<1x16xf32>,
        %swap3A_553 = vector.shape_cast %swap3A_552 : vector<1x16xf32> to vector<16xf32>
        %swap3A_554 = vector.shape_cast %get3A_52 : vector<16xf32> to vector<1x16xf32>
        tpu.vector_store %arg7[%swap3A_550, %swap3A_551], %swap3A_554 {add = true, strides = array<i32>} : memref<64x128xf32, #tpu.memory_space<vmem>>, vector<1x16xf32>,
        %swap3A_555 = arith.constant 46 : i32
        %swap3A_556 = arith.index_cast %swap3A_555 : i32 to index
        %swap3A_557 = arith.constant 96 : index
        %swap3A_558 = tpu.vector_load %arg7[%swap3A_556, %swap3A_557] {strides = array<i32>} : memref<64x128xf32, #tpu.memory_space<vmem>>, vector<1x16xf32>,
        %swap3A_559 = vector.shape_cast %swap3A_558 : vector<1x16xf32> to vector<16xf32>
        %swap3A_560 = vector.shape_cast %get3A_56 : vector<16xf32> to vector<1x16xf32>
        tpu.vector_store %arg7[%swap3A_556, %swap3A_557], %swap3A_560 {add = true, strides = array<i32>} : memref<64x128xf32, #tpu.memory_space<vmem>>, vector<1x16xf32>,
        %swap3A_561 = arith.constant 46 : i32
        %swap3A_562 = arith.index_cast %swap3A_561 : i32 to index
        %swap3A_563 = arith.constant 112 : index
        %swap3A_564 = tpu.vector_load %arg7[%swap3A_562, %swap3A_563] {strides = array<i32>} : memref<64x128xf32, #tpu.memory_space<vmem>>, vector<1x16xf32>,
        %swap3A_565 = vector.shape_cast %swap3A_564 : vector<1x16xf32> to vector<16xf32>
        %swap3A_566 = vector.shape_cast %get3A_60 : vector<16xf32> to vector<1x16xf32>
        tpu.vector_store %arg7[%swap3A_562, %swap3A_563], %swap3A_566 {add = true, strides = array<i32>} : memref<64x128xf32, #tpu.memory_space<vmem>>, vector<1x16xf32>,
      } else {
      }
      %slice3A_397 = vector.extract_strided_slice %get3A_291 {offsets = [15], sizes = [1], strides = [1]} : vector<16xf32> to vector<1xf32>
      %squeeze3A_398 = vector.extract %slice3A_397[0] : f32 from vector<1xf32>
      %ne3A_399 = arith.constant 0.000000e+00 : f32
      %ne3A_400 = arith.cmpf one, %squeeze3A_398, %ne3A_399 : f32
      %convert_element_type3A_401 = arith.extui %ne3A_400 : i1 to i32
      %cond3A_402 = arith.constant 0 : i32
      %cond3A_403 = arith.cmpi ne, %convert_element_type3A_401, %cond3A_402 : i32
      scf.if %cond3A_403 {
        %swap3A = arith.constant 47 : i32
        %swap3A_520 = arith.index_cast %swap3A : i32 to index
        %swap3A_521 = arith.constant 0 : index
        %swap3A_522 = tpu.vector_load %arg7[%swap3A_520, %swap3A_521] {strides = array<i32>} : memref<64x128xf32, #tpu.memory_space<vmem>>, vector<1x16xf32>,
        %swap3A_523 = vector.shape_cast %swap3A_522 : vector<1x16xf32> to vector<16xf32>
        %swap3A_524 = vector.shape_cast %get3A_32 : vector<16xf32> to vector<1x16xf32>
        tpu.vector_store %arg7[%swap3A_520, %swap3A_521], %swap3A_524 {add = true, strides = array<i32>} : memref<64x128xf32, #tpu.memory_space<vmem>>, vector<1x16xf32>,
        %swap3A_525 = arith.constant 47 : i32
        %swap3A_526 = arith.index_cast %swap3A_525 : i32 to index
        %swap3A_527 = arith.constant 16 : index
        %swap3A_528 = tpu.vector_load %arg7[%swap3A_526, %swap3A_527] {strides = array<i32>} : memref<64x128xf32, #tpu.memory_space<vmem>>, vector<1x16xf32>,
        %swap3A_529 = vector.shape_cast %swap3A_528 : vector<1x16xf32> to vector<16xf32>
        %swap3A_530 = vector.shape_cast %get3A_36 : vector<16xf32> to vector<1x16xf32>
        tpu.vector_store %arg7[%swap3A_526, %swap3A_527], %swap3A_530 {add = true, strides = array<i32>} : memref<64x128xf32, #tpu.memory_space<vmem>>, vector<1x16xf32>,
        %swap3A_531 = arith.constant 47 : i32
        %swap3A_532 = arith.index_cast %swap3A_531 : i32 to index
        %swap3A_533 = arith.constant 32 : index
        %swap3A_534 = tpu.vector_load %arg7[%swap3A_532, %swap3A_533] {strides = array<i32>} : memref<64x128xf32, #tpu.memory_space<vmem>>, vector<1x16xf32>,
        %swap3A_535 = vector.shape_cast %swap3A_534 : vector<1x16xf32> to vector<16xf32>
        %swap3A_536 = vector.shape_cast %get3A_40 : vector<16xf32> to vector<1x16xf32>
        tpu.vector_store %arg7[%swap3A_532, %swap3A_533], %swap3A_536 {add = true, strides = array<i32>} : memref<64x128xf32, #tpu.memory_space<vmem>>, vector<1x16xf32>,
        %swap3A_537 = arith.constant 47 : i32
        %swap3A_538 = arith.index_cast %swap3A_537 : i32 to index
        %swap3A_539 = arith.constant 48 : index
        %swap3A_540 = tpu.vector_load %arg7[%swap3A_538, %swap3A_539] {strides = array<i32>} : memref<64x128xf32, #tpu.memory_space<vmem>>, vector<1x16xf32>,
        %swap3A_541 = vector.shape_cast %swap3A_540 : vector<1x16xf32> to vector<16xf32>
        %swap3A_542 = vector.shape_cast %get3A_44 : vector<16xf32> to vector<1x16xf32>
        tpu.vector_store %arg7[%swap3A_538, %swap3A_539], %swap3A_542 {add = true, strides = array<i32>} : memref<64x128xf32, #tpu.memory_space<vmem>>, vector<1x16xf32>,
        %swap3A_543 = arith.constant 47 : i32
        %swap3A_544 = arith.index_cast %swap3A_543 : i32 to index
        %swap3A_545 = arith.constant 64 : index
        %swap3A_546 = tpu.vector_load %arg7[%swap3A_544, %swap3A_545] {strides = array<i32>} : memref<64x128xf32, #tpu.memory_space<vmem>>, vector<1x16xf32>,
        %swap3A_547 = vector.shape_cast %swap3A_546 : vector<1x16xf32> to vector<16xf32>
        %swap3A_548 = vector.shape_cast %get3A_48 : vector<16xf32> to vector<1x16xf32>
        tpu.vector_store %arg7[%swap3A_544, %swap3A_545], %swap3A_548 {add = true, strides = array<i32>} : memref<64x128xf32, #tpu.memory_space<vmem>>, vector<1x16xf32>,
        %swap3A_549 = arith.constant 47 : i32
        %swap3A_550 = arith.index_cast %swap3A_549 : i32 to index
        %swap3A_551 = arith.constant 80 : index
        %swap3A_552 = tpu.vector_load %arg7[%swap3A_550, %swap3A_551] {strides = array<i32>} : memref<64x128xf32, #tpu.memory_space<vmem>>, vector<1x16xf32>,
        %swap3A_553 = vector.shape_cast %swap3A_552 : vector<1x16xf32> to vector<16xf32>
        %swap3A_554 = vector.shape_cast %get3A_52 : vector<16xf32> to vector<1x16xf32>
        tpu.vector_store %arg7[%swap3A_550, %swap3A_551], %swap3A_554 {add = true, strides = array<i32>} : memref<64x128xf32, #tpu.memory_space<vmem>>, vector<1x16xf32>,
        %swap3A_555 = arith.constant 47 : i32
        %swap3A_556 = arith.index_cast %swap3A_555 : i32 to index
        %swap3A_557 = arith.constant 96 : index
        %swap3A_558 = tpu.vector_load %arg7[%swap3A_556, %swap3A_557] {strides = array<i32>} : memref<64x128xf32, #tpu.memory_space<vmem>>, vector<1x16xf32>,
        %swap3A_559 = vector.shape_cast %swap3A_558 : vector<1x16xf32> to vector<16xf32>
        %swap3A_560 = vector.shape_cast %get3A_56 : vector<16xf32> to vector<1x16xf32>
        tpu.vector_store %arg7[%swap3A_556, %swap3A_557], %swap3A_560 {add = true, strides = array<i32>} : memref<64x128xf32, #tpu.memory_space<vmem>>, vector<1x16xf32>,
        %swap3A_561 = arith.constant 47 : i32
        %swap3A_562 = arith.index_cast %swap3A_561 : i32 to index
        %swap3A_563 = arith.constant 112 : index
        %swap3A_564 = tpu.vector_load %arg7[%swap3A_562, %swap3A_563] {strides = array<i32>} : memref<64x128xf32, #tpu.memory_space<vmem>>, vector<1x16xf32>,
        %swap3A_565 = vector.shape_cast %swap3A_564 : vector<1x16xf32> to vector<16xf32>
        %swap3A_566 = vector.shape_cast %get3A_60 : vector<16xf32> to vector<1x16xf32>
        tpu.vector_store %arg7[%swap3A_562, %swap3A_563], %swap3A_566 {add = true, strides = array<i32>} : memref<64x128xf32, #tpu.memory_space<vmem>>, vector<1x16xf32>,
      } else {
      }
      %get3A_404 = arith.index_cast %scan3A_29 : i32 to index
      %get3A_405 = arith.constant 48 : index
      %get3A_406 = tpu.vector_load %arg6[%get3A_404, %get3A_405] {strides = array<i32>} : memref<64x64xf32, #tpu.memory_space<vmem>>, vector<1x16xf32>,
      %get3A_407 = vector.shape_cast %get3A_406 : vector<1x16xf32> to vector<16xf32>
      %slice3A_408 = vector.extract_strided_slice %get3A_407 {offsets = [0], sizes = [1], strides = [1]} : vector<16xf32> to vector<1xf32>
      %squeeze3A_409 = vector.extract %slice3A_408[0] : f32 from vector<1xf32>
      %ne3A_410 = arith.constant 0.000000e+00 : f32
      %ne3A_411 = arith.cmpf one, %squeeze3A_409, %ne3A_410 : f32
      %convert_element_type3A_412 = arith.extui %ne3A_411 : i1 to i32
      %cond3A_413 = arith.constant 0 : i32
      %cond3A_414 = arith.cmpi ne, %convert_element_type3A_412, %cond3A_413 : i32
      scf.if %cond3A_414 {
        %swap3A = arith.constant 48 : i32
        %swap3A_520 = arith.index_cast %swap3A : i32 to index
        %swap3A_521 = arith.constant 0 : index
        %swap3A_522 = tpu.vector_load %arg7[%swap3A_520, %swap3A_521] {strides = array<i32>} : memref<64x128xf32, #tpu.memory_space<vmem>>, vector<1x16xf32>,
        %swap3A_523 = vector.shape_cast %swap3A_522 : vector<1x16xf32> to vector<16xf32>
        %swap3A_524 = vector.shape_cast %get3A_32 : vector<16xf32> to vector<1x16xf32>
        tpu.vector_store %arg7[%swap3A_520, %swap3A_521], %swap3A_524 {add = true, strides = array<i32>} : memref<64x128xf32, #tpu.memory_space<vmem>>, vector<1x16xf32>,
        %swap3A_525 = arith.constant 48 : i32
        %swap3A_526 = arith.index_cast %swap3A_525 : i32 to index
        %swap3A_527 = arith.constant 16 : index
        %swap3A_528 = tpu.vector_load %arg7[%swap3A_526, %swap3A_527] {strides = array<i32>} : memref<64x128xf32, #tpu.memory_space<vmem>>, vector<1x16xf32>,
        %swap3A_529 = vector.shape_cast %swap3A_528 : vector<1x16xf32> to vector<16xf32>
        %swap3A_530 = vector.shape_cast %get3A_36 : vector<16xf32> to vector<1x16xf32>
        tpu.vector_store %arg7[%swap3A_526, %swap3A_527], %swap3A_530 {add = true, strides = array<i32>} : memref<64x128xf32, #tpu.memory_space<vmem>>, vector<1x16xf32>,
        %swap3A_531 = arith.constant 48 : i32
        %swap3A_532 = arith.index_cast %swap3A_531 : i32 to index
        %swap3A_533 = arith.constant 32 : index
        %swap3A_534 = tpu.vector_load %arg7[%swap3A_532, %swap3A_533] {strides = array<i32>} : memref<64x128xf32, #tpu.memory_space<vmem>>, vector<1x16xf32>,
        %swap3A_535 = vector.shape_cast %swap3A_534 : vector<1x16xf32> to vector<16xf32>
        %swap3A_536 = vector.shape_cast %get3A_40 : vector<16xf32> to vector<1x16xf32>
        tpu.vector_store %arg7[%swap3A_532, %swap3A_533], %swap3A_536 {add = true, strides = array<i32>} : memref<64x128xf32, #tpu.memory_space<vmem>>, vector<1x16xf32>,
        %swap3A_537 = arith.constant 48 : i32
        %swap3A_538 = arith.index_cast %swap3A_537 : i32 to index
        %swap3A_539 = arith.constant 48 : index
        %swap3A_540 = tpu.vector_load %arg7[%swap3A_538, %swap3A_539] {strides = array<i32>} : memref<64x128xf32, #tpu.memory_space<vmem>>, vector<1x16xf32>,
        %swap3A_541 = vector.shape_cast %swap3A_540 : vector<1x16xf32> to vector<16xf32>
        %swap3A_542 = vector.shape_cast %get3A_44 : vector<16xf32> to vector<1x16xf32>
        tpu.vector_store %arg7[%swap3A_538, %swap3A_539], %swap3A_542 {add = true, strides = array<i32>} : memref<64x128xf32, #tpu.memory_space<vmem>>, vector<1x16xf32>,
        %swap3A_543 = arith.constant 48 : i32
        %swap3A_544 = arith.index_cast %swap3A_543 : i32 to index
        %swap3A_545 = arith.constant 64 : index
        %swap3A_546 = tpu.vector_load %arg7[%swap3A_544, %swap3A_545] {strides = array<i32>} : memref<64x128xf32, #tpu.memory_space<vmem>>, vector<1x16xf32>,
        %swap3A_547 = vector.shape_cast %swap3A_546 : vector<1x16xf32> to vector<16xf32>
        %swap3A_548 = vector.shape_cast %get3A_48 : vector<16xf32> to vector<1x16xf32>
        tpu.vector_store %arg7[%swap3A_544, %swap3A_545], %swap3A_548 {add = true, strides = array<i32>} : memref<64x128xf32, #tpu.memory_space<vmem>>, vector<1x16xf32>,
        %swap3A_549 = arith.constant 48 : i32
        %swap3A_550 = arith.index_cast %swap3A_549 : i32 to index
        %swap3A_551 = arith.constant 80 : index
        %swap3A_552 = tpu.vector_load %arg7[%swap3A_550, %swap3A_551] {strides = array<i32>} : memref<64x128xf32, #tpu.memory_space<vmem>>, vector<1x16xf32>,
        %swap3A_553 = vector.shape_cast %swap3A_552 : vector<1x16xf32> to vector<16xf32>
        %swap3A_554 = vector.shape_cast %get3A_52 : vector<16xf32> to vector<1x16xf32>
        tpu.vector_store %arg7[%swap3A_550, %swap3A_551], %swap3A_554 {add = true, strides = array<i32>} : memref<64x128xf32, #tpu.memory_space<vmem>>, vector<1x16xf32>,
        %swap3A_555 = arith.constant 48 : i32
        %swap3A_556 = arith.index_cast %swap3A_555 : i32 to index
        %swap3A_557 = arith.constant 96 : index
        %swap3A_558 = tpu.vector_load %arg7[%swap3A_556, %swap3A_557] {strides = array<i32>} : memref<64x128xf32, #tpu.memory_space<vmem>>, vector<1x16xf32>,
        %swap3A_559 = vector.shape_cast %swap3A_558 : vector<1x16xf32> to vector<16xf32>
        %swap3A_560 = vector.shape_cast %get3A_56 : vector<16xf32> to vector<1x16xf32>
        tpu.vector_store %arg7[%swap3A_556, %swap3A_557], %swap3A_560 {add = true, strides = array<i32>} : memref<64x128xf32, #tpu.memory_space<vmem>>, vector<1x16xf32>,
        %swap3A_561 = arith.constant 48 : i32
        %swap3A_562 = arith.index_cast %swap3A_561 : i32 to index
        %swap3A_563 = arith.constant 112 : index
        %swap3A_564 = tpu.vector_load %arg7[%swap3A_562, %swap3A_563] {strides = array<i32>} : memref<64x128xf32, #tpu.memory_space<vmem>>, vector<1x16xf32>,
        %swap3A_565 = vector.shape_cast %swap3A_564 : vector<1x16xf32> to vector<16xf32>
        %swap3A_566 = vector.shape_cast %get3A_60 : vector<16xf32> to vector<1x16xf32>
        tpu.vector_store %arg7[%swap3A_562, %swap3A_563], %swap3A_566 {add = true, strides = array<i32>} : memref<64x128xf32, #tpu.memory_space<vmem>>, vector<1x16xf32>,
      } else {
      }
      %slice3A_415 = vector.extract_strided_slice %get3A_407 {offsets = [1], sizes = [1], strides = [1]} : vector<16xf32> to vector<1xf32>
      %squeeze3A_416 = vector.extract %slice3A_415[0] : f32 from vector<1xf32>
      %ne3A_417 = arith.constant 0.000000e+00 : f32
      %ne3A_418 = arith.cmpf one, %squeeze3A_416, %ne3A_417 : f32
      %convert_element_type3A_419 = arith.extui %ne3A_418 : i1 to i32
      %cond3A_420 = arith.constant 0 : i32
      %cond3A_421 = arith.cmpi ne, %convert_element_type3A_419, %cond3A_420 : i32
      scf.if %cond3A_421 {
        %swap3A = arith.constant 49 : i32
        %swap3A_520 = arith.index_cast %swap3A : i32 to index
        %swap3A_521 = arith.constant 0 : index
        %swap3A_522 = tpu.vector_load %arg7[%swap3A_520, %swap3A_521] {strides = array<i32>} : memref<64x128xf32, #tpu.memory_space<vmem>>, vector<1x16xf32>,
        %swap3A_523 = vector.shape_cast %swap3A_522 : vector<1x16xf32> to vector<16xf32>
        %swap3A_524 = vector.shape_cast %get3A_32 : vector<16xf32> to vector<1x16xf32>
        tpu.vector_store %arg7[%swap3A_520, %swap3A_521], %swap3A_524 {add = true, strides = array<i32>} : memref<64x128xf32, #tpu.memory_space<vmem>>, vector<1x16xf32>,
        %swap3A_525 = arith.constant 49 : i32
        %swap3A_526 = arith.index_cast %swap3A_525 : i32 to index
        %swap3A_527 = arith.constant 16 : index
        %swap3A_528 = tpu.vector_load %arg7[%swap3A_526, %swap3A_527] {strides = array<i32>} : memref<64x128xf32, #tpu.memory_space<vmem>>, vector<1x16xf32>,
        %swap3A_529 = vector.shape_cast %swap3A_528 : vector<1x16xf32> to vector<16xf32>
        %swap3A_530 = vector.shape_cast %get3A_36 : vector<16xf32> to vector<1x16xf32>
        tpu.vector_store %arg7[%swap3A_526, %swap3A_527], %swap3A_530 {add = true, strides = array<i32>} : memref<64x128xf32, #tpu.memory_space<vmem>>, vector<1x16xf32>,
        %swap3A_531 = arith.constant 49 : i32
        %swap3A_532 = arith.index_cast %swap3A_531 : i32 to index
        %swap3A_533 = arith.constant 32 : index
        %swap3A_534 = tpu.vector_load %arg7[%swap3A_532, %swap3A_533] {strides = array<i32>} : memref<64x128xf32, #tpu.memory_space<vmem>>, vector<1x16xf32>,
        %swap3A_535 = vector.shape_cast %swap3A_534 : vector<1x16xf32> to vector<16xf32>
        %swap3A_536 = vector.shape_cast %get3A_40 : vector<16xf32> to vector<1x16xf32>
        tpu.vector_store %arg7[%swap3A_532, %swap3A_533], %swap3A_536 {add = true, strides = array<i32>} : memref<64x128xf32, #tpu.memory_space<vmem>>, vector<1x16xf32>,
        %swap3A_537 = arith.constant 49 : i32
        %swap3A_538 = arith.index_cast %swap3A_537 : i32 to index
        %swap3A_539 = arith.constant 48 : index
        %swap3A_540 = tpu.vector_load %arg7[%swap3A_538, %swap3A_539] {strides = array<i32>} : memref<64x128xf32, #tpu.memory_space<vmem>>, vector<1x16xf32>,
        %swap3A_541 = vector.shape_cast %swap3A_540 : vector<1x16xf32> to vector<16xf32>
        %swap3A_542 = vector.shape_cast %get3A_44 : vector<16xf32> to vector<1x16xf32>
        tpu.vector_store %arg7[%swap3A_538, %swap3A_539], %swap3A_542 {add = true, strides = array<i32>} : memref<64x128xf32, #tpu.memory_space<vmem>>, vector<1x16xf32>,
        %swap3A_543 = arith.constant 49 : i32
        %swap3A_544 = arith.index_cast %swap3A_543 : i32 to index
        %swap3A_545 = arith.constant 64 : index
        %swap3A_546 = tpu.vector_load %arg7[%swap3A_544, %swap3A_545] {strides = array<i32>} : memref<64x128xf32, #tpu.memory_space<vmem>>, vector<1x16xf32>,
        %swap3A_547 = vector.shape_cast %swap3A_546 : vector<1x16xf32> to vector<16xf32>
        %swap3A_548 = vector.shape_cast %get3A_48 : vector<16xf32> to vector<1x16xf32>
        tpu.vector_store %arg7[%swap3A_544, %swap3A_545], %swap3A_548 {add = true, strides = array<i32>} : memref<64x128xf32, #tpu.memory_space<vmem>>, vector<1x16xf32>,
        %swap3A_549 = arith.constant 49 : i32
        %swap3A_550 = arith.index_cast %swap3A_549 : i32 to index
        %swap3A_551 = arith.constant 80 : index
        %swap3A_552 = tpu.vector_load %arg7[%swap3A_550, %swap3A_551] {strides = array<i32>} : memref<64x128xf32, #tpu.memory_space<vmem>>, vector<1x16xf32>,
        %swap3A_553 = vector.shape_cast %swap3A_552 : vector<1x16xf32> to vector<16xf32>
        %swap3A_554 = vector.shape_cast %get3A_52 : vector<16xf32> to vector<1x16xf32>
        tpu.vector_store %arg7[%swap3A_550, %swap3A_551], %swap3A_554 {add = true, strides = array<i32>} : memref<64x128xf32, #tpu.memory_space<vmem>>, vector<1x16xf32>,
        %swap3A_555 = arith.constant 49 : i32
        %swap3A_556 = arith.index_cast %swap3A_555 : i32 to index
        %swap3A_557 = arith.constant 96 : index
        %swap3A_558 = tpu.vector_load %arg7[%swap3A_556, %swap3A_557] {strides = array<i32>} : memref<64x128xf32, #tpu.memory_space<vmem>>, vector<1x16xf32>,
        %swap3A_559 = vector.shape_cast %swap3A_558 : vector<1x16xf32> to vector<16xf32>
        %swap3A_560 = vector.shape_cast %get3A_56 : vector<16xf32> to vector<1x16xf32>
        tpu.vector_store %arg7[%swap3A_556, %swap3A_557], %swap3A_560 {add = true, strides = array<i32>} : memref<64x128xf32, #tpu.memory_space<vmem>>, vector<1x16xf32>,
        %swap3A_561 = arith.constant 49 : i32
        %swap3A_562 = arith.index_cast %swap3A_561 : i32 to index
        %swap3A_563 = arith.constant 112 : index
        %swap3A_564 = tpu.vector_load %arg7[%swap3A_562, %swap3A_563] {strides = array<i32>} : memref<64x128xf32, #tpu.memory_space<vmem>>, vector<1x16xf32>,
        %swap3A_565 = vector.shape_cast %swap3A_564 : vector<1x16xf32> to vector<16xf32>
        %swap3A_566 = vector.shape_cast %get3A_60 : vector<16xf32> to vector<1x16xf32>
        tpu.vector_store %arg7[%swap3A_562, %swap3A_563], %swap3A_566 {add = true, strides = array<i32>} : memref<64x128xf32, #tpu.memory_space<vmem>>, vector<1x16xf32>,
      } else {
      }
      %slice3A_422 = vector.extract_strided_slice %get3A_407 {offsets = [2], sizes = [1], strides = [1]} : vector<16xf32> to vector<1xf32>
      %squeeze3A_423 = vector.extract %slice3A_422[0] : f32 from vector<1xf32>
      %ne3A_424 = arith.constant 0.000000e+00 : f32
      %ne3A_425 = arith.cmpf one, %squeeze3A_423, %ne3A_424 : f32
      %convert_element_type3A_426 = arith.extui %ne3A_425 : i1 to i32
      %cond3A_427 = arith.constant 0 : i32
      %cond3A_428 = arith.cmpi ne, %convert_element_type3A_426, %cond3A_427 : i32
      scf.if %cond3A_428 {
        %swap3A = arith.constant 50 : i32
        %swap3A_520 = arith.index_cast %swap3A : i32 to index
        %swap3A_521 = arith.constant 0 : index
        %swap3A_522 = tpu.vector_load %arg7[%swap3A_520, %swap3A_521] {strides = array<i32>} : memref<64x128xf32, #tpu.memory_space<vmem>>, vector<1x16xf32>,
        %swap3A_523 = vector.shape_cast %swap3A_522 : vector<1x16xf32> to vector<16xf32>
        %swap3A_524 = vector.shape_cast %get3A_32 : vector<16xf32> to vector<1x16xf32>
        tpu.vector_store %arg7[%swap3A_520, %swap3A_521], %swap3A_524 {add = true, strides = array<i32>} : memref<64x128xf32, #tpu.memory_space<vmem>>, vector<1x16xf32>,
        %swap3A_525 = arith.constant 50 : i32
        %swap3A_526 = arith.index_cast %swap3A_525 : i32 to index
        %swap3A_527 = arith.constant 16 : index
        %swap3A_528 = tpu.vector_load %arg7[%swap3A_526, %swap3A_527] {strides = array<i32>} : memref<64x128xf32, #tpu.memory_space<vmem>>, vector<1x16xf32>,
        %swap3A_529 = vector.shape_cast %swap3A_528 : vector<1x16xf32> to vector<16xf32>
        %swap3A_530 = vector.shape_cast %get3A_36 : vector<16xf32> to vector<1x16xf32>
        tpu.vector_store %arg7[%swap3A_526, %swap3A_527], %swap3A_530 {add = true, strides = array<i32>} : memref<64x128xf32, #tpu.memory_space<vmem>>, vector<1x16xf32>,
        %swap3A_531 = arith.constant 50 : i32
        %swap3A_532 = arith.index_cast %swap3A_531 : i32 to index
        %swap3A_533 = arith.constant 32 : index
        %swap3A_534 = tpu.vector_load %arg7[%swap3A_532, %swap3A_533] {strides = array<i32>} : memref<64x128xf32, #tpu.memory_space<vmem>>, vector<1x16xf32>,
        %swap3A_535 = vector.shape_cast %swap3A_534 : vector<1x16xf32> to vector<16xf32>
        %swap3A_536 = vector.shape_cast %get3A_40 : vector<16xf32> to vector<1x16xf32>
        tpu.vector_store %arg7[%swap3A_532, %swap3A_533], %swap3A_536 {add = true, strides = array<i32>} : memref<64x128xf32, #tpu.memory_space<vmem>>, vector<1x16xf32>,
        %swap3A_537 = arith.constant 50 : i32
        %swap3A_538 = arith.index_cast %swap3A_537 : i32 to index
        %swap3A_539 = arith.constant 48 : index
        %swap3A_540 = tpu.vector_load %arg7[%swap3A_538, %swap3A_539] {strides = array<i32>} : memref<64x128xf32, #tpu.memory_space<vmem>>, vector<1x16xf32>,
        %swap3A_541 = vector.shape_cast %swap3A_540 : vector<1x16xf32> to vector<16xf32>
        %swap3A_542 = vector.shape_cast %get3A_44 : vector<16xf32> to vector<1x16xf32>
        tpu.vector_store %arg7[%swap3A_538, %swap3A_539], %swap3A_542 {add = true, strides = array<i32>} : memref<64x128xf32, #tpu.memory_space<vmem>>, vector<1x16xf32>,
        %swap3A_543 = arith.constant 50 : i32
        %swap3A_544 = arith.index_cast %swap3A_543 : i32 to index
        %swap3A_545 = arith.constant 64 : index
        %swap3A_546 = tpu.vector_load %arg7[%swap3A_544, %swap3A_545] {strides = array<i32>} : memref<64x128xf32, #tpu.memory_space<vmem>>, vector<1x16xf32>,
        %swap3A_547 = vector.shape_cast %swap3A_546 : vector<1x16xf32> to vector<16xf32>
        %swap3A_548 = vector.shape_cast %get3A_48 : vector<16xf32> to vector<1x16xf32>
        tpu.vector_store %arg7[%swap3A_544, %swap3A_545], %swap3A_548 {add = true, strides = array<i32>} : memref<64x128xf32, #tpu.memory_space<vmem>>, vector<1x16xf32>,
        %swap3A_549 = arith.constant 50 : i32
        %swap3A_550 = arith.index_cast %swap3A_549 : i32 to index
        %swap3A_551 = arith.constant 80 : index
        %swap3A_552 = tpu.vector_load %arg7[%swap3A_550, %swap3A_551] {strides = array<i32>} : memref<64x128xf32, #tpu.memory_space<vmem>>, vector<1x16xf32>,
        %swap3A_553 = vector.shape_cast %swap3A_552 : vector<1x16xf32> to vector<16xf32>
        %swap3A_554 = vector.shape_cast %get3A_52 : vector<16xf32> to vector<1x16xf32>
        tpu.vector_store %arg7[%swap3A_550, %swap3A_551], %swap3A_554 {add = true, strides = array<i32>} : memref<64x128xf32, #tpu.memory_space<vmem>>, vector<1x16xf32>,
        %swap3A_555 = arith.constant 50 : i32
        %swap3A_556 = arith.index_cast %swap3A_555 : i32 to index
        %swap3A_557 = arith.constant 96 : index
        %swap3A_558 = tpu.vector_load %arg7[%swap3A_556, %swap3A_557] {strides = array<i32>} : memref<64x128xf32, #tpu.memory_space<vmem>>, vector<1x16xf32>,
        %swap3A_559 = vector.shape_cast %swap3A_558 : vector<1x16xf32> to vector<16xf32>
        %swap3A_560 = vector.shape_cast %get3A_56 : vector<16xf32> to vector<1x16xf32>
        tpu.vector_store %arg7[%swap3A_556, %swap3A_557], %swap3A_560 {add = true, strides = array<i32>} : memref<64x128xf32, #tpu.memory_space<vmem>>, vector<1x16xf32>,
        %swap3A_561 = arith.constant 50 : i32
        %swap3A_562 = arith.index_cast %swap3A_561 : i32 to index
        %swap3A_563 = arith.constant 112 : index
        %swap3A_564 = tpu.vector_load %arg7[%swap3A_562, %swap3A_563] {strides = array<i32>} : memref<64x128xf32, #tpu.memory_space<vmem>>, vector<1x16xf32>,
        %swap3A_565 = vector.shape_cast %swap3A_564 : vector<1x16xf32> to vector<16xf32>
        %swap3A_566 = vector.shape_cast %get3A_60 : vector<16xf32> to vector<1x16xf32>
        tpu.vector_store %arg7[%swap3A_562, %swap3A_563], %swap3A_566 {add = true, strides = array<i32>} : memref<64x128xf32, #tpu.memory_space<vmem>>, vector<1x16xf32>,
      } else {
      }
      %slice3A_429 = vector.extract_strided_slice %get3A_407 {offsets = [3], sizes = [1], strides = [1]} : vector<16xf32> to vector<1xf32>
      %squeeze3A_430 = vector.extract %slice3A_429[0] : f32 from vector<1xf32>
      %ne3A_431 = arith.constant 0.000000e+00 : f32
      %ne3A_432 = arith.cmpf one, %squeeze3A_430, %ne3A_431 : f32
      %convert_element_type3A_433 = arith.extui %ne3A_432 : i1 to i32
      %cond3A_434 = arith.constant 0 : i32
      %cond3A_435 = arith.cmpi ne, %convert_element_type3A_433, %cond3A_434 : i32
      scf.if %cond3A_435 {
        %swap3A = arith.constant 51 : i32
        %swap3A_520 = arith.index_cast %swap3A : i32 to index
        %swap3A_521 = arith.constant 0 : index
        %swap3A_522 = tpu.vector_load %arg7[%swap3A_520, %swap3A_521] {strides = array<i32>} : memref<64x128xf32, #tpu.memory_space<vmem>>, vector<1x16xf32>,
        %swap3A_523 = vector.shape_cast %swap3A_522 : vector<1x16xf32> to vector<16xf32>
        %swap3A_524 = vector.shape_cast %get3A_32 : vector<16xf32> to vector<1x16xf32>
        tpu.vector_store %arg7[%swap3A_520, %swap3A_521], %swap3A_524 {add = true, strides = array<i32>} : memref<64x128xf32, #tpu.memory_space<vmem>>, vector<1x16xf32>,
        %swap3A_525 = arith.constant 51 : i32
        %swap3A_526 = arith.index_cast %swap3A_525 : i32 to index
        %swap3A_527 = arith.constant 16 : index
        %swap3A_528 = tpu.vector_load %arg7[%swap3A_526, %swap3A_527] {strides = array<i32>} : memref<64x128xf32, #tpu.memory_space<vmem>>, vector<1x16xf32>,
        %swap3A_529 = vector.shape_cast %swap3A_528 : vector<1x16xf32> to vector<16xf32>
        %swap3A_530 = vector.shape_cast %get3A_36 : vector<16xf32> to vector<1x16xf32>
        tpu.vector_store %arg7[%swap3A_526, %swap3A_527], %swap3A_530 {add = true, strides = array<i32>} : memref<64x128xf32, #tpu.memory_space<vmem>>, vector<1x16xf32>,
        %swap3A_531 = arith.constant 51 : i32
        %swap3A_532 = arith.index_cast %swap3A_531 : i32 to index
        %swap3A_533 = arith.constant 32 : index
        %swap3A_534 = tpu.vector_load %arg7[%swap3A_532, %swap3A_533] {strides = array<i32>} : memref<64x128xf32, #tpu.memory_space<vmem>>, vector<1x16xf32>,
        %swap3A_535 = vector.shape_cast %swap3A_534 : vector<1x16xf32> to vector<16xf32>
        %swap3A_536 = vector.shape_cast %get3A_40 : vector<16xf32> to vector<1x16xf32>
        tpu.vector_store %arg7[%swap3A_532, %swap3A_533], %swap3A_536 {add = true, strides = array<i32>} : memref<64x128xf32, #tpu.memory_space<vmem>>, vector<1x16xf32>,
        %swap3A_537 = arith.constant 51 : i32
        %swap3A_538 = arith.index_cast %swap3A_537 : i32 to index
        %swap3A_539 = arith.constant 48 : index
        %swap3A_540 = tpu.vector_load %arg7[%swap3A_538, %swap3A_539] {strides = array<i32>} : memref<64x128xf32, #tpu.memory_space<vmem>>, vector<1x16xf32>,
        %swap3A_541 = vector.shape_cast %swap3A_540 : vector<1x16xf32> to vector<16xf32>
        %swap3A_542 = vector.shape_cast %get3A_44 : vector<16xf32> to vector<1x16xf32>
        tpu.vector_store %arg7[%swap3A_538, %swap3A_539], %swap3A_542 {add = true, strides = array<i32>} : memref<64x128xf32, #tpu.memory_space<vmem>>, vector<1x16xf32>,
        %swap3A_543 = arith.constant 51 : i32
        %swap3A_544 = arith.index_cast %swap3A_543 : i32 to index
        %swap3A_545 = arith.constant 64 : index
        %swap3A_546 = tpu.vector_load %arg7[%swap3A_544, %swap3A_545] {strides = array<i32>} : memref<64x128xf32, #tpu.memory_space<vmem>>, vector<1x16xf32>,
        %swap3A_547 = vector.shape_cast %swap3A_546 : vector<1x16xf32> to vector<16xf32>
        %swap3A_548 = vector.shape_cast %get3A_48 : vector<16xf32> to vector<1x16xf32>
        tpu.vector_store %arg7[%swap3A_544, %swap3A_545], %swap3A_548 {add = true, strides = array<i32>} : memref<64x128xf32, #tpu.memory_space<vmem>>, vector<1x16xf32>,
        %swap3A_549 = arith.constant 51 : i32
        %swap3A_550 = arith.index_cast %swap3A_549 : i32 to index
        %swap3A_551 = arith.constant 80 : index
        %swap3A_552 = tpu.vector_load %arg7[%swap3A_550, %swap3A_551] {strides = array<i32>} : memref<64x128xf32, #tpu.memory_space<vmem>>, vector<1x16xf32>,
        %swap3A_553 = vector.shape_cast %swap3A_552 : vector<1x16xf32> to vector<16xf32>
        %swap3A_554 = vector.shape_cast %get3A_52 : vector<16xf32> to vector<1x16xf32>
        tpu.vector_store %arg7[%swap3A_550, %swap3A_551], %swap3A_554 {add = true, strides = array<i32>} : memref<64x128xf32, #tpu.memory_space<vmem>>, vector<1x16xf32>,
        %swap3A_555 = arith.constant 51 : i32
        %swap3A_556 = arith.index_cast %swap3A_555 : i32 to index
        %swap3A_557 = arith.constant 96 : index
        %swap3A_558 = tpu.vector_load %arg7[%swap3A_556, %swap3A_557] {strides = array<i32>} : memref<64x128xf32, #tpu.memory_space<vmem>>, vector<1x16xf32>,
        %swap3A_559 = vector.shape_cast %swap3A_558 : vector<1x16xf32> to vector<16xf32>
        %swap3A_560 = vector.shape_cast %get3A_56 : vector<16xf32> to vector<1x16xf32>
        tpu.vector_store %arg7[%swap3A_556, %swap3A_557], %swap3A_560 {add = true, strides = array<i32>} : memref<64x128xf32, #tpu.memory_space<vmem>>, vector<1x16xf32>,
        %swap3A_561 = arith.constant 51 : i32
        %swap3A_562 = arith.index_cast %swap3A_561 : i32 to index
        %swap3A_563 = arith.constant 112 : index
        %swap3A_564 = tpu.vector_load %arg7[%swap3A_562, %swap3A_563] {strides = array<i32>} : memref<64x128xf32, #tpu.memory_space<vmem>>, vector<1x16xf32>,
        %swap3A_565 = vector.shape_cast %swap3A_564 : vector<1x16xf32> to vector<16xf32>
        %swap3A_566 = vector.shape_cast %get3A_60 : vector<16xf32> to vector<1x16xf32>
        tpu.vector_store %arg7[%swap3A_562, %swap3A_563], %swap3A_566 {add = true, strides = array<i32>} : memref<64x128xf32, #tpu.memory_space<vmem>>, vector<1x16xf32>,
      } else {
      }
      %slice3A_436 = vector.extract_strided_slice %get3A_407 {offsets = [4], sizes = [1], strides = [1]} : vector<16xf32> to vector<1xf32>
      %squeeze3A_437 = vector.extract %slice3A_436[0] : f32 from vector<1xf32>
      %ne3A_438 = arith.constant 0.000000e+00 : f32
      %ne3A_439 = arith.cmpf one, %squeeze3A_437, %ne3A_438 : f32
      %convert_element_type3A_440 = arith.extui %ne3A_439 : i1 to i32
      %cond3A_441 = arith.constant 0 : i32
      %cond3A_442 = arith.cmpi ne, %convert_element_type3A_440, %cond3A_441 : i32
      scf.if %cond3A_442 {
        %swap3A = arith.constant 52 : i32
        %swap3A_520 = arith.index_cast %swap3A : i32 to index
        %swap3A_521 = arith.constant 0 : index
        %swap3A_522 = tpu.vector_load %arg7[%swap3A_520, %swap3A_521] {strides = array<i32>} : memref<64x128xf32, #tpu.memory_space<vmem>>, vector<1x16xf32>,
        %swap3A_523 = vector.shape_cast %swap3A_522 : vector<1x16xf32> to vector<16xf32>
        %swap3A_524 = vector.shape_cast %get3A_32 : vector<16xf32> to vector<1x16xf32>
        tpu.vector_store %arg7[%swap3A_520, %swap3A_521], %swap3A_524 {add = true, strides = array<i32>} : memref<64x128xf32, #tpu.memory_space<vmem>>, vector<1x16xf32>,
        %swap3A_525 = arith.constant 52 : i32
        %swap3A_526 = arith.index_cast %swap3A_525 : i32 to index
        %swap3A_527 = arith.constant 16 : index
        %swap3A_528 = tpu.vector_load %arg7[%swap3A_526, %swap3A_527] {strides = array<i32>} : memref<64x128xf32, #tpu.memory_space<vmem>>, vector<1x16xf32>,
        %swap3A_529 = vector.shape_cast %swap3A_528 : vector<1x16xf32> to vector<16xf32>
        %swap3A_530 = vector.shape_cast %get3A_36 : vector<16xf32> to vector<1x16xf32>
        tpu.vector_store %arg7[%swap3A_526, %swap3A_527], %swap3A_530 {add = true, strides = array<i32>} : memref<64x128xf32, #tpu.memory_space<vmem>>, vector<1x16xf32>,
        %swap3A_531 = arith.constant 52 : i32
        %swap3A_532 = arith.index_cast %swap3A_531 : i32 to index
        %swap3A_533 = arith.constant 32 : index
        %swap3A_534 = tpu.vector_load %arg7[%swap3A_532, %swap3A_533] {strides = array<i32>} : memref<64x128xf32, #tpu.memory_space<vmem>>, vector<1x16xf32>,
        %swap3A_535 = vector.shape_cast %swap3A_534 : vector<1x16xf32> to vector<16xf32>
        %swap3A_536 = vector.shape_cast %get3A_40 : vector<16xf32> to vector<1x16xf32>
        tpu.vector_store %arg7[%swap3A_532, %swap3A_533], %swap3A_536 {add = true, strides = array<i32>} : memref<64x128xf32, #tpu.memory_space<vmem>>, vector<1x16xf32>,
        %swap3A_537 = arith.constant 52 : i32
        %swap3A_538 = arith.index_cast %swap3A_537 : i32 to index
        %swap3A_539 = arith.constant 48 : index
        %swap3A_540 = tpu.vector_load %arg7[%swap3A_538, %swap3A_539] {strides = array<i32>} : memref<64x128xf32, #tpu.memory_space<vmem>>, vector<1x16xf32>,
        %swap3A_541 = vector.shape_cast %swap3A_540 : vector<1x16xf32> to vector<16xf32>
        %swap3A_542 = vector.shape_cast %get3A_44 : vector<16xf32> to vector<1x16xf32>
        tpu.vector_store %arg7[%swap3A_538, %swap3A_539], %swap3A_542 {add = true, strides = array<i32>} : memref<64x128xf32, #tpu.memory_space<vmem>>, vector<1x16xf32>,
        %swap3A_543 = arith.constant 52 : i32
        %swap3A_544 = arith.index_cast %swap3A_543 : i32 to index
        %swap3A_545 = arith.constant 64 : index
        %swap3A_546 = tpu.vector_load %arg7[%swap3A_544, %swap3A_545] {strides = array<i32>} : memref<64x128xf32, #tpu.memory_space<vmem>>, vector<1x16xf32>,
        %swap3A_547 = vector.shape_cast %swap3A_546 : vector<1x16xf32> to vector<16xf32>
        %swap3A_548 = vector.shape_cast %get3A_48 : vector<16xf32> to vector<1x16xf32>
        tpu.vector_store %arg7[%swap3A_544, %swap3A_545], %swap3A_548 {add = true, strides = array<i32>} : memref<64x128xf32, #tpu.memory_space<vmem>>, vector<1x16xf32>,
        %swap3A_549 = arith.constant 52 : i32
        %swap3A_550 = arith.index_cast %swap3A_549 : i32 to index
        %swap3A_551 = arith.constant 80 : index
        %swap3A_552 = tpu.vector_load %arg7[%swap3A_550, %swap3A_551] {strides = array<i32>} : memref<64x128xf32, #tpu.memory_space<vmem>>, vector<1x16xf32>,
        %swap3A_553 = vector.shape_cast %swap3A_552 : vector<1x16xf32> to vector<16xf32>
        %swap3A_554 = vector.shape_cast %get3A_52 : vector<16xf32> to vector<1x16xf32>
        tpu.vector_store %arg7[%swap3A_550, %swap3A_551], %swap3A_554 {add = true, strides = array<i32>} : memref<64x128xf32, #tpu.memory_space<vmem>>, vector<1x16xf32>,
        %swap3A_555 = arith.constant 52 : i32
        %swap3A_556 = arith.index_cast %swap3A_555 : i32 to index
        %swap3A_557 = arith.constant 96 : index
        %swap3A_558 = tpu.vector_load %arg7[%swap3A_556, %swap3A_557] {strides = array<i32>} : memref<64x128xf32, #tpu.memory_space<vmem>>, vector<1x16xf32>,
        %swap3A_559 = vector.shape_cast %swap3A_558 : vector<1x16xf32> to vector<16xf32>
        %swap3A_560 = vector.shape_cast %get3A_56 : vector<16xf32> to vector<1x16xf32>
        tpu.vector_store %arg7[%swap3A_556, %swap3A_557], %swap3A_560 {add = true, strides = array<i32>} : memref<64x128xf32, #tpu.memory_space<vmem>>, vector<1x16xf32>,
        %swap3A_561 = arith.constant 52 : i32
        %swap3A_562 = arith.index_cast %swap3A_561 : i32 to index
        %swap3A_563 = arith.constant 112 : index
        %swap3A_564 = tpu.vector_load %arg7[%swap3A_562, %swap3A_563] {strides = array<i32>} : memref<64x128xf32, #tpu.memory_space<vmem>>, vector<1x16xf32>,
        %swap3A_565 = vector.shape_cast %swap3A_564 : vector<1x16xf32> to vector<16xf32>
        %swap3A_566 = vector.shape_cast %get3A_60 : vector<16xf32> to vector<1x16xf32>
        tpu.vector_store %arg7[%swap3A_562, %swap3A_563], %swap3A_566 {add = true, strides = array<i32>} : memref<64x128xf32, #tpu.memory_space<vmem>>, vector<1x16xf32>,
      } else {
      }
      %slice3A_443 = vector.extract_strided_slice %get3A_407 {offsets = [5], sizes = [1], strides = [1]} : vector<16xf32> to vector<1xf32>
      %squeeze3A_444 = vector.extract %slice3A_443[0] : f32 from vector<1xf32>
      %ne3A_445 = arith.constant 0.000000e+00 : f32
      %ne3A_446 = arith.cmpf one, %squeeze3A_444, %ne3A_445 : f32
      %convert_element_type3A_447 = arith.extui %ne3A_446 : i1 to i32
      %cond3A_448 = arith.constant 0 : i32
      %cond3A_449 = arith.cmpi ne, %convert_element_type3A_447, %cond3A_448 : i32
      scf.if %cond3A_449 {
        %swap3A = arith.constant 53 : i32
        %swap3A_520 = arith.index_cast %swap3A : i32 to index
        %swap3A_521 = arith.constant 0 : index
        %swap3A_522 = tpu.vector_load %arg7[%swap3A_520, %swap3A_521] {strides = array<i32>} : memref<64x128xf32, #tpu.memory_space<vmem>>, vector<1x16xf32>,
        %swap3A_523 = vector.shape_cast %swap3A_522 : vector<1x16xf32> to vector<16xf32>
        %swap3A_524 = vector.shape_cast %get3A_32 : vector<16xf32> to vector<1x16xf32>
        tpu.vector_store %arg7[%swap3A_520, %swap3A_521], %swap3A_524 {add = true, strides = array<i32>} : memref<64x128xf32, #tpu.memory_space<vmem>>, vector<1x16xf32>,
        %swap3A_525 = arith.constant 53 : i32
        %swap3A_526 = arith.index_cast %swap3A_525 : i32 to index
        %swap3A_527 = arith.constant 16 : index
        %swap3A_528 = tpu.vector_load %arg7[%swap3A_526, %swap3A_527] {strides = array<i32>} : memref<64x128xf32, #tpu.memory_space<vmem>>, vector<1x16xf32>,
        %swap3A_529 = vector.shape_cast %swap3A_528 : vector<1x16xf32> to vector<16xf32>
        %swap3A_530 = vector.shape_cast %get3A_36 : vector<16xf32> to vector<1x16xf32>
        tpu.vector_store %arg7[%swap3A_526, %swap3A_527], %swap3A_530 {add = true, strides = array<i32>} : memref<64x128xf32, #tpu.memory_space<vmem>>, vector<1x16xf32>,
        %swap3A_531 = arith.constant 53 : i32
        %swap3A_532 = arith.index_cast %swap3A_531 : i32 to index
        %swap3A_533 = arith.constant 32 : index
        %swap3A_534 = tpu.vector_load %arg7[%swap3A_532, %swap3A_533] {strides = array<i32>} : memref<64x128xf32, #tpu.memory_space<vmem>>, vector<1x16xf32>,
        %swap3A_535 = vector.shape_cast %swap3A_534 : vector<1x16xf32> to vector<16xf32>
        %swap3A_536 = vector.shape_cast %get3A_40 : vector<16xf32> to vector<1x16xf32>
        tpu.vector_store %arg7[%swap3A_532, %swap3A_533], %swap3A_536 {add = true, strides = array<i32>} : memref<64x128xf32, #tpu.memory_space<vmem>>, vector<1x16xf32>,
        %swap3A_537 = arith.constant 53 : i32
        %swap3A_538 = arith.index_cast %swap3A_537 : i32 to index
        %swap3A_539 = arith.constant 48 : index
        %swap3A_540 = tpu.vector_load %arg7[%swap3A_538, %swap3A_539] {strides = array<i32>} : memref<64x128xf32, #tpu.memory_space<vmem>>, vector<1x16xf32>,
        %swap3A_541 = vector.shape_cast %swap3A_540 : vector<1x16xf32> to vector<16xf32>
        %swap3A_542 = vector.shape_cast %get3A_44 : vector<16xf32> to vector<1x16xf32>
        tpu.vector_store %arg7[%swap3A_538, %swap3A_539], %swap3A_542 {add = true, strides = array<i32>} : memref<64x128xf32, #tpu.memory_space<vmem>>, vector<1x16xf32>,
        %swap3A_543 = arith.constant 53 : i32
        %swap3A_544 = arith.index_cast %swap3A_543 : i32 to index
        %swap3A_545 = arith.constant 64 : index
        %swap3A_546 = tpu.vector_load %arg7[%swap3A_544, %swap3A_545] {strides = array<i32>} : memref<64x128xf32, #tpu.memory_space<vmem>>, vector<1x16xf32>,
        %swap3A_547 = vector.shape_cast %swap3A_546 : vector<1x16xf32> to vector<16xf32>
        %swap3A_548 = vector.shape_cast %get3A_48 : vector<16xf32> to vector<1x16xf32>
        tpu.vector_store %arg7[%swap3A_544, %swap3A_545], %swap3A_548 {add = true, strides = array<i32>} : memref<64x128xf32, #tpu.memory_space<vmem>>, vector<1x16xf32>,
        %swap3A_549 = arith.constant 53 : i32
        %swap3A_550 = arith.index_cast %swap3A_549 : i32 to index
        %swap3A_551 = arith.constant 80 : index
        %swap3A_552 = tpu.vector_load %arg7[%swap3A_550, %swap3A_551] {strides = array<i32>} : memref<64x128xf32, #tpu.memory_space<vmem>>, vector<1x16xf32>,
        %swap3A_553 = vector.shape_cast %swap3A_552 : vector<1x16xf32> to vector<16xf32>
        %swap3A_554 = vector.shape_cast %get3A_52 : vector<16xf32> to vector<1x16xf32>
        tpu.vector_store %arg7[%swap3A_550, %swap3A_551], %swap3A_554 {add = true, strides = array<i32>} : memref<64x128xf32, #tpu.memory_space<vmem>>, vector<1x16xf32>,
        %swap3A_555 = arith.constant 53 : i32
        %swap3A_556 = arith.index_cast %swap3A_555 : i32 to index
        %swap3A_557 = arith.constant 96 : index
        %swap3A_558 = tpu.vector_load %arg7[%swap3A_556, %swap3A_557] {strides = array<i32>} : memref<64x128xf32, #tpu.memory_space<vmem>>, vector<1x16xf32>,
        %swap3A_559 = vector.shape_cast %swap3A_558 : vector<1x16xf32> to vector<16xf32>
        %swap3A_560 = vector.shape_cast %get3A_56 : vector<16xf32> to vector<1x16xf32>
        tpu.vector_store %arg7[%swap3A_556, %swap3A_557], %swap3A_560 {add = true, strides = array<i32>} : memref<64x128xf32, #tpu.memory_space<vmem>>, vector<1x16xf32>,
        %swap3A_561 = arith.constant 53 : i32
        %swap3A_562 = arith.index_cast %swap3A_561 : i32 to index
        %swap3A_563 = arith.constant 112 : index
        %swap3A_564 = tpu.vector_load %arg7[%swap3A_562, %swap3A_563] {strides = array<i32>} : memref<64x128xf32, #tpu.memory_space<vmem>>, vector<1x16xf32>,
        %swap3A_565 = vector.shape_cast %swap3A_564 : vector<1x16xf32> to vector<16xf32>
        %swap3A_566 = vector.shape_cast %get3A_60 : vector<16xf32> to vector<1x16xf32>
        tpu.vector_store %arg7[%swap3A_562, %swap3A_563], %swap3A_566 {add = true, strides = array<i32>} : memref<64x128xf32, #tpu.memory_space<vmem>>, vector<1x16xf32>,
      } else {
      }
      %slice3A_450 = vector.extract_strided_slice %get3A_407 {offsets = [6], sizes = [1], strides = [1]} : vector<16xf32> to vector<1xf32>
      %squeeze3A_451 = vector.extract %slice3A_450[0] : f32 from vector<1xf32>
      %ne3A_452 = arith.constant 0.000000e+00 : f32
      %ne3A_453 = arith.cmpf one, %squeeze3A_451, %ne3A_452 : f32
      %convert_element_type3A_454 = arith.extui %ne3A_453 : i1 to i32
      %cond3A_455 = arith.constant 0 : i32
      %cond3A_456 = arith.cmpi ne, %convert_element_type3A_454, %cond3A_455 : i32
      scf.if %cond3A_456 {
        %swap3A = arith.constant 54 : i32
        %swap3A_520 = arith.index_cast %swap3A : i32 to index
        %swap3A_521 = arith.constant 0 : index
        %swap3A_522 = tpu.vector_load %arg7[%swap3A_520, %swap3A_521] {strides = array<i32>} : memref<64x128xf32, #tpu.memory_space<vmem>>, vector<1x16xf32>,
        %swap3A_523 = vector.shape_cast %swap3A_522 : vector<1x16xf32> to vector<16xf32>
        %swap3A_524 = vector.shape_cast %get3A_32 : vector<16xf32> to vector<1x16xf32>
        tpu.vector_store %arg7[%swap3A_520, %swap3A_521], %swap3A_524 {add = true, strides = array<i32>} : memref<64x128xf32, #tpu.memory_space<vmem>>, vector<1x16xf32>,
        %swap3A_525 = arith.constant 54 : i32
        %swap3A_526 = arith.index_cast %swap3A_525 : i32 to index
        %swap3A_527 = arith.constant 16 : index
        %swap3A_528 = tpu.vector_load %arg7[%swap3A_526, %swap3A_527] {strides = array<i32>} : memref<64x128xf32, #tpu.memory_space<vmem>>, vector<1x16xf32>,
        %swap3A_529 = vector.shape_cast %swap3A_528 : vector<1x16xf32> to vector<16xf32>
        %swap3A_530 = vector.shape_cast %get3A_36 : vector<16xf32> to vector<1x16xf32>
        tpu.vector_store %arg7[%swap3A_526, %swap3A_527], %swap3A_530 {add = true, strides = array<i32>} : memref<64x128xf32, #tpu.memory_space<vmem>>, vector<1x16xf32>,
        %swap3A_531 = arith.constant 54 : i32
        %swap3A_532 = arith.index_cast %swap3A_531 : i32 to index
        %swap3A_533 = arith.constant 32 : index
        %swap3A_534 = tpu.vector_load %arg7[%swap3A_532, %swap3A_533] {strides = array<i32>} : memref<64x128xf32, #tpu.memory_space<vmem>>, vector<1x16xf32>,
        %swap3A_535 = vector.shape_cast %swap3A_534 : vector<1x16xf32> to vector<16xf32>
        %swap3A_536 = vector.shape_cast %get3A_40 : vector<16xf32> to vector<1x16xf32>
        tpu.vector_store %arg7[%swap3A_532, %swap3A_533], %swap3A_536 {add = true, strides = array<i32>} : memref<64x128xf32, #tpu.memory_space<vmem>>, vector<1x16xf32>,
        %swap3A_537 = arith.constant 54 : i32
        %swap3A_538 = arith.index_cast %swap3A_537 : i32 to index
        %swap3A_539 = arith.constant 48 : index
        %swap3A_540 = tpu.vector_load %arg7[%swap3A_538, %swap3A_539] {strides = array<i32>} : memref<64x128xf32, #tpu.memory_space<vmem>>, vector<1x16xf32>,
        %swap3A_541 = vector.shape_cast %swap3A_540 : vector<1x16xf32> to vector<16xf32>
        %swap3A_542 = vector.shape_cast %get3A_44 : vector<16xf32> to vector<1x16xf32>
        tpu.vector_store %arg7[%swap3A_538, %swap3A_539], %swap3A_542 {add = true, strides = array<i32>} : memref<64x128xf32, #tpu.memory_space<vmem>>, vector<1x16xf32>,
        %swap3A_543 = arith.constant 54 : i32
        %swap3A_544 = arith.index_cast %swap3A_543 : i32 to index
        %swap3A_545 = arith.constant 64 : index
        %swap3A_546 = tpu.vector_load %arg7[%swap3A_544, %swap3A_545] {strides = array<i32>} : memref<64x128xf32, #tpu.memory_space<vmem>>, vector<1x16xf32>,
        %swap3A_547 = vector.shape_cast %swap3A_546 : vector<1x16xf32> to vector<16xf32>
        %swap3A_548 = vector.shape_cast %get3A_48 : vector<16xf32> to vector<1x16xf32>
        tpu.vector_store %arg7[%swap3A_544, %swap3A_545], %swap3A_548 {add = true, strides = array<i32>} : memref<64x128xf32, #tpu.memory_space<vmem>>, vector<1x16xf32>,
        %swap3A_549 = arith.constant 54 : i32
        %swap3A_550 = arith.index_cast %swap3A_549 : i32 to index
        %swap3A_551 = arith.constant 80 : index
        %swap3A_552 = tpu.vector_load %arg7[%swap3A_550, %swap3A_551] {strides = array<i32>} : memref<64x128xf32, #tpu.memory_space<vmem>>, vector<1x16xf32>,
        %swap3A_553 = vector.shape_cast %swap3A_552 : vector<1x16xf32> to vector<16xf32>
        %swap3A_554 = vector.shape_cast %get3A_52 : vector<16xf32> to vector<1x16xf32>
        tpu.vector_store %arg7[%swap3A_550, %swap3A_551], %swap3A_554 {add = true, strides = array<i32>} : memref<64x128xf32, #tpu.memory_space<vmem>>, vector<1x16xf32>,
        %swap3A_555 = arith.constant 54 : i32
        %swap3A_556 = arith.index_cast %swap3A_555 : i32 to index
        %swap3A_557 = arith.constant 96 : index
        %swap3A_558 = tpu.vector_load %arg7[%swap3A_556, %swap3A_557] {strides = array<i32>} : memref<64x128xf32, #tpu.memory_space<vmem>>, vector<1x16xf32>,
        %swap3A_559 = vector.shape_cast %swap3A_558 : vector<1x16xf32> to vector<16xf32>
        %swap3A_560 = vector.shape_cast %get3A_56 : vector<16xf32> to vector<1x16xf32>
        tpu.vector_store %arg7[%swap3A_556, %swap3A_557], %swap3A_560 {add = true, strides = array<i32>} : memref<64x128xf32, #tpu.memory_space<vmem>>, vector<1x16xf32>,
        %swap3A_561 = arith.constant 54 : i32
        %swap3A_562 = arith.index_cast %swap3A_561 : i32 to index
        %swap3A_563 = arith.constant 112 : index
        %swap3A_564 = tpu.vector_load %arg7[%swap3A_562, %swap3A_563] {strides = array<i32>} : memref<64x128xf32, #tpu.memory_space<vmem>>, vector<1x16xf32>,
        %swap3A_565 = vector.shape_cast %swap3A_564 : vector<1x16xf32> to vector<16xf32>
        %swap3A_566 = vector.shape_cast %get3A_60 : vector<16xf32> to vector<1x16xf32>
        tpu.vector_store %arg7[%swap3A_562, %swap3A_563], %swap3A_566 {add = true, strides = array<i32>} : memref<64x128xf32, #tpu.memory_space<vmem>>, vector<1x16xf32>,
      } else {
      }
      %slice3A_457 = vector.extract_strided_slice %get3A_407 {offsets = [7], sizes = [1], strides = [1]} : vector<16xf32> to vector<1xf32>
      %squeeze3A_458 = vector.extract %slice3A_457[0] : f32 from vector<1xf32>
      %ne3A_459 = arith.constant 0.000000e+00 : f32
      %ne3A_460 = arith.cmpf one, %squeeze3A_458, %ne3A_459 : f32
      %convert_element_type3A_461 = arith.extui %ne3A_460 : i1 to i32
      %cond3A_462 = arith.constant 0 : i32
      %cond3A_463 = arith.cmpi ne, %convert_element_type3A_461, %cond3A_462 : i32
      scf.if %cond3A_463 {
        %swap3A = arith.constant 55 : i32
        %swap3A_520 = arith.index_cast %swap3A : i32 to index
        %swap3A_521 = arith.constant 0 : index
        %swap3A_522 = tpu.vector_load %arg7[%swap3A_520, %swap3A_521] {strides = array<i32>} : memref<64x128xf32, #tpu.memory_space<vmem>>, vector<1x16xf32>,
        %swap3A_523 = vector.shape_cast %swap3A_522 : vector<1x16xf32> to vector<16xf32>
        %swap3A_524 = vector.shape_cast %get3A_32 : vector<16xf32> to vector<1x16xf32>
        tpu.vector_store %arg7[%swap3A_520, %swap3A_521], %swap3A_524 {add = true, strides = array<i32>} : memref<64x128xf32, #tpu.memory_space<vmem>>, vector<1x16xf32>,
        %swap3A_525 = arith.constant 55 : i32
        %swap3A_526 = arith.index_cast %swap3A_525 : i32 to index
        %swap3A_527 = arith.constant 16 : index
        %swap3A_528 = tpu.vector_load %arg7[%swap3A_526, %swap3A_527] {strides = array<i32>} : memref<64x128xf32, #tpu.memory_space<vmem>>, vector<1x16xf32>,
        %swap3A_529 = vector.shape_cast %swap3A_528 : vector<1x16xf32> to vector<16xf32>
        %swap3A_530 = vector.shape_cast %get3A_36 : vector<16xf32> to vector<1x16xf32>
        tpu.vector_store %arg7[%swap3A_526, %swap3A_527], %swap3A_530 {add = true, strides = array<i32>} : memref<64x128xf32, #tpu.memory_space<vmem>>, vector<1x16xf32>,
        %swap3A_531 = arith.constant 55 : i32
        %swap3A_532 = arith.index_cast %swap3A_531 : i32 to index
        %swap3A_533 = arith.constant 32 : index
        %swap3A_534 = tpu.vector_load %arg7[%swap3A_532, %swap3A_533] {strides = array<i32>} : memref<64x128xf32, #tpu.memory_space<vmem>>, vector<1x16xf32>,
        %swap3A_535 = vector.shape_cast %swap3A_534 : vector<1x16xf32> to vector<16xf32>
        %swap3A_536 = vector.shape_cast %get3A_40 : vector<16xf32> to vector<1x16xf32>
        tpu.vector_store %arg7[%swap3A_532, %swap3A_533], %swap3A_536 {add = true, strides = array<i32>} : memref<64x128xf32, #tpu.memory_space<vmem>>, vector<1x16xf32>,
        %swap3A_537 = arith.constant 55 : i32
        %swap3A_538 = arith.index_cast %swap3A_537 : i32 to index
        %swap3A_539 = arith.constant 48 : index
        %swap3A_540 = tpu.vector_load %arg7[%swap3A_538, %swap3A_539] {strides = array<i32>} : memref<64x128xf32, #tpu.memory_space<vmem>>, vector<1x16xf32>,
        %swap3A_541 = vector.shape_cast %swap3A_540 : vector<1x16xf32> to vector<16xf32>
        %swap3A_542 = vector.shape_cast %get3A_44 : vector<16xf32> to vector<1x16xf32>
        tpu.vector_store %arg7[%swap3A_538, %swap3A_539], %swap3A_542 {add = true, strides = array<i32>} : memref<64x128xf32, #tpu.memory_space<vmem>>, vector<1x16xf32>,
        %swap3A_543 = arith.constant 55 : i32
        %swap3A_544 = arith.index_cast %swap3A_543 : i32 to index
        %swap3A_545 = arith.constant 64 : index
        %swap3A_546 = tpu.vector_load %arg7[%swap3A_544, %swap3A_545] {strides = array<i32>} : memref<64x128xf32, #tpu.memory_space<vmem>>, vector<1x16xf32>,
        %swap3A_547 = vector.shape_cast %swap3A_546 : vector<1x16xf32> to vector<16xf32>
        %swap3A_548 = vector.shape_cast %get3A_48 : vector<16xf32> to vector<1x16xf32>
        tpu.vector_store %arg7[%swap3A_544, %swap3A_545], %swap3A_548 {add = true, strides = array<i32>} : memref<64x128xf32, #tpu.memory_space<vmem>>, vector<1x16xf32>,
        %swap3A_549 = arith.constant 55 : i32
        %swap3A_550 = arith.index_cast %swap3A_549 : i32 to index
        %swap3A_551 = arith.constant 80 : index
        %swap3A_552 = tpu.vector_load %arg7[%swap3A_550, %swap3A_551] {strides = array<i32>} : memref<64x128xf32, #tpu.memory_space<vmem>>, vector<1x16xf32>,
        %swap3A_553 = vector.shape_cast %swap3A_552 : vector<1x16xf32> to vector<16xf32>
        %swap3A_554 = vector.shape_cast %get3A_52 : vector<16xf32> to vector<1x16xf32>
        tpu.vector_store %arg7[%swap3A_550, %swap3A_551], %swap3A_554 {add = true, strides = array<i32>} : memref<64x128xf32, #tpu.memory_space<vmem>>, vector<1x16xf32>,
        %swap3A_555 = arith.constant 55 : i32
        %swap3A_556 = arith.index_cast %swap3A_555 : i32 to index
        %swap3A_557 = arith.constant 96 : index
        %swap3A_558 = tpu.vector_load %arg7[%swap3A_556, %swap3A_557] {strides = array<i32>} : memref<64x128xf32, #tpu.memory_space<vmem>>, vector<1x16xf32>,
        %swap3A_559 = vector.shape_cast %swap3A_558 : vector<1x16xf32> to vector<16xf32>
        %swap3A_560 = vector.shape_cast %get3A_56 : vector<16xf32> to vector<1x16xf32>
        tpu.vector_store %arg7[%swap3A_556, %swap3A_557], %swap3A_560 {add = true, strides = array<i32>} : memref<64x128xf32, #tpu.memory_space<vmem>>, vector<1x16xf32>,
        %swap3A_561 = arith.constant 55 : i32
        %swap3A_562 = arith.index_cast %swap3A_561 : i32 to index
        %swap3A_563 = arith.constant 112 : index
        %swap3A_564 = tpu.vector_load %arg7[%swap3A_562, %swap3A_563] {strides = array<i32>} : memref<64x128xf32, #tpu.memory_space<vmem>>, vector<1x16xf32>,
        %swap3A_565 = vector.shape_cast %swap3A_564 : vector<1x16xf32> to vector<16xf32>
        %swap3A_566 = vector.shape_cast %get3A_60 : vector<16xf32> to vector<1x16xf32>
        tpu.vector_store %arg7[%swap3A_562, %swap3A_563], %swap3A_566 {add = true, strides = array<i32>} : memref<64x128xf32, #tpu.memory_space<vmem>>, vector<1x16xf32>,
      } else {
      }
      %slice3A_464 = vector.extract_strided_slice %get3A_407 {offsets = [8], sizes = [1], strides = [1]} : vector<16xf32> to vector<1xf32>
      %squeeze3A_465 = vector.extract %slice3A_464[0] : f32 from vector<1xf32>
      %ne3A_466 = arith.constant 0.000000e+00 : f32
      %ne3A_467 = arith.cmpf one, %squeeze3A_465, %ne3A_466 : f32
      %convert_element_type3A_468 = arith.extui %ne3A_467 : i1 to i32
      %cond3A_469 = arith.constant 0 : i32
      %cond3A_470 = arith.cmpi ne, %convert_element_type3A_468, %cond3A_469 : i32
      scf.if %cond3A_470 {
        %swap3A = arith.constant 56 : i32
        %swap3A_520 = arith.index_cast %swap3A : i32 to index
        %swap3A_521 = arith.constant 0 : index
        %swap3A_522 = tpu.vector_load %arg7[%swap3A_520, %swap3A_521] {strides = array<i32>} : memref<64x128xf32, #tpu.memory_space<vmem>>, vector<1x16xf32>,
        %swap3A_523 = vector.shape_cast %swap3A_522 : vector<1x16xf32> to vector<16xf32>
        %swap3A_524 = vector.shape_cast %get3A_32 : vector<16xf32> to vector<1x16xf32>
        tpu.vector_store %arg7[%swap3A_520, %swap3A_521], %swap3A_524 {add = true, strides = array<i32>} : memref<64x128xf32, #tpu.memory_space<vmem>>, vector<1x16xf32>,
        %swap3A_525 = arith.constant 56 : i32
        %swap3A_526 = arith.index_cast %swap3A_525 : i32 to index
        %swap3A_527 = arith.constant 16 : index
        %swap3A_528 = tpu.vector_load %arg7[%swap3A_526, %swap3A_527] {strides = array<i32>} : memref<64x128xf32, #tpu.memory_space<vmem>>, vector<1x16xf32>,
        %swap3A_529 = vector.shape_cast %swap3A_528 : vector<1x16xf32> to vector<16xf32>
        %swap3A_530 = vector.shape_cast %get3A_36 : vector<16xf32> to vector<1x16xf32>
        tpu.vector_store %arg7[%swap3A_526, %swap3A_527], %swap3A_530 {add = true, strides = array<i32>} : memref<64x128xf32, #tpu.memory_space<vmem>>, vector<1x16xf32>,
        %swap3A_531 = arith.constant 56 : i32
        %swap3A_532 = arith.index_cast %swap3A_531 : i32 to index
        %swap3A_533 = arith.constant 32 : index
        %swap3A_534 = tpu.vector_load %arg7[%swap3A_532, %swap3A_533] {strides = array<i32>} : memref<64x128xf32, #tpu.memory_space<vmem>>, vector<1x16xf32>,
        %swap3A_535 = vector.shape_cast %swap3A_534 : vector<1x16xf32> to vector<16xf32>
        %swap3A_536 = vector.shape_cast %get3A_40 : vector<16xf32> to vector<1x16xf32>
        tpu.vector_store %arg7[%swap3A_532, %swap3A_533], %swap3A_536 {add = true, strides = array<i32>} : memref<64x128xf32, #tpu.memory_space<vmem>>, vector<1x16xf32>,
        %swap3A_537 = arith.constant 56 : i32
        %swap3A_538 = arith.index_cast %swap3A_537 : i32 to index
        %swap3A_539 = arith.constant 48 : index
        %swap3A_540 = tpu.vector_load %arg7[%swap3A_538, %swap3A_539] {strides = array<i32>} : memref<64x128xf32, #tpu.memory_space<vmem>>, vector<1x16xf32>,
        %swap3A_541 = vector.shape_cast %swap3A_540 : vector<1x16xf32> to vector<16xf32>
        %swap3A_542 = vector.shape_cast %get3A_44 : vector<16xf32> to vector<1x16xf32>
        tpu.vector_store %arg7[%swap3A_538, %swap3A_539], %swap3A_542 {add = true, strides = array<i32>} : memref<64x128xf32, #tpu.memory_space<vmem>>, vector<1x16xf32>,
        %swap3A_543 = arith.constant 56 : i32
        %swap3A_544 = arith.index_cast %swap3A_543 : i32 to index
        %swap3A_545 = arith.constant 64 : index
        %swap3A_546 = tpu.vector_load %arg7[%swap3A_544, %swap3A_545] {strides = array<i32>} : memref<64x128xf32, #tpu.memory_space<vmem>>, vector<1x16xf32>,
        %swap3A_547 = vector.shape_cast %swap3A_546 : vector<1x16xf32> to vector<16xf32>
        %swap3A_548 = vector.shape_cast %get3A_48 : vector<16xf32> to vector<1x16xf32>
        tpu.vector_store %arg7[%swap3A_544, %swap3A_545], %swap3A_548 {add = true, strides = array<i32>} : memref<64x128xf32, #tpu.memory_space<vmem>>, vector<1x16xf32>,
        %swap3A_549 = arith.constant 56 : i32
        %swap3A_550 = arith.index_cast %swap3A_549 : i32 to index
        %swap3A_551 = arith.constant 80 : index
        %swap3A_552 = tpu.vector_load %arg7[%swap3A_550, %swap3A_551] {strides = array<i32>} : memref<64x128xf32, #tpu.memory_space<vmem>>, vector<1x16xf32>,
        %swap3A_553 = vector.shape_cast %swap3A_552 : vector<1x16xf32> to vector<16xf32>
        %swap3A_554 = vector.shape_cast %get3A_52 : vector<16xf32> to vector<1x16xf32>
        tpu.vector_store %arg7[%swap3A_550, %swap3A_551], %swap3A_554 {add = true, strides = array<i32>} : memref<64x128xf32, #tpu.memory_space<vmem>>, vector<1x16xf32>,
        %swap3A_555 = arith.constant 56 : i32
        %swap3A_556 = arith.index_cast %swap3A_555 : i32 to index
        %swap3A_557 = arith.constant 96 : index
        %swap3A_558 = tpu.vector_load %arg7[%swap3A_556, %swap3A_557] {strides = array<i32>} : memref<64x128xf32, #tpu.memory_space<vmem>>, vector<1x16xf32>,
        %swap3A_559 = vector.shape_cast %swap3A_558 : vector<1x16xf32> to vector<16xf32>
        %swap3A_560 = vector.shape_cast %get3A_56 : vector<16xf32> to vector<1x16xf32>
        tpu.vector_store %arg7[%swap3A_556, %swap3A_557], %swap3A_560 {add = true, strides = array<i32>} : memref<64x128xf32, #tpu.memory_space<vmem>>, vector<1x16xf32>,
        %swap3A_561 = arith.constant 56 : i32
        %swap3A_562 = arith.index_cast %swap3A_561 : i32 to index
        %swap3A_563 = arith.constant 112 : index
        %swap3A_564 = tpu.vector_load %arg7[%swap3A_562, %swap3A_563] {strides = array<i32>} : memref<64x128xf32, #tpu.memory_space<vmem>>, vector<1x16xf32>,
        %swap3A_565 = vector.shape_cast %swap3A_564 : vector<1x16xf32> to vector<16xf32>
        %swap3A_566 = vector.shape_cast %get3A_60 : vector<16xf32> to vector<1x16xf32>
        tpu.vector_store %arg7[%swap3A_562, %swap3A_563], %swap3A_566 {add = true, strides = array<i32>} : memref<64x128xf32, #tpu.memory_space<vmem>>, vector<1x16xf32>,
      } else {
      }
      %slice3A_471 = vector.extract_strided_slice %get3A_407 {offsets = [9], sizes = [1], strides = [1]} : vector<16xf32> to vector<1xf32>
      %squeeze3A_472 = vector.extract %slice3A_471[0] : f32 from vector<1xf32>
      %ne3A_473 = arith.constant 0.000000e+00 : f32
      %ne3A_474 = arith.cmpf one, %squeeze3A_472, %ne3A_473 : f32
      %convert_element_type3A_475 = arith.extui %ne3A_474 : i1 to i32
      %cond3A_476 = arith.constant 0 : i32
      %cond3A_477 = arith.cmpi ne, %convert_element_type3A_475, %cond3A_476 : i32
      scf.if %cond3A_477 {
        %swap3A = arith.constant 57 : i32
        %swap3A_520 = arith.index_cast %swap3A : i32 to index
        %swap3A_521 = arith.constant 0 : index
        %swap3A_522 = tpu.vector_load %arg7[%swap3A_520, %swap3A_521] {strides = array<i32>} : memref<64x128xf32, #tpu.memory_space<vmem>>, vector<1x16xf32>,
        %swap3A_523 = vector.shape_cast %swap3A_522 : vector<1x16xf32> to vector<16xf32>
        %swap3A_524 = vector.shape_cast %get3A_32 : vector<16xf32> to vector<1x16xf32>
        tpu.vector_store %arg7[%swap3A_520, %swap3A_521], %swap3A_524 {add = true, strides = array<i32>} : memref<64x128xf32, #tpu.memory_space<vmem>>, vector<1x16xf32>,
        %swap3A_525 = arith.constant 57 : i32
        %swap3A_526 = arith.index_cast %swap3A_525 : i32 to index
        %swap3A_527 = arith.constant 16 : index
        %swap3A_528 = tpu.vector_load %arg7[%swap3A_526, %swap3A_527] {strides = array<i32>} : memref<64x128xf32, #tpu.memory_space<vmem>>, vector<1x16xf32>,
        %swap3A_529 = vector.shape_cast %swap3A_528 : vector<1x16xf32> to vector<16xf32>
        %swap3A_530 = vector.shape_cast %get3A_36 : vector<16xf32> to vector<1x16xf32>
        tpu.vector_store %arg7[%swap3A_526, %swap3A_527], %swap3A_530 {add = true, strides = array<i32>} : memref<64x128xf32, #tpu.memory_space<vmem>>, vector<1x16xf32>,
        %swap3A_531 = arith.constant 57 : i32
        %swap3A_532 = arith.index_cast %swap3A_531 : i32 to index
        %swap3A_533 = arith.constant 32 : index
        %swap3A_534 = tpu.vector_load %arg7[%swap3A_532, %swap3A_533] {strides = array<i32>} : memref<64x128xf32, #tpu.memory_space<vmem>>, vector<1x16xf32>,
        %swap3A_535 = vector.shape_cast %swap3A_534 : vector<1x16xf32> to vector<16xf32>
        %swap3A_536 = vector.shape_cast %get3A_40 : vector<16xf32> to vector<1x16xf32>
        tpu.vector_store %arg7[%swap3A_532, %swap3A_533], %swap3A_536 {add = true, strides = array<i32>} : memref<64x128xf32, #tpu.memory_space<vmem>>, vector<1x16xf32>,
        %swap3A_537 = arith.constant 57 : i32
        %swap3A_538 = arith.index_cast %swap3A_537 : i32 to index
        %swap3A_539 = arith.constant 48 : index
        %swap3A_540 = tpu.vector_load %arg7[%swap3A_538, %swap3A_539] {strides = array<i32>} : memref<64x128xf32, #tpu.memory_space<vmem>>, vector<1x16xf32>,
        %swap3A_541 = vector.shape_cast %swap3A_540 : vector<1x16xf32> to vector<16xf32>
        %swap3A_542 = vector.shape_cast %get3A_44 : vector<16xf32> to vector<1x16xf32>
        tpu.vector_store %arg7[%swap3A_538, %swap3A_539], %swap3A_542 {add = true, strides = array<i32>} : memref<64x128xf32, #tpu.memory_space<vmem>>, vector<1x16xf32>,
        %swap3A_543 = arith.constant 57 : i32
        %swap3A_544 = arith.index_cast %swap3A_543 : i32 to index
        %swap3A_545 = arith.constant 64 : index
        %swap3A_546 = tpu.vector_load %arg7[%swap3A_544, %swap3A_545] {strides = array<i32>} : memref<64x128xf32, #tpu.memory_space<vmem>>, vector<1x16xf32>,
        %swap3A_547 = vector.shape_cast %swap3A_546 : vector<1x16xf32> to vector<16xf32>
        %swap3A_548 = vector.shape_cast %get3A_48 : vector<16xf32> to vector<1x16xf32>
        tpu.vector_store %arg7[%swap3A_544, %swap3A_545], %swap3A_548 {add = true, strides = array<i32>} : memref<64x128xf32, #tpu.memory_space<vmem>>, vector<1x16xf32>,
        %swap3A_549 = arith.constant 57 : i32
        %swap3A_550 = arith.index_cast %swap3A_549 : i32 to index
        %swap3A_551 = arith.constant 80 : index
        %swap3A_552 = tpu.vector_load %arg7[%swap3A_550, %swap3A_551] {strides = array<i32>} : memref<64x128xf32, #tpu.memory_space<vmem>>, vector<1x16xf32>,
        %swap3A_553 = vector.shape_cast %swap3A_552 : vector<1x16xf32> to vector<16xf32>
        %swap3A_554 = vector.shape_cast %get3A_52 : vector<16xf32> to vector<1x16xf32>
        tpu.vector_store %arg7[%swap3A_550, %swap3A_551], %swap3A_554 {add = true, strides = array<i32>} : memref<64x128xf32, #tpu.memory_space<vmem>>, vector<1x16xf32>,
        %swap3A_555 = arith.constant 57 : i32
        %swap3A_556 = arith.index_cast %swap3A_555 : i32 to index
        %swap3A_557 = arith.constant 96 : index
        %swap3A_558 = tpu.vector_load %arg7[%swap3A_556, %swap3A_557] {strides = array<i32>} : memref<64x128xf32, #tpu.memory_space<vmem>>, vector<1x16xf32>,
        %swap3A_559 = vector.shape_cast %swap3A_558 : vector<1x16xf32> to vector<16xf32>
        %swap3A_560 = vector.shape_cast %get3A_56 : vector<16xf32> to vector<1x16xf32>
        tpu.vector_store %arg7[%swap3A_556, %swap3A_557], %swap3A_560 {add = true, strides = array<i32>} : memref<64x128xf32, #tpu.memory_space<vmem>>, vector<1x16xf32>,
        %swap3A_561 = arith.constant 57 : i32
        %swap3A_562 = arith.index_cast %swap3A_561 : i32 to index
        %swap3A_563 = arith.constant 112 : index
        %swap3A_564 = tpu.vector_load %arg7[%swap3A_562, %swap3A_563] {strides = array<i32>} : memref<64x128xf32, #tpu.memory_space<vmem>>, vector<1x16xf32>,
        %swap3A_565 = vector.shape_cast %swap3A_564 : vector<1x16xf32> to vector<16xf32>
        %swap3A_566 = vector.shape_cast %get3A_60 : vector<16xf32> to vector<1x16xf32>
        tpu.vector_store %arg7[%swap3A_562, %swap3A_563], %swap3A_566 {add = true, strides = array<i32>} : memref<64x128xf32, #tpu.memory_space<vmem>>, vector<1x16xf32>,
      } else {
      }
      %slice3A_478 = vector.extract_strided_slice %get3A_407 {offsets = [10], sizes = [1], strides = [1]} : vector<16xf32> to vector<1xf32>
      %squeeze3A_479 = vector.extract %slice3A_478[0] : f32 from vector<1xf32>
      %ne3A_480 = arith.constant 0.000000e+00 : f32
      %ne3A_481 = arith.cmpf one, %squeeze3A_479, %ne3A_480 : f32
      %convert_element_type3A_482 = arith.extui %ne3A_481 : i1 to i32
      %cond3A_483 = arith.constant 0 : i32
      %cond3A_484 = arith.cmpi ne, %convert_element_type3A_482, %cond3A_483 : i32
      scf.if %cond3A_484 {
        %swap3A = arith.constant 58 : i32
        %swap3A_520 = arith.index_cast %swap3A : i32 to index
        %swap3A_521 = arith.constant 0 : index
        %swap3A_522 = tpu.vector_load %arg7[%swap3A_520, %swap3A_521] {strides = array<i32>} : memref<64x128xf32, #tpu.memory_space<vmem>>, vector<1x16xf32>,
        %swap3A_523 = vector.shape_cast %swap3A_522 : vector<1x16xf32> to vector<16xf32>
        %swap3A_524 = vector.shape_cast %get3A_32 : vector<16xf32> to vector<1x16xf32>
        tpu.vector_store %arg7[%swap3A_520, %swap3A_521], %swap3A_524 {add = true, strides = array<i32>} : memref<64x128xf32, #tpu.memory_space<vmem>>, vector<1x16xf32>,
        %swap3A_525 = arith.constant 58 : i32
        %swap3A_526 = arith.index_cast %swap3A_525 : i32 to index
        %swap3A_527 = arith.constant 16 : index
        %swap3A_528 = tpu.vector_load %arg7[%swap3A_526, %swap3A_527] {strides = array<i32>} : memref<64x128xf32, #tpu.memory_space<vmem>>, vector<1x16xf32>,
        %swap3A_529 = vector.shape_cast %swap3A_528 : vector<1x16xf32> to vector<16xf32>
        %swap3A_530 = vector.shape_cast %get3A_36 : vector<16xf32> to vector<1x16xf32>
        tpu.vector_store %arg7[%swap3A_526, %swap3A_527], %swap3A_530 {add = true, strides = array<i32>} : memref<64x128xf32, #tpu.memory_space<vmem>>, vector<1x16xf32>,
        %swap3A_531 = arith.constant 58 : i32
        %swap3A_532 = arith.index_cast %swap3A_531 : i32 to index
        %swap3A_533 = arith.constant 32 : index
        %swap3A_534 = tpu.vector_load %arg7[%swap3A_532, %swap3A_533] {strides = array<i32>} : memref<64x128xf32, #tpu.memory_space<vmem>>, vector<1x16xf32>,
        %swap3A_535 = vector.shape_cast %swap3A_534 : vector<1x16xf32> to vector<16xf32>
        %swap3A_536 = vector.shape_cast %get3A_40 : vector<16xf32> to vector<1x16xf32>
        tpu.vector_store %arg7[%swap3A_532, %swap3A_533], %swap3A_536 {add = true, strides = array<i32>} : memref<64x128xf32, #tpu.memory_space<vmem>>, vector<1x16xf32>,
        %swap3A_537 = arith.constant 58 : i32
        %swap3A_538 = arith.index_cast %swap3A_537 : i32 to index
        %swap3A_539 = arith.constant 48 : index
        %swap3A_540 = tpu.vector_load %arg7[%swap3A_538, %swap3A_539] {strides = array<i32>} : memref<64x128xf32, #tpu.memory_space<vmem>>, vector<1x16xf32>,
        %swap3A_541 = vector.shape_cast %swap3A_540 : vector<1x16xf32> to vector<16xf32>
        %swap3A_542 = vector.shape_cast %get3A_44 : vector<16xf32> to vector<1x16xf32>
        tpu.vector_store %arg7[%swap3A_538, %swap3A_539], %swap3A_542 {add = true, strides = array<i32>} : memref<64x128xf32, #tpu.memory_space<vmem>>, vector<1x16xf32>,
        %swap3A_543 = arith.constant 58 : i32
        %swap3A_544 = arith.index_cast %swap3A_543 : i32 to index
        %swap3A_545 = arith.constant 64 : index
        %swap3A_546 = tpu.vector_load %arg7[%swap3A_544, %swap3A_545] {strides = array<i32>} : memref<64x128xf32, #tpu.memory_space<vmem>>, vector<1x16xf32>,
        %swap3A_547 = vector.shape_cast %swap3A_546 : vector<1x16xf32> to vector<16xf32>
        %swap3A_548 = vector.shape_cast %get3A_48 : vector<16xf32> to vector<1x16xf32>
        tpu.vector_store %arg7[%swap3A_544, %swap3A_545], %swap3A_548 {add = true, strides = array<i32>} : memref<64x128xf32, #tpu.memory_space<vmem>>, vector<1x16xf32>,
        %swap3A_549 = arith.constant 58 : i32
        %swap3A_550 = arith.index_cast %swap3A_549 : i32 to index
        %swap3A_551 = arith.constant 80 : index
        %swap3A_552 = tpu.vector_load %arg7[%swap3A_550, %swap3A_551] {strides = array<i32>} : memref<64x128xf32, #tpu.memory_space<vmem>>, vector<1x16xf32>,
        %swap3A_553 = vector.shape_cast %swap3A_552 : vector<1x16xf32> to vector<16xf32>
        %swap3A_554 = vector.shape_cast %get3A_52 : vector<16xf32> to vector<1x16xf32>
        tpu.vector_store %arg7[%swap3A_550, %swap3A_551], %swap3A_554 {add = true, strides = array<i32>} : memref<64x128xf32, #tpu.memory_space<vmem>>, vector<1x16xf32>,
        %swap3A_555 = arith.constant 58 : i32
        %swap3A_556 = arith.index_cast %swap3A_555 : i32 to index
        %swap3A_557 = arith.constant 96 : index
        %swap3A_558 = tpu.vector_load %arg7[%swap3A_556, %swap3A_557] {strides = array<i32>} : memref<64x128xf32, #tpu.memory_space<vmem>>, vector<1x16xf32>,
        %swap3A_559 = vector.shape_cast %swap3A_558 : vector<1x16xf32> to vector<16xf32>
        %swap3A_560 = vector.shape_cast %get3A_56 : vector<16xf32> to vector<1x16xf32>
        tpu.vector_store %arg7[%swap3A_556, %swap3A_557], %swap3A_560 {add = true, strides = array<i32>} : memref<64x128xf32, #tpu.memory_space<vmem>>, vector<1x16xf32>,
        %swap3A_561 = arith.constant 58 : i32
        %swap3A_562 = arith.index_cast %swap3A_561 : i32 to index
        %swap3A_563 = arith.constant 112 : index
        %swap3A_564 = tpu.vector_load %arg7[%swap3A_562, %swap3A_563] {strides = array<i32>} : memref<64x128xf32, #tpu.memory_space<vmem>>, vector<1x16xf32>,
        %swap3A_565 = vector.shape_cast %swap3A_564 : vector<1x16xf32> to vector<16xf32>
        %swap3A_566 = vector.shape_cast %get3A_60 : vector<16xf32> to vector<1x16xf32>
        tpu.vector_store %arg7[%swap3A_562, %swap3A_563], %swap3A_566 {add = true, strides = array<i32>} : memref<64x128xf32, #tpu.memory_space<vmem>>, vector<1x16xf32>,
      } else {
      }
      %slice3A_485 = vector.extract_strided_slice %get3A_407 {offsets = [11], sizes = [1], strides = [1]} : vector<16xf32> to vector<1xf32>
      %squeeze3A_486 = vector.extract %slice3A_485[0] : f32 from vector<1xf32>
      %ne3A_487 = arith.constant 0.000000e+00 : f32
      %ne3A_488 = arith.cmpf one, %squeeze3A_486, %ne3A_487 : f32
      %convert_element_type3A_489 = arith.extui %ne3A_488 : i1 to i32
      %cond3A_490 = arith.constant 0 : i32
      %cond3A_491 = arith.cmpi ne, %convert_element_type3A_489, %cond3A_490 : i32
      scf.if %cond3A_491 {
        %swap3A = arith.constant 59 : i32
        %swap3A_520 = arith.index_cast %swap3A : i32 to index
        %swap3A_521 = arith.constant 0 : index
        %swap3A_522 = tpu.vector_load %arg7[%swap3A_520, %swap3A_521] {strides = array<i32>} : memref<64x128xf32, #tpu.memory_space<vmem>>, vector<1x16xf32>,
        %swap3A_523 = vector.shape_cast %swap3A_522 : vector<1x16xf32> to vector<16xf32>
        %swap3A_524 = vector.shape_cast %get3A_32 : vector<16xf32> to vector<1x16xf32>
        tpu.vector_store %arg7[%swap3A_520, %swap3A_521], %swap3A_524 {add = true, strides = array<i32>} : memref<64x128xf32, #tpu.memory_space<vmem>>, vector<1x16xf32>,
        %swap3A_525 = arith.constant 59 : i32
        %swap3A_526 = arith.index_cast %swap3A_525 : i32 to index
        %swap3A_527 = arith.constant 16 : index
        %swap3A_528 = tpu.vector_load %arg7[%swap3A_526, %swap3A_527] {strides = array<i32>} : memref<64x128xf32, #tpu.memory_space<vmem>>, vector<1x16xf32>,
        %swap3A_529 = vector.shape_cast %swap3A_528 : vector<1x16xf32> to vector<16xf32>
        %swap3A_530 = vector.shape_cast %get3A_36 : vector<16xf32> to vector<1x16xf32>
        tpu.vector_store %arg7[%swap3A_526, %swap3A_527], %swap3A_530 {add = true, strides = array<i32>} : memref<64x128xf32, #tpu.memory_space<vmem>>, vector<1x16xf32>,
        %swap3A_531 = arith.constant 59 : i32
        %swap3A_532 = arith.index_cast %swap3A_531 : i32 to index
        %swap3A_533 = arith.constant 32 : index
        %swap3A_534 = tpu.vector_load %arg7[%swap3A_532, %swap3A_533] {strides = array<i32>} : memref<64x128xf32, #tpu.memory_space<vmem>>, vector<1x16xf32>,
        %swap3A_535 = vector.shape_cast %swap3A_534 : vector<1x16xf32> to vector<16xf32>
        %swap3A_536 = vector.shape_cast %get3A_40 : vector<16xf32> to vector<1x16xf32>
        tpu.vector_store %arg7[%swap3A_532, %swap3A_533], %swap3A_536 {add = true, strides = array<i32>} : memref<64x128xf32, #tpu.memory_space<vmem>>, vector<1x16xf32>,
        %swap3A_537 = arith.constant 59 : i32
        %swap3A_538 = arith.index_cast %swap3A_537 : i32 to index
        %swap3A_539 = arith.constant 48 : index
        %swap3A_540 = tpu.vector_load %arg7[%swap3A_538, %swap3A_539] {strides = array<i32>} : memref<64x128xf32, #tpu.memory_space<vmem>>, vector<1x16xf32>,
        %swap3A_541 = vector.shape_cast %swap3A_540 : vector<1x16xf32> to vector<16xf32>
        %swap3A_542 = vector.shape_cast %get3A_44 : vector<16xf32> to vector<1x16xf32>
        tpu.vector_store %arg7[%swap3A_538, %swap3A_539], %swap3A_542 {add = true, strides = array<i32>} : memref<64x128xf32, #tpu.memory_space<vmem>>, vector<1x16xf32>,
        %swap3A_543 = arith.constant 59 : i32
        %swap3A_544 = arith.index_cast %swap3A_543 : i32 to index
        %swap3A_545 = arith.constant 64 : index
        %swap3A_546 = tpu.vector_load %arg7[%swap3A_544, %swap3A_545] {strides = array<i32>} : memref<64x128xf32, #tpu.memory_space<vmem>>, vector<1x16xf32>,
        %swap3A_547 = vector.shape_cast %swap3A_546 : vector<1x16xf32> to vector<16xf32>
        %swap3A_548 = vector.shape_cast %get3A_48 : vector<16xf32> to vector<1x16xf32>
        tpu.vector_store %arg7[%swap3A_544, %swap3A_545], %swap3A_548 {add = true, strides = array<i32>} : memref<64x128xf32, #tpu.memory_space<vmem>>, vector<1x16xf32>,
        %swap3A_549 = arith.constant 59 : i32
        %swap3A_550 = arith.index_cast %swap3A_549 : i32 to index
        %swap3A_551 = arith.constant 80 : index
        %swap3A_552 = tpu.vector_load %arg7[%swap3A_550, %swap3A_551] {strides = array<i32>} : memref<64x128xf32, #tpu.memory_space<vmem>>, vector<1x16xf32>,
        %swap3A_553 = vector.shape_cast %swap3A_552 : vector<1x16xf32> to vector<16xf32>
        %swap3A_554 = vector.shape_cast %get3A_52 : vector<16xf32> to vector<1x16xf32>
        tpu.vector_store %arg7[%swap3A_550, %swap3A_551], %swap3A_554 {add = true, strides = array<i32>} : memref<64x128xf32, #tpu.memory_space<vmem>>, vector<1x16xf32>,
        %swap3A_555 = arith.constant 59 : i32
        %swap3A_556 = arith.index_cast %swap3A_555 : i32 to index
        %swap3A_557 = arith.constant 96 : index
        %swap3A_558 = tpu.vector_load %arg7[%swap3A_556, %swap3A_557] {strides = array<i32>} : memref<64x128xf32, #tpu.memory_space<vmem>>, vector<1x16xf32>,
        %swap3A_559 = vector.shape_cast %swap3A_558 : vector<1x16xf32> to vector<16xf32>
        %swap3A_560 = vector.shape_cast %get3A_56 : vector<16xf32> to vector<1x16xf32>
        tpu.vector_store %arg7[%swap3A_556, %swap3A_557], %swap3A_560 {add = true, strides = array<i32>} : memref<64x128xf32, #tpu.memory_space<vmem>>, vector<1x16xf32>,
        %swap3A_561 = arith.constant 59 : i32
        %swap3A_562 = arith.index_cast %swap3A_561 : i32 to index
        %swap3A_563 = arith.constant 112 : index
        %swap3A_564 = tpu.vector_load %arg7[%swap3A_562, %swap3A_563] {strides = array<i32>} : memref<64x128xf32, #tpu.memory_space<vmem>>, vector<1x16xf32>,
        %swap3A_565 = vector.shape_cast %swap3A_564 : vector<1x16xf32> to vector<16xf32>
        %swap3A_566 = vector.shape_cast %get3A_60 : vector<16xf32> to vector<1x16xf32>
        tpu.vector_store %arg7[%swap3A_562, %swap3A_563], %swap3A_566 {add = true, strides = array<i32>} : memref<64x128xf32, #tpu.memory_space<vmem>>, vector<1x16xf32>,
      } else {
      }
      %slice3A_492 = vector.extract_strided_slice %get3A_407 {offsets = [12], sizes = [1], strides = [1]} : vector<16xf32> to vector<1xf32>
      %squeeze3A_493 = vector.extract %slice3A_492[0] : f32 from vector<1xf32>
      %ne3A_494 = arith.constant 0.000000e+00 : f32
      %ne3A_495 = arith.cmpf one, %squeeze3A_493, %ne3A_494 : f32
      %convert_element_type3A_496 = arith.extui %ne3A_495 : i1 to i32
      %cond3A_497 = arith.constant 0 : i32
      %cond3A_498 = arith.cmpi ne, %convert_element_type3A_496, %cond3A_497 : i32
      scf.if %cond3A_498 {
        %swap3A = arith.constant 60 : i32
        %swap3A_520 = arith.index_cast %swap3A : i32 to index
        %swap3A_521 = arith.constant 0 : index
        %swap3A_522 = tpu.vector_load %arg7[%swap3A_520, %swap3A_521] {strides = array<i32>} : memref<64x128xf32, #tpu.memory_space<vmem>>, vector<1x16xf32>,
        %swap3A_523 = vector.shape_cast %swap3A_522 : vector<1x16xf32> to vector<16xf32>
        %swap3A_524 = vector.shape_cast %get3A_32 : vector<16xf32> to vector<1x16xf32>
        tpu.vector_store %arg7[%swap3A_520, %swap3A_521], %swap3A_524 {add = true, strides = array<i32>} : memref<64x128xf32, #tpu.memory_space<vmem>>, vector<1x16xf32>,
        %swap3A_525 = arith.constant 60 : i32
        %swap3A_526 = arith.index_cast %swap3A_525 : i32 to index
        %swap3A_527 = arith.constant 16 : index
        %swap3A_528 = tpu.vector_load %arg7[%swap3A_526, %swap3A_527] {strides = array<i32>} : memref<64x128xf32, #tpu.memory_space<vmem>>, vector<1x16xf32>,
        %swap3A_529 = vector.shape_cast %swap3A_528 : vector<1x16xf32> to vector<16xf32>
        %swap3A_530 = vector.shape_cast %get3A_36 : vector<16xf32> to vector<1x16xf32>
        tpu.vector_store %arg7[%swap3A_526, %swap3A_527], %swap3A_530 {add = true, strides = array<i32>} : memref<64x128xf32, #tpu.memory_space<vmem>>, vector<1x16xf32>,
        %swap3A_531 = arith.constant 60 : i32
        %swap3A_532 = arith.index_cast %swap3A_531 : i32 to index
        %swap3A_533 = arith.constant 32 : index
        %swap3A_534 = tpu.vector_load %arg7[%swap3A_532, %swap3A_533] {strides = array<i32>} : memref<64x128xf32, #tpu.memory_space<vmem>>, vector<1x16xf32>,
        %swap3A_535 = vector.shape_cast %swap3A_534 : vector<1x16xf32> to vector<16xf32>
        %swap3A_536 = vector.shape_cast %get3A_40 : vector<16xf32> to vector<1x16xf32>
        tpu.vector_store %arg7[%swap3A_532, %swap3A_533], %swap3A_536 {add = true, strides = array<i32>} : memref<64x128xf32, #tpu.memory_space<vmem>>, vector<1x16xf32>,
        %swap3A_537 = arith.constant 60 : i32
        %swap3A_538 = arith.index_cast %swap3A_537 : i32 to index
        %swap3A_539 = arith.constant 48 : index
        %swap3A_540 = tpu.vector_load %arg7[%swap3A_538, %swap3A_539] {strides = array<i32>} : memref<64x128xf32, #tpu.memory_space<vmem>>, vector<1x16xf32>,
        %swap3A_541 = vector.shape_cast %swap3A_540 : vector<1x16xf32> to vector<16xf32>
        %swap3A_542 = vector.shape_cast %get3A_44 : vector<16xf32> to vector<1x16xf32>
        tpu.vector_store %arg7[%swap3A_538, %swap3A_539], %swap3A_542 {add = true, strides = array<i32>} : memref<64x128xf32, #tpu.memory_space<vmem>>, vector<1x16xf32>,
        %swap3A_543 = arith.constant 60 : i32
        %swap3A_544 = arith.index_cast %swap3A_543 : i32 to index
        %swap3A_545 = arith.constant 64 : index
        %swap3A_546 = tpu.vector_load %arg7[%swap3A_544, %swap3A_545] {strides = array<i32>} : memref<64x128xf32, #tpu.memory_space<vmem>>, vector<1x16xf32>,
        %swap3A_547 = vector.shape_cast %swap3A_546 : vector<1x16xf32> to vector<16xf32>
        %swap3A_548 = vector.shape_cast %get3A_48 : vector<16xf32> to vector<1x16xf32>
        tpu.vector_store %arg7[%swap3A_544, %swap3A_545], %swap3A_548 {add = true, strides = array<i32>} : memref<64x128xf32, #tpu.memory_space<vmem>>, vector<1x16xf32>,
        %swap3A_549 = arith.constant 60 : i32
        %swap3A_550 = arith.index_cast %swap3A_549 : i32 to index
        %swap3A_551 = arith.constant 80 : index
        %swap3A_552 = tpu.vector_load %arg7[%swap3A_550, %swap3A_551] {strides = array<i32>} : memref<64x128xf32, #tpu.memory_space<vmem>>, vector<1x16xf32>,
        %swap3A_553 = vector.shape_cast %swap3A_552 : vector<1x16xf32> to vector<16xf32>
        %swap3A_554 = vector.shape_cast %get3A_52 : vector<16xf32> to vector<1x16xf32>
        tpu.vector_store %arg7[%swap3A_550, %swap3A_551], %swap3A_554 {add = true, strides = array<i32>} : memref<64x128xf32, #tpu.memory_space<vmem>>, vector<1x16xf32>,
        %swap3A_555 = arith.constant 60 : i32
        %swap3A_556 = arith.index_cast %swap3A_555 : i32 to index
        %swap3A_557 = arith.constant 96 : index
        %swap3A_558 = tpu.vector_load %arg7[%swap3A_556, %swap3A_557] {strides = array<i32>} : memref<64x128xf32, #tpu.memory_space<vmem>>, vector<1x16xf32>,
        %swap3A_559 = vector.shape_cast %swap3A_558 : vector<1x16xf32> to vector<16xf32>
        %swap3A_560 = vector.shape_cast %get3A_56 : vector<16xf32> to vector<1x16xf32>
        tpu.vector_store %arg7[%swap3A_556, %swap3A_557], %swap3A_560 {add = true, strides = array<i32>} : memref<64x128xf32, #tpu.memory_space<vmem>>, vector<1x16xf32>,
        %swap3A_561 = arith.constant 60 : i32
        %swap3A_562 = arith.index_cast %swap3A_561 : i32 to index
        %swap3A_563 = arith.constant 112 : index
        %swap3A_564 = tpu.vector_load %arg7[%swap3A_562, %swap3A_563] {strides = array<i32>} : memref<64x128xf32, #tpu.memory_space<vmem>>, vector<1x16xf32>,
        %swap3A_565 = vector.shape_cast %swap3A_564 : vector<1x16xf32> to vector<16xf32>
        %swap3A_566 = vector.shape_cast %get3A_60 : vector<16xf32> to vector<1x16xf32>
        tpu.vector_store %arg7[%swap3A_562, %swap3A_563], %swap3A_566 {add = true, strides = array<i32>} : memref<64x128xf32, #tpu.memory_space<vmem>>, vector<1x16xf32>,
      } else {
      }
      %slice3A_499 = vector.extract_strided_slice %get3A_407 {offsets = [13], sizes = [1], strides = [1]} : vector<16xf32> to vector<1xf32>
      %squeeze3A_500 = vector.extract %slice3A_499[0] : f32 from vector<1xf32>
      %ne3A_501 = arith.constant 0.000000e+00 : f32
      %ne3A_502 = arith.cmpf one, %squeeze3A_500, %ne3A_501 : f32
      %convert_element_type3A_503 = arith.extui %ne3A_502 : i1 to i32
      %cond3A_504 = arith.constant 0 : i32
      %cond3A_505 = arith.cmpi ne, %convert_element_type3A_503, %cond3A_504 : i32
      scf.if %cond3A_505 {
        %swap3A = arith.constant 61 : i32
        %swap3A_520 = arith.index_cast %swap3A : i32 to index
        %swap3A_521 = arith.constant 0 : index
        %swap3A_522 = tpu.vector_load %arg7[%swap3A_520, %swap3A_521] {strides = array<i32>} : memref<64x128xf32, #tpu.memory_space<vmem>>, vector<1x16xf32>,
        %swap3A_523 = vector.shape_cast %swap3A_522 : vector<1x16xf32> to vector<16xf32>
        %swap3A_524 = vector.shape_cast %get3A_32 : vector<16xf32> to vector<1x16xf32>
        tpu.vector_store %arg7[%swap3A_520, %swap3A_521], %swap3A_524 {add = true, strides = array<i32>} : memref<64x128xf32, #tpu.memory_space<vmem>>, vector<1x16xf32>,
        %swap3A_525 = arith.constant 61 : i32
        %swap3A_526 = arith.index_cast %swap3A_525 : i32 to index
        %swap3A_527 = arith.constant 16 : index
        %swap3A_528 = tpu.vector_load %arg7[%swap3A_526, %swap3A_527] {strides = array<i32>} : memref<64x128xf32, #tpu.memory_space<vmem>>, vector<1x16xf32>,
        %swap3A_529 = vector.shape_cast %swap3A_528 : vector<1x16xf32> to vector<16xf32>
        %swap3A_530 = vector.shape_cast %get3A_36 : vector<16xf32> to vector<1x16xf32>
        tpu.vector_store %arg7[%swap3A_526, %swap3A_527], %swap3A_530 {add = true, strides = array<i32>} : memref<64x128xf32, #tpu.memory_space<vmem>>, vector<1x16xf32>,
        %swap3A_531 = arith.constant 61 : i32
        %swap3A_532 = arith.index_cast %swap3A_531 : i32 to index
        %swap3A_533 = arith.constant 32 : index
        %swap3A_534 = tpu.vector_load %arg7[%swap3A_532, %swap3A_533] {strides = array<i32>} : memref<64x128xf32, #tpu.memory_space<vmem>>, vector<1x16xf32>,
        %swap3A_535 = vector.shape_cast %swap3A_534 : vector<1x16xf32> to vector<16xf32>
        %swap3A_536 = vector.shape_cast %get3A_40 : vector<16xf32> to vector<1x16xf32>
        tpu.vector_store %arg7[%swap3A_532, %swap3A_533], %swap3A_536 {add = true, strides = array<i32>} : memref<64x128xf32, #tpu.memory_space<vmem>>, vector<1x16xf32>,
        %swap3A_537 = arith.constant 61 : i32
        %swap3A_538 = arith.index_cast %swap3A_537 : i32 to index
        %swap3A_539 = arith.constant 48 : index
        %swap3A_540 = tpu.vector_load %arg7[%swap3A_538, %swap3A_539] {strides = array<i32>} : memref<64x128xf32, #tpu.memory_space<vmem>>, vector<1x16xf32>,
        %swap3A_541 = vector.shape_cast %swap3A_540 : vector<1x16xf32> to vector<16xf32>
        %swap3A_542 = vector.shape_cast %get3A_44 : vector<16xf32> to vector<1x16xf32>
        tpu.vector_store %arg7[%swap3A_538, %swap3A_539], %swap3A_542 {add = true, strides = array<i32>} : memref<64x128xf32, #tpu.memory_space<vmem>>, vector<1x16xf32>,
        %swap3A_543 = arith.constant 61 : i32
        %swap3A_544 = arith.index_cast %swap3A_543 : i32 to index
        %swap3A_545 = arith.constant 64 : index
        %swap3A_546 = tpu.vector_load %arg7[%swap3A_544, %swap3A_545] {strides = array<i32>} : memref<64x128xf32, #tpu.memory_space<vmem>>, vector<1x16xf32>,
        %swap3A_547 = vector.shape_cast %swap3A_546 : vector<1x16xf32> to vector<16xf32>
        %swap3A_548 = vector.shape_cast %get3A_48 : vector<16xf32> to vector<1x16xf32>
        tpu.vector_store %arg7[%swap3A_544, %swap3A_545], %swap3A_548 {add = true, strides = array<i32>} : memref<64x128xf32, #tpu.memory_space<vmem>>, vector<1x16xf32>,
        %swap3A_549 = arith.constant 61 : i32
        %swap3A_550 = arith.index_cast %swap3A_549 : i32 to index
        %swap3A_551 = arith.constant 80 : index
        %swap3A_552 = tpu.vector_load %arg7[%swap3A_550, %swap3A_551] {strides = array<i32>} : memref<64x128xf32, #tpu.memory_space<vmem>>, vector<1x16xf32>,
        %swap3A_553 = vector.shape_cast %swap3A_552 : vector<1x16xf32> to vector<16xf32>
        %swap3A_554 = vector.shape_cast %get3A_52 : vector<16xf32> to vector<1x16xf32>
        tpu.vector_store %arg7[%swap3A_550, %swap3A_551], %swap3A_554 {add = true, strides = array<i32>} : memref<64x128xf32, #tpu.memory_space<vmem>>, vector<1x16xf32>,
        %swap3A_555 = arith.constant 61 : i32
        %swap3A_556 = arith.index_cast %swap3A_555 : i32 to index
        %swap3A_557 = arith.constant 96 : index
        %swap3A_558 = tpu.vector_load %arg7[%swap3A_556, %swap3A_557] {strides = array<i32>} : memref<64x128xf32, #tpu.memory_space<vmem>>, vector<1x16xf32>,
        %swap3A_559 = vector.shape_cast %swap3A_558 : vector<1x16xf32> to vector<16xf32>
        %swap3A_560 = vector.shape_cast %get3A_56 : vector<16xf32> to vector<1x16xf32>
        tpu.vector_store %arg7[%swap3A_556, %swap3A_557], %swap3A_560 {add = true, strides = array<i32>} : memref<64x128xf32, #tpu.memory_space<vmem>>, vector<1x16xf32>,
        %swap3A_561 = arith.constant 61 : i32
        %swap3A_562 = arith.index_cast %swap3A_561 : i32 to index
        %swap3A_563 = arith.constant 112 : index
        %swap3A_564 = tpu.vector_load %arg7[%swap3A_562, %swap3A_563] {strides = array<i32>} : memref<64x128xf32, #tpu.memory_space<vmem>>, vector<1x16xf32>,
        %swap3A_565 = vector.shape_cast %swap3A_564 : vector<1x16xf32> to vector<16xf32>
        %swap3A_566 = vector.shape_cast %get3A_60 : vector<16xf32> to vector<1x16xf32>
        tpu.vector_store %arg7[%swap3A_562, %swap3A_563], %swap3A_566 {add = true, strides = array<i32>} : memref<64x128xf32, #tpu.memory_space<vmem>>, vector<1x16xf32>,
      } else {
      }
      %slice3A_506 = vector.extract_strided_slice %get3A_407 {offsets = [14], sizes = [1], strides = [1]} : vector<16xf32> to vector<1xf32>
      %squeeze3A_507 = vector.extract %slice3A_506[0] : f32 from vector<1xf32>
      %ne3A_508 = arith.constant 0.000000e+00 : f32
      %ne3A_509 = arith.cmpf one, %squeeze3A_507, %ne3A_508 : f32
      %convert_element_type3A_510 = arith.extui %ne3A_509 : i1 to i32
      %cond3A_511 = arith.constant 0 : i32
      %cond3A_512 = arith.cmpi ne, %convert_element_type3A_510, %cond3A_511 : i32
      scf.if %cond3A_512 {
        %swap3A = arith.constant 62 : i32
        %swap3A_520 = arith.index_cast %swap3A : i32 to index
        %swap3A_521 = arith.constant 0 : index
        %swap3A_522 = tpu.vector_load %arg7[%swap3A_520, %swap3A_521] {strides = array<i32>} : memref<64x128xf32, #tpu.memory_space<vmem>>, vector<1x16xf32>,
        %swap3A_523 = vector.shape_cast %swap3A_522 : vector<1x16xf32> to vector<16xf32>
        %swap3A_524 = vector.shape_cast %get3A_32 : vector<16xf32> to vector<1x16xf32>
        tpu.vector_store %arg7[%swap3A_520, %swap3A_521], %swap3A_524 {add = true, strides = array<i32>} : memref<64x128xf32, #tpu.memory_space<vmem>>, vector<1x16xf32>,
        %swap3A_525 = arith.constant 62 : i32
        %swap3A_526 = arith.index_cast %swap3A_525 : i32 to index
        %swap3A_527 = arith.constant 16 : index
        %swap3A_528 = tpu.vector_load %arg7[%swap3A_526, %swap3A_527] {strides = array<i32>} : memref<64x128xf32, #tpu.memory_space<vmem>>, vector<1x16xf32>,
        %swap3A_529 = vector.shape_cast %swap3A_528 : vector<1x16xf32> to vector<16xf32>
        %swap3A_530 = vector.shape_cast %get3A_36 : vector<16xf32> to vector<1x16xf32>
        tpu.vector_store %arg7[%swap3A_526, %swap3A_527], %swap3A_530 {add = true, strides = array<i32>} : memref<64x128xf32, #tpu.memory_space<vmem>>, vector<1x16xf32>,
        %swap3A_531 = arith.constant 62 : i32
        %swap3A_532 = arith.index_cast %swap3A_531 : i32 to index
        %swap3A_533 = arith.constant 32 : index
        %swap3A_534 = tpu.vector_load %arg7[%swap3A_532, %swap3A_533] {strides = array<i32>} : memref<64x128xf32, #tpu.memory_space<vmem>>, vector<1x16xf32>,
        %swap3A_535 = vector.shape_cast %swap3A_534 : vector<1x16xf32> to vector<16xf32>
        %swap3A_536 = vector.shape_cast %get3A_40 : vector<16xf32> to vector<1x16xf32>
        tpu.vector_store %arg7[%swap3A_532, %swap3A_533], %swap3A_536 {add = true, strides = array<i32>} : memref<64x128xf32, #tpu.memory_space<vmem>>, vector<1x16xf32>,
        %swap3A_537 = arith.constant 62 : i32
        %swap3A_538 = arith.index_cast %swap3A_537 : i32 to index
        %swap3A_539 = arith.constant 48 : index
        %swap3A_540 = tpu.vector_load %arg7[%swap3A_538, %swap3A_539] {strides = array<i32>} : memref<64x128xf32, #tpu.memory_space<vmem>>, vector<1x16xf32>,
        %swap3A_541 = vector.shape_cast %swap3A_540 : vector<1x16xf32> to vector<16xf32>
        %swap3A_542 = vector.shape_cast %get3A_44 : vector<16xf32> to vector<1x16xf32>
        tpu.vector_store %arg7[%swap3A_538, %swap3A_539], %swap3A_542 {add = true, strides = array<i32>} : memref<64x128xf32, #tpu.memory_space<vmem>>, vector<1x16xf32>,
        %swap3A_543 = arith.constant 62 : i32
        %swap3A_544 = arith.index_cast %swap3A_543 : i32 to index
        %swap3A_545 = arith.constant 64 : index
        %swap3A_546 = tpu.vector_load %arg7[%swap3A_544, %swap3A_545] {strides = array<i32>} : memref<64x128xf32, #tpu.memory_space<vmem>>, vector<1x16xf32>,
        %swap3A_547 = vector.shape_cast %swap3A_546 : vector<1x16xf32> to vector<16xf32>
        %swap3A_548 = vector.shape_cast %get3A_48 : vector<16xf32> to vector<1x16xf32>
        tpu.vector_store %arg7[%swap3A_544, %swap3A_545], %swap3A_548 {add = true, strides = array<i32>} : memref<64x128xf32, #tpu.memory_space<vmem>>, vector<1x16xf32>,
        %swap3A_549 = arith.constant 62 : i32
        %swap3A_550 = arith.index_cast %swap3A_549 : i32 to index
        %swap3A_551 = arith.constant 80 : index
        %swap3A_552 = tpu.vector_load %arg7[%swap3A_550, %swap3A_551] {strides = array<i32>} : memref<64x128xf32, #tpu.memory_space<vmem>>, vector<1x16xf32>,
        %swap3A_553 = vector.shape_cast %swap3A_552 : vector<1x16xf32> to vector<16xf32>
        %swap3A_554 = vector.shape_cast %get3A_52 : vector<16xf32> to vector<1x16xf32>
        tpu.vector_store %arg7[%swap3A_550, %swap3A_551], %swap3A_554 {add = true, strides = array<i32>} : memref<64x128xf32, #tpu.memory_space<vmem>>, vector<1x16xf32>,
        %swap3A_555 = arith.constant 62 : i32
        %swap3A_556 = arith.index_cast %swap3A_555 : i32 to index
        %swap3A_557 = arith.constant 96 : index
        %swap3A_558 = tpu.vector_load %arg7[%swap3A_556, %swap3A_557] {strides = array<i32>} : memref<64x128xf32, #tpu.memory_space<vmem>>, vector<1x16xf32>,
        %swap3A_559 = vector.shape_cast %swap3A_558 : vector<1x16xf32> to vector<16xf32>
        %swap3A_560 = vector.shape_cast %get3A_56 : vector<16xf32> to vector<1x16xf32>
        tpu.vector_store %arg7[%swap3A_556, %swap3A_557], %swap3A_560 {add = true, strides = array<i32>} : memref<64x128xf32, #tpu.memory_space<vmem>>, vector<1x16xf32>,
        %swap3A_561 = arith.constant 62 : i32
        %swap3A_562 = arith.index_cast %swap3A_561 : i32 to index
        %swap3A_563 = arith.constant 112 : index
        %swap3A_564 = tpu.vector_load %arg7[%swap3A_562, %swap3A_563] {strides = array<i32>} : memref<64x128xf32, #tpu.memory_space<vmem>>, vector<1x16xf32>,
        %swap3A_565 = vector.shape_cast %swap3A_564 : vector<1x16xf32> to vector<16xf32>
        %swap3A_566 = vector.shape_cast %get3A_60 : vector<16xf32> to vector<1x16xf32>
        tpu.vector_store %arg7[%swap3A_562, %swap3A_563], %swap3A_566 {add = true, strides = array<i32>} : memref<64x128xf32, #tpu.memory_space<vmem>>, vector<1x16xf32>,
      } else {
      }
      %slice3A_513 = vector.extract_strided_slice %get3A_407 {offsets = [15], sizes = [1], strides = [1]} : vector<16xf32> to vector<1xf32>
      %squeeze3A_514 = vector.extract %slice3A_513[0] : f32 from vector<1xf32>
      %ne3A_515 = arith.constant 0.000000e+00 : f32
      %ne3A_516 = arith.cmpf one, %squeeze3A_514, %ne3A_515 : f32
      %convert_element_type3A_517 = arith.extui %ne3A_516 : i1 to i32
      %cond3A_518 = arith.constant 0 : i32
      %cond3A_519 = arith.cmpi ne, %convert_element_type3A_517, %cond3A_518 : i32
      scf.if %cond3A_519 {
        %swap3A = arith.constant 63 : i32
        %swap3A_520 = arith.index_cast %swap3A : i32 to index
        %swap3A_521 = arith.constant 0 : index
        %swap3A_522 = tpu.vector_load %arg7[%swap3A_520, %swap3A_521] {strides = array<i32>} : memref<64x128xf32, #tpu.memory_space<vmem>>, vector<1x16xf32>,
        %swap3A_523 = vector.shape_cast %swap3A_522 : vector<1x16xf32> to vector<16xf32>
        %swap3A_524 = vector.shape_cast %get3A_32 : vector<16xf32> to vector<1x16xf32>
        tpu.vector_store %arg7[%swap3A_520, %swap3A_521], %swap3A_524 {add = true, strides = array<i32>} : memref<64x128xf32, #tpu.memory_space<vmem>>, vector<1x16xf32>,
        %swap3A_525 = arith.constant 63 : i32
        %swap3A_526 = arith.index_cast %swap3A_525 : i32 to index
        %swap3A_527 = arith.constant 16 : index
        %swap3A_528 = tpu.vector_load %arg7[%swap3A_526, %swap3A_527] {strides = array<i32>} : memref<64x128xf32, #tpu.memory_space<vmem>>, vector<1x16xf32>,
        %swap3A_529 = vector.shape_cast %swap3A_528 : vector<1x16xf32> to vector<16xf32>
        %swap3A_530 = vector.shape_cast %get3A_36 : vector<16xf32> to vector<1x16xf32>
        tpu.vector_store %arg7[%swap3A_526, %swap3A_527], %swap3A_530 {add = true, strides = array<i32>} : memref<64x128xf32, #tpu.memory_space<vmem>>, vector<1x16xf32>,
        %swap3A_531 = arith.constant 63 : i32
        %swap3A_532 = arith.index_cast %swap3A_531 : i32 to index
        %swap3A_533 = arith.constant 32 : index
        %swap3A_534 = tpu.vector_load %arg7[%swap3A_532, %swap3A_533] {strides = array<i32>} : memref<64x128xf32, #tpu.memory_space<vmem>>, vector<1x16xf32>,
        %swap3A_535 = vector.shape_cast %swap3A_534 : vector<1x16xf32> to vector<16xf32>
        %swap3A_536 = vector.shape_cast %get3A_40 : vector<16xf32> to vector<1x16xf32>
        tpu.vector_store %arg7[%swap3A_532, %swap3A_533], %swap3A_536 {add = true, strides = array<i32>} : memref<64x128xf32, #tpu.memory_space<vmem>>, vector<1x16xf32>,
        %swap3A_537 = arith.constant 63 : i32
        %swap3A_538 = arith.index_cast %swap3A_537 : i32 to index
        %swap3A_539 = arith.constant 48 : index
        %swap3A_540 = tpu.vector_load %arg7[%swap3A_538, %swap3A_539] {strides = array<i32>} : memref<64x128xf32, #tpu.memory_space<vmem>>, vector<1x16xf32>,
        %swap3A_541 = vector.shape_cast %swap3A_540 : vector<1x16xf32> to vector<16xf32>
        %swap3A_542 = vector.shape_cast %get3A_44 : vector<16xf32> to vector<1x16xf32>
        tpu.vector_store %arg7[%swap3A_538, %swap3A_539], %swap3A_542 {add = true, strides = array<i32>} : memref<64x128xf32, #tpu.memory_space<vmem>>, vector<1x16xf32>,
        %swap3A_543 = arith.constant 63 : i32
        %swap3A_544 = arith.index_cast %swap3A_543 : i32 to index
        %swap3A_545 = arith.constant 64 : index
        %swap3A_546 = tpu.vector_load %arg7[%swap3A_544, %swap3A_545] {strides = array<i32>} : memref<64x128xf32, #tpu.memory_space<vmem>>, vector<1x16xf32>,
        %swap3A_547 = vector.shape_cast %swap3A_546 : vector<1x16xf32> to vector<16xf32>
        %swap3A_548 = vector.shape_cast %get3A_48 : vector<16xf32> to vector<1x16xf32>
        tpu.vector_store %arg7[%swap3A_544, %swap3A_545], %swap3A_548 {add = true, strides = array<i32>} : memref<64x128xf32, #tpu.memory_space<vmem>>, vector<1x16xf32>,
        %swap3A_549 = arith.constant 63 : i32
        %swap3A_550 = arith.index_cast %swap3A_549 : i32 to index
        %swap3A_551 = arith.constant 80 : index
        %swap3A_552 = tpu.vector_load %arg7[%swap3A_550, %swap3A_551] {strides = array<i32>} : memref<64x128xf32, #tpu.memory_space<vmem>>, vector<1x16xf32>,
        %swap3A_553 = vector.shape_cast %swap3A_552 : vector<1x16xf32> to vector<16xf32>
        %swap3A_554 = vector.shape_cast %get3A_52 : vector<16xf32> to vector<1x16xf32>
        tpu.vector_store %arg7[%swap3A_550, %swap3A_551], %swap3A_554 {add = true, strides = array<i32>} : memref<64x128xf32, #tpu.memory_space<vmem>>, vector<1x16xf32>,
        %swap3A_555 = arith.constant 63 : i32
        %swap3A_556 = arith.index_cast %swap3A_555 : i32 to index
        %swap3A_557 = arith.constant 96 : index
        %swap3A_558 = tpu.vector_load %arg7[%swap3A_556, %swap3A_557] {strides = array<i32>} : memref<64x128xf32, #tpu.memory_space<vmem>>, vector<1x16xf32>,
        %swap3A_559 = vector.shape_cast %swap3A_558 : vector<1x16xf32> to vector<16xf32>
        %swap3A_560 = vector.shape_cast %get3A_56 : vector<16xf32> to vector<1x16xf32>
        tpu.vector_store %arg7[%swap3A_556, %swap3A_557], %swap3A_560 {add = true, strides = array<i32>} : memref<64x128xf32, #tpu.memory_space<vmem>>, vector<1x16xf32>,
        %swap3A_561 = arith.constant 63 : i32
        %swap3A_562 = arith.index_cast %swap3A_561 : i32 to index
        %swap3A_563 = arith.constant 112 : index
        %swap3A_564 = tpu.vector_load %arg7[%swap3A_562, %swap3A_563] {strides = array<i32>} : memref<64x128xf32, #tpu.memory_space<vmem>>, vector<1x16xf32>,
        %swap3A_565 = vector.shape_cast %swap3A_564 : vector<1x16xf32> to vector<16xf32>
        %swap3A_566 = vector.shape_cast %get3A_60 : vector<16xf32> to vector<1x16xf32>
        tpu.vector_store %arg7[%swap3A_562, %swap3A_563], %swap3A_566 {add = true, strides = array<i32>} : memref<64x128xf32, #tpu.memory_space<vmem>>, vector<1x16xf32>,
      } else {
      }
    }
    %scan3A_28 = arith.constant 64 : i32
    "tpu.region"() ({
      %run_scoped3A = tpu.sem_alloc : memref<!tpu.dma_semaphore, #tpu.memory_space<semaphore_mem>>
      %dma_start3A_29 = arith.constant 0 : i32
      %dma_start3A_30 = arith.constant 0 : i32
      %dma_start3A_31 = tpu.memref_slice %arg4[%add3A, %dma_start3A_29, %dma_start3A_30] : memref<32x64x128xf32, #tpu.memory_space<hbm>> -> memref<1x64x128xf32, #tpu.memory_space<hbm>>
      %dma_start3A_32 = tpu.memref_squeeze %dma_start3A_31 : memref<1x64x128xf32, #tpu.memory_space<hbm>> -> memref<64x128xf32, #tpu.memory_space<hbm>>
      %dma_start3A_33 = arith.constant 0 : i32
      %dma_start3A_34 = arith.constant 0 : i32
      %dma_start3A_35 = tpu.memref_slice %arg4[%add3A, %dma_start3A_33, %dma_start3A_34] : memref<32x64x128xf32, #tpu.memory_space<hbm>> -> memref<1x64x128xf32, #tpu.memory_space<hbm>>
      %dma_start3A_36 = tpu.memref_squeeze %dma_start3A_35 : memref<1x64x128xf32, #tpu.memory_space<hbm>> -> memref<64x128xf32, #tpu.memory_space<hbm>>
      tpu.enqueue_dma source(%arg7 : memref<64x128xf32, #tpu.memory_space<vmem>>) target(%dma_start3A_36 : memref<64x128xf32, #tpu.memory_space<hbm>>) target_semaphore(%run_scoped3A : memref<!tpu.dma_semaphore, #tpu.memory_space<semaphore_mem>>)
      %dma_wait3A_37 = arith.constant 0 : i32
      %dma_wait3A_38 = arith.constant 0 : i32
      %dma_wait3A_39 = tpu.memref_slice %arg4[%add3A, %dma_wait3A_37, %dma_wait3A_38] : memref<32x64x128xf32, #tpu.memory_space<hbm>> -> memref<1x64x128xf32, #tpu.memory_space<hbm>>
      %dma_wait3A_40 = tpu.memref_squeeze %dma_wait3A_39 : memref<1x64x128xf32, #tpu.memory_space<hbm>> -> memref<64x128xf32, #tpu.memory_space<hbm>>
      %dma_wait3A_41 = arith.constant 0 : i32
      %dma_wait3A_42 = arith.constant 0 : i32
      %dma_wait3A_43 = tpu.memref_slice %arg4[%add3A, %dma_wait3A_41, %dma_wait3A_42] : memref<32x64x128xf32, #tpu.memory_space<hbm>> -> memref<1x64x128xf32, #tpu.memory_space<hbm>>
      %dma_wait3A_44 = tpu.memref_squeeze %dma_wait3A_43 : memref<1x64x128xf32, #tpu.memory_space<hbm>> -> memref<64x128xf32, #tpu.memory_space<hbm>>
      tpu.wait_dma2 semaphore(%run_scoped3A : memref<!tpu.dma_semaphore, #tpu.memory_space<semaphore_mem>>) src(%arg7 : memref<64x128xf32, #tpu.memory_space<vmem>>) dst(%dma_wait3A_44 : memref<64x128xf32, #tpu.memory_space<hbm>>)
      tpu.yield
    }) : () -> ()
    return
  }
}

module attributes {stable_mosaic.version = 14 : i64} {
  func.func @_tc_dense_body(%arg0: memref<64x8192xi32, #tpu.memory_space<vmem>>, %arg1: memref<6144x128xf32, #tpu.memory_space<vmem>>, %arg2: memref<64x128xf32, #tpu.memory_space<vmem>>, %arg3: memref<64x1xf32, #tpu.memory_space<vmem>>) attributes {dimension_semantics = [], scalar_prefetch = 0 : i64, scratch_operands = 0 : i64, tpu.core_type = #tpu.core_type<tc>} {
    %get3A = arith.constant 0 : index
    %get3A_0 = arith.constant 0 : index
    %get3A_1 = vector.load %arg0[%get3A, %get3A_0] : memref<64x8192xi32, #tpu.memory_space<vmem>>, vector<64x8192xi32>
    %get3A_2 = arith.constant dense<0> : vector<64x8192xi32>
    %get3A_3 = arith.cmpi ne, %get3A_1, %get3A_2 : vector<64x8192xi32>
    %convert_element_type3A = arith.extui %get3A_3 : vector<64x8192xi1> to vector<64x8192xi32>
    %convert_element_type3A_4 = arith.sitofp %convert_element_type3A : vector<64x8192xi32> to vector<64x8192xf32>
    %slice3A = vector.extract_strided_slice %convert_element_type3A_4 {offsets = [0, 0], sizes = [64, 6144], strides = [1, 1]} : vector<64x8192xf32> to vector<64x6144xf32>
    %get3A_5 = arith.constant 0 : index
    %get3A_6 = arith.constant 0 : index
    %get3A_7 = vector.load %arg1[%get3A_5, %get3A_6] : memref<6144x128xf32, #tpu.memory_space<vmem>>, vector<6144x128xf32>
    %dot_general3A = arith.constant dense<0.000000e+00> : vector<64x128xf32>
    %dot_general3A_8 = tpu.matmul %slice3A, %get3A_7, %dot_general3A {dimension_numbers = #tpu.dot_dimension_numbers<[1], [0], [0], [1], [0, 0, 1, 1], [], []>, precision = #tpu.contract_precision<fp32>, transpose_lhs_hint = false} : vector<64x6144xf32>, vector<6144x128xf32>, vector<64x128xf32> -> vector<64x128xf32>
    %swap3A = arith.constant 0 : index
    %swap3A_9 = arith.constant 0 : index
    %swap3A_10 = vector.load %arg2[%swap3A, %swap3A_9] : memref<64x128xf32, #tpu.memory_space<vmem>>, vector<64x128xf32>
    tpu.vector_store %arg2[%swap3A, %swap3A_9], %dot_general3A_8 {strides = array<i32>} : memref<64x128xf32, #tpu.memory_space<vmem>>, vector<64x128xf32>,
    %reduce_sum3A = arith.constant dense<0.000000e+00> : vector<64xf32>
    %reduce_sum3A_11 = vector.multi_reduction <add>, %convert_element_type3A_4, %reduce_sum3A [1] : vector<64x8192xf32> to vector<64xf32>
    %broadcast_in_dim3A = vector.shape_cast %reduce_sum3A_11 : vector<64xf32> to vector<64x1xf32>
    %swap3A_12 = arith.constant 0 : index
    %swap3A_13 = arith.constant 0 : index
    %swap3A_14 = vector.load %arg3[%swap3A_12, %swap3A_13] : memref<64x1xf32, #tpu.memory_space<vmem>>, vector<64x1xf32>
    tpu.vector_store %arg3[%swap3A_12, %swap3A_13], %broadcast_in_dim3A {strides = array<i32>} : memref<64x1xf32, #tpu.memory_space<vmem>>, vector<64x1xf32>,
    return
  }
}

module attributes {stable_mosaic.version = 14 : i64} {
  func.func @_combine_body(%arg0: memref<64x128xf32, #tpu.memory_space<vmem>>, %arg1: memref<64x1xf32, #tpu.memory_space<vmem>>, %arg2: memref<32x64x128xf32, #tpu.memory_space<vmem>>, %arg3: memref<64x128xf32, #tpu.memory_space<vmem>>) attributes {dimension_semantics = [], scalar_prefetch = 0 : i64, scratch_operands = 0 : i64, tpu.core_type = #tpu.core_type<tc>} {
    %get3A = arith.constant 0 : index
    %get3A_0 = arith.constant 0 : index
    %get3A_1 = vector.load %arg0[%get3A, %get3A_0] : memref<64x128xf32, #tpu.memory_space<vmem>>, vector<64x128xf32>
    %get3A_2 = arith.constant 0 : index
    %get3A_3 = arith.constant 0 : index
    %get3A_4 = arith.constant 0 : index
    %get3A_5 = vector.load %arg2[%get3A_2, %get3A_3, %get3A_4] : memref<32x64x128xf32, #tpu.memory_space<vmem>>, vector<32x64x128xf32>
    %reduce_sum3A = arith.constant dense<0.000000e+00> : vector<64x128xf32>
    %reduce_sum3A_6 = vector.multi_reduction <add>, %get3A_5, %reduce_sum3A [0] : vector<32x64x128xf32> to vector<64x128xf32>
    %add3A = arith.addf %get3A_1, %reduce_sum3A_6 : vector<64x128xf32>
    %get3A_7 = arith.constant 0 : index
    %get3A_8 = arith.constant 0 : index
    %get3A_9 = vector.load %arg1[%get3A_7, %get3A_8] : memref<64x1xf32, #tpu.memory_space<vmem>>, vector<64x1xf32>
    %max3A = arith.constant 1.000000e+00 : f32
    %max3A_10 = vector.broadcast %max3A : f32 to vector<64x1xf32>
    %max3A_11 = arith.maximumf %get3A_9, %max3A_10 : vector<64x1xf32>
    %div3A = vector.broadcast %max3A_11 : vector<64x1xf32> to vector<64x128xf32>
    %div3A_12 = arith.divf %add3A, %div3A : vector<64x128xf32>
    %swap3A = arith.constant 0 : index
    %swap3A_13 = arith.constant 0 : index
    %swap3A_14 = vector.load %arg3[%swap3A, %swap3A_13] : memref<64x128xf32, #tpu.memory_space<vmem>>, vector<64x128xf32>
    tpu.vector_store %arg3[%swap3A, %swap3A_13], %div3A_12 {strides = array<i32>} : memref<64x128xf32, #tpu.memory_space<vmem>>, vector<64x128xf32>,
    return
  }
}

</mosaic_0001>

<sc_bundles>
// kernel: kernel.5.cloned.1.call-start
scs
__scs_entry_jumppad:
0x0: {  	(pc) =	sbr.rel $0x88, $3  }
0x1: {  	(tag) =	ssettag $0x0;
	lr =	simm.s32 $0x1  }
0x2: {  	[smem:$0x3F9F] =	sst lr;
	_ =	strace $0xD0000000  }
0x3: {  	_ = 	snop  }
0x4: {  	_ = 	snop  }
0x5: {  	_ = 	snop  }
0x6: {  	_ = 	snop  }
0x7: {  	_ = 	snop  }
__scs_overlays_trampoline_lowered:
0x8: {  	[smem:$0x3FAE] =	sst s0  }
0x9: {  	[smem:$0x3FAF] =	sst s1  }
0xa: {  	[smem:$0x3FB0] =	sst s2  }
0xb: {  	[smem:$0x3FB1] =	sst s3  }
0xc: {  	[smem:$0x3FB2] =	sst s4  }
0xd: {  	[smem:$0x3FB3] =	sst s5  }
0xe: {  	[smem:$0x3FB4] =	sst s6  }
0xf: {  	[smem:$0x3FB5] =	sst s7  }
0x10: {  	[smem:$0x3FB6] =	sst s8  }
0x11: {  	[smem:$0x3FB7] =	sst s9;
	s0 =	simm.s32 @!p0 $0x0  }
0x12: {  	s1 =	sld [smem:$0x3F9D];
	s0 =	simm.s32 @p0 $0x1  }
0x13: {  	[smem:$0x3FB8] =	sst s0;
	s0 =	simm.s32 @!p1 $0x0  }
0x14: {  	s2 =	sld [smem:$0x3F9C];
	s0 =	simm.s32 @p1 $0x1  }
0x15: {  	[smem:$0x3FB9] =	sst s0;
	s0 =	simm.s32 @!p2 $0x0  }
0x16: {  	s3 =	sld [smem:$0x3FDB];
	s0 =	simm.s32 @p2 $0x1  }
0x17: {  	s4 =	simm.s32 $0x1BF5;
	[smem:$0x3FBB] =	sst s0  }
0x18: {  	s0 =	sld [smem:$0x3F9E];
	_ =	swait.ge [sflag:s4], $0x0  }
0x19: {  	s7 =	sld [smem:$0x3F9F]  }
0x1a: {  	s8 =	sadd.s32 $0xFFFFE003, lr  }
0x1b: {  	s9 =	sadd.s32 $0xFFFFFEF7, lr;
	s5 =	simm.s32 $0xFFFFFFFF;
	p2 =	slt.u32 s8, $0xFFFFF086  }
0x1c: {  	p1 =	slt.u32 s9, $0xF7A;
	s5 =	simm.s32 @!p2 $0x0  }
0x1d: {  	s5 =	simm.s32 @p1 $0x1;
	p0 =	seq.s32 s7, s2  }
0x1e: {  	s7 =	smul.u32 @!p0 $0xF7A, s2;
	p2 =	seq.s32 @!p0 s5, $0x0  }
0x1f: {  	s9 =	smul.u32 $0xF7A, s1;
	s8 =	simm.s32 @!p0 $0x1BF5;
	p2 =	por !p2, p0  }
0x20: {  	[sflag:s8] =	ssyncset.s32 @!p0 $0xFFFFF086;
	s6 =	sadd.s32 @!p0 s3, s7;
	s7 =	simm.s32 @!p0 $0x108  }
0x21: {  	s3 =	sadd.s32 s3, s9;
	s6 =	sadd.s32 @!p0 $0x88, s6;
	s7 =	simm.s32 @p2 $0x1082  }
0x22: {  	[simem:s7], [sflag:s8] =	dma.local @!p0 [hbm:s6], $0xF7A  }
0x23: {  	s9 =	sor.u32 $0xD0000000, s2;
	s6 =	simm.s32 $0x108;
	_ =	swait.ge @!p0 [sflag:s8], $0x0  }
0x24: {  	s3 =	sadd.s32 $0x88, s3;
	s6 =	simm.s32 @!p1 $0x1082;
	[sflag:s4] =	ssyncset.s32 $0xFFFFF086  }
0x25: {  	[simem:s6], [sflag:s4] =	dma.local [hbm:s3], $0xF7A  }
0x26: {  	[smem:$0x3F9F] =	sst s1;
	(tag) =	ssettag s2;
	_ =	strace s9  }
0x27: {  	s1 =	sld [smem:$0x3FAF]  }
0x28: {  	s2 =	sld [smem:$0x3FB0]  }
0x29: {  	s4 =	sld [smem:$0x3FB2]  }
0x2a: {  	p0 =	seq.s32 s5, $0x0;
	s5 =	sld [smem:$0x3FB3]  }
0x2b: {  	s6 =	sld [smem:$0x3FB4]  }
0x2c: {  	s7 =	sld [smem:$0x3FB5]  }
0x2d: {  	s3 =	simm.s32 $0x108;
	s8 =	sld [smem:$0x3FB6]  }
0x2e: {  	s3 =	simm.s32 @!p0 $0x1082;
	s9 =	sld [smem:$0x3FB7]  }
0x2f: {  	lr =	sadd.s32 s0, s3;
	s0 =	sld [smem:$0x3FAE]  }
0x30: {  	s3 =	sld [smem:$0x3FB1]  }
0x31: {  	[smem:$0x3FBA] =	sst s10  }
0x32: {  	s10 =	sld [smem:$0x3FB8];
	_ =	sdelay $0x3  }
0x33: {  	p0 =	seq.s32 s10, $0x1;
	s10 =	sld [smem:$0x3FBA];
	_ =	sdelay $0x3  }
0x34: {  	[smem:$0x3FBA] =	sst s10  }
0x35: {  	s10 =	sld [smem:$0x3FB9];
	_ =	sdelay $0x3  }
0x36: {  	p1 =	seq.s32 s10, $0x1;
	s10 =	sld [smem:$0x3FBA];
	_ =	sdelay $0x3  }
0x37: {  	[smem:$0x3FBA] =	sst s10  }
0x38: {  	s10 =	sld [smem:$0x3FBB]  }
0x39: {  	_ = 	snop;
	(pc) =	sbr.ind lr, $3  }
0x3a: {  	_ = 	snop  }
0x3b: {  	_ = 	snop  }
0x3c: {  	p2 =	seq.s32 s10, $0x1;
	s10 =	sld [smem:$0x3FBA]  }
0x3d: {  	_ =	shalt  }
0x3e: {  	_ =	shalt  }
0x3f: {  	_ =	shalt  }
0x40: {  	_ =	shalt  }
0x41: {  	_ =	shalt  }
0x42: {  	_ =	shalt  }
0x43: {  	_ =	shalt  }
0x44: {  	_ =	shalt  }
0x45: {  	_ =	shalt  }
0x46: {  	_ =	shalt  }
0x47: {  	_ =	shalt  }
0x48: {  	_ =	shalt  }
0x49: {  	_ =	shalt  }
0x4a: {  	_ =	shalt  }
0x4b: {  	_ =	shalt  }
0x4c: {  	_ =	shalt  }
0x4d: {  	_ =	shalt  }
0x4e: {  	_ =	shalt  }
0x4f: {  	_ =	shalt  }
0x50: {  	_ =	shalt  }
0x51: {  	_ =	shalt  }
0x52: {  	_ =	shalt  }
0x53: {  	_ =	shalt  }
0x54: {  	_ =	shalt  }
0x55: {  	_ =	shalt  }
0x56: {  	_ =	shalt  }
0x57: {  	_ =	shalt  }
0x58: {  	_ =	shalt  }
0x59: {  	_ =	shalt  }
0x5a: {  	_ =	shalt  }
0x5b: {  	_ =	shalt  }
0x5c: {  	_ =	shalt  }
0x5d: {  	_ =	shalt  }
0x5e: {  	_ =	shalt  }
0x5f: {  	_ =	shalt  }
0x60: {  	_ =	shalt  }
0x61: {  	_ =	shalt  }
0x62: {  	_ =	shalt  }
0x63: {  	_ =	shalt  }
0x64: {  	_ =	shalt  }
0x65: {  	_ =	shalt  }
0x66: {  	_ =	shalt  }
0x67: {  	_ =	shalt  }
0x68: {  	_ =	shalt  }
0x69: {  	_ =	shalt  }
0x6a: {  	_ =	shalt  }
0x6b: {  	_ =	shalt  }
0x6c: {  	_ =	shalt  }
0x6d: {  	_ =	shalt  }
0x6e: {  	_ =	shalt  }
0x6f: {  	_ =	shalt  }
0x70: {  	_ =	shalt  }
0x71: {  	_ =	shalt  }
0x72: {  	_ =	shalt  }
0x73: {  	_ =	shalt  }
0x74: {  	_ =	shalt  }
0x75: {  	_ =	shalt  }
0x76: {  	_ =	shalt  }
0x77: {  	_ =	shalt  }
0x78: {  	_ =	shalt  }
0x79: {  	_ =	shalt  }
0x7a: {  	_ =	shalt  }
0x7b: {  	_ =	shalt  }
0x7c: {  	_ =	shalt  }
0x7d: {  	_ =	shalt  }
0x7e: {  	_ =	shalt  }
0x7f: {  	_ =	shalt  }
0x80: {  	_ =	shalt  }
0x81: {  	_ =	shalt  }
0x82: {  	_ =	shalt  }
0x83: {  	_ =	shalt  }
0x84: {  	_ =	shalt  }
0x85: {  	_ =	shalt  }
0x86: {  	_ =	shalt  }
0x87: {  	_ =	shalt  }
.Lfunc_end0:
.L_simem_size_0:
called_computation_lowered:
.L_overlay_start_0:
0x88: {  	s2 =	sld [smem:$0x3FD9]  }
0x89: {  	s3 =	sld [smem:$0x3FFE];
	_ =	sdelay $0x1  }
0x8a: {  	s1 =	srdreg.scid  }
0x8b: {  	s0 =	sand.u32 $0x1, s1  }
0x8c: {  	s17 =	sshll.u32 s0, $0xA;
	s2 =	sadd.s32 s3, s2  }
0x8d: {  	s2 =	sadd.s32 s2, s17  }
0x8e: {  	[smem:$0x3FC6] =	sst s2  }
0x8f: {  	_ = 	snop  }
0x90: {  	s2 =	sld [smem:$0x3FC9];
	(tm) =	ssettm $0x1  }
0x91: {  	s18 =	sld [smem:$0x3FFB];
	_ =	sdelay $0x3  }
0x92: {  	_ =	strace s18  }
0x93: {  	s3 =	sld [smem:$0x3FFC];
	_ =	sdelay $0x3  }
0x94: {  	_ =	strace s3  }
0x95: {  	s3 =	sld [smem:$0x3FFD];
	_ =	sdelay $0x3  }
0x96: {  	_ =	strace s3  }
0x97: {  	_ =	strace $0x8FFFFFFF  }
0x98: {  	s19 =	sld [smem:$0x3FDB];
	_ =	sdelay $0x1  }
0x99: {  	s4 =	simm.s32 $_scs_section_size  }
0x9a: {  	s5 =	simm.s32 $_size__tile_overlayer_lowered;
	s6 =	simm.s32 $_tile_overlayer_lowered  }
0x9b: {  	s22 =	simm.s32 $0x1BFF;
	s21 =	sshll.u32 s6, $0x1;
	s3 =	sadd.s32 s4, s19  }
0x9c: {  	s7 =	simm.s32 $0x0;
	s20 =	sshll.u32 s5, $0x1;
	s5 =	sadd.s32 s21, s3  }
0x9d: {  	[timem:s7], [sflag:s22] =	dma.local [hbm:s5], s20  }
0x9e: {  	_ =	swait.ge [sflag:s22], s20  }
0x9f: {  	s4 =	ssub.s32 $0x0, s20;
	[sflag:s22] =	ssyncset.done $0x0  }
0xa0: {  	[sflag:s22] =	ssyncadd.s32 s4;
	_ =	sdelay $0x1  }
0xa1: {  	s23 =	simm.s32 $0x1B8B  }
0xa2: {  	_ =	swait.ge [sflag:s23], $0x1  }
0xa3: {  	[sflag:s23] =	ssyncset.done $0x0  }
0xa4: {  	s25 =	simm.s32 $0x1B8E;
	s24 =	sld [smem:$0x3FFE];
	[sflag:s23] =	ssyncadd.s32 $0xFFFFFFFF  }
0xa5: {  	s26 =	simm.s32 $execute0_lowered;
	[smem:$0x3FD2] =	sst s25  }
0xa6: {  	s5 =	sshll.u32 s26, $0x1;
	_ =	strace $0x80000046;
	[dreg:$0x1] =	wrdreg $0xFFFFFFFF  }
0xa7: {  	s28 =	simm.s32 $_size_execute0_lowered;
	s3 =	sadd.s32 s3, s5;
	[dreg:$0x0] =	wrdreg $0x0  }
0xa8: {  	s5 =	sshll.u32 s28, $0x1;
	[dreg:$0x2] =	wrdreg s3  }
0xa9: {  	[dreg:$0x3] =	wrdreg s5  }
0xaa: {  	[dreg:$0x4] =	wrdreg $0xC0  }
0xab: {  	_ =	task [dreg:s7], $0x5FFFF  }
0xac: {  	[dreg:$0x1] =	wrdreg $0xFFFFFFFF  }
0xad: {  	[dreg:$0x0] =	wrdreg $0x60  }
0xae: {  	[dreg:$0x2] =	wrdreg s2  }
0xaf: {  	[dreg:$0x3] =	wrdreg s24  }
0xb0: {  	[dreg:$0x4] =	wrdreg $0x9  }
0xb1: {  	_ =	task.clear_ibuf [dreg:s7], $0x5FFFF;
	_ =	strace $0x90000046  }
0xb2: {  	s29 =	simm.s32 $0x9;
	_ =	strace $0x80000048  }
0xb3: {  	_ =	swait.ge [sflag:s29], $0x1  }
0xb4: {  	[sflag:s29] =	ssyncadd.s32 $0xFFFFFFFF  }
0xb5: {  	_ =	strace $0x90000048  }
0xb6: {  	_ =	sfence  }
0xb7: {  	s30 =	sld [smem:$0x0];
	_ =	sdelay $0x2  }
0xb8: {  	s31 =	sshll.u32 s1, $0xD;
	s1 =	sshrl.u32 s1, $0x2  }
0xb9: {  	s3 =	sand.u32 $0x4000, s31;
	s1 =	sadd.s32 s1, s30  }
0xba: {  	s0 =	sor.u32 s3, s0;
	s1 =	sshll.u32 s1, $0x11  }
0xbb: {  	s0 =	sor.u32 s1, s0  }
0xbc: {  	s0 =	sadd.s32 $0x8F2B, s0  }
0xbd: {  	[sflag:s0] =	ssyncadd.remote.s32 $0x1  }
0xbe: {  	_ =	sfence.sel $0xFFFF  }
0xbf: {  	[dreg:$0x0] =	wrdreg $0xFFFFFFFF;
	(pc) =	sbr.abs _section_cstart, $3  }
0xc0: {  	[dreg:$0x1] =	wrdreg $0xFFFFFFFF  }
0xc1: {  	_ =	task.clear_ibuf [dreg:s7], $0x2FFFF;
	_ =	strace $0x9FFFFFFF  }
0xc2: {  	(tm) =	ssettm $0x7FFFFFFF  }
0xc3: {  	_ =	shalt  }
tec
execute0_lowered:
.L_overlay_start_1:
0x0: {  	(tag) =	ssettag $0x1  }
0x1: {  	s3 =	rddreg [dreg:$0x0]  }
0x2: {  	s4 =	rddreg [dreg:$0x1]  }
0x3: {  	s0 =	rddreg [dreg:$0x2];
	s2 =	simm.s32 $0x0;
	s5 =	srdreg.scid  }
0x4: {  	s1 =	stileid.u32;
	s9 =	simm.s32 $0x4000;
	s10 =	simm.s32 $0x2  }
0x5: {  	s11 =	simm.s32 $0x0;
	[smem:$0x7FF] =	sst s2;
	s5 =	sand.u32 $0x1, s5  }
0x6: {  	s6 =	sshll.u32 s1, $0xB;
	s7 =	sshll.u32 s5, $0xA;
	s5 =	ssub.s32 $0x2, s5  }
0x7: {  	_ =	strace $0x80000047;
	s6 =	sor.u32 s7, s6;
	s31 =	sshrl.u32 s5, $0x1  }
0x8: {  	s8 =	sadd.s32 s6, s4;
	s7 =	ssub.s32 s5, s31;
	s3 =	sadd.s32 s6, s3  }
0x9: {  	s3 =	sadd.s32 $0x18000, s3;
	s4 =	sadd.s32 $0xC00, s8;
	s5 =	sadd.s32 $0x8C00, s8  }
0xa: {  	v0 =	vimm.f32 $0.0e+00;
	s6 =	smax.u32 s7, $0x1;
	s7 =	simm.s32 $0x2000;
	s8 =	simm.s32 $0x1  }
.LBB2_1:
0xb: {  	[tilespmem:s2], [sflag:$0x1] =	stream.linear.gather [hbm4b:s3+s2], $0x2000, $0x38;
	[tilespmem:$0x6000] =	vst v63  }
0xc: {  	_ = 	snop  }
0xd: {  	[tilespmem:s7], [sflag:$0x1] =	stream.linear.gather [hbm4b:s4+s2], $0x2000, $0x38;
	[tilespmem:$0x6000] =	vst v63  }
0xe: {  	_ =	swait.ge [sflag:s8], $0x2000  }
0xf: {  	[sflag:s8] =	ssyncset.done $0x0  }
0x10: {  	[sflag:s8] =	ssyncadd.s32 $0xFFFFE000  }
0x11: {  	_ =	swait.ge [sflag:s8], $0x2000  }
0x12: {  	[sflag:s8] =	ssyncset.done $0x0  }
0x13: {  	s12 =	simm.s32 $0x0;
	s13 =	simm.s32 $0x200;
	[sflag:s8] =	ssyncadd.s32 $0xFFFFE000  }
.LBB2_2:
0x14: {  	p0 =	sne.s32 s13, $0x7E00;
	[tilespmem:s12+$0x4070] =	vst v0  }
0x15: {  	[tilespmem:s12+$0x4000] =	vst v0  }
0x16: {  	[tilespmem:s12+$0x4010] =	vst v0  }
.Ltmp0:
0x17: {  	[tilespmem:s12+$0x4020] =	vst v0;
	(pc) =	sbr.rel @p0 .LBB2_2-.Ltmp0, $4  }
0x18: {  	[tilespmem:s12+$0x4030] =	vst v0  }
0x19: {  	[tilespmem:s12+$0x4040] =	vst v0  }
0x1a: {  	[tilespmem:s12+$0x4050] =	vst v0  }
0x1b: {  	[tilespmem:s12+$0x4060] =	vst v0;
	s12 =	sshra.s32 s13, $0x2;
	s13 =	sadd.s32 $0x200, s13  }
0x1c: {  	[tilespmem:s12+$0x4070] =	vst v0  }
0x1d: {  	[tilespmem:s12+$0x4000] =	vst v0  }
0x1e: {  	[tilespmem:s12+$0x4010] =	vst v0  }
0x1f: {  	[tilespmem:s12+$0x4020] =	vst v0  }
0x20: {  	[tilespmem:s12+$0x4030] =	vst v0  }
0x21: {  	[tilespmem:s12+$0x4040] =	vst v0  }
0x22: {  	[tilespmem:s12+$0x4050] =	vst v0  }
0x23: {  	[tilespmem:s12+$0x4060] =	vst v0;
	s12 =	simm.s32 $0x0  }
.LBB2_4:
0x24: {  	s13 =	sshra.s32 s12, $0x2  }
0x25: {  	v9 =	vld [tilespmem:s13+$0x2000];
	_ =	sdelay $0x4  }
0x26: {  	(v2sf) =	vpush v9, $0x0;
	_ =	sdelay $0x7  }
0x27: {  	(v2sf) =	vpush v9, $0x1;
	_ =	sdelay $0x4  }
0x28: {  	v7 =	vld [tilespmem:s13+$0x0]  }
0x29: {  	v5 =	vld [tilespmem:s13+$0x10]  }
0x2a: {  	v2 =	vld [tilespmem:s13+$0x20];
	s14 =	spop (v2sf)  }
0x2b: {  	v3 =	vld [tilespmem:s13+$0x30];
	(v2sf) =	vpush v9, $0x2;
	p0 =	slt.f32 s14, $0.0e+00;
	p1 =	sgt.f32 s14, $0.0e+00  }
0x2c: {  	v8 =	vld [tilespmem:s13+$0x40]  }
0x2d: {  	v6 =	vld [tilespmem:s13+$0x50];
	p0 =	por p1, p0  }
0x2e: {  	v4 =	vld [tilespmem:s13+$0x60];
	p0 =	por !p0, !p0  }
0x2f: {  	v1 =	vld [tilespmem:s13+$0x70];
	s14 =	simm.s32 @!p0 $0x4000  }
0x30: {  	[tilespmem:s14+$0x0] =	vst.add.f32.msk @!p0 $0xffff, v7;
	s14 =	simm.s32 @!p0 $0x4010  }
0x31: {  	[tilespmem:s14+$0x0] =	vst.add.f32.msk @!p0 $0xffff, v5;
	s14 =	simm.s32 @!p0 $0x4020  }
0x32: {  	s15 =	spop (v2sf);
	[tilespmem:s14+$0x0] =	vst.add.f32.msk @!p0 $0xffff, v2;
	s14 =	simm.s32 @!p0 $0x4030  }
0x33: {  	(v2sf) =	vpush v9, $0x3;
	p6 =	slt.f32 s15, $0.0e+00;
	p2 =	sgt.f32 s15, $0.0e+00;
	[tilespmem:s14+$0x0] =	vst.add.f32.msk @!p0 $0xffff, v3;
	s14 =	simm.s32 @!p0 $0x4040  }
0x34: {  	[tilespmem:s14+$0x0] =	vst.add.f32.msk @!p0 $0xffff, v8;
	s14 =	simm.s32 @!p0 $0x4050  }
0x35: {  	p1 =	por p2, p6;
	[tilespmem:s14+$0x0] =	vst.add.f32.msk @!p0 $0xffff, v6;
	s14 =	simm.s32 @!p0 $0x4060  }
0x36: {  	p1 =	por !p1, !p1;
	[tilespmem:s14+$0x0] =	vst.add.f32.msk @!p0 $0xffff, v4;
	s14 =	simm.s32 @!p0 $0x4070  }
0x37: {  	[tilespmem:s14+$0x0] =	vst.add.f32.msk @!p0 $0xffff, v1;
	s14 =	simm.s32 @!p1 $0x4080  }
0x38: {  	[tilespmem:s14+$0x0] =	vst.add.f32.msk @!p1 $0xffff, v7;
	s14 =	simm.s32 @!p1 $0x4090  }
0x39: {  	[tilespmem:s14+$0x0] =	vst.add.f32.msk @!p1 $0xffff, v5;
	s14 =	simm.s32 @!p1 $0x40A0  }
0x3a: {  	s17 =	spop (v2sf);
	[tilespmem:s14+$0x0] =	vst.add.f32.msk @!p1 $0xffff, v2;
	s14 =	simm.s32 @!p1 $0x40B0  }
0x3b: {  	(v2sf) =	vpush v9, $0x4;
	p3 =	slt.f32 s17, $0.0e+00;
	p4 =	sgt.f32 s17, $0.0e+00;
	[tilespmem:s14+$0x0] =	vst.add.f32.msk @!p1 $0xffff, v3;
	s14 =	simm.s32 @!p1 $0x40C0  }
0x3c: {  	[tilespmem:s14+$0x0] =	vst.add.f32.msk @!p1 $0xffff, v8;
	s14 =	simm.s32 @!p1 $0x40D0  }
0x3d: {  	p0 =	por p4, p3;
	[tilespmem:s14+$0x0] =	vst.add.f32.msk @!p1 $0xffff, v6;
	s14 =	simm.s32 @!p1 $0x40E0  }
0x3e: {  	p0 =	por !p0, !p0;
	[tilespmem:s14+$0x0] =	vst.add.f32.msk @!p1 $0xffff, v4;
	s14 =	simm.s32 @!p1 $0x40F0  }
0x3f: {  	[tilespmem:s14+$0x0] =	vst.add.f32.msk @!p1 $0xffff, v1;
	s14 =	simm.s32 @!p0 $0x4100  }
0x40: {  	[tilespmem:s14+$0x0] =	vst.add.f32.msk @!p0 $0xffff, v7;
	s14 =	simm.s32 @!p0 $0x4110  }
0x41: {  	[tilespmem:s14+$0x0] =	vst.add.f32.msk @!p0 $0xffff, v5;
	s14 =	simm.s32 @!p0 $0x4120  }
0x42: {  	s18 =	spop (v2sf);
	[tilespmem:s14+$0x0] =	vst.add.f32.msk @!p0 $0xffff, v2;
	s14 =	simm.s32 @!p0 $0x4130  }
0x43: {  	(v2sf) =	vpush v9, $0x5;
	p5 =	slt.f32 s18, $0.0e+00;
	p6 =	sgt.f32 s18, $0.0e+00;
	[tilespmem:s14+$0x0] =	vst.add.f32.msk @!p0 $0xffff, v3;
	s14 =	simm.s32 @!p0 $0x4140  }
0x44: {  	[tilespmem:s14+$0x0] =	vst.add.f32.msk @!p0 $0xffff, v8;
	s14 =	simm.s32 @!p0 $0x4150  }
0x45: {  	p1 =	por p6, p5;
	[tilespmem:s14+$0x0] =	vst.add.f32.msk @!p0 $0xffff, v6;
	s14 =	simm.s32 @!p0 $0x4160  }
0x46: {  	p1 =	por !p1, !p1;
	[tilespmem:s14+$0x0] =	vst.add.f32.msk @!p0 $0xffff, v4;
	s14 =	simm.s32 @!p0 $0x4170  }
0x47: {  	[tilespmem:s14+$0x0] =	vst.add.f32.msk @!p0 $0xffff, v1;
	s14 =	simm.s32 @!p1 $0x4180  }
0x48: {  	[tilespmem:s14+$0x0] =	vst.add.f32.msk @!p1 $0xffff, v7;
	s14 =	simm.s32 @!p1 $0x4190  }
0x49: {  	[tilespmem:s14+$0x0] =	vst.add.f32.msk @!p1 $0xffff, v5;
	s14 =	simm.s32 @!p1 $0x41A0  }
0x4a: {  	s19 =	spop (v2sf);
	[tilespmem:s14+$0x0] =	vst.add.f32.msk @!p1 $0xffff, v2;
	s14 =	simm.s32 @!p1 $0x41B0  }
0x4b: {  	(v2sf) =	vpush v9, $0x6;
	p3 =	slt.f32 s19, $0.0e+00;
	p4 =	sgt.f32 s19, $0.0e+00;
	[tilespmem:s14+$0x0] =	vst.add.f32.msk @!p1 $0xffff, v3;
	s14 =	simm.s32 @!p1 $0x41C0  }
0x4c: {  	[tilespmem:s14+$0x0] =	vst.add.f32.msk @!p1 $0xffff, v8;
	s14 =	simm.s32 @!p1 $0x41D0  }
0x4d: {  	p0 =	por p4, p3;
	[tilespmem:s14+$0x0] =	vst.add.f32.msk @!p1 $0xffff, v6;
	s14 =	simm.s32 @!p1 $0x41E0  }
0x4e: {  	p0 =	por !p0, !p0;
	[tilespmem:s14+$0x0] =	vst.add.f32.msk @!p1 $0xffff, v4;
	s14 =	simm.s32 @!p1 $0x41F0  }
0x4f: {  	[tilespmem:s14+$0x0] =	vst.add.f32.msk @!p1 $0xffff, v1;
	s14 =	simm.s32 @!p0 $0x4200  }
0x50: {  	[tilespmem:s14+$0x0] =	vst.add.f32.msk @!p0 $0xffff, v7;
	s14 =	simm.s32 @!p0 $0x4210  }
0x51: {  	[tilespmem:s14+$0x0] =	vst.add.f32.msk @!p0 $0xffff, v5;
	s14 =	simm.s32 @!p0 $0x4220  }
0x52: {  	s20 =	spop (v2sf);
	[tilespmem:s14+$0x0] =	vst.add.f32.msk @!p0 $0xffff, v2;
	s14 =	simm.s32 @!p0 $0x4230  }
0x53: {  	(v2sf) =	vpush v9, $0x7;
	p5 =	slt.f32 s20, $0.0e+00;
	p6 =	sgt.f32 s20, $0.0e+00;
	[tilespmem:s14+$0x0] =	vst.add.f32.msk @!p0 $0xffff, v3;
	s14 =	simm.s32 @!p0 $0x4240  }
0x54: {  	[tilespmem:s14+$0x0] =	vst.add.f32.msk @!p0 $0xffff, v8;
	s14 =	simm.s32 @!p0 $0x4250  }
0x55: {  	p1 =	por p6, p5;
	[tilespmem:s14+$0x0] =	vst.add.f32.msk @!p0 $0xffff, v6;
	s14 =	simm.s32 @!p0 $0x4260  }
0x56: {  	p1 =	por !p1, !p1;
	[tilespmem:s14+$0x0] =	vst.add.f32.msk @!p0 $0xffff, v4;
	s14 =	simm.s32 @!p0 $0x4270  }
0x57: {  	[tilespmem:s14+$0x0] =	vst.add.f32.msk @!p0 $0xffff, v1;
	s14 =	simm.s32 @!p1 $0x4280  }
0x58: {  	[tilespmem:s14+$0x0] =	vst.add.f32.msk @!p1 $0xffff, v7;
	s14 =	simm.s32 @!p1 $0x4290  }
0x59: {  	[tilespmem:s14+$0x0] =	vst.add.f32.msk @!p1 $0xffff, v5;
	s14 =	simm.s32 @!p1 $0x42A0  }
0x5a: {  	s21 =	spop (v2sf);
	[tilespmem:s14+$0x0] =	vst.add.f32.msk @!p1 $0xffff, v2;
	s14 =	simm.s32 @!p1 $0x42B0  }
0x5b: {  	(v2sf) =	vpush v9, $0x8;
	p3 =	slt.f32 s21, $0.0e+00;
	p4 =	sgt.f32 s21, $0.0e+00;
	[tilespmem:s14+$0x0] =	vst.add.f32.msk @!p1 $0xffff, v3;
	s14 =	simm.s32 @!p1 $0x42C0  }
0x5c: {  	[tilespmem:s14+$0x0] =	vst.add.f32.msk @!p1 $0xffff, v8;
	s14 =	simm.s32 @!p1 $0x42D0  }
0x5d: {  	p0 =	por p4, p3;
	[tilespmem:s14+$0x0] =	vst.add.f32.msk @!p1 $0xffff, v6;
	s14 =	simm.s32 @!p1 $0x42E0  }
0x5e: {  	p0 =	por !p0, !p0;
	[tilespmem:s14+$0x0] =	vst.add.f32.msk @!p1 $0xffff, v4;
	s14 =	simm.s32 @!p1 $0x42F0  }
0x5f: {  	[tilespmem:s14+$0x0] =	vst.add.f32.msk @!p1 $0xffff, v1;
	s14 =	simm.s32 @!p0 $0x4300  }
0x60: {  	[tilespmem:s14+$0x0] =	vst.add.f32.msk @!p0 $0xffff, v7;
	s14 =	simm.s32 @!p0 $0x4310  }
0x61: {  	[tilespmem:s14+$0x0] =	vst.add.f32.msk @!p0 $0xffff, v5;
	s14 =	simm.s32 @!p0 $0x4320  }
0x62: {  	s22 =	spop (v2sf);
	[tilespmem:s14+$0x0] =	vst.add.f32.msk @!p0 $0xffff, v2;
	s14 =	simm.s32 @!p0 $0x4330  }
0x63: {  	(v2sf) =	vpush v9, $0x9;
	p5 =	slt.f32 s22, $0.0e+00;
	p6 =	sgt.f32 s22, $0.0e+00;
	[tilespmem:s14+$0x0] =	vst.add.f32.msk @!p0 $0xffff, v3;
	s14 =	simm.s32 @!p0 $0x4340  }
0x64: {  	[tilespmem:s14+$0x0] =	vst.add.f32.msk @!p0 $0xffff, v8;
	s14 =	simm.s32 @!p0 $0x4350  }
0x65: {  	p1 =	por p6, p5;
	[tilespmem:s14+$0x0] =	vst.add.f32.msk @!p0 $0xffff, v6;
	s14 =	simm.s32 @!p0 $0x4360  }
0x66: {  	p1 =	por !p1, !p1;
	[tilespmem:s14+$0x0] =	vst.add.f32.msk @!p0 $0xffff, v4;
	s14 =	simm.s32 @!p0 $0x4370  }
0x67: {  	[tilespmem:s14+$0x0] =	vst.add.f32.msk @!p0 $0xffff, v1;
	s14 =	simm.s32 @!p1 $0x4380  }
0x68: {  	[tilespmem:s14+$0x0] =	vst.add.f32.msk @!p1 $0xffff, v7;
	s14 =	simm.s32 @!p1 $0x4390  }
0x69: {  	[tilespmem:s14+$0x0] =	vst.add.f32.msk @!p1 $0xffff, v5;
	s14 =	simm.s32 @!p1 $0x43A0  }
0x6a: {  	s23 =	spop (v2sf);
	[tilespmem:s14+$0x0] =	vst.add.f32.msk @!p1 $0xffff, v2;
	s14 =	simm.s32 @!p1 $0x43B0  }
0x6b: {  	(v2sf) =	vpush v9, $0xA;
	p3 =	slt.f32 s23, $0.0e+00;
	p4 =	sgt.f32 s23, $0.0e+00;
	[tilespmem:s14+$0x0] =	vst.add.f32.msk @!p1 $0xffff, v3;
	s14 =	simm.s32 @!p1 $0x43C0  }
0x6c: {  	[tilespmem:s14+$0x0] =	vst.add.f32.msk @!p1 $0xffff, v8;
	s14 =	simm.s32 @!p1 $0x43D0  }
0x6d: {  	p0 =	por p4, p3;
	[tilespmem:s14+$0x0] =	vst.add.f32.msk @!p1 $0xffff, v6;
	s14 =	simm.s32 @!p1 $0x43E0  }
0x6e: {  	p0 =	por !p0, !p0;
	[tilespmem:s14+$0x0] =	vst.add.f32.msk @!p1 $0xffff, v4;
	s14 =	simm.s32 @!p1 $0x43F0  }
0x6f: {  	[tilespmem:s14+$0x0] =	vst.add.f32.msk @!p1 $0xffff, v1;
	s14 =	simm.s32 @!p0 $0x4400  }
0x70: {  	[tilespmem:s14+$0x0] =	vst.add.f32.msk @!p0 $0xffff, v7;
	s14 =	simm.s32 @!p0 $0x4410  }
0x71: {  	[tilespmem:s14+$0x0] =	vst.add.f32.msk @!p0 $0xffff, v5;
	s14 =	simm.s32 @!p0 $0x4420  }
0x72: {  	s24 =	spop (v2sf);
	[tilespmem:s14+$0x0] =	vst.add.f32.msk @!p0 $0xffff, v2;
	s14 =	simm.s32 @!p0 $0x4430  }
0x73: {  	(v2sf) =	vpush v9, $0xB;
	p5 =	slt.f32 s24, $0.0e+00;
	p6 =	sgt.f32 s24, $0.0e+00;
	[tilespmem:s14+$0x0] =	vst.add.f32.msk @!p0 $0xffff, v3;
	s14 =	simm.s32 @!p0 $0x4440  }
0x74: {  	[tilespmem:s14+$0x0] =	vst.add.f32.msk @!p0 $0xffff, v8;
	s14 =	simm.s32 @!p0 $0x4450  }
0x75: {  	p1 =	por p6, p5;
	[tilespmem:s14+$0x0] =	vst.add.f32.msk @!p0 $0xffff, v6;
	s14 =	simm.s32 @!p0 $0x4460  }
0x76: {  	p1 =	por !p1, !p1;
	[tilespmem:s14+$0x0] =	vst.add.f32.msk @!p0 $0xffff, v4;
	s14 =	simm.s32 @!p0 $0x4470  }
0x77: {  	[tilespmem:s14+$0x0] =	vst.add.f32.msk @!p0 $0xffff, v1;
	s14 =	simm.s32 @!p1 $0x4480  }
0x78: {  	[tilespmem:s14+$0x0] =	vst.add.f32.msk @!p1 $0xffff, v7;
	s14 =	simm.s32 @!p1 $0x4490  }
0x79: {  	[tilespmem:s14+$0x0] =	vst.add.f32.msk @!p1 $0xffff, v5;
	s14 =	simm.s32 @!p1 $0x44A0  }
0x7a: {  	s25 =	spop (v2sf);
	[tilespmem:s14+$0x0] =	vst.add.f32.msk @!p1 $0xffff, v2;
	s14 =	simm.s32 @!p1 $0x44B0  }
0x7b: {  	(v2sf) =	vpush v9, $0xC;
	p3 =	slt.f32 s25, $0.0e+00;
	p4 =	sgt.f32 s25, $0.0e+00;
	[tilespmem:s14+$0x0] =	vst.add.f32.msk @!p1 $0xffff, v3;
	s14 =	simm.s32 @!p1 $0x44C0  }
0x7c: {  	[tilespmem:s14+$0x0] =	vst.add.f32.msk @!p1 $0xffff, v8;
	s14 =	simm.s32 @!p1 $0x44D0  }
0x7d: {  	p0 =	por p4, p3;
	[tilespmem:s14+$0x0] =	vst.add.f32.msk @!p1 $0xffff, v6;
	s14 =	simm.s32 @!p1 $0x44E0  }
0x7e: {  	p0 =	por !p0, !p0;
	[tilespmem:s14+$0x0] =	vst.add.f32.msk @!p1 $0xffff, v4;
	s14 =	simm.s32 @!p1 $0x44F0  }
0x7f: {  	[tilespmem:s14+$0x0] =	vst.add.f32.msk @!p1 $0xffff, v1;
	s14 =	simm.s32 @!p0 $0x4500  }
0x80: {  	[tilespmem:s14+$0x0] =	vst.add.f32.msk @!p0 $0xffff, v7;
	s14 =	simm.s32 @!p0 $0x4510  }
0x81: {  	[tilespmem:s14+$0x0] =	vst.add.f32.msk @!p0 $0xffff, v5;
	s14 =	simm.s32 @!p0 $0x4520  }
0x82: {  	s26 =	spop (v2sf);
	[tilespmem:s14+$0x0] =	vst.add.f32.msk @!p0 $0xffff, v2;
	s14 =	simm.s32 @!p0 $0x4530  }
0x83: {  	(v2sf) =	vpush v9, $0xD;
	p5 =	slt.f32 s26, $0.0e+00;
	p6 =	sgt.f32 s26, $0.0e+00;
	[tilespmem:s14+$0x0] =	vst.add.f32.msk @!p0 $0xffff, v3;
	s14 =	simm.s32 @!p0 $0x4540  }
0x84: {  	[tilespmem:s14+$0x0] =	vst.add.f32.msk @!p0 $0xffff, v8;
	s14 =	simm.s32 @!p0 $0x4550  }
0x85: {  	p1 =	por p6, p5;
	[tilespmem:s14+$0x0] =	vst.add.f32.msk @!p0 $0xffff, v6;
	s14 =	simm.s32 @!p0 $0x4560  }
0x86: {  	p1 =	por !p1, !p1;
	[tilespmem:s14+$0x0] =	vst.add.f32.msk @!p0 $0xffff, v4;
	s14 =	simm.s32 @!p0 $0x4570  }
0x87: {  	[tilespmem:s14+$0x0] =	vst.add.f32.msk @!p0 $0xffff, v1;
	s14 =	simm.s32 @!p1 $0x4580  }
0x88: {  	[tilespmem:s14+$0x0] =	vst.add.f32.msk @!p1 $0xffff, v7;
	s14 =	simm.s32 @!p1 $0x4590  }
0x89: {  	[tilespmem:s14+$0x0] =	vst.add.f32.msk @!p1 $0xffff, v5;
	s14 =	simm.s32 @!p1 $0x45A0  }
0x8a: {  	s28 =	spop (v2sf);
	[tilespmem:s14+$0x0] =	vst.add.f32.msk @!p1 $0xffff, v2;
	s14 =	simm.s32 @!p1 $0x45B0  }
0x8b: {  	(v2sf) =	vpush v9, $0xE;
	p3 =	slt.f32 s28, $0.0e+00;
	p4 =	sgt.f32 s28, $0.0e+00;
	[tilespmem:s14+$0x0] =	vst.add.f32.msk @!p1 $0xffff, v3;
	s14 =	simm.s32 @!p1 $0x45C0  }
0x8c: {  	[tilespmem:s14+$0x0] =	vst.add.f32.msk @!p1 $0xffff, v8;
	s14 =	simm.s32 @!p1 $0x45D0  }
0x8d: {  	p0 =	por p4, p3;
	[tilespmem:s14+$0x0] =	vst.add.f32.msk @!p1 $0xffff, v6;
	s14 =	simm.s32 @!p1 $0x45E0  }
0x8e: {  	p0 =	por !p0, !p0;
	[tilespmem:s14+$0x0] =	vst.add.f32.msk @!p1 $0xffff, v4;
	s14 =	simm.s32 @!p1 $0x45F0  }
0x8f: {  	[tilespmem:s14+$0x0] =	vst.add.f32.msk @!p1 $0xffff, v1;
	s14 =	simm.s32 @!p0 $0x4600  }
0x90: {  	[tilespmem:s14+$0x0] =	vst.add.f32.msk @!p0 $0xffff, v7;
	s14 =	simm.s32 @!p0 $0x4610  }
0x91: {  	[tilespmem:s14+$0x0] =	vst.add.f32.msk @!p0 $0xffff, v5;
	s14 =	simm.s32 @!p0 $0x4620  }
0x92: {  	s29 =	spop (v2sf);
	[tilespmem:s14+$0x0] =	vst.add.f32.msk @!p0 $0xffff, v2;
	s14 =	simm.s32 @!p0 $0x4630  }
0x93: {  	p5 =	slt.f32 s29, $0.0e+00;
	p6 =	sgt.f32 s29, $0.0e+00;
	[tilespmem:s14+$0x0] =	vst.add.f32.msk @!p0 $0xffff, v3;
	s14 =	simm.s32 @!p0 $0x4640  }
0x94: {  	[tilespmem:s14+$0x0] =	vst.add.f32.msk @!p0 $0xffff, v8;
	s14 =	simm.s32 @!p0 $0x4650  }
0x95: {  	p1 =	por p6, p5;
	[tilespmem:s14+$0x0] =	vst.add.f32.msk @!p0 $0xffff, v6;
	s14 =	simm.s32 @!p0 $0x4660  }
0x96: {  	p1 =	por !p1, !p1;
	[tilespmem:s14+$0x0] =	vst.add.f32.msk @!p0 $0xffff, v4;
	s14 =	simm.s32 @!p0 $0x4670  }
0x97: {  	[tilespmem:s14+$0x0] =	vst.add.f32.msk @!p0 $0xffff, v1;
	s14 =	simm.s32 @!p1 $0x4680  }
0x98: {  	[tilespmem:s14+$0x0] =	vst.add.f32.msk @!p1 $0xffff, v7;
	s14 =	simm.s32 @!p1 $0x4690  }
0x99: {  	[tilespmem:s14+$0x0] =	vst.add.f32.msk @!p1 $0xffff, v5;
	s14 =	simm.s32 @!p1 $0x46A0  }
0x9a: {  	s30 =	spop (v2sf);
	[tilespmem:s14+$0x0] =	vst.add.f32.msk @!p1 $0xffff, v2;
	s14 =	simm.s32 @!p1 $0x46B0  }
0x9b: {  	p3 =	slt.f32 s30, $0.0e+00;
	p4 =	sgt.f32 s30, $0.0e+00;
	[tilespmem:s14+$0x0] =	vst.add.f32.msk @!p1 $0xffff, v3;
	s14 =	simm.s32 @!p1 $0x46C0  }
0x9c: {  	[tilespmem:s14+$0x0] =	vst.add.f32.msk @!p1 $0xffff, v8;
	s14 =	simm.s32 @!p1 $0x46D0  }
0x9d: {  	p0 =	por p4, p3;
	[tilespmem:s14+$0x0] =	vst.add.f32.msk @!p1 $0xffff, v6;
	s14 =	simm.s32 @!p1 $0x46E0  }
0x9e: {  	p0 =	por !p0, !p0;
	[tilespmem:s14+$0x0] =	vst.add.f32.msk @!p1 $0xffff, v4;
	s14 =	simm.s32 @!p1 $0x46F0  }
0x9f: {  	[tilespmem:s14+$0x0] =	vst.add.f32.msk @!p1 $0xffff, v1;
	s14 =	simm.s32 @!p0 $0x4700  }
0xa0: {  	[tilespmem:s14+$0x0] =	vst.add.f32.msk @!p0 $0xffff, v7;
	s14 =	simm.s32 @!p0 $0x4710  }
0xa1: {  	[tilespmem:s14+$0x0] =	vst.add.f32.msk @!p0 $0xffff, v5  }
0xa2: {  	(v2sf) =	vpush v9, $0xF;
	_ =	sdelay $0xd  }
0xa3: {  	s14 =	simm.s32 @!p0 $0x4720  }
0xa4: {  	[tilespmem:s14+$0x0] =	vst.add.f32.msk @!p0 $0xffff, v2;
	s14 =	simm.s32 @!p0 $0x4730;
	s31 =	spop (v2sf)  }
0xa5: {  	[tilespmem:s14+$0x0] =	vst.add.f32.msk @!p0 $0xffff, v3;
	s14 =	simm.s32 @!p0 $0x4740;
	p5 =	slt.f32 s31, $0.0e+00;
	p6 =	sgt.f32 s31, $0.0e+00  }
0xa6: {  	[tilespmem:s14+$0x0] =	vst.add.f32.msk @!p0 $0xffff, v8;
	s14 =	simm.s32 @!p0 $0x4750  }
0xa7: {  	[tilespmem:s14+$0x0] =	vst.add.f32.msk @!p0 $0xffff, v6;
	s14 =	simm.s32 @!p0 $0x4760;
	p1 =	por p6, p5  }
0xa8: {  	[tilespmem:s14+$0x0] =	vst.add.f32.msk @!p0 $0xffff, v4;
	s14 =	simm.s32 @!p0 $0x4770;
	p1 =	por !p1, !p1  }
0xa9: {  	[tilespmem:s14+$0x0] =	vst.add.f32.msk @!p0 $0xffff, v1;
	s14 =	simm.s32 @!p1 $0x4780  }
0xaa: {  	[tilespmem:s14+$0x0] =	vst.add.f32.msk @!p1 $0xffff, v7;
	s14 =	simm.s32 @!p1 $0x4790  }
0xab: {  	[tilespmem:s14+$0x0] =	vst.add.f32.msk @!p1 $0xffff, v5;
	s14 =	simm.s32 @!p1 $0x47A0  }
0xac: {  	[tilespmem:s14+$0x0] =	vst.add.f32.msk @!p1 $0xffff, v2;
	s14 =	simm.s32 @!p1 $0x47B0  }
0xad: {  	[tilespmem:s14+$0x0] =	vst.add.f32.msk @!p1 $0xffff, v3;
	s14 =	simm.s32 @!p1 $0x47C0  }
0xae: {  	[tilespmem:s14+$0x0] =	vst.add.f32.msk @!p1 $0xffff, v8;
	s14 =	simm.s32 @!p1 $0x47D0  }
0xaf: {  	[tilespmem:s14+$0x0] =	vst.add.f32.msk @!p1 $0xffff, v6;
	s14 =	simm.s32 @!p1 $0x47E0  }
0xb0: {  	[tilespmem:s14+$0x0] =	vst.add.f32.msk @!p1 $0xffff, v4;
	s14 =	simm.s32 @!p1 $0x47F0  }
0xb1: {  	[tilespmem:s14+$0x0] =	vst.add.f32.msk @!p1 $0xffff, v1  }
0xb2: {  	v61 =	vld [tilespmem:s13+$0x2010];
	_ =	sdelay $0x4  }
0xb3: {  	(v2sf) =	vpush v61, $0x0;
	_ =	sdelay $0x7  }
0xb4: {  	(v2sf) =	vpush v61, $0x1;
	_ =	sdelay $0x6  }
0xb5: {  	s15 =	spop (v2sf)  }
0xb6: {  	(v2sf) =	vpush v61, $0x2;
	p3 =	slt.f32 s15, $0.0e+00;
	p4 =	sgt.f32 s15, $0.0e+00  }
0xb7: {  	_ = 	snop  }
0xb8: {  	p0 =	por p4, p3  }
0xb9: {  	p1 =	por !p0, !p0  }
0xba: {  	s14 =	simm.s32 @!p1 $0x4800  }
0xbb: {  	[tilespmem:s14+$0x0] =	vst.add.f32.msk @!p1 $0xffff, v7;
	s14 =	simm.s32 @!p1 $0x4810  }
0xbc: {  	[tilespmem:s14+$0x0] =	vst.add.f32.msk @!p1 $0xffff, v5;
	s14 =	simm.s32 @!p1 $0x4820  }
0xbd: {  	s16 =	spop (v2sf);
	[tilespmem:s14+$0x0] =	vst.add.f32.msk @!p1 $0xffff, v2;
	s14 =	simm.s32 @!p1 $0x4830  }
0xbe: {  	(v2sf) =	vpush v61, $0x3;
	p5 =	slt.f32 s16, $0.0e+00;
	p6 =	sgt.f32 s16, $0.0e+00;
	[tilespmem:s14+$0x0] =	vst.add.f32.msk @!p1 $0xffff, v3;
	s14 =	simm.s32 @!p1 $0x4840  }
0xbf: {  	[tilespmem:s14+$0x0] =	vst.add.f32.msk @!p1 $0xffff, v8;
	s14 =	simm.s32 @!p1 $0x4850  }
0xc0: {  	p0 =	por p6, p5;
	[tilespmem:s14+$0x0] =	vst.add.f32.msk @!p1 $0xffff, v6;
	s14 =	simm.s32 @!p1 $0x4860  }
0xc1: {  	p0 =	por !p0, !p0;
	[tilespmem:s14+$0x0] =	vst.add.f32.msk @!p1 $0xffff, v4;
	s14 =	simm.s32 @!p1 $0x4870  }
0xc2: {  	[tilespmem:s14+$0x0] =	vst.add.f32.msk @!p1 $0xffff, v1;
	s14 =	simm.s32 @!p0 $0x4880  }
0xc3: {  	[tilespmem:s14+$0x0] =	vst.add.f32.msk @!p0 $0xffff, v7;
	s14 =	simm.s32 @!p0 $0x4890  }
0xc4: {  	[tilespmem:s14+$0x0] =	vst.add.f32.msk @!p0 $0xffff, v5;
	s14 =	simm.s32 @!p0 $0x48A0  }
0xc5: {  	s17 =	spop (v2sf);
	[tilespmem:s14+$0x0] =	vst.add.f32.msk @!p0 $0xffff, v2;
	s14 =	simm.s32 @!p0 $0x48B0  }
0xc6: {  	(v2sf) =	vpush v61, $0x4;
	p3 =	slt.f32 s17, $0.0e+00;
	p4 =	sgt.f32 s17, $0.0e+00;
	[tilespmem:s14+$0x0] =	vst.add.f32.msk @!p0 $0xffff, v3;
	s14 =	simm.s32 @!p0 $0x48C0  }
0xc7: {  	[tilespmem:s14+$0x0] =	vst.add.f32.msk @!p0 $0xffff, v8;
	s14 =	simm.s32 @!p0 $0x48D0  }
0xc8: {  	p1 =	por p4, p3;
	[tilespmem:s14+$0x0] =	vst.add.f32.msk @!p0 $0xffff, v6;
	s14 =	simm.s32 @!p0 $0x48E0  }
0xc9: {  	p1 =	por !p1, !p1;
	[tilespmem:s14+$0x0] =	vst.add.f32.msk @!p0 $0xffff, v4;
	s14 =	simm.s32 @!p0 $0x48F0  }
0xca: {  	[tilespmem:s14+$0x0] =	vst.add.f32.msk @!p0 $0xffff, v1;
	s14 =	simm.s32 @!p1 $0x4900  }
0xcb: {  	[tilespmem:s14+$0x0] =	vst.add.f32.msk @!p1 $0xffff, v7;
	s14 =	simm.s32 @!p1 $0x4910  }
0xcc: {  	[tilespmem:s14+$0x0] =	vst.add.f32.msk @!p1 $0xffff, v5;
	s14 =	simm.s32 @!p1 $0x4920  }
0xcd: {  	s18 =	spop (v2sf);
	[tilespmem:s14+$0x0] =	vst.add.f32.msk @!p1 $0xffff, v2;
	s14 =	simm.s32 @!p1 $0x4930  }
0xce: {  	(v2sf) =	vpush v61, $0x5;
	p5 =	slt.f32 s18, $0.0e+00;
	p6 =	sgt.f32 s18, $0.0e+00;
	[tilespmem:s14+$0x0] =	vst.add.f32.msk @!p1 $0xffff, v3;
	s14 =	simm.s32 @!p1 $0x4940  }
0xcf: {  	[tilespmem:s14+$0x0] =	vst.add.f32.msk @!p1 $0xffff, v8;
	s14 =	simm.s32 @!p1 $0x4950  }
0xd0: {  	p0 =	por p6, p5;
	[tilespmem:s14+$0x0] =	vst.add.f32.msk @!p1 $0xffff, v6;
	s14 =	simm.s32 @!p1 $0x4960  }
0xd1: {  	p0 =	por !p0, !p0;
	[tilespmem:s14+$0x0] =	vst.add.f32.msk @!p1 $0xffff, v4;
	s14 =	simm.s32 @!p1 $0x4970  }
0xd2: {  	[tilespmem:s14+$0x0] =	vst.add.f32.msk @!p1 $0xffff, v1;
	s14 =	simm.s32 @!p0 $0x4980  }
0xd3: {  	[tilespmem:s14+$0x0] =	vst.add.f32.msk @!p0 $0xffff, v7;
	s14 =	simm.s32 @!p0 $0x4990  }
0xd4: {  	[tilespmem:s14+$0x0] =	vst.add.f32.msk @!p0 $0xffff, v5;
	s14 =	simm.s32 @!p0 $0x49A0  }
0xd5: {  	s19 =	spop (v2sf);
	[tilespmem:s14+$0x0] =	vst.add.f32.msk @!p0 $0xffff, v2;
	s14 =	simm.s32 @!p0 $0x49B0  }
0xd6: {  	(v2sf) =	vpush v61, $0x6;
	p3 =	slt.f32 s19, $0.0e+00;
	p4 =	sgt.f32 s19, $0.0e+00;
	[tilespmem:s14+$0x0] =	vst.add.f32.msk @!p0 $0xffff, v3;
	s14 =	simm.s32 @!p0 $0x49C0  }
0xd7: {  	[tilespmem:s14+$0x0] =	vst.add.f32.msk @!p0 $0xffff, v8;
	s14 =	simm.s32 @!p0 $0x49D0  }
0xd8: {  	p1 =	por p4, p3;
	[tilespmem:s14+$0x0] =	vst.add.f32.msk @!p0 $0xffff, v6;
	s14 =	simm.s32 @!p0 $0x49E0  }
0xd9: {  	p1 =	por !p1, !p1;
	[tilespmem:s14+$0x0] =	vst.add.f32.msk @!p0 $0xffff, v4;
	s14 =	simm.s32 @!p0 $0x49F0  }
0xda: {  	[tilespmem:s14+$0x0] =	vst.add.f32.msk @!p0 $0xffff, v1;
	s14 =	simm.s32 @!p1 $0x4A00  }
0xdb: {  	[tilespmem:s14+$0x0] =	vst.add.f32.msk @!p1 $0xffff, v7;
	s14 =	simm.s32 @!p1 $0x4A10  }
0xdc: {  	[tilespmem:s14+$0x0] =	vst.add.f32.msk @!p1 $0xffff, v5;
	s14 =	simm.s32 @!p1 $0x4A20  }
0xdd: {  	s20 =	spop (v2sf);
	[tilespmem:s14+$0x0] =	vst.add.f32.msk @!p1 $0xffff, v2;
	s14 =	simm.s32 @!p1 $0x4A30  }
0xde: {  	(v2sf) =	vpush v61, $0x7;
	p5 =	slt.f32 s20, $0.0e+00;
	p6 =	sgt.f32 s20, $0.0e+00;
	[tilespmem:s14+$0x0] =	vst.add.f32.msk @!p1 $0xffff, v3;
	s14 =	simm.s32 @!p1 $0x4A40  }
0xdf: {  	[tilespmem:s14+$0x0] =	vst.add.f32.msk @!p1 $0xffff, v8;
	s14 =	simm.s32 @!p1 $0x4A50  }
0xe0: {  	p0 =	por p6, p5;
	[tilespmem:s14+$0x0] =	vst.add.f32.msk @!p1 $0xffff, v6;
	s14 =	simm.s32 @!p1 $0x4A60  }
0xe1: {  	p0 =	por !p0, !p0;
	[tilespmem:s14+$0x0] =	vst.add.f32.msk @!p1 $0xffff, v4;
	s14 =	simm.s32 @!p1 $0x4A70  }
0xe2: {  	[tilespmem:s14+$0x0] =	vst.add.f32.msk @!p1 $0xffff, v1;
	s14 =	simm.s32 @!p0 $0x4A80  }
0xe3: {  	[tilespmem:s14+$0x0] =	vst.add.f32.msk @!p0 $0xffff, v7;
	s14 =	simm.s32 @!p0 $0x4A90  }
0xe4: {  	[tilespmem:s14+$0x0] =	vst.add.f32.msk @!p0 $0xffff, v5;
	s14 =	simm.s32 @!p0 $0x4AA0  }
0xe5: {  	s21 =	spop (v2sf);
	[tilespmem:s14+$0x0] =	vst.add.f32.msk @!p0 $0xffff, v2;
	s14 =	simm.s32 @!p0 $0x4AB0  }
0xe6: {  	(v2sf) =	vpush v61, $0x8;
	p3 =	slt.f32 s21, $0.0e+00;
	p4 =	sgt.f32 s21, $0.0e+00;
	[tilespmem:s14+$0x0] =	vst.add.f32.msk @!p0 $0xffff, v3;
	s14 =	simm.s32 @!p0 $0x4AC0  }
0xe7: {  	[tilespmem:s14+$0x0] =	vst.add.f32.msk @!p0 $0xffff, v8;
	s14 =	simm.s32 @!p0 $0x4AD0  }
0xe8: {  	p1 =	por p4, p3;
	[tilespmem:s14+$0x0] =	vst.add.f32.msk @!p0 $0xffff, v6;
	s14 =	simm.s32 @!p0 $0x4AE0  }
0xe9: {  	p1 =	por !p1, !p1;
	[tilespmem:s14+$0x0] =	vst.add.f32.msk @!p0 $0xffff, v4;
	s14 =	simm.s32 @!p0 $0x4AF0  }
0xea: {  	[tilespmem:s14+$0x0] =	vst.add.f32.msk @!p0 $0xffff, v1;
	s14 =	simm.s32 @!p1 $0x4B00  }
0xeb: {  	[tilespmem:s14+$0x0] =	vst.add.f32.msk @!p1 $0xffff, v7;
	s14 =	simm.s32 @!p1 $0x4B10  }
0xec: {  	[tilespmem:s14+$0x0] =	vst.add.f32.msk @!p1 $0xffff, v5;
	s14 =	simm.s32 @!p1 $0x4B20  }
0xed: {  	s22 =	spop (v2sf);
	[tilespmem:s14+$0x0] =	vst.add.f32.msk @!p1 $0xffff, v2;
	s14 =	simm.s32 @!p1 $0x4B30  }
0xee: {  	(v2sf) =	vpush v61, $0x9;
	p5 =	slt.f32 s22, $0.0e+00;
	p6 =	sgt.f32 s22, $0.0e+00;
	[tilespmem:s14+$0x0] =	vst.add.f32.msk @!p1 $0xffff, v3;
	s14 =	simm.s32 @!p1 $0x4B40  }
0xef: {  	[tilespmem:s14+$0x0] =	vst.add.f32.msk @!p1 $0xffff, v8;
	s14 =	simm.s32 @!p1 $0x4B50  }
0xf0: {  	p0 =	por p6, p5;
	[tilespmem:s14+$0x0] =	vst.add.f32.msk @!p1 $0xffff, v6;
	s14 =	simm.s32 @!p1 $0x4B60  }
0xf1: {  	p0 =	por !p0, !p0;
	[tilespmem:s14+$0x0] =	vst.add.f32.msk @!p1 $0xffff, v4;
	s14 =	simm.s32 @!p1 $0x4B70  }
0xf2: {  	[tilespmem:s14+$0x0] =	vst.add.f32.msk @!p1 $0xffff, v1;
	s14 =	simm.s32 @!p0 $0x4B80  }
0xf3: {  	[tilespmem:s14+$0x0] =	vst.add.f32.msk @!p0 $0xffff, v7;
	s14 =	simm.s32 @!p0 $0x4B90  }
0xf4: {  	[tilespmem:s14+$0x0] =	vst.add.f32.msk @!p0 $0xffff, v5;
	s14 =	simm.s32 @!p0 $0x4BA0  }
0xf5: {  	s23 =	spop (v2sf);
	[tilespmem:s14+$0x0] =	vst.add.f32.msk @!p0 $0xffff, v2;
	s14 =	simm.s32 @!p0 $0x4BB0  }
0xf6: {  	(v2sf) =	vpush v61, $0xA;
	p3 =	slt.f32 s23, $0.0e+00;
	p4 =	sgt.f32 s23, $0.0e+00;
	[tilespmem:s14+$0x0] =	vst.add.f32.msk @!p0 $0xffff, v3;
	s14 =	simm.s32 @!p0 $0x4BC0  }
0xf7: {  	[tilespmem:s14+$0x0] =	vst.add.f32.msk @!p0 $0xffff, v8;
	s14 =	simm.s32 @!p0 $0x4BD0  }
0xf8: {  	p1 =	por p4, p3;
	[tilespmem:s14+$0x0] =	vst.add.f32.msk @!p0 $0xffff, v6;
	s14 =	simm.s32 @!p0 $0x4BE0  }
0xf9: {  	p1 =	por !p1, !p1;
	[tilespmem:s14+$0x0] =	vst.add.f32.msk @!p0 $0xffff, v4;
	s14 =	simm.s32 @!p0 $0x4BF0  }
0xfa: {  	[tilespmem:s14+$0x0] =	vst.add.f32.msk @!p0 $0xffff, v1;
	s14 =	simm.s32 @!p1 $0x4C00  }
0xfb: {  	[tilespmem:s14+$0x0] =	vst.add.f32.msk @!p1 $0xffff, v7;
	s14 =	simm.s32 @!p1 $0x4C10  }
0xfc: {  	[tilespmem:s14+$0x0] =	vst.add.f32.msk @!p1 $0xffff, v5;
	s14 =	simm.s32 @!p1 $0x4C20  }
0xfd: {  	s24 =	spop (v2sf);
	[tilespmem:s14+$0x0] =	vst.add.f32.msk @!p1 $0xffff, v2;
	s14 =	simm.s32 @!p1 $0x4C30  }
0xfe: {  	(v2sf) =	vpush v61, $0xB;
	p5 =	slt.f32 s24, $0.0e+00;
	p6 =	sgt.f32 s24, $0.0e+00;
	[tilespmem:s14+$0x0] =	vst.add.f32.msk @!p1 $0xffff, v3;
	s14 =	simm.s32 @!p1 $0x4C40  }
0xff: {  	[tilespmem:s14+$0x0] =	vst.add.f32.msk @!p1 $0xffff, v8;
	s14 =	simm.s32 @!p1 $0x4C50  }
0x100: {  	p0 =	por p6, p5;
	[tilespmem:s14+$0x0] =	vst.add.f32.msk @!p1 $0xffff, v6;
	s14 =	simm.s32 @!p1 $0x4C60  }
0x101: {  	p0 =	por !p0, !p0;
	[tilespmem:s14+$0x0] =	vst.add.f32.msk @!p1 $0xffff, v4;
	s14 =	simm.s32 @!p1 $0x4C70  }
0x102: {  	[tilespmem:s14+$0x0] =	vst.add.f32.msk @!p1 $0xffff, v1;
	s14 =	simm.s32 @!p0 $0x4C80  }
0x103: {  	[tilespmem:s14+$0x0] =	vst.add.f32.msk @!p0 $0xffff, v7;
	s14 =	simm.s32 @!p0 $0x4C90  }
0x104: {  	[tilespmem:s14+$0x0] =	vst.add.f32.msk @!p0 $0xffff, v5;
	s14 =	simm.s32 @!p0 $0x4CA0  }
0x105: {  	s25 =	spop (v2sf);
	[tilespmem:s14+$0x0] =	vst.add.f32.msk @!p0 $0xffff, v2;
	s14 =	simm.s32 @!p0 $0x4CB0  }
0x106: {  	(v2sf) =	vpush v61, $0xC;
	p3 =	slt.f32 s25, $0.0e+00;
	p4 =	sgt.f32 s25, $0.0e+00;
	[tilespmem:s14+$0x0] =	vst.add.f32.msk @!p0 $0xffff, v3;
	s14 =	simm.s32 @!p0 $0x4CC0  }
0x107: {  	[tilespmem:s14+$0x0] =	vst.add.f32.msk @!p0 $0xffff, v8;
	s14 =	simm.s32 @!p0 $0x4CD0  }
0x108: {  	p1 =	por p4, p3;
	[tilespmem:s14+$0x0] =	vst.add.f32.msk @!p0 $0xffff, v6;
	s14 =	simm.s32 @!p0 $0x4CE0  }
0x109: {  	p1 =	por !p1, !p1;
	[tilespmem:s14+$0x0] =	vst.add.f32.msk @!p0 $0xffff, v4;
	s14 =	simm.s32 @!p0 $0x4CF0  }
0x10a: {  	[tilespmem:s14+$0x0] =	vst.add.f32.msk @!p0 $0xffff, v1;
	s14 =	simm.s32 @!p1 $0x4D00  }
0x10b: {  	[tilespmem:s14+$0x0] =	vst.add.f32.msk @!p1 $0xffff, v7;
	s14 =	simm.s32 @!p1 $0x4D10  }
0x10c: {  	[tilespmem:s14+$0x0] =	vst.add.f32.msk @!p1 $0xffff, v5;
	s14 =	simm.s32 @!p1 $0x4D20  }
0x10d: {  	s26 =	spop (v2sf);
	[tilespmem:s14+$0x0] =	vst.add.f32.msk @!p1 $0xffff, v2;
	s14 =	simm.s32 @!p1 $0x4D30  }
0x10e: {  	(v2sf) =	vpush v61, $0xD;
	p5 =	slt.f32 s26, $0.0e+00;
	p6 =	sgt.f32 s26, $0.0e+00;
	[tilespmem:s14+$0x0] =	vst.add.f32.msk @!p1 $0xffff, v3;
	s14 =	simm.s32 @!p1 $0x4D40  }
0x10f: {  	[tilespmem:s14+$0x0] =	vst.add.f32.msk @!p1 $0xffff, v8;
	s14 =	simm.s32 @!p1 $0x4D50  }
0x110: {  	p0 =	por p6, p5;
	[tilespmem:s14+$0x0] =	vst.add.f32.msk @!p1 $0xffff, v6;
	s14 =	simm.s32 @!p1 $0x4D60  }
0x111: {  	p0 =	por !p0, !p0;
	[tilespmem:s14+$0x0] =	vst.add.f32.msk @!p1 $0xffff, v4;
	s14 =	simm.s32 @!p1 $0x4D70  }
0x112: {  	[tilespmem:s14+$0x0] =	vst.add.f32.msk @!p1 $0xffff, v1;
	s14 =	simm.s32 @!p0 $0x4D80  }
0x113: {  	[tilespmem:s14+$0x0] =	vst.add.f32.msk @!p0 $0xffff, v7;
	s14 =	simm.s32 @!p0 $0x4D90  }
0x114: {  	[tilespmem:s14+$0x0] =	vst.add.f32.msk @!p0 $0xffff, v5;
	s14 =	simm.s32 @!p0 $0x4DA0  }
0x115: {  	s28 =	spop (v2sf);
	[tilespmem:s14+$0x0] =	vst.add.f32.msk @!p0 $0xffff, v2;
	s14 =	simm.s32 @!p0 $0x4DB0  }
0x116: {  	(v2sf) =	vpush v61, $0xE;
	p3 =	slt.f32 s28, $0.0e+00;
	p4 =	sgt.f32 s28, $0.0e+00;
	[tilespmem:s14+$0x0] =	vst.add.f32.msk @!p0 $0xffff, v3;
	s14 =	simm.s32 @!p0 $0x4DC0  }
0x117: {  	[tilespmem:s14+$0x0] =	vst.add.f32.msk @!p0 $0xffff, v8;
	s14 =	simm.s32 @!p0 $0x4DD0  }
0x118: {  	p1 =	por p4, p3;
	[tilespmem:s14+$0x0] =	vst.add.f32.msk @!p0 $0xffff, v6;
	s14 =	simm.s32 @!p0 $0x4DE0  }
0x119: {  	p1 =	por !p1, !p1;
	[tilespmem:s14+$0x0] =	vst.add.f32.msk @!p0 $0xffff, v4;
	s14 =	simm.s32 @!p0 $0x4DF0  }
0x11a: {  	[tilespmem:s14+$0x0] =	vst.add.f32.msk @!p0 $0xffff, v1;
	s14 =	simm.s32 @!p1 $0x4E00  }
0x11b: {  	[tilespmem:s14+$0x0] =	vst.add.f32.msk @!p1 $0xffff, v7;
	s14 =	simm.s32 @!p1 $0x4E10  }
0x11c: {  	[tilespmem:s14+$0x0] =	vst.add.f32.msk @!p1 $0xffff, v5;
	s14 =	simm.s32 @!p1 $0x4E20  }
0x11d: {  	s29 =	spop (v2sf);
	[tilespmem:s14+$0x0] =	vst.add.f32.msk @!p1 $0xffff, v2;
	s14 =	simm.s32 @!p1 $0x4E30  }
0x11e: {  	(v2sf) =	vpush v61, $0xF;
	p5 =	slt.f32 s29, $0.0e+00;
	p6 =	sgt.f32 s29, $0.0e+00;
	[tilespmem:s14+$0x0] =	vst.add.f32.msk @!p1 $0xffff, v3;
	s14 =	simm.s32 @!p1 $0x4E40  }
0x11f: {  	[tilespmem:s14+$0x0] =	vst.add.f32.msk @!p1 $0xffff, v8;
	s14 =	simm.s32 @!p1 $0x4E50  }
0x120: {  	p0 =	por p6, p5;
	[tilespmem:s14+$0x0] =	vst.add.f32.msk @!p1 $0xffff, v6;
	s14 =	simm.s32 @!p1 $0x4E60  }
0x121: {  	p0 =	por !p0, !p0;
	[tilespmem:s14+$0x0] =	vst.add.f32.msk @!p1 $0xffff, v4;
	s14 =	simm.s32 @!p1 $0x4E70  }
0x122: {  	[tilespmem:s14+$0x0] =	vst.add.f32.msk @!p1 $0xffff, v1;
	s14 =	simm.s32 @!p0 $0x4E80  }
0x123: {  	[tilespmem:s14+$0x0] =	vst.add.f32.msk @!p0 $0xffff, v7;
	s14 =	simm.s32 @!p0 $0x4E90  }
0x124: {  	[tilespmem:s14+$0x0] =	vst.add.f32.msk @!p0 $0xffff, v5;
	s14 =	simm.s32 @!p0 $0x4EA0  }
0x125: {  	s30 =	spop (v2sf);
	[tilespmem:s14+$0x0] =	vst.add.f32.msk @!p0 $0xffff, v2;
	s14 =	simm.s32 @!p0 $0x4EB0  }
0x126: {  	p3 =	slt.f32 s30, $0.0e+00;
	p4 =	sgt.f32 s30, $0.0e+00;
	[tilespmem:s14+$0x0] =	vst.add.f32.msk @!p0 $0xffff, v3;
	s14 =	simm.s32 @!p0 $0x4EC0  }
0x127: {  	[tilespmem:s14+$0x0] =	vst.add.f32.msk @!p0 $0xffff, v8;
	s14 =	simm.s32 @!p0 $0x4ED0  }
0x128: {  	p1 =	por p4, p3;
	[tilespmem:s14+$0x0] =	vst.add.f32.msk @!p0 $0xffff, v6;
	s14 =	simm.s32 @!p0 $0x4EE0  }
0x129: {  	p1 =	por !p1, !p1;
	[tilespmem:s14+$0x0] =	vst.add.f32.msk @!p0 $0xffff, v4;
	s14 =	simm.s32 @!p0 $0x4EF0  }
0x12a: {  	[tilespmem:s14+$0x0] =	vst.add.f32.msk @!p0 $0xffff, v1;
	s14 =	simm.s32 @!p1 $0x4F00  }
0x12b: {  	[tilespmem:s14+$0x0] =	vst.add.f32.msk @!p1 $0xffff, v7;
	s14 =	simm.s32 @!p1 $0x4F10  }
0x12c: {  	[tilespmem:s14+$0x0] =	vst.add.f32.msk @!p1 $0xffff, v5;
	s14 =	simm.s32 @!p1 $0x4F20  }
0x12d: {  	s31 =	spop (v2sf);
	[tilespmem:s14+$0x0] =	vst.add.f32.msk @!p1 $0xffff, v2;
	s14 =	simm.s32 @!p1 $0x4F30  }
0x12e: {  	p5 =	slt.f32 s31, $0.0e+00;
	p6 =	sgt.f32 s31, $0.0e+00;
	[tilespmem:s14+$0x0] =	vst.add.f32.msk @!p1 $0xffff, v3;
	s14 =	simm.s32 @!p1 $0x4F40  }
0x12f: {  	[tilespmem:s14+$0x0] =	vst.add.f32.msk @!p1 $0xffff, v8;
	s14 =	simm.s32 @!p1 $0x4F50  }
0x130: {  	p0 =	por p6, p5;
	[tilespmem:s14+$0x0] =	vst.add.f32.msk @!p1 $0xffff, v6;
	s14 =	simm.s32 @!p1 $0x4F60  }
0x131: {  	p0 =	por !p0, !p0;
	[tilespmem:s14+$0x0] =	vst.add.f32.msk @!p1 $0xffff, v4;
	s14 =	simm.s32 @!p1 $0x4F70  }
0x132: {  	[tilespmem:s14+$0x0] =	vst.add.f32.msk @!p1 $0xffff, v1;
	s14 =	simm.s32 @!p0 $0x4F80  }
0x133: {  	[tilespmem:s14+$0x0] =	vst.add.f32.msk @!p0 $0xffff, v7;
	s14 =	simm.s32 @!p0 $0x4F90  }
0x134: {  	[tilespmem:s14+$0x0] =	vst.add.f32.msk @!p0 $0xffff, v5;
	s14 =	simm.s32 @!p0 $0x4FA0  }
0x135: {  	[tilespmem:s14+$0x0] =	vst.add.f32.msk @!p0 $0xffff, v2;
	s14 =	simm.s32 @!p0 $0x4FB0  }
0x136: {  	[tilespmem:s14+$0x0] =	vst.add.f32.msk @!p0 $0xffff, v3;
	s14 =	simm.s32 @!p0 $0x4FC0  }
0x137: {  	[tilespmem:s14+$0x0] =	vst.add.f32.msk @!p0 $0xffff, v8;
	s14 =	simm.s32 @!p0 $0x4FD0  }
0x138: {  	[tilespmem:s14+$0x0] =	vst.add.f32.msk @!p0 $0xffff, v6;
	s14 =	simm.s32 @!p0 $0x4FE0  }
0x139: {  	[tilespmem:s14+$0x0] =	vst.add.f32.msk @!p0 $0xffff, v4;
	s14 =	simm.s32 @!p0 $0x4FF0  }
0x13a: {  	[tilespmem:s14+$0x0] =	vst.add.f32.msk @!p0 $0xffff, v1  }
0x13b: {  	v62 =	vld [tilespmem:s13+$0x2020];
	_ =	sdelay $0x4  }
0x13c: {  	(v2sf) =	vpush v62, $0x0;
	_ =	sdelay $0x7  }
0x13d: {  	(v2sf) =	vpush v62, $0x1;
	_ =	sdelay $0x6  }
0x13e: {  	s15 =	spop (v2sf)  }
0x13f: {  	(v2sf) =	vpush v62, $0x2;
	p3 =	slt.f32 s15, $0.0e+00;
	p4 =	sgt.f32 s15, $0.0e+00  }
0x140: {  	_ = 	snop  }
0x141: {  	p0 =	por p4, p3  }
0x142: {  	p1 =	por !p0, !p0  }
0x143: {  	s14 =	simm.s32 @!p1 $0x5000  }
0x144: {  	[tilespmem:s14+$0x0] =	vst.add.f32.msk @!p1 $0xffff, v7;
	s14 =	simm.s32 @!p1 $0x5010  }
0x145: {  	[tilespmem:s14+$0x0] =	vst.add.f32.msk @!p1 $0xffff, v5;
	s14 =	simm.s32 @!p1 $0x5020  }
0x146: {  	s16 =	spop (v2sf);
	[tilespmem:s14+$0x0] =	vst.add.f32.msk @!p1 $0xffff, v2;
	s14 =	simm.s32 @!p1 $0x5030  }
0x147: {  	(v2sf) =	vpush v62, $0x3;
	p5 =	slt.f32 s16, $0.0e+00;
	p6 =	sgt.f32 s16, $0.0e+00;
	[tilespmem:s14+$0x0] =	vst.add.f32.msk @!p1 $0xffff, v3;
	s14 =	simm.s32 @!p1 $0x5040  }
0x148: {  	[tilespmem:s14+$0x0] =	vst.add.f32.msk @!p1 $0xffff, v8;
	s14 =	simm.s32 @!p1 $0x5050  }
0x149: {  	p0 =	por p6, p5;
	[tilespmem:s14+$0x0] =	vst.add.f32.msk @!p1 $0xffff, v6;
	s14 =	simm.s32 @!p1 $0x5060  }
0x14a: {  	p0 =	por !p0, !p0;
	[tilespmem:s14+$0x0] =	vst.add.f32.msk @!p1 $0xffff, v4;
	s14 =	simm.s32 @!p1 $0x5070  }
0x14b: {  	[tilespmem:s14+$0x0] =	vst.add.f32.msk @!p1 $0xffff, v1;
	s14 =	simm.s32 @!p0 $0x5080  }
0x14c: {  	[tilespmem:s14+$0x0] =	vst.add.f32.msk @!p0 $0xffff, v7;
	s14 =	simm.s32 @!p0 $0x5090  }
0x14d: {  	[tilespmem:s14+$0x0] =	vst.add.f32.msk @!p0 $0xffff, v5;
	s14 =	simm.s32 @!p0 $0x50A0  }
0x14e: {  	s17 =	spop (v2sf);
	[tilespmem:s14+$0x0] =	vst.add.f32.msk @!p0 $0xffff, v2;
	s14 =	simm.s32 @!p0 $0x50B0  }
0x14f: {  	(v2sf) =	vpush v62, $0x4;
	p3 =	slt.f32 s17, $0.0e+00;
	p4 =	sgt.f32 s17, $0.0e+00;
	[tilespmem:s14+$0x0] =	vst.add.f32.msk @!p0 $0xffff, v3;
	s14 =	simm.s32 @!p0 $0x50C0  }
0x150: {  	[tilespmem:s14+$0x0] =	vst.add.f32.msk @!p0 $0xffff, v8;
	s14 =	simm.s32 @!p0 $0x50D0  }
0x151: {  	p1 =	por p4, p3;
	[tilespmem:s14+$0x0] =	vst.add.f32.msk @!p0 $0xffff, v6;
	s14 =	simm.s32 @!p0 $0x50E0  }
0x152: {  	p1 =	por !p1, !p1;
	[tilespmem:s14+$0x0] =	vst.add.f32.msk @!p0 $0xffff, v4;
	s14 =	simm.s32 @!p0 $0x50F0  }
0x153: {  	[tilespmem:s14+$0x0] =	vst.add.f32.msk @!p0 $0xffff, v1;
	s14 =	simm.s32 @!p1 $0x5100  }
0x154: {  	[tilespmem:s14+$0x0] =	vst.add.f32.msk @!p1 $0xffff, v7;
	s14 =	simm.s32 @!p1 $0x5110  }
0x155: {  	[tilespmem:s14+$0x0] =	vst.add.f32.msk @!p1 $0xffff, v5;
	s14 =	simm.s32 @!p1 $0x5120  }
0x156: {  	s18 =	spop (v2sf);
	[tilespmem:s14+$0x0] =	vst.add.f32.msk @!p1 $0xffff, v2;
	s14 =	simm.s32 @!p1 $0x5130  }
0x157: {  	(v2sf) =	vpush v62, $0x5;
	p5 =	slt.f32 s18, $0.0e+00;
	p6 =	sgt.f32 s18, $0.0e+00;
	[tilespmem:s14+$0x0] =	vst.add.f32.msk @!p1 $0xffff, v3;
	s14 =	simm.s32 @!p1 $0x5140  }
0x158: {  	[tilespmem:s14+$0x0] =	vst.add.f32.msk @!p1 $0xffff, v8;
	s14 =	simm.s32 @!p1 $0x5150  }
0x159: {  	p0 =	por p6, p5;
	[tilespmem:s14+$0x0] =	vst.add.f32.msk @!p1 $0xffff, v6;
	s14 =	simm.s32 @!p1 $0x5160  }
0x15a: {  	p0 =	por !p0, !p0;
	[tilespmem:s14+$0x0] =	vst.add.f32.msk @!p1 $0xffff, v4;
	s14 =	simm.s32 @!p1 $0x5170  }
0x15b: {  	[tilespmem:s14+$0x0] =	vst.add.f32.msk @!p1 $0xffff, v1;
	s14 =	simm.s32 @!p0 $0x5180  }
0x15c: {  	[tilespmem:s14+$0x0] =	vst.add.f32.msk @!p0 $0xffff, v7;
	s14 =	simm.s32 @!p0 $0x5190  }
0x15d: {  	[tilespmem:s14+$0x0] =	vst.add.f32.msk @!p0 $0xffff, v5;
	s14 =	simm.s32 @!p0 $0x51A0  }
0x15e: {  	s19 =	spop (v2sf);
	[tilespmem:s14+$0x0] =	vst.add.f32.msk @!p0 $0xffff, v2;
	s14 =	simm.s32 @!p0 $0x51B0  }
0x15f: {  	(v2sf) =	vpush v62, $0x6;
	p3 =	slt.f32 s19, $0.0e+00;
	p4 =	sgt.f32 s19, $0.0e+00;
	[tilespmem:s14+$0x0] =	vst.add.f32.msk @!p0 $0xffff, v3;
	s14 =	simm.s32 @!p0 $0x51C0  }
0x160: {  	[tilespmem:s14+$0x0] =	vst.add.f32.msk @!p0 $0xffff, v8;
	s14 =	simm.s32 @!p0 $0x51D0  }
0x161: {  	p1 =	por p4, p3;
	[tilespmem:s14+$0x0] =	vst.add.f32.msk @!p0 $0xffff, v6;
	s14 =	simm.s32 @!p0 $0x51E0  }
0x162: {  	p1 =	por !p1, !p1;
	[tilespmem:s14+$0x0] =	vst.add.f32.msk @!p0 $0xffff, v4;
	s14 =	simm.s32 @!p0 $0x51F0  }
0x163: {  	[tilespmem:s14+$0x0] =	vst.add.f32.msk @!p0 $0xffff, v1;
	s14 =	simm.s32 @!p1 $0x5200  }
0x164: {  	[tilespmem:s14+$0x0] =	vst.add.f32.msk @!p1 $0xffff, v7;
	s14 =	simm.s32 @!p1 $0x5210  }
0x165: {  	[tilespmem:s14+$0x0] =	vst.add.f32.msk @!p1 $0xffff, v5;
	s14 =	simm.s32 @!p1 $0x5220  }
0x166: {  	s20 =	spop (v2sf);
	[tilespmem:s14+$0x0] =	vst.add.f32.msk @!p1 $0xffff, v2;
	s14 =	simm.s32 @!p1 $0x5230  }
0x167: {  	(v2sf) =	vpush v62, $0x7;
	p5 =	slt.f32 s20, $0.0e+00;
	p6 =	sgt.f32 s20, $0.0e+00;
	[tilespmem:s14+$0x0] =	vst.add.f32.msk @!p1 $0xffff, v3;
	s14 =	simm.s32 @!p1 $0x5240  }
0x168: {  	[tilespmem:s14+$0x0] =	vst.add.f32.msk @!p1 $0xffff, v8;
	s14 =	simm.s32 @!p1 $0x5250  }
0x169: {  	p0 =	por p6, p5;
	[tilespmem:s14+$0x0] =	vst.add.f32.msk @!p1 $0xffff, v6;
	s14 =	simm.s32 @!p1 $0x5260  }
0x16a: {  	p0 =	por !p0, !p0;
	[tilespmem:s14+$0x0] =	vst.add.f32.msk @!p1 $0xffff, v4;
	s14 =	simm.s32 @!p1 $0x5270  }
0x16b: {  	[tilespmem:s14+$0x0] =	vst.add.f32.msk @!p1 $0xffff, v1;
	s14 =	simm.s32 @!p0 $0x5280  }
0x16c: {  	[tilespmem:s14+$0x0] =	vst.add.f32.msk @!p0 $0xffff, v7;
	s14 =	simm.s32 @!p0 $0x5290  }
0x16d: {  	[tilespmem:s14+$0x0] =	vst.add.f32.msk @!p0 $0xffff, v5;
	s14 =	simm.s32 @!p0 $0x52A0  }
0x16e: {  	s21 =	spop (v2sf);
	[tilespmem:s14+$0x0] =	vst.add.f32.msk @!p0 $0xffff, v2;
	s14 =	simm.s32 @!p0 $0x52B0  }
0x16f: {  	(v2sf) =	vpush v62, $0x8;
	p3 =	slt.f32 s21, $0.0e+00;
	p4 =	sgt.f32 s21, $0.0e+00;
	[tilespmem:s14+$0x0] =	vst.add.f32.msk @!p0 $0xffff, v3;
	s14 =	simm.s32 @!p0 $0x52C0  }
0x170: {  	[tilespmem:s14+$0x0] =	vst.add.f32.msk @!p0 $0xffff, v8;
	s14 =	simm.s32 @!p0 $0x52D0  }
0x171: {  	p1 =	por p4, p3;
	[tilespmem:s14+$0x0] =	vst.add.f32.msk @!p0 $0xffff, v6;
	s14 =	simm.s32 @!p0 $0x52E0  }
0x172: {  	p1 =	por !p1, !p1;
	[tilespmem:s14+$0x0] =	vst.add.f32.msk @!p0 $0xffff, v4;
	s14 =	simm.s32 @!p0 $0x52F0  }
0x173: {  	[tilespmem:s14+$0x0] =	vst.add.f32.msk @!p0 $0xffff, v1;
	s14 =	simm.s32 @!p1 $0x5300  }
0x174: {  	[tilespmem:s14+$0x0] =	vst.add.f32.msk @!p1 $0xffff, v7;
	s14 =	simm.s32 @!p1 $0x5310  }
0x175: {  	[tilespmem:s14+$0x0] =	vst.add.f32.msk @!p1 $0xffff, v5;
	s14 =	simm.s32 @!p1 $0x5320  }
0x176: {  	s22 =	spop (v2sf);
	[tilespmem:s14+$0x0] =	vst.add.f32.msk @!p1 $0xffff, v2;
	s14 =	simm.s32 @!p1 $0x5330  }
0x177: {  	(v2sf) =	vpush v62, $0x9;
	p5 =	slt.f32 s22, $0.0e+00;
	p6 =	sgt.f32 s22, $0.0e+00;
	[tilespmem:s14+$0x0] =	vst.add.f32.msk @!p1 $0xffff, v3;
	s14 =	simm.s32 @!p1 $0x5340  }
0x178: {  	[tilespmem:s14+$0x0] =	vst.add.f32.msk @!p1 $0xffff, v8;
	s14 =	simm.s32 @!p1 $0x5350  }
0x179: {  	p0 =	por p6, p5;
	[tilespmem:s14+$0x0] =	vst.add.f32.msk @!p1 $0xffff, v6;
	s14 =	simm.s32 @!p1 $0x5360  }
0x17a: {  	p0 =	por !p0, !p0;
	[tilespmem:s14+$0x0] =	vst.add.f32.msk @!p1 $0xffff, v4;
	s14 =	simm.s32 @!p1 $0x5370  }
0x17b: {  	[tilespmem:s14+$0x0] =	vst.add.f32.msk @!p1 $0xffff, v1;
	s14 =	simm.s32 @!p0 $0x5380  }
0x17c: {  	[tilespmem:s14+$0x0] =	vst.add.f32.msk @!p0 $0xffff, v7;
	s14 =	simm.s32 @!p0 $0x5390  }
0x17d: {  	[tilespmem:s14+$0x0] =	vst.add.f32.msk @!p0 $0xffff, v5;
	s14 =	simm.s32 @!p0 $0x53A0  }
0x17e: {  	s23 =	spop (v2sf);
	[tilespmem:s14+$0x0] =	vst.add.f32.msk @!p0 $0xffff, v2;
	s14 =	simm.s32 @!p0 $0x53B0  }
0x17f: {  	(v2sf) =	vpush v62, $0xA;
	p3 =	slt.f32 s23, $0.0e+00;
	p4 =	sgt.f32 s23, $0.0e+00;
	[tilespmem:s14+$0x0] =	vst.add.f32.msk @!p0 $0xffff, v3;
	s14 =	simm.s32 @!p0 $0x53C0  }
0x180: {  	[tilespmem:s14+$0x0] =	vst.add.f32.msk @!p0 $0xffff, v8;
	s14 =	simm.s32 @!p0 $0x53D0  }
0x181: {  	p1 =	por p4, p3;
	[tilespmem:s14+$0x0] =	vst.add.f32.msk @!p0 $0xffff, v6;
	s14 =	simm.s32 @!p0 $0x53E0  }
0x182: {  	p1 =	por !p1, !p1;
	[tilespmem:s14+$0x0] =	vst.add.f32.msk @!p0 $0xffff, v4;
	s14 =	simm.s32 @!p0 $0x53F0  }
0x183: {  	[tilespmem:s14+$0x0] =	vst.add.f32.msk @!p0 $0xffff, v1;
	s14 =	simm.s32 @!p1 $0x5400  }
0x184: {  	[tilespmem:s14+$0x0] =	vst.add.f32.msk @!p1 $0xffff, v7;
	s14 =	simm.s32 @!p1 $0x5410  }
0x185: {  	[tilespmem:s14+$0x0] =	vst.add.f32.msk @!p1 $0xffff, v5;
	s14 =	simm.s32 @!p1 $0x5420  }
0x186: {  	s24 =	spop (v2sf);
	[tilespmem:s14+$0x0] =	vst.add.f32.msk @!p1 $0xffff, v2;
	s14 =	simm.s32 @!p1 $0x5430  }
0x187: {  	(v2sf) =	vpush v62, $0xB;
	p5 =	slt.f32 s24, $0.0e+00;
	p6 =	sgt.f32 s24, $0.0e+00;
	[tilespmem:s14+$0x0] =	vst.add.f32.msk @!p1 $0xffff, v3;
	s14 =	simm.s32 @!p1 $0x5440  }
0x188: {  	[tilespmem:s14+$0x0] =	vst.add.f32.msk @!p1 $0xffff, v8;
	s14 =	simm.s32 @!p1 $0x5450  }
0x189: {  	p0 =	por p6, p5;
	[tilespmem:s14+$0x0] =	vst.add.f32.msk @!p1 $0xffff, v6;
	s14 =	simm.s32 @!p1 $0x5460  }
0x18a: {  	p0 =	por !p0, !p0;
	[tilespmem:s14+$0x0] =	vst.add.f32.msk @!p1 $0xffff, v4;
	s14 =	simm.s32 @!p1 $0x5470  }
0x18b: {  	[tilespmem:s14+$0x0] =	vst.add.f32.msk @!p1 $0xffff, v1;
	s14 =	simm.s32 @!p0 $0x5480  }
0x18c: {  	[tilespmem:s14+$0x0] =	vst.add.f32.msk @!p0 $0xffff, v7;
	s14 =	simm.s32 @!p0 $0x5490  }
0x18d: {  	[tilespmem:s14+$0x0] =	vst.add.f32.msk @!p0 $0xffff, v5;
	s14 =	simm.s32 @!p0 $0x54A0  }
0x18e: {  	s25 =	spop (v2sf);
	[tilespmem:s14+$0x0] =	vst.add.f32.msk @!p0 $0xffff, v2;
	s14 =	simm.s32 @!p0 $0x54B0  }
0x18f: {  	(v2sf) =	vpush v62, $0xC;
	p3 =	slt.f32 s25, $0.0e+00;
	p4 =	sgt.f32 s25, $0.0e+00;
	[tilespmem:s14+$0x0] =	vst.add.f32.msk @!p0 $0xffff, v3;
	s14 =	simm.s32 @!p0 $0x54C0  }
0x190: {  	[tilespmem:s14+$0x0] =	vst.add.f32.msk @!p0 $0xffff, v8;
	s14 =	simm.s32 @!p0 $0x54D0  }
0x191: {  	p1 =	por p4, p3;
	[tilespmem:s14+$0x0] =	vst.add.f32.msk @!p0 $0xffff, v6;
	s14 =	simm.s32 @!p0 $0x54E0  }
0x192: {  	p1 =	por !p1, !p1;
	[tilespmem:s14+$0x0] =	vst.add.f32.msk @!p0 $0xffff, v4;
	s14 =	simm.s32 @!p0 $0x54F0  }
0x193: {  	[tilespmem:s14+$0x0] =	vst.add.f32.msk @!p0 $0xffff, v1;
	s14 =	simm.s32 @!p1 $0x5500  }
0x194: {  	[tilespmem:s14+$0x0] =	vst.add.f32.msk @!p1 $0xffff, v7;
	s14 =	simm.s32 @!p1 $0x5510  }
0x195: {  	[tilespmem:s14+$0x0] =	vst.add.f32.msk @!p1 $0xffff, v5;
	s14 =	simm.s32 @!p1 $0x5520  }
0x196: {  	s26 =	spop (v2sf);
	[tilespmem:s14+$0x0] =	vst.add.f32.msk @!p1 $0xffff, v2;
	s14 =	simm.s32 @!p1 $0x5530  }
0x197: {  	(v2sf) =	vpush v62, $0xD;
	p5 =	slt.f32 s26, $0.0e+00;
	p6 =	sgt.f32 s26, $0.0e+00;
	[tilespmem:s14+$0x0] =	vst.add.f32.msk @!p1 $0xffff, v3;
	s14 =	simm.s32 @!p1 $0x5540  }
0x198: {  	[tilespmem:s14+$0x0] =	vst.add.f32.msk @!p1 $0xffff, v8;
	s14 =	simm.s32 @!p1 $0x5550  }
0x199: {  	p0 =	por p6, p5;
	[tilespmem:s14+$0x0] =	vst.add.f32.msk @!p1 $0xffff, v6;
	s14 =	simm.s32 @!p1 $0x5560  }
0x19a: {  	p0 =	por !p0, !p0;
	[tilespmem:s14+$0x0] =	vst.add.f32.msk @!p1 $0xffff, v4;
	s14 =	simm.s32 @!p1 $0x5570  }
0x19b: {  	[tilespmem:s14+$0x0] =	vst.add.f32.msk @!p1 $0xffff, v1;
	s14 =	simm.s32 @!p0 $0x5580  }
0x19c: {  	[tilespmem:s14+$0x0] =	vst.add.f32.msk @!p0 $0xffff, v7;
	s14 =	simm.s32 @!p0 $0x5590  }
0x19d: {  	[tilespmem:s14+$0x0] =	vst.add.f32.msk @!p0 $0xffff, v5;
	s14 =	simm.s32 @!p0 $0x55A0  }
0x19e: {  	s28 =	spop (v2sf);
	[tilespmem:s14+$0x0] =	vst.add.f32.msk @!p0 $0xffff, v2;
	s14 =	simm.s32 @!p0 $0x55B0  }
0x19f: {  	(v2sf) =	vpush v62, $0xE;
	p3 =	slt.f32 s28, $0.0e+00;
	p4 =	sgt.f32 s28, $0.0e+00;
	[tilespmem:s14+$0x0] =	vst.add.f32.msk @!p0 $0xffff, v3;
	s14 =	simm.s32 @!p0 $0x55C0  }
0x1a0: {  	[tilespmem:s14+$0x0] =	vst.add.f32.msk @!p0 $0xffff, v8;
	s14 =	simm.s32 @!p0 $0x55D0  }
0x1a1: {  	p1 =	por p4, p3;
	[tilespmem:s14+$0x0] =	vst.add.f32.msk @!p0 $0xffff, v6;
	s14 =	simm.s32 @!p0 $0x55E0  }
0x1a2: {  	p1 =	por !p1, !p1;
	[tilespmem:s14+$0x0] =	vst.add.f32.msk @!p0 $0xffff, v4;
	s14 =	simm.s32 @!p0 $0x55F0  }
0x1a3: {  	[tilespmem:s14+$0x0] =	vst.add.f32.msk @!p0 $0xffff, v1;
	s14 =	simm.s32 @!p1 $0x5600  }
0x1a4: {  	[tilespmem:s14+$0x0] =	vst.add.f32.msk @!p1 $0xffff, v7;
	s14 =	simm.s32 @!p1 $0x5610  }
0x1a5: {  	[tilespmem:s14+$0x0] =	vst.add.f32.msk @!p1 $0xffff, v5;
	s14 =	simm.s32 @!p1 $0x5620  }
0x1a6: {  	s29 =	spop (v2sf);
	[tilespmem:s14+$0x0] =	vst.add.f32.msk @!p1 $0xffff, v2;
	s14 =	simm.s32 @!p1 $0x5630  }
0x1a7: {  	(v2sf) =	vpush v62, $0xF;
	p5 =	slt.f32 s29, $0.0e+00;
	p6 =	sgt.f32 s29, $0.0e+00;
	[tilespmem:s14+$0x0] =	vst.add.f32.msk @!p1 $0xffff, v3;
	s14 =	simm.s32 @!p1 $0x5640  }
0x1a8: {  	[tilespmem:s14+$0x0] =	vst.add.f32.msk @!p1 $0xffff, v8;
	s14 =	simm.s32 @!p1 $0x5650  }
0x1a9: {  	p0 =	por p6, p5;
	[tilespmem:s14+$0x0] =	vst.add.f32.msk @!p1 $0xffff, v6;
	s14 =	simm.s32 @!p1 $0x5660  }
0x1aa: {  	p0 =	por !p0, !p0;
	[tilespmem:s14+$0x0] =	vst.add.f32.msk @!p1 $0xffff, v4;
	s14 =	simm.s32 @!p1 $0x5670  }
0x1ab: {  	[tilespmem:s14+$0x0] =	vst.add.f32.msk @!p1 $0xffff, v1;
	s14 =	simm.s32 @!p0 $0x5680  }
0x1ac: {  	[tilespmem:s14+$0x0] =	vst.add.f32.msk @!p0 $0xffff, v7;
	s14 =	simm.s32 @!p0 $0x5690  }
0x1ad: {  	[tilespmem:s14+$0x0] =	vst.add.f32.msk @!p0 $0xffff, v5;
	s14 =	simm.s32 @!p0 $0x56A0  }
0x1ae: {  	s30 =	spop (v2sf);
	[tilespmem:s14+$0x0] =	vst.add.f32.msk @!p0 $0xffff, v2;
	s14 =	simm.s32 @!p0 $0x56B0  }
0x1af: {  	p3 =	slt.f32 s30, $0.0e+00;
	p4 =	sgt.f32 s30, $0.0e+00;
	[tilespmem:s14+$0x0] =	vst.add.f32.msk @!p0 $0xffff, v3;
	s14 =	simm.s32 @!p0 $0x56C0  }
0x1b0: {  	[tilespmem:s14+$0x0] =	vst.add.f32.msk @!p0 $0xffff, v8;
	s14 =	simm.s32 @!p0 $0x56D0  }
0x1b1: {  	p1 =	por p4, p3;
	[tilespmem:s14+$0x0] =	vst.add.f32.msk @!p0 $0xffff, v6;
	s14 =	simm.s32 @!p0 $0x56E0  }
0x1b2: {  	p1 =	por !p1, !p1;
	[tilespmem:s14+$0x0] =	vst.add.f32.msk @!p0 $0xffff, v4;
	s14 =	simm.s32 @!p0 $0x56F0  }
0x1b3: {  	[tilespmem:s14+$0x0] =	vst.add.f32.msk @!p0 $0xffff, v1;
	s14 =	simm.s32 @!p1 $0x5700  }
0x1b4: {  	[tilespmem:s14+$0x0] =	vst.add.f32.msk @!p1 $0xffff, v7;
	s14 =	simm.s32 @!p1 $0x5710  }
0x1b5: {  	[tilespmem:s14+$0x0] =	vst.add.f32.msk @!p1 $0xffff, v5;
	s14 =	simm.s32 @!p1 $0x5720  }
0x1b6: {  	s31 =	spop (v2sf);
	[tilespmem:s14+$0x0] =	vst.add.f32.msk @!p1 $0xffff, v2;
	s14 =	simm.s32 @!p1 $0x5730  }
0x1b7: {  	p5 =	slt.f32 s31, $0.0e+00;
	p6 =	sgt.f32 s31, $0.0e+00;
	[tilespmem:s14+$0x0] =	vst.add.f32.msk @!p1 $0xffff, v3;
	s14 =	simm.s32 @!p1 $0x5740  }
0x1b8: {  	[tilespmem:s14+$0x0] =	vst.add.f32.msk @!p1 $0xffff, v8;
	s14 =	simm.s32 @!p1 $0x5750  }
0x1b9: {  	p0 =	por p6, p5;
	[tilespmem:s14+$0x0] =	vst.add.f32.msk @!p1 $0xffff, v6;
	s14 =	simm.s32 @!p1 $0x5760  }
0x1ba: {  	p0 =	por !p0, !p0;
	[tilespmem:s14+$0x0] =	vst.add.f32.msk @!p1 $0xffff, v4;
	s14 =	simm.s32 @!p1 $0x5770  }
0x1bb: {  	[tilespmem:s14+$0x0] =	vst.add.f32.msk @!p1 $0xffff, v1;
	s14 =	simm.s32 @!p0 $0x5780  }
0x1bc: {  	[tilespmem:s14+$0x0] =	vst.add.f32.msk @!p0 $0xffff, v7;
	s14 =	simm.s32 @!p0 $0x5790  }
0x1bd: {  	[tilespmem:s14+$0x0] =	vst.add.f32.msk @!p0 $0xffff, v5;
	s14 =	simm.s32 @!p0 $0x57A0  }
0x1be: {  	[tilespmem:s14+$0x0] =	vst.add.f32.msk @!p0 $0xffff, v2;
	s14 =	simm.s32 @!p0 $0x57B0  }
0x1bf: {  	[tilespmem:s14+$0x0] =	vst.add.f32.msk @!p0 $0xffff, v3;
	s14 =	simm.s32 @!p0 $0x57C0  }
0x1c0: {  	[tilespmem:s14+$0x0] =	vst.add.f32.msk @!p0 $0xffff, v8;
	s14 =	simm.s32 @!p0 $0x57D0  }
0x1c1: {  	[tilespmem:s14+$0x0] =	vst.add.f32.msk @!p0 $0xffff, v6;
	s14 =	simm.s32 @!p0 $0x57E0  }
0x1c2: {  	[tilespmem:s14+$0x0] =	vst.add.f32.msk @!p0 $0xffff, v4;
	s14 =	simm.s32 @!p0 $0x57F0  }
0x1c3: {  	[tilespmem:s14+$0x0] =	vst.add.f32.msk @!p0 $0xffff, v1  }
0x1c4: {  	v63 =	vld [tilespmem:s13+$0x2030];
	_ =	sdelay $0x4  }
0x1c5: {  	(v2sf) =	vpush v63, $0x0;
	_ =	sdelay $0x7  }
0x1c6: {  	(v2sf) =	vpush v63, $0x1;
	_ =	sdelay $0x6  }
0x1c7: {  	s15 =	spop (v2sf)  }
0x1c8: {  	(v2sf) =	vpush v63, $0x2;
	p3 =	slt.f32 s15, $0.0e+00;
	p4 =	sgt.f32 s15, $0.0e+00  }
0x1c9: {  	_ = 	snop  }
0x1ca: {  	p0 =	por p4, p3  }
0x1cb: {  	p1 =	por !p0, !p0  }
0x1cc: {  	s13 =	simm.s32 @!p1 $0x5800  }
0x1cd: {  	[tilespmem:s13+$0x0] =	vst.add.f32.msk @!p1 $0xffff, v7;
	s13 =	simm.s32 @!p1 $0x5810  }
0x1ce: {  	[tilespmem:s13+$0x0] =	vst.add.f32.msk @!p1 $0xffff, v5;
	s13 =	simm.s32 @!p1 $0x5820  }
0x1cf: {  	s16 =	spop (v2sf);
	[tilespmem:s13+$0x0] =	vst.add.f32.msk @!p1 $0xffff, v2;
	s13 =	simm.s32 @!p1 $0x5830  }
0x1d0: {  	(v2sf) =	vpush v63, $0x3;
	p5 =	slt.f32 s16, $0.0e+00;
	p6 =	sgt.f32 s16, $0.0e+00;
	[tilespmem:s13+$0x0] =	vst.add.f32.msk @!p1 $0xffff, v3;
	s13 =	simm.s32 @!p1 $0x5840  }
0x1d1: {  	[tilespmem:s13+$0x0] =	vst.add.f32.msk @!p1 $0xffff, v8;
	s13 =	simm.s32 @!p1 $0x5850  }
0x1d2: {  	p0 =	por p6, p5;
	[tilespmem:s13+$0x0] =	vst.add.f32.msk @!p1 $0xffff, v6;
	s13 =	simm.s32 @!p1 $0x5860  }
0x1d3: {  	p0 =	por !p0, !p0;
	[tilespmem:s13+$0x0] =	vst.add.f32.msk @!p1 $0xffff, v4;
	s13 =	simm.s32 @!p1 $0x5870  }
0x1d4: {  	[tilespmem:s13+$0x0] =	vst.add.f32.msk @!p1 $0xffff, v1;
	s13 =	simm.s32 @!p0 $0x5880  }
0x1d5: {  	[tilespmem:s13+$0x0] =	vst.add.f32.msk @!p0 $0xffff, v7;
	s13 =	simm.s32 @!p0 $0x5890  }
0x1d6: {  	[tilespmem:s13+$0x0] =	vst.add.f32.msk @!p0 $0xffff, v5;
	s13 =	simm.s32 @!p0 $0x58A0  }
0x1d7: {  	s17 =	spop (v2sf);
	[tilespmem:s13+$0x0] =	vst.add.f32.msk @!p0 $0xffff, v2;
	s13 =	simm.s32 @!p0 $0x58B0  }
0x1d8: {  	(v2sf) =	vpush v63, $0x4;
	p3 =	slt.f32 s17, $0.0e+00;
	p4 =	sgt.f32 s17, $0.0e+00;
	[tilespmem:s13+$0x0] =	vst.add.f32.msk @!p0 $0xffff, v3;
	s13 =	simm.s32 @!p0 $0x58C0  }
0x1d9: {  	[tilespmem:s13+$0x0] =	vst.add.f32.msk @!p0 $0xffff, v8;
	s13 =	simm.s32 @!p0 $0x58D0  }
0x1da: {  	p1 =	por p4, p3;
	[tilespmem:s13+$0x0] =	vst.add.f32.msk @!p0 $0xffff, v6;
	s13 =	simm.s32 @!p0 $0x58E0  }
0x1db: {  	p1 =	por !p1, !p1;
	[tilespmem:s13+$0x0] =	vst.add.f32.msk @!p0 $0xffff, v4;
	s13 =	simm.s32 @!p0 $0x58F0  }
0x1dc: {  	[tilespmem:s13+$0x0] =	vst.add.f32.msk @!p0 $0xffff, v1;
	s13 =	simm.s32 @!p1 $0x5900  }
0x1dd: {  	[tilespmem:s13+$0x0] =	vst.add.f32.msk @!p1 $0xffff, v7;
	s13 =	simm.s32 @!p1 $0x5910  }
0x1de: {  	[tilespmem:s13+$0x0] =	vst.add.f32.msk @!p1 $0xffff, v5;
	s13 =	simm.s32 @!p1 $0x5920  }
0x1df: {  	s18 =	spop (v2sf);
	[tilespmem:s13+$0x0] =	vst.add.f32.msk @!p1 $0xffff, v2;
	s13 =	simm.s32 @!p1 $0x5930  }
0x1e0: {  	(v2sf) =	vpush v63, $0x5;
	p5 =	slt.f32 s18, $0.0e+00;
	p6 =	sgt.f32 s18, $0.0e+00;
	[tilespmem:s13+$0x0] =	vst.add.f32.msk @!p1 $0xffff, v3;
	s13 =	simm.s32 @!p1 $0x5940  }
0x1e1: {  	[tilespmem:s13+$0x0] =	vst.add.f32.msk @!p1 $0xffff, v8;
	s13 =	simm.s32 @!p1 $0x5950  }
0x1e2: {  	p0 =	por p6, p5;
	[tilespmem:s13+$0x0] =	vst.add.f32.msk @!p1 $0xffff, v6;
	s13 =	simm.s32 @!p1 $0x5960  }
0x1e3: {  	p0 =	por !p0, !p0;
	[tilespmem:s13+$0x0] =	vst.add.f32.msk @!p1 $0xffff, v4;
	s13 =	simm.s32 @!p1 $0x5970  }
0x1e4: {  	[tilespmem:s13+$0x0] =	vst.add.f32.msk @!p1 $0xffff, v1;
	s13 =	simm.s32 @!p0 $0x5980  }
0x1e5: {  	[tilespmem:s13+$0x0] =	vst.add.f32.msk @!p0 $0xffff, v7;
	s13 =	simm.s32 @!p0 $0x5990  }
0x1e6: {  	[tilespmem:s13+$0x0] =	vst.add.f32.msk @!p0 $0xffff, v5;
	s13 =	simm.s32 @!p0 $0x59A0  }
0x1e7: {  	s19 =	spop (v2sf);
	[tilespmem:s13+$0x0] =	vst.add.f32.msk @!p0 $0xffff, v2;
	s13 =	simm.s32 @!p0 $0x59B0  }
0x1e8: {  	(v2sf) =	vpush v63, $0x6;
	p3 =	slt.f32 s19, $0.0e+00;
	p4 =	sgt.f32 s19, $0.0e+00;
	[tilespmem:s13+$0x0] =	vst.add.f32.msk @!p0 $0xffff, v3;
	s13 =	simm.s32 @!p0 $0x59C0  }
0x1e9: {  	[tilespmem:s13+$0x0] =	vst.add.f32.msk @!p0 $0xffff, v8;
	s13 =	simm.s32 @!p0 $0x59D0  }
0x1ea: {  	p1 =	por p4, p3;
	[tilespmem:s13+$0x0] =	vst.add.f32.msk @!p0 $0xffff, v6;
	s13 =	simm.s32 @!p0 $0x59E0  }
0x1eb: {  	p1 =	por !p1, !p1;
	[tilespmem:s13+$0x0] =	vst.add.f32.msk @!p0 $0xffff, v4;
	s13 =	simm.s32 @!p0 $0x59F0  }
0x1ec: {  	[tilespmem:s13+$0x0] =	vst.add.f32.msk @!p0 $0xffff, v1;
	s13 =	simm.s32 @!p1 $0x5A00  }
0x1ed: {  	[tilespmem:s13+$0x0] =	vst.add.f32.msk @!p1 $0xffff, v7;
	s13 =	simm.s32 @!p1 $0x5A10  }
0x1ee: {  	[tilespmem:s13+$0x0] =	vst.add.f32.msk @!p1 $0xffff, v5;
	s13 =	simm.s32 @!p1 $0x5A20  }
0x1ef: {  	s20 =	spop (v2sf);
	[tilespmem:s13+$0x0] =	vst.add.f32.msk @!p1 $0xffff, v2;
	s13 =	simm.s32 @!p1 $0x5A30  }
0x1f0: {  	(v2sf) =	vpush v63, $0x7;
	p5 =	slt.f32 s20, $0.0e+00;
	p6 =	sgt.f32 s20, $0.0e+00;
	[tilespmem:s13+$0x0] =	vst.add.f32.msk @!p1 $0xffff, v3;
	s13 =	simm.s32 @!p1 $0x5A40  }
0x1f1: {  	[tilespmem:s13+$0x0] =	vst.add.f32.msk @!p1 $0xffff, v8;
	s13 =	simm.s32 @!p1 $0x5A50  }
0x1f2: {  	p0 =	por p6, p5;
	[tilespmem:s13+$0x0] =	vst.add.f32.msk @!p1 $0xffff, v6;
	s13 =	simm.s32 @!p1 $0x5A60  }
0x1f3: {  	p0 =	por !p0, !p0;
	[tilespmem:s13+$0x0] =	vst.add.f32.msk @!p1 $0xffff, v4;
	s13 =	simm.s32 @!p1 $0x5A70  }
0x1f4: {  	[tilespmem:s13+$0x0] =	vst.add.f32.msk @!p1 $0xffff, v1;
	s13 =	simm.s32 @!p0 $0x5A80  }
0x1f5: {  	[tilespmem:s13+$0x0] =	vst.add.f32.msk @!p0 $0xffff, v7;
	s13 =	simm.s32 @!p0 $0x5A90  }
0x1f6: {  	[tilespmem:s13+$0x0] =	vst.add.f32.msk @!p0 $0xffff, v5;
	s13 =	simm.s32 @!p0 $0x5AA0  }
0x1f7: {  	s21 =	spop (v2sf);
	[tilespmem:s13+$0x0] =	vst.add.f32.msk @!p0 $0xffff, v2;
	s13 =	simm.s32 @!p0 $0x5AB0  }
0x1f8: {  	(v2sf) =	vpush v63, $0x8;
	p3 =	slt.f32 s21, $0.0e+00;
	p4 =	sgt.f32 s21, $0.0e+00;
	[tilespmem:s13+$0x0] =	vst.add.f32.msk @!p0 $0xffff, v3;
	s13 =	simm.s32 @!p0 $0x5AC0  }
0x1f9: {  	[tilespmem:s13+$0x0] =	vst.add.f32.msk @!p0 $0xffff, v8;
	s13 =	simm.s32 @!p0 $0x5AD0  }
0x1fa: {  	p1 =	por p4, p3;
	[tilespmem:s13+$0x0] =	vst.add.f32.msk @!p0 $0xffff, v6;
	s13 =	simm.s32 @!p0 $0x5AE0  }
0x1fb: {  	p1 =	por !p1, !p1;
	[tilespmem:s13+$0x0] =	vst.add.f32.msk @!p0 $0xffff, v4;
	s13 =	simm.s32 @!p0 $0x5AF0  }
0x1fc: {  	[tilespmem:s13+$0x0] =	vst.add.f32.msk @!p0 $0xffff, v1;
	s13 =	simm.s32 @!p1 $0x5B00  }
0x1fd: {  	[tilespmem:s13+$0x0] =	vst.add.f32.msk @!p1 $0xffff, v7;
	s13 =	simm.s32 @!p1 $0x5B10  }
0x1fe: {  	[tilespmem:s13+$0x0] =	vst.add.f32.msk @!p1 $0xffff, v5;
	s13 =	simm.s32 @!p1 $0x5B20  }
0x1ff: {  	s22 =	spop (v2sf);
	[tilespmem:s13+$0x0] =	vst.add.f32.msk @!p1 $0xffff, v2;
	s13 =	simm.s32 @!p1 $0x5B30  }
0x200: {  	(v2sf) =	vpush v63, $0x9;
	p5 =	slt.f32 s22, $0.0e+00;
	p6 =	sgt.f32 s22, $0.0e+00;
	[tilespmem:s13+$0x0] =	vst.add.f32.msk @!p1 $0xffff, v3;
	s13 =	simm.s32 @!p1 $0x5B40  }
0x201: {  	[tilespmem:s13+$0x0] =	vst.add.f32.msk @!p1 $0xffff, v8;
	s13 =	simm.s32 @!p1 $0x5B50  }
0x202: {  	p0 =	por p6, p5;
	[tilespmem:s13+$0x0] =	vst.add.f32.msk @!p1 $0xffff, v6;
	s13 =	simm.s32 @!p1 $0x5B60  }
0x203: {  	p0 =	por !p0, !p0;
	[tilespmem:s13+$0x0] =	vst.add.f32.msk @!p1 $0xffff, v4;
	s13 =	simm.s32 @!p1 $0x5B70  }
0x204: {  	[tilespmem:s13+$0x0] =	vst.add.f32.msk @!p1 $0xffff, v1;
	s13 =	simm.s32 @!p0 $0x5B80  }
0x205: {  	[tilespmem:s13+$0x0] =	vst.add.f32.msk @!p0 $0xffff, v7;
	s13 =	simm.s32 @!p0 $0x5B90  }
0x206: {  	[tilespmem:s13+$0x0] =	vst.add.f32.msk @!p0 $0xffff, v5;
	s13 =	simm.s32 @!p0 $0x5BA0  }
0x207: {  	s23 =	spop (v2sf);
	[tilespmem:s13+$0x0] =	vst.add.f32.msk @!p0 $0xffff, v2;
	s13 =	simm.s32 @!p0 $0x5BB0  }
0x208: {  	(v2sf) =	vpush v63, $0xA;
	p3 =	slt.f32 s23, $0.0e+00;
	p4 =	sgt.f32 s23, $0.0e+00;
	[tilespmem:s13+$0x0] =	vst.add.f32.msk @!p0 $0xffff, v3;
	s13 =	simm.s32 @!p0 $0x5BC0  }
0x209: {  	[tilespmem:s13+$0x0] =	vst.add.f32.msk @!p0 $0xffff, v8;
	s13 =	simm.s32 @!p0 $0x5BD0  }
0x20a: {  	p1 =	por p4, p3;
	[tilespmem:s13+$0x0] =	vst.add.f32.msk @!p0 $0xffff, v6;
	s13 =	simm.s32 @!p0 $0x5BE0  }
0x20b: {  	p1 =	por !p1, !p1;
	[tilespmem:s13+$0x0] =	vst.add.f32.msk @!p0 $0xffff, v4;
	s13 =	simm.s32 @!p0 $0x5BF0  }
0x20c: {  	[tilespmem:s13+$0x0] =	vst.add.f32.msk @!p0 $0xffff, v1;
	s13 =	simm.s32 @!p1 $0x5C00  }
0x20d: {  	[tilespmem:s13+$0x0] =	vst.add.f32.msk @!p1 $0xffff, v7;
	s13 =	simm.s32 @!p1 $0x5C10  }
0x20e: {  	[tilespmem:s13+$0x0] =	vst.add.f32.msk @!p1 $0xffff, v5;
	s13 =	simm.s32 @!p1 $0x5C20  }
0x20f: {  	s24 =	spop (v2sf);
	[tilespmem:s13+$0x0] =	vst.add.f32.msk @!p1 $0xffff, v2;
	s13 =	simm.s32 @!p1 $0x5C30  }
0x210: {  	(v2sf) =	vpush v63, $0xB;
	p5 =	slt.f32 s24, $0.0e+00;
	p6 =	sgt.f32 s24, $0.0e+00;
	[tilespmem:s13+$0x0] =	vst.add.f32.msk @!p1 $0xffff, v3;
	s13 =	simm.s32 @!p1 $0x5C40  }
0x211: {  	[tilespmem:s13+$0x0] =	vst.add.f32.msk @!p1 $0xffff, v8;
	s13 =	simm.s32 @!p1 $0x5C50  }
0x212: {  	p0 =	por p6, p5;
	[tilespmem:s13+$0x0] =	vst.add.f32.msk @!p1 $0xffff, v6;
	s13 =	simm.s32 @!p1 $0x5C60  }
0x213: {  	p0 =	por !p0, !p0;
	[tilespmem:s13+$0x0] =	vst.add.f32.msk @!p1 $0xffff, v4;
	s13 =	simm.s32 @!p1 $0x5C70  }
0x214: {  	[tilespmem:s13+$0x0] =	vst.add.f32.msk @!p1 $0xffff, v1;
	s13 =	simm.s32 @!p0 $0x5C80  }
0x215: {  	[tilespmem:s13+$0x0] =	vst.add.f32.msk @!p0 $0xffff, v7;
	s13 =	simm.s32 @!p0 $0x5C90  }
0x216: {  	[tilespmem:s13+$0x0] =	vst.add.f32.msk @!p0 $0xffff, v5;
	s13 =	simm.s32 @!p0 $0x5CA0  }
0x217: {  	s25 =	spop (v2sf);
	[tilespmem:s13+$0x0] =	vst.add.f32.msk @!p0 $0xffff, v2;
	s13 =	simm.s32 @!p0 $0x5CB0  }
0x218: {  	(v2sf) =	vpush v63, $0xC;
	p3 =	slt.f32 s25, $0.0e+00;
	p4 =	sgt.f32 s25, $0.0e+00;
	[tilespmem:s13+$0x0] =	vst.add.f32.msk @!p0 $0xffff, v3;
	s13 =	simm.s32 @!p0 $0x5CC0  }
0x219: {  	[tilespmem:s13+$0x0] =	vst.add.f32.msk @!p0 $0xffff, v8;
	s13 =	simm.s32 @!p0 $0x5CD0  }
0x21a: {  	p1 =	por p4, p3;
	[tilespmem:s13+$0x0] =	vst.add.f32.msk @!p0 $0xffff, v6;
	s13 =	simm.s32 @!p0 $0x5CE0  }
0x21b: {  	p1 =	por !p1, !p1;
	[tilespmem:s13+$0x0] =	vst.add.f32.msk @!p0 $0xffff, v4;
	s13 =	simm.s32 @!p0 $0x5CF0  }
0x21c: {  	[tilespmem:s13+$0x0] =	vst.add.f32.msk @!p0 $0xffff, v1;
	s13 =	simm.s32 @!p1 $0x5D00  }
0x21d: {  	[tilespmem:s13+$0x0] =	vst.add.f32.msk @!p1 $0xffff, v7;
	s13 =	simm.s32 @!p1 $0x5D10  }
0x21e: {  	[tilespmem:s13+$0x0] =	vst.add.f32.msk @!p1 $0xffff, v5;
	s13 =	simm.s32 @!p1 $0x5D20  }
0x21f: {  	s26 =	spop (v2sf);
	[tilespmem:s13+$0x0] =	vst.add.f32.msk @!p1 $0xffff, v2;
	s13 =	simm.s32 @!p1 $0x5D30  }
0x220: {  	(v2sf) =	vpush v63, $0xD;
	p5 =	slt.f32 s26, $0.0e+00;
	p6 =	sgt.f32 s26, $0.0e+00;
	[tilespmem:s13+$0x0] =	vst.add.f32.msk @!p1 $0xffff, v3;
	s13 =	simm.s32 @!p1 $0x5D40  }
0x221: {  	[tilespmem:s13+$0x0] =	vst.add.f32.msk @!p1 $0xffff, v8;
	s13 =	simm.s32 @!p1 $0x5D50  }
0x222: {  	p0 =	por p6, p5;
	[tilespmem:s13+$0x0] =	vst.add.f32.msk @!p1 $0xffff, v6;
	s13 =	simm.s32 @!p1 $0x5D60  }
0x223: {  	p0 =	por !p0, !p0;
	[tilespmem:s13+$0x0] =	vst.add.f32.msk @!p1 $0xffff, v4;
	s13 =	simm.s32 @!p1 $0x5D70  }
0x224: {  	[tilespmem:s13+$0x0] =	vst.add.f32.msk @!p1 $0xffff, v1;
	s13 =	simm.s32 @!p0 $0x5D80  }
0x225: {  	[tilespmem:s13+$0x0] =	vst.add.f32.msk @!p0 $0xffff, v7;
	s13 =	simm.s32 @!p0 $0x5D90  }
0x226: {  	[tilespmem:s13+$0x0] =	vst.add.f32.msk @!p0 $0xffff, v5;
	s13 =	simm.s32 @!p0 $0x5DA0  }
0x227: {  	s28 =	spop (v2sf);
	[tilespmem:s13+$0x0] =	vst.add.f32.msk @!p0 $0xffff, v2;
	s13 =	simm.s32 @!p0 $0x5DB0  }
0x228: {  	(v2sf) =	vpush v63, $0xE;
	p3 =	slt.f32 s28, $0.0e+00;
	p4 =	sgt.f32 s28, $0.0e+00;
	[tilespmem:s13+$0x0] =	vst.add.f32.msk @!p0 $0xffff, v3;
	s13 =	simm.s32 @!p0 $0x5DC0  }
0x229: {  	[tilespmem:s13+$0x0] =	vst.add.f32.msk @!p0 $0xffff, v8;
	s13 =	simm.s32 @!p0 $0x5DD0  }
0x22a: {  	p1 =	por p4, p3;
	[tilespmem:s13+$0x0] =	vst.add.f32.msk @!p0 $0xffff, v6;
	s13 =	simm.s32 @!p0 $0x5DE0  }
0x22b: {  	p1 =	por !p1, !p1;
	[tilespmem:s13+$0x0] =	vst.add.f32.msk @!p0 $0xffff, v4;
	s13 =	simm.s32 @!p0 $0x5DF0  }
0x22c: {  	[tilespmem:s13+$0x0] =	vst.add.f32.msk @!p0 $0xffff, v1;
	s13 =	simm.s32 @!p1 $0x5E00  }
0x22d: {  	[tilespmem:s13+$0x0] =	vst.add.f32.msk @!p1 $0xffff, v7;
	s13 =	simm.s32 @!p1 $0x5E10  }
0x22e: {  	[tilespmem:s13+$0x0] =	vst.add.f32.msk @!p1 $0xffff, v5;
	s13 =	simm.s32 @!p1 $0x5E20  }
0x22f: {  	s29 =	spop (v2sf);
	[tilespmem:s13+$0x0] =	vst.add.f32.msk @!p1 $0xffff, v2;
	s13 =	simm.s32 @!p1 $0x5E30  }
0x230: {  	(v2sf) =	vpush v63, $0xF;
	p5 =	slt.f32 s29, $0.0e+00;
	p6 =	sgt.f32 s29, $0.0e+00;
	[tilespmem:s13+$0x0] =	vst.add.f32.msk @!p1 $0xffff, v3;
	s13 =	simm.s32 @!p1 $0x5E40  }
0x231: {  	[tilespmem:s13+$0x0] =	vst.add.f32.msk @!p1 $0xffff, v8;
	s13 =	simm.s32 @!p1 $0x5E50  }
0x232: {  	p0 =	por p6, p5;
	[tilespmem:s13+$0x0] =	vst.add.f32.msk @!p1 $0xffff, v6;
	s13 =	simm.s32 @!p1 $0x5E60  }
0x233: {  	p0 =	por !p0, !p0;
	[tilespmem:s13+$0x0] =	vst.add.f32.msk @!p1 $0xffff, v4;
	s13 =	simm.s32 @!p1 $0x5E70  }
0x234: {  	[tilespmem:s13+$0x0] =	vst.add.f32.msk @!p1 $0xffff, v1;
	s13 =	simm.s32 @!p0 $0x5E80  }
0x235: {  	[tilespmem:s13+$0x0] =	vst.add.f32.msk @!p0 $0xffff, v7;
	s13 =	simm.s32 @!p0 $0x5E90  }
0x236: {  	[tilespmem:s13+$0x0] =	vst.add.f32.msk @!p0 $0xffff, v5;
	s13 =	simm.s32 @!p0 $0x5EA0  }
0x237: {  	s30 =	spop (v2sf);
	[tilespmem:s13+$0x0] =	vst.add.f32.msk @!p0 $0xffff, v2;
	s13 =	simm.s32 @!p0 $0x5EB0  }
0x238: {  	p3 =	slt.f32 s30, $0.0e+00;
	p4 =	sgt.f32 s30, $0.0e+00;
	[tilespmem:s13+$0x0] =	vst.add.f32.msk @!p0 $0xffff, v3;
	s13 =	simm.s32 @!p0 $0x5EC0  }
0x239: {  	[tilespmem:s13+$0x0] =	vst.add.f32.msk @!p0 $0xffff, v8;
	s13 =	simm.s32 @!p0 $0x5ED0  }
0x23a: {  	p1 =	por p4, p3;
	[tilespmem:s13+$0x0] =	vst.add.f32.msk @!p0 $0xffff, v6;
	s13 =	simm.s32 @!p0 $0x5EE0  }
0x23b: {  	p1 =	por !p1, !p1;
	[tilespmem:s13+$0x0] =	vst.add.f32.msk @!p0 $0xffff, v4;
	s13 =	simm.s32 @!p0 $0x5EF0  }
0x23c: {  	[tilespmem:s13+$0x0] =	vst.add.f32.msk @!p0 $0xffff, v1;
	s13 =	simm.s32 @!p1 $0x5F00  }
0x23d: {  	[tilespmem:s13+$0x0] =	vst.add.f32.msk @!p1 $0xffff, v7;
	s13 =	simm.s32 @!p1 $0x5F10  }
0x23e: {  	[tilespmem:s13+$0x0] =	vst.add.f32.msk @!p1 $0xffff, v5;
	s13 =	simm.s32 @!p1 $0x5F20  }
0x23f: {  	s31 =	spop (v2sf);
	[tilespmem:s13+$0x0] =	vst.add.f32.msk @!p1 $0xffff, v2;
	s13 =	simm.s32 @!p1 $0x5F30  }
0x240: {  	p5 =	slt.f32 s31, $0.0e+00;
	p6 =	sgt.f32 s31, $0.0e+00;
	[tilespmem:s13+$0x0] =	vst.add.f32.msk @!p1 $0xffff, v3;
	s13 =	simm.s32 @!p1 $0x5F40  }
0x241: {  	[tilespmem:s13+$0x0] =	vst.add.f32.msk @!p1 $0xffff, v8;
	s13 =	simm.s32 @!p1 $0x5F50  }
0x242: {  	p0 =	por p6, p5;
	[tilespmem:s13+$0x0] =	vst.add.f32.msk @!p1 $0xffff, v6;
	s13 =	simm.s32 @!p1 $0x5F60  }
0x243: {  	p0 =	por !p0, !p0;
	[tilespmem:s13+$0x0] =	vst.add.f32.msk @!p1 $0xffff, v4;
	s13 =	simm.s32 @!p1 $0x5F70  }
0x244: {  	[tilespmem:s13+$0x0] =	vst.add.f32.msk @!p1 $0xffff, v1;
	s13 =	simm.s32 @!p0 $0x5F80  }
0x245: {  	[tilespmem:s13+$0x0] =	vst.add.f32.msk @!p0 $0xffff, v7;
	s13 =	simm.s32 @!p0 $0x5F90  }
0x246: {  	s12 =	sadd.s32 $0x200, s12;
	[tilespmem:s13+$0x0] =	vst.add.f32.msk @!p0 $0xffff, v5;
	s13 =	simm.s32 @!p0 $0x5FA0  }
0x247: {  	p1 =	sne.s32 s12, $0x8000;
	[tilespmem:s13+$0x0] =	vst.add.f32.msk @!p0 $0xffff, v2;
	s13 =	simm.s32 @!p0 $0x5FB0  }
.Ltmp1:
0x248: {  	[tilespmem:s13+$0x0] =	vst.add.f32.msk @!p0 $0xffff, v3;
	s13 =	simm.s32 @!p0 $0x5FC0;
	(pc) =	sbr.rel @p1 .LBB2_4-.Ltmp1, $4  }
0x249: {  	[tilespmem:s13+$0x0] =	vst.add.f32.msk @!p0 $0xffff, v8;
	s13 =	simm.s32 @!p0 $0x5FD0  }
0x24a: {  	[tilespmem:s13+$0x0] =	vst.add.f32.msk @!p0 $0xffff, v6;
	s13 =	simm.s32 @!p0 $0x5FE0  }
0x24b: {  	[tilespmem:s13+$0x0] =	vst.add.f32.msk @!p0 $0xffff, v4;
	s13 =	simm.s32 @!p0 $0x5FF0  }
0x24c: {  	[tilespmem:s13+$0x0] =	vst.add.f32.msk @!p0 $0xffff, v1  }
0x24d: {  	s11 =	sadd.s32 $0x1, s11  }
0x24e: {  	p0 =	sne.s32 s11, s6  }
.Ltmp2:
0x24f: {  	_ = 	snop;
	(pc) =	sbr.rel @p0 .LBB2_1-.Ltmp2, $4  }
0x250: {  	[hbm4b:s5+s2] =	stream.linear.scatter [tilespmem:s9], [sflag:$0x2], $0x2000, $0x38;
	[tilespmem:$0x6000] =	vst v63  }
0x251: {  	_ =	swait.ge [sflag:s10], $0x2000  }
0x252: {  	[sflag:s10] =	ssyncset.done $0x0  }
0x253: {  	[sflag:s10] =	ssyncadd.s32 $0xFFFFE000  }
0x254: {  	_ =	sfence.sel $0x180000  }
0x255: {  	[bflag:$0x0] =	sbarrier.arrive $0xFFFF  }
0x256: {  	p0 =	sne.s32 s1, $0x0;
	_ =	strace $0x90000047  }
0x257: {  	s0 =	sadd.s32 @!p0 $0x100000, s0;
	[bflag:$0x2] =	sbarrier.arrive $0xFFFF  }
0x258: {  	[sflag:s0] =	ssyncadd.tile.s32 @!p0 $0x1;
	_ =	shalt  }
.Lfunc_end2:
_tile_overlayer_lowered:
.L_overlay_start_2:
0x259: {  	(tag) =	ssettag $0x2  }
0x25a: {  	s0 =	rddreg [dreg:$0x0];
	s2 =	stileid.u32  }
0x25b: {  	s1 =	rddreg [dreg:$0x1];
	p0 =	sne.s32 s2, $0x0  }
0x25c: {  	s3 =	rddreg [dreg:$0x2];
	[bflag:$0x3] =	sbarrier.arrive $0xFFFF;
	s2 =	simm.s32 @!p0 $0x1C02  }
0x25d: {  	[timem:s3], [sflag:s2] =	dma.local @!p0 [hbm:s0], s1  }
0x25e: {  	s0 =	simm.s32 @!p0 $0x2  }
0x25f: {  	_ =	swait.ge @!p0 [sflag:s0], s1  }
0x260: {  	s1 =	ssub.s32 @!p0 $0x0, s1;
	[sflag:s0] =	ssyncset.done @!p0 $0x0  }
0x261: {  	[sflag:s0] =	ssyncadd.s32 @!p0 s1  }
0x262: {  	[bflag:$0x3] =	sbarrier.arrive $0xFFFF  }
0x263: {  	_ =	shalt  }

</sc_bundles>
